<compile_context>
chip_gen: v7x
topology: tpu7x:2x2x1
jax: 0.10.2.dev20260603
libtpu: 0.0.44.dev20260713+nightly
codegen_flags: <defaults>
</compile_context>

<pallas_src>
import functools

import jax
import jax.numpy as jnp
from jax import lax
from jax.experimental import pallas as pl
from jax.experimental.pallas import tpu as pltpu
from jax.experimental.pallas import tpu_sc as plsc

N = 10000
D = 128
K = 32

NW = 32
NP = 10240
C = NP // NW
NB = 4
NBUF = 2
NCHUNK = C // NB
VPR = D // 16


def _sc_gather_mean_body(x_hbm, idx_hbm, out_hbm, x_spmem, idx_v, rows0,
                         rows1, outb0, outb1, sg0, sg1, so0, so1):
    wid = lax.axis_index("s") * 2 + lax.axis_index("c")
    node_base = wid * C
    nchunk_w = jnp.minimum(NCHUNK, (N - node_base) // NB)
    stage_base = jnp.minimum(node_base * K, N * K - C * K)
    idx_off = node_base * K - stage_base
    pltpu.sync_copy(idx_hbm.at[pl.ds(stage_base, C * K)], idx_v)

    sid = lax.axis_index("s")
    rpt = 624
    pltpu.sync_copy(x_hbm.at[pl.ds(sid * rpt, rpt)],
                    x_spmem.at[pl.ds(sid * rpt, rpt)])
    @pl.when(sid == 0)
    def _():
        pltpu.sync_copy(x_hbm.at[pl.ds(16 * rpt, N - 16 * rpt)],
                        x_spmem.at[pl.ds(16 * rpt, N - 16 * rpt)])
    plsc.subcore_barrier()

    rows = (rows0, rows1)
    outb = (outb0, outb1)
    sg = (sg0, sg1)
    so = (so0, so1)

    def gather(gi, b):
        off = jnp.minimum(idx_off + gi * (NB * K), C * K - NB * K)
        return pltpu.make_async_copy(
            x_spmem.at[idx_v.at[pl.ds(off, NB * K)]], rows[b], sg[b])

    def outcopy(gi, b):
        row = jnp.minimum(node_base + gi * NB, N - NB)
        return pltpu.make_async_copy(
            outb[b], out_hbm.at[pl.ds(row, NB)], so[b])

    for b in range(NBUF):
        gather(b, b).start()

    @pl.loop(0, NCHUNK, step=NBUF)
    def _chunks(g):
        for b in range(NBUF):
            gi = g + b
            gather(gi, b).wait()
            @pl.when((gi >= NBUF) & (gi < nchunk_w))
            def _():
                outcopy(gi, b).wait()
            @pl.loop(0, NB)
            def _node(j):
                accs = [jnp.zeros((16,), jnp.float32) for _ in range(VPR)]
                for k in range(K):
                    for dd in range(VPR):
                        accs[dd] = accs[dd] + rows[b][j * K + k,
                                                      pl.ds(dd * 16, 16)]
                for dd in range(VPR):
                    outb[b][j, pl.ds(dd * 16, 16)] = accs[dd] * (1.0 / K)
            @pl.when(gi + NBUF < NCHUNK)
            def _():
                gather(gi + NBUF, b).start()
            @pl.when(gi < nchunk_w)
            def _():
                outcopy(gi, b).start()

    for b in range(NBUF):
        outcopy(nchunk_w - NBUF + b, b).wait()


@functools.partial(jax.jit, static_argnames=())
def _sc_gather_mean(x, idx_flat):
    kern = pl.kernel(
        _sc_gather_mean_body,
        out_type=jax.ShapeDtypeStruct((N, D), jnp.float32),
        mesh=plsc.VectorSubcoreMesh(core_axis_name="c", subcore_axis_name="s"),
        scratch_types=[
            pltpu.VMEM_SHARED((N, D), jnp.float32),
            pltpu.VMEM((C * K,), jnp.int32),
            pltpu.VMEM((NB * K, D), jnp.float32),
            pltpu.VMEM((NB * K, D), jnp.float32),
            pltpu.VMEM((NB, D), jnp.float32),
            pltpu.VMEM((NB, D), jnp.float32),
            pltpu.SemaphoreType.DMA,
            pltpu.SemaphoreType.DMA,
            pltpu.SemaphoreType.DMA,
            pltpu.SemaphoreType.DMA,
        ],
    )
    return kern(x, idx_flat)


def _self_body(x_ref, w_ref, b_ref, o_ref):
    o_ref[...] = lax.dot_general(
        x_ref[...], w_ref[:, :D], (((1,), (1,)), ((), ())),
        preferred_element_type=jnp.float32) + b_ref[...]


def _comb_body(s_ref, a_ref, w_ref, o_ref, *, act):
    acc = s_ref[...] + lax.dot_general(
        a_ref[...], w_ref[:, D:], (((1,), (1,)), ((), ())),
        preferred_element_type=jnp.float32)
    if act:
        acc = jnp.maximum(acc, 0.0)
    o_ref[...] = acc


_BM = 5000


def _linear_self(x, w, b):
    return pl.pallas_call(
        _self_body,
        out_shape=jax.ShapeDtypeStruct((N, D), jnp.float32),
        grid=(N // _BM,),
        in_specs=[
            pl.BlockSpec((_BM, D), lambda i: (i, 0)),
            pl.BlockSpec((D, 2 * D), lambda i: (0, 0)),
            pl.BlockSpec((1, D), lambda i: (0, 0)),
        ],
        out_specs=pl.BlockSpec((_BM, D), lambda i: (i, 0)),
    )(x, w, b)


def _linear_comb(s, agg, w, act):
    return pl.pallas_call(
        functools.partial(_comb_body, act=act),
        out_shape=jax.ShapeDtypeStruct((N, D), jnp.float32),
        grid=(N // _BM,),
        in_specs=[
            pl.BlockSpec((_BM, D), lambda i: (i, 0)),
            pl.BlockSpec((_BM, D), lambda i: (i, 0)),
            pl.BlockSpec((D, 2 * D), lambda i: (0, 0)),
        ],
        out_specs=pl.BlockSpec((_BM, D), lambda i: (i, 0)),
    )(s, agg, w)


def kernel(node_features, neigh_idx, W1, b1, W2, b2):
    idx = neigh_idx.astype(jnp.int32).reshape(N * K)
    b1r = b1.reshape(1, D)
    b2r = b2.reshape(1, D)

    agg1 = _sc_gather_mean(node_features, idx)
    s1 = _linear_self(node_features, W1, b1r)
    h = _linear_comb(s1, agg1, W1, act=True)

    agg2 = _sc_gather_mean(h, idx)
    s2 = _linear_self(h, W2, b2r)
    out = _linear_comb(s2, agg2, W2, act=False)
    return out

# --- scband reference (transcript-rebuilt; emitter-appended) ---
"""Pipeline reference for scband-graph-sage-48928267436077 (READ-ONLY COPY).

The authoritative reference and input builder live on the scoring server;
editing this copy changes nothing except your own understanding.
"""

import jax, jax.numpy as jnp
import numpy as np

N = 10000
D = 128
K = 32


def setup_inputs(seed: int = 0) -> dict:
    key = jax.random.key(seed)
    k1, k2, k3, k4, k5, k6 = jax.random.split(key, 6)
    node_features = jax.random.normal(k1, (N, D), dtype=jnp.float32)
    neigh_idx = jax.random.randint(k2, (N, K), 0, N, dtype=jnp.int64)
    # Layer 1: Linear(in=2*D, out=D); Layer 2: Linear(in=2*D, out=D)
    lim1 = 1.0 / np.sqrt(2 * D)
    W1 = jax.random.uniform(k3, (D, 2 * D), dtype=jnp.float32, minval=-lim1, maxval=lim1)
    b1 = jax.random.uniform(k4, (D,), dtype=jnp.float32, minval=-lim1, maxval=lim1)
    W2 = jax.random.uniform(k5, (D, 2 * D), dtype=jnp.float32, minval=-lim1, maxval=lim1)
    b2 = jax.random.uniform(k6, (D,), dtype=jnp.float32, minval=-lim1, maxval=lim1)
    return {"node_features": node_features, "neigh_idx": neigh_idx,
            "W1": W1, "b1": b1, "W2": W2, "b2": b2}


def _sage_layer(x, neigh_idx, W, b, apply_act):
    # MeanAggregator: gather sampled neighbor features and average (SparseCore gather)
    neigh_feats = jnp.take(x, neigh_idx, axis=0)  # [N, K, D]
    aggregate = jnp.mean(neigh_feats, axis=1)     # [N, D]
    # concat self features with aggregated neighbor features, then linear
    out = jnp.concatenate([x, aggregate], axis=1) @ W.T + b
    if apply_act:
        out = jax.nn.relu(out)  # dropout is identity in eval mode
    return out


def reference(node_features, neigh_idx, W1, b1, W2, b2):
    # Full-graph GraphSAGE: forward() builds node_layers over all nodes
    # (np.arange(N)), so mappings are identity and every layer operates on all N nodes.
    h = _sage_layer(node_features, neigh_idx, W1, b1, apply_act=True)   # layer 1 < max_layer: relu + dropout
    out = _sage_layer(h, neigh_idx, W2, b2, apply_act=False)            # final layer: linear only
    return out

if __name__ == "__main__":
    import jax
    _d = setup_inputs()
    print(jax.jit(kernel)(*tuple(_d.values())))

</pallas_src>

<mosaic_0001>
#map = affine_map<(d0, d1) -> (0, 0)>
#map1 = affine_map<(d0, d1) -> (0)>
module attributes {stable_mosaic.version = 14 : i64} {
  func.func @_sc_gather_mean_body(%arg0: i32, %arg1: i32, %arg2: memref<10000x128xf32, #tpu.memory_space<hbm>>, %arg3: memref<320000xi32, #tpu.memory_space<hbm>>, %arg4: memref<10000x128xf32, #tpu.memory_space<hbm>>, %arg5: memref<10000x128xf32, #tpu.memory_space<vmem_shared>>, %arg6: memref<10240xi32, #tpu.memory_space<vmem>>, %arg7: memref<128x128xf32, #tpu.memory_space<vmem>>, %arg8: memref<128x128xf32, #tpu.memory_space<vmem>>, %arg9: memref<4x128xf32, #tpu.memory_space<vmem>>, %arg10: memref<4x128xf32, #tpu.memory_space<vmem>>, %arg11: memref<!tpu.dma_semaphore, #tpu.memory_space<semaphore_mem>>, %arg12: memref<!tpu.dma_semaphore, #tpu.memory_space<semaphore_mem>>, %arg13: memref<!tpu.dma_semaphore, #tpu.memory_space<semaphore_mem>>, %arg14: memref<!tpu.dma_semaphore, #tpu.memory_space<semaphore_mem>>) attributes {dimension_semantics = [#tpu.dimension_semantics<core_parallel>, #tpu.dimension_semantics<subcore_parallel>], iteration_bounds = array<i64: 2, 16>, scalar_prefetch = 0 : i64, scratch_operands = 10 : i64, tpu.core_type = #tpu.core_type<sc_vector_subcore>, window_params = [{transform_indices = #map}, {transform_indices = #map1}, {transform_indices = #map}]} {
    %mul3A = arith.constant 2 : i32
    %mul3A_0 = arith.muli %arg1, %mul3A : i32
    %add3A = arith.addi %mul3A_0, %arg0 : i32
    %mul3A_1 = arith.constant 320 : i32
    %mul3A_2 = arith.muli %add3A, %mul3A_1 : i32
    %sub3A = arith.constant 10000 : i32
    %sub3A_3 = arith.subi %sub3A, %mul3A_2 : i32
    %jit3A = arith.constant 4 : i32
    %div3A = arith.divsi %sub3A_3, %jit3A : i32
    %sign3A = arith.constant 0 : i32
    %sign3A_4 = arith.cmpi sgt, %sub3A_3, %sign3A : i32
    %sign3A_5 = arith.extui %sign3A_4 : i1 to i32
    %sign3A_6 = arith.constant 0 : i32
    %sign3A_7 = arith.cmpi slt, %sub3A_3, %sign3A_6 : i32
    %sign3A_8 = arith.extui %sign3A_7 : i1 to i32
    %sign3A_9 = arith.subi %sign3A_5, %sign3A_8 : i32
    %sign3A_10 = arith.constant 0 : i32
    %sign3A_11 = arith.cmpi sgt, %jit3A, %sign3A_10 : i32
    %sign3A_12 = arith.extui %sign3A_11 : i1 to i32
    %sign3A_13 = arith.constant 0 : i32
    %sign3A_14 = arith.cmpi slt, %jit3A, %sign3A_13 : i32
    %sign3A_15 = arith.extui %sign3A_14 : i1 to i32
    %sign3A_16 = arith.subi %sign3A_12, %sign3A_15 : i32
    %ne3A = arith.cmpi ne, %sign3A_9, %sign3A_16 : i32
    %rem3A = arith.remsi %sub3A_3, %jit3A : i32
    %ne3A_17 = arith.constant 0 : i32
    %ne3A_18 = arith.cmpi ne, %rem3A, %ne3A_17 : i32
    %and3A = arith.andi %ne3A, %ne3A_18 : i1
    %sub3A_19 = arith.constant 1 : i32
    %sub3A_20 = arith.subi %div3A, %sub3A_19 : i32
    %select_n3A = arith.select %and3A, %sub3A_20, %div3A : i32
    %min3A = arith.constant 80 : i32
    %min3A_21 = arith.minsi %min3A, %select_n3A : i32
    %mul3A_22 = arith.constant 32 : i32
    %mul3A_23 = arith.muli %mul3A_2, %mul3A_22 : i32
    %min3A_24 = arith.constant 309760 : i32
    %min3A_25 = arith.minsi %mul3A_23, %min3A_24 : i32
    %mul3A_26 = arith.constant 32 : i32
    %mul3A_27 = arith.muli %mul3A_2, %mul3A_26 : i32
    %sub3A_28 = arith.subi %mul3A_27, %min3A_25 : i32
    "tpu.region"() ({
      %run_scoped3A = tpu.sem_alloc : memref<!tpu.dma_semaphore, #tpu.memory_space<semaphore_mem>>
      %dma_start3A_79 = tpu.memref_slice %arg3[%min3A_25] : memref<320000xi32, #tpu.memory_space<hbm>> -> memref<10240xi32, #tpu.memory_space<hbm>>
      %dma_start3A_80 = tpu.memref_slice %arg3[%min3A_25] : memref<320000xi32, #tpu.memory_space<hbm>> -> memref<10240xi32, #tpu.memory_space<hbm>>
      tpu.enqueue_dma source(%dma_start3A_80 : memref<10240xi32, #tpu.memory_space<hbm>>) target(%arg6 : memref<10240xi32, #tpu.memory_space<vmem>>) target_semaphore(%run_scoped3A : memref<!tpu.dma_semaphore, #tpu.memory_space<semaphore_mem>>)
      %dma_wait3A_81 = tpu.memref_slice %arg3[%min3A_25] : memref<320000xi32, #tpu.memory_space<hbm>> -> memref<10240xi32, #tpu.memory_space<hbm>>
      %dma_wait3A_82 = tpu.memref_slice %arg3[%min3A_25] : memref<320000xi32, #tpu.memory_space<hbm>> -> memref<10240xi32, #tpu.memory_space<hbm>>
      tpu.wait_dma2 semaphore(%run_scoped3A : memref<!tpu.dma_semaphore, #tpu.memory_space<semaphore_mem>>) src(%dma_wait3A_82 : memref<10240xi32, #tpu.memory_space<hbm>>) dst(%arg6 : memref<10240xi32, #tpu.memory_space<vmem>>)
      tpu.yield
    }) : () -> ()
    %mul3A_29 = arith.constant 624 : i32
    %mul3A_30 = arith.muli %arg1, %mul3A_29 : i32
    %mul3A_31 = arith.constant 624 : i32
    %mul3A_32 = arith.muli %arg1, %mul3A_31 : i32
    "tpu.region"() ({
      %run_scoped3A = tpu.sem_alloc : memref<!tpu.dma_semaphore, #tpu.memory_space<semaphore_mem>>
      %dma_start3A_79 = arith.constant 0 : i32
      %dma_start3A_80 = tpu.memref_slice %arg5[%mul3A_32, %dma_start3A_79] : memref<10000x128xf32, #tpu.memory_space<vmem_shared>> -> memref<624x128xf32, #tpu.memory_space<vmem_shared>>
      %dma_start3A_81 = arith.constant 0 : i32
      %dma_start3A_82 = tpu.memref_slice %arg2[%mul3A_30, %dma_start3A_81] : memref<10000x128xf32, #tpu.memory_space<hbm>> -> memref<624x128xf32, #tpu.memory_space<hbm>>
      tpu.enqueue_dma source(%dma_start3A_82 : memref<624x128xf32, #tpu.memory_space<hbm>>) target(%dma_start3A_80 : memref<624x128xf32, #tpu.memory_space<vmem_shared>>) target_semaphore(%run_scoped3A : memref<!tpu.dma_semaphore, #tpu.memory_space<semaphore_mem>>)
      %dma_wait3A_83 = arith.constant 0 : i32
      %dma_wait3A_84 = tpu.memref_slice %arg5[%mul3A_32, %dma_wait3A_83] : memref<10000x128xf32, #tpu.memory_space<vmem_shared>> -> memref<624x128xf32, #tpu.memory_space<vmem_shared>>
      %dma_wait3A_85 = arith.constant 0 : i32
      %dma_wait3A_86 = tpu.memref_slice %arg2[%mul3A_30, %dma_wait3A_85] : memref<10000x128xf32, #tpu.memory_space<hbm>> -> memref<624x128xf32, #tpu.memory_space<hbm>>
      tpu.wait_dma2 semaphore(%run_scoped3A : memref<!tpu.dma_semaphore, #tpu.memory_space<semaphore_mem>>) src(%dma_wait3A_86 : memref<624x128xf32, #tpu.memory_space<hbm>>) dst(%dma_wait3A_84 : memref<624x128xf32, #tpu.memory_space<vmem_shared>>)
      tpu.yield
    }) : () -> ()
    %eq3A = arith.constant 0 : i32
    %eq3A_33 = arith.cmpi eq, %arg1, %eq3A : i32
    %convert_element_type3A = arith.extui %eq3A_33 : i1 to i32
    %cond3A = arith.constant 0 : i32
    %cond3A_34 = arith.cmpi ne, %convert_element_type3A, %cond3A : i32
    scf.if %cond3A_34 {
      "tpu.region"() ({
        %run_scoped3A = tpu.sem_alloc : memref<!tpu.dma_semaphore, #tpu.memory_space<semaphore_mem>>
        %dma_start3A_79 = arith.constant 9984 : i32
        %dma_start3A_80 = arith.constant 0 : i32
        %dma_start3A_81 = tpu.memref_slice %arg5[%dma_start3A_79, %dma_start3A_80] : memref<10000x128xf32, #tpu.memory_space<vmem_shared>> -> memref<16x128xf32, #tpu.memory_space<vmem_shared>>
        %dma_start3A_82 = arith.constant 9984 : i32
        %dma_start3A_83 = arith.constant 0 : i32
        %dma_start3A_84 = tpu.memref_slice %arg2[%dma_start3A_82, %dma_start3A_83] : memref<10000x128xf32, #tpu.memory_space<hbm>> -> memref<16x128xf32, #tpu.memory_space<hbm>>
        tpu.enqueue_dma source(%dma_start3A_84 : memref<16x128xf32, #tpu.memory_space<hbm>>) target(%dma_start3A_81 : memref<16x128xf32, #tpu.memory_space<vmem_shared>>) target_semaphore(%run_scoped3A : memref<!tpu.dma_semaphore, #tpu.memory_space<semaphore_mem>>)
        %dma_wait3A_85 = arith.constant 9984 : i32
        %dma_wait3A_86 = arith.constant 0 : i32
        %dma_wait3A_87 = tpu.memref_slice %arg5[%dma_wait3A_85, %dma_wait3A_86] : memref<10000x128xf32, #tpu.memory_space<vmem_shared>> -> memref<16x128xf32, #tpu.memory_space<vmem_shared>>
        %dma_wait3A_88 = arith.constant 9984 : i32
        %dma_wait3A_89 = arith.constant 0 : i32
        %dma_wait3A_90 = tpu.memref_slice %arg2[%dma_wait3A_88, %dma_wait3A_89] : memref<10000x128xf32, #tpu.memory_space<hbm>> -> memref<16x128xf32, #tpu.memory_space<hbm>>
        tpu.wait_dma2 semaphore(%run_scoped3A : memref<!tpu.dma_semaphore, #tpu.memory_space<semaphore_mem>>) src(%dma_wait3A_90 : memref<16x128xf32, #tpu.memory_space<hbm>>) dst(%dma_wait3A_87 : memref<16x128xf32, #tpu.memory_space<vmem_shared>>)
        tpu.yield
      }) : () -> ()
    } else {
    }
    %barrier3A = arith.constant 0 : index
    tpu.barrier barrier_id(%barrier3A)
    %add3A_35 = arith.constant 0 : i32
    %add3A_36 = arith.addi %sub3A_28, %add3A_35 : i32
    %min3A_37 = arith.constant 10112 : i32
    %min3A_38 = arith.minsi %add3A_36, %min3A_37 : i32
    %dma_start3A = tpu.memref_slice %arg6[%min3A_38] : memref<10240xi32, #tpu.memory_space<vmem>> -> memref<128xi32, #tpu.memory_space<vmem>>
    %dma_start3A_39 = arith.constant 0 : i32
    %dma_start3A_40 = arith.constant 0 : i32
    %dma_start3A_41 = tpu.memref_slice %arg5[%dma_start3A_39, %dma_start3A_40] : memref<10000x128xf32, #tpu.memory_space<vmem_shared>> -> memref<10000x128xf32, #tpu.memory_space<vmem_shared>>
    tpu.enqueue_indirect_dma source(%dma_start3A_41 : memref<10000x128xf32, #tpu.memory_space<vmem_shared>>) target(%arg7 : memref<128x128xf32, #tpu.memory_space<vmem>>) offsets(%dma_start3A : memref<128xi32, #tpu.memory_space<vmem>>) semaphore(%arg11 : memref<!tpu.dma_semaphore, #tpu.memory_space<semaphore_mem>>)
    %add3A_42 = arith.constant 128 : i32
    %add3A_43 = arith.addi %sub3A_28, %add3A_42 : i32
    %min3A_44 = arith.constant 10112 : i32
    %min3A_45 = arith.minsi %add3A_43, %min3A_44 : i32
    %dma_start3A_46 = tpu.memref_slice %arg6[%min3A_45] : memref<10240xi32, #tpu.memory_space<vmem>> -> memref<128xi32, #tpu.memory_space<vmem>>
    %dma_start3A_47 = arith.constant 0 : i32
    %dma_start3A_48 = arith.constant 0 : i32
    %dma_start3A_49 = tpu.memref_slice %arg5[%dma_start3A_47, %dma_start3A_48] : memref<10000x128xf32, #tpu.memory_space<vmem_shared>> -> memref<10000x128xf32, #tpu.memory_space<vmem_shared>>
    tpu.enqueue_indirect_dma source(%dma_start3A_49 : memref<10000x128xf32, #tpu.memory_space<vmem_shared>>) target(%arg8 : memref<128x128xf32, #tpu.memory_space<vmem>>) offsets(%dma_start3A_46 : memref<128xi32, #tpu.memory_space<vmem>>) semaphore(%arg12 : memref<!tpu.dma_semaphore, #tpu.memory_space<semaphore_mem>>)
    %scan3A = arith.constant 0 : i32
    %scan3A_50 = arith.constant 40 : i32
    %scan3A_51 = arith.addi %scan3A, %scan3A_50 : i32
    %scan3A_52 = arith.constant 1 : i32
    scf.for %scan3A_79 = %scan3A to %scan3A_51 step %scan3A_52  : i32 {
      %mul3A_80 = arith.constant 2 : i32
      %mul3A_81 = arith.muli %scan3A_79, %mul3A_80 : i32
      %add3A_82 = arith.constant 0 : i32
      %add3A_83 = arith.addi %add3A_82, %mul3A_81 : i32
      %add3A_84 = arith.constant 0 : i32
      %add3A_85 = arith.addi %add3A_83, %add3A_84 : i32
      %mul3A_86 = arith.constant 128 : i32
      %mul3A_87 = arith.muli %add3A_85, %mul3A_86 : i32
      %add3A_88 = arith.addi %sub3A_28, %mul3A_87 : i32
      %min3A_89 = arith.constant 10112 : i32
      %min3A_90 = arith.minsi %add3A_88, %min3A_89 : i32
      %dma_wait3A_91 = tpu.memref_slice %arg6[%min3A_90] : memref<10240xi32, #tpu.memory_space<vmem>> -> memref<128xi32, #tpu.memory_space<vmem>>
      %dma_wait3A_92 = arith.constant 0 : i32
      %dma_wait3A_93 = arith.constant 0 : i32
      %dma_wait3A_94 = tpu.memref_slice %arg5[%dma_wait3A_92, %dma_wait3A_93] : memref<10000x128xf32, #tpu.memory_space<vmem_shared>> -> memref<10000x128xf32, #tpu.memory_space<vmem_shared>>
      tpu.wait_indirect_dma semaphore(%arg11 : memref<!tpu.dma_semaphore, #tpu.memory_space<semaphore_mem>>) src(%dma_wait3A_94 : memref<10000x128xf32, #tpu.memory_space<vmem_shared>>) dst(%arg7 : memref<128x128xf32, #tpu.memory_space<vmem>>)
      %ge3A = arith.constant 2 : i32
      %ge3A_95 = arith.cmpi sge, %add3A_85, %ge3A : i32
      %lt3A = arith.cmpi slt, %add3A_85, %min3A_21 : i32
      %and3A_96 = arith.andi %ge3A_95, %lt3A : i1
      %convert_element_type3A_97 = arith.extui %and3A_96 : i1 to i32
      %cond3A_98 = arith.constant 0 : i32
      %cond3A_99 = arith.cmpi ne, %convert_element_type3A_97, %cond3A_98 : i32
      scf.if %cond3A_99 {
        %mul3A_150 = arith.constant 4 : i32
        %mul3A_151 = arith.muli %add3A_85, %mul3A_150 : i32
        %add3A_152 = arith.addi %mul3A_2, %mul3A_151 : i32
        %min3A_153 = arith.constant 9996 : i32
        %min3A_154 = arith.minsi %add3A_152, %min3A_153 : i32
        %dma_wait3A_155 = arith.constant 0 : i32
        %dma_wait3A_156 = tpu.memref_slice %arg4[%min3A_154, %dma_wait3A_155] : memref<10000x128xf32, #tpu.memory_space<hbm>> -> memref<4x128xf32, #tpu.memory_space<hbm>>
        %dma_wait3A_157 = arith.constant 0 : i32
        %dma_wait3A_158 = tpu.memref_slice %arg4[%min3A_154, %dma_wait3A_157] : memref<10000x128xf32, #tpu.memory_space<hbm>> -> memref<4x128xf32, #tpu.memory_space<hbm>>
        tpu.wait_dma2 semaphore(%arg13 : memref<!tpu.dma_semaphore, #tpu.memory_space<semaphore_mem>>) src(%arg9 : memref<4x128xf32, #tpu.memory_space<vmem>>) dst(%dma_wait3A_158 : memref<4x128xf32, #tpu.memory_space<hbm>>)
      } else {
      }
      %scan3A_100 = arith.constant 0 : i32
      %scan3A_101 = arith.constant 4 : i32
      %scan3A_102 = arith.addi %scan3A_100, %scan3A_101 : i32
      %scan3A_103 = arith.constant 1 : i32
      scf.for %scan3A_150 = %scan3A_100 to %scan3A_102 step %scan3A_103  : i32 {
        %mul3A_151 = arith.constant 1 : i32
        %mul3A_152 = arith.muli %scan3A_150, %mul3A_151 : i32
        %add3A_153 = arith.constant 0 : i32
        %add3A_154 = arith.addi %add3A_153, %mul3A_152 : i32
        %broadcast_in_dim3A = arith.constant 0.000000e+00 : f32
        %broadcast_in_dim3A_155 = vector.broadcast %broadcast_in_dim3A : f32 to vector<16xf32>
        %broadcast_in_dim3A_156 = arith.constant 0.000000e+00 : f32
        %broadcast_in_dim3A_157 = vector.broadcast %broadcast_in_dim3A_156 : f32 to vector<16xf32>
        %broadcast_in_dim3A_158 = arith.constant 0.000000e+00 : f32
        %broadcast_in_dim3A_159 = vector.broadcast %broadcast_in_dim3A_158 : f32 to vector<16xf32>
        %broadcast_in_dim3A_160 = arith.constant 0.000000e+00 : f32
        %broadcast_in_dim3A_161 = vector.broadcast %broadcast_in_dim3A_160 : f32 to vector<16xf32>
        %broadcast_in_dim3A_162 = arith.constant 0.000000e+00 : f32
        %broadcast_in_dim3A_163 = vector.broadcast %broadcast_in_dim3A_162 : f32 to vector<16xf32>
        %broadcast_in_dim3A_164 = arith.constant 0.000000e+00 : f32
        %broadcast_in_dim3A_165 = vector.broadcast %broadcast_in_dim3A_164 : f32 to vector<16xf32>
        %broadcast_in_dim3A_166 = arith.constant 0.000000e+00 : f32
        %broadcast_in_dim3A_167 = vector.broadcast %broadcast_in_dim3A_166 : f32 to vector<16xf32>
        %broadcast_in_dim3A_168 = arith.constant 0.000000e+00 : f32
        %broadcast_in_dim3A_169 = vector.broadcast %broadcast_in_dim3A_168 : f32 to vector<16xf32>
        %mul3A_170 = arith.constant 32 : i32
        %mul3A_171 = arith.muli %add3A_154, %mul3A_170 : i32
        %add3A_172 = arith.constant 0 : i32
        %add3A_173 = arith.addi %mul3A_171, %add3A_172 : i32
        %get3A = arith.index_cast %add3A_173 : i32 to index
        %get3A_174 = arith.constant 0 : index
        %get3A_175 = tpu.vector_load %arg7[%get3A, %get3A_174] {strides = array<i32>} : memref<128x128xf32, #tpu.memory_space<vmem>>, vector<1x16xf32>,
        %get3A_176 = vector.shape_cast %get3A_175 : vector<1x16xf32> to vector<16xf32>
        %add3A_177 = arith.addf %broadcast_in_dim3A_155, %get3A_176 : vector<16xf32>
        %mul3A_178 = arith.constant 32 : i32
        %mul3A_179 = arith.muli %add3A_154, %mul3A_178 : i32
        %add3A_180 = arith.constant 0 : i32
        %add3A_181 = arith.addi %mul3A_179, %add3A_180 : i32
        %get3A_182 = arith.index_cast %add3A_181 : i32 to index
        %get3A_183 = arith.constant 16 : index
        %get3A_184 = tpu.vector_load %arg7[%get3A_182, %get3A_183] {strides = array<i32>} : memref<128x128xf32, #tpu.memory_space<vmem>>, vector<1x16xf32>,
        %get3A_185 = vector.shape_cast %get3A_184 : vector<1x16xf32> to vector<16xf32>
        %add3A_186 = arith.addf %broadcast_in_dim3A_157, %get3A_185 : vector<16xf32>
        %mul3A_187 = arith.constant 32 : i32
        %mul3A_188 = arith.muli %add3A_154, %mul3A_187 : i32
        %add3A_189 = arith.constant 0 : i32
        %add3A_190 = arith.addi %mul3A_188, %add3A_189 : i32
        %get3A_191 = arith.index_cast %add3A_190 : i32 to index
        %get3A_192 = arith.constant 32 : index
        %get3A_193 = tpu.vector_load %arg7[%get3A_191, %get3A_192] {strides = array<i32>} : memref<128x128xf32, #tpu.memory_space<vmem>>, vector<1x16xf32>,
        %get3A_194 = vector.shape_cast %get3A_193 : vector<1x16xf32> to vector<16xf32>
        %add3A_195 = arith.addf %broadcast_in_dim3A_159, %get3A_194 : vector<16xf32>
        %mul3A_196 = arith.constant 32 : i32
        %mul3A_197 = arith.muli %add3A_154, %mul3A_196 : i32
        %add3A_198 = arith.constant 0 : i32
        %add3A_199 = arith.addi %mul3A_197, %add3A_198 : i32
        %get3A_200 = arith.index_cast %add3A_199 : i32 to index
        %get3A_201 = arith.constant 48 : index
        %get3A_202 = tpu.vector_load %arg7[%get3A_200, %get3A_201] {strides = array<i32>} : memref<128x128xf32, #tpu.memory_space<vmem>>, vector<1x16xf32>,
        %get3A_203 = vector.shape_cast %get3A_202 : vector<1x16xf32> to vector<16xf32>
        %add3A_204 = arith.addf %broadcast_in_dim3A_161, %get3A_203 : vector<16xf32>
        %mul3A_205 = arith.constant 32 : i32
        %mul3A_206 = arith.muli %add3A_154, %mul3A_205 : i32
        %add3A_207 = arith.constant 0 : i32
        %add3A_208 = arith.addi %mul3A_206, %add3A_207 : i32
        %get3A_209 = arith.index_cast %add3A_208 : i32 to index
        %get3A_210 = arith.constant 64 : index
        %get3A_211 = tpu.vector_load %arg7[%get3A_209, %get3A_210] {strides = array<i32>} : memref<128x128xf32, #tpu.memory_space<vmem>>, vector<1x16xf32>,
        %get3A_212 = vector.shape_cast %get3A_211 : vector<1x16xf32> to vector<16xf32>
        %add3A_213 = arith.addf %broadcast_in_dim3A_163, %get3A_212 : vector<16xf32>
        %mul3A_214 = arith.constant 32 : i32
        %mul3A_215 = arith.muli %add3A_154, %mul3A_214 : i32
        %add3A_216 = arith.constant 0 : i32
        %add3A_217 = arith.addi %mul3A_215, %add3A_216 : i32
        %get3A_218 = arith.index_cast %add3A_217 : i32 to index
        %get3A_219 = arith.constant 80 : index
        %get3A_220 = tpu.vector_load %arg7[%get3A_218, %get3A_219] {strides = array<i32>} : memref<128x128xf32, #tpu.memory_space<vmem>>, vector<1x16xf32>,
        %get3A_221 = vector.shape_cast %get3A_220 : vector<1x16xf32> to vector<16xf32>
        %add3A_222 = arith.addf %broadcast_in_dim3A_165, %get3A_221 : vector<16xf32>
        %mul3A_223 = arith.constant 32 : i32
        %mul3A_224 = arith.muli %add3A_154, %mul3A_223 : i32
        %add3A_225 = arith.constant 0 : i32
        %add3A_226 = arith.addi %mul3A_224, %add3A_225 : i32
        %get3A_227 = arith.index_cast %add3A_226 : i32 to index
        %get3A_228 = arith.constant 96 : index
        %get3A_229 = tpu.vector_load %arg7[%get3A_227, %get3A_228] {strides = array<i32>} : memref<128x128xf32, #tpu.memory_space<vmem>>, vector<1x16xf32>,
        %get3A_230 = vector.shape_cast %get3A_229 : vector<1x16xf32> to vector<16xf32>
        %add3A_231 = arith.addf %broadcast_in_dim3A_167, %get3A_230 : vector<16xf32>
        %mul3A_232 = arith.constant 32 : i32
        %mul3A_233 = arith.muli %add3A_154, %mul3A_232 : i32
        %add3A_234 = arith.constant 0 : i32
        %add3A_235 = arith.addi %mul3A_233, %add3A_234 : i32
        %get3A_236 = arith.index_cast %add3A_235 : i32 to index
        %get3A_237 = arith.constant 112 : index
        %get3A_238 = tpu.vector_load %arg7[%get3A_236, %get3A_237] {strides = array<i32>} : memref<128x128xf32, #tpu.memory_space<vmem>>, vector<1x16xf32>,
        %get3A_239 = vector.shape_cast %get3A_238 : vector<1x16xf32> to vector<16xf32>
        %add3A_240 = arith.addf %broadcast_in_dim3A_169, %get3A_239 : vector<16xf32>
        %mul3A_241 = arith.constant 32 : i32
        %mul3A_242 = arith.muli %add3A_154, %mul3A_241 : i32
        %add3A_243 = arith.constant 1 : i32
        %add3A_244 = arith.addi %mul3A_242, %add3A_243 : i32
        %get3A_245 = arith.index_cast %add3A_244 : i32 to index
        %get3A_246 = arith.constant 0 : index
        %get3A_247 = tpu.vector_load %arg7[%get3A_245, %get3A_246] {strides = array<i32>} : memref<128x128xf32, #tpu.memory_space<vmem>>, vector<1x16xf32>,
        %get3A_248 = vector.shape_cast %get3A_247 : vector<1x16xf32> to vector<16xf32>
        %add3A_249 = arith.addf %add3A_177, %get3A_248 : vector<16xf32>
        %mul3A_250 = arith.constant 32 : i32
        %mul3A_251 = arith.muli %add3A_154, %mul3A_250 : i32
        %add3A_252 = arith.constant 1 : i32
        %add3A_253 = arith.addi %mul3A_251, %add3A_252 : i32
        %get3A_254 = arith.index_cast %add3A_253 : i32 to index
        %get3A_255 = arith.constant 16 : index
        %get3A_256 = tpu.vector_load %arg7[%get3A_254, %get3A_255] {strides = array<i32>} : memref<128x128xf32, #tpu.memory_space<vmem>>, vector<1x16xf32>,
        %get3A_257 = vector.shape_cast %get3A_256 : vector<1x16xf32> to vector<16xf32>
        %add3A_258 = arith.addf %add3A_186, %get3A_257 : vector<16xf32>
        %mul3A_259 = arith.constant 32 : i32
        %mul3A_260 = arith.muli %add3A_154, %mul3A_259 : i32
        %add3A_261 = arith.constant 1 : i32
        %add3A_262 = arith.addi %mul3A_260, %add3A_261 : i32
        %get3A_263 = arith.index_cast %add3A_262 : i32 to index
        %get3A_264 = arith.constant 32 : index
        %get3A_265 = tpu.vector_load %arg7[%get3A_263, %get3A_264] {strides = array<i32>} : memref<128x128xf32, #tpu.memory_space<vmem>>, vector<1x16xf32>,
        %get3A_266 = vector.shape_cast %get3A_265 : vector<1x16xf32> to vector<16xf32>
        %add3A_267 = arith.addf %add3A_195, %get3A_266 : vector<16xf32>
        %mul3A_268 = arith.constant 32 : i32
        %mul3A_269 = arith.muli %add3A_154, %mul3A_268 : i32
        %add3A_270 = arith.constant 1 : i32
        %add3A_271 = arith.addi %mul3A_269, %add3A_270 : i32
        %get3A_272 = arith.index_cast %add3A_271 : i32 to index
        %get3A_273 = arith.constant 48 : index
        %get3A_274 = tpu.vector_load %arg7[%get3A_272, %get3A_273] {strides = array<i32>} : memref<128x128xf32, #tpu.memory_space<vmem>>, vector<1x16xf32>,
        %get3A_275 = vector.shape_cast %get3A_274 : vector<1x16xf32> to vector<16xf32>
        %add3A_276 = arith.addf %add3A_204, %get3A_275 : vector<16xf32>
        %mul3A_277 = arith.constant 32 : i32
        %mul3A_278 = arith.muli %add3A_154, %mul3A_277 : i32
        %add3A_279 = arith.constant 1 : i32
        %add3A_280 = arith.addi %mul3A_278, %add3A_279 : i32
        %get3A_281 = arith.index_cast %add3A_280 : i32 to index
        %get3A_282 = arith.constant 64 : index
        %get3A_283 = tpu.vector_load %arg7[%get3A_281, %get3A_282] {strides = array<i32>} : memref<128x128xf32, #tpu.memory_space<vmem>>, vector<1x16xf32>,
        %get3A_284 = vector.shape_cast %get3A_283 : vector<1x16xf32> to vector<16xf32>
        %add3A_285 = arith.addf %add3A_213, %get3A_284 : vector<16xf32>
        %mul3A_286 = arith.constant 32 : i32
        %mul3A_287 = arith.muli %add3A_154, %mul3A_286 : i32
        %add3A_288 = arith.constant 1 : i32
        %add3A_289 = arith.addi %mul3A_287, %add3A_288 : i32
        %get3A_290 = arith.index_cast %add3A_289 : i32 to index
        %get3A_291 = arith.constant 80 : index
        %get3A_292 = tpu.vector_load %arg7[%get3A_290, %get3A_291] {strides = array<i32>} : memref<128x128xf32, #tpu.memory_space<vmem>>, vector<1x16xf32>,
        %get3A_293 = vector.shape_cast %get3A_292 : vector<1x16xf32> to vector<16xf32>
        %add3A_294 = arith.addf %add3A_222, %get3A_293 : vector<16xf32>
        %mul3A_295 = arith.constant 32 : i32
        %mul3A_296 = arith.muli %add3A_154, %mul3A_295 : i32
        %add3A_297 = arith.constant 1 : i32
        %add3A_298 = arith.addi %mul3A_296, %add3A_297 : i32
        %get3A_299 = arith.index_cast %add3A_298 : i32 to index
        %get3A_300 = arith.constant 96 : index
        %get3A_301 = tpu.vector_load %arg7[%get3A_299, %get3A_300] {strides = array<i32>} : memref<128x128xf32, #tpu.memory_space<vmem>>, vector<1x16xf32>,
        %get3A_302 = vector.shape_cast %get3A_301 : vector<1x16xf32> to vector<16xf32>
        %add3A_303 = arith.addf %add3A_231, %get3A_302 : vector<16xf32>
        %mul3A_304 = arith.constant 32 : i32
        %mul3A_305 = arith.muli %add3A_154, %mul3A_304 : i32
        %add3A_306 = arith.constant 1 : i32
        %add3A_307 = arith.addi %mul3A_305, %add3A_306 : i32
        %get3A_308 = arith.index_cast %add3A_307 : i32 to index
        %get3A_309 = arith.constant 112 : index
        %get3A_310 = tpu.vector_load %arg7[%get3A_308, %get3A_309] {strides = array<i32>} : memref<128x128xf32, #tpu.memory_space<vmem>>, vector<1x16xf32>,
        %get3A_311 = vector.shape_cast %get3A_310 : vector<1x16xf32> to vector<16xf32>
        %add3A_312 = arith.addf %add3A_240, %get3A_311 : vector<16xf32>
        %mul3A_313 = arith.constant 32 : i32
        %mul3A_314 = arith.muli %add3A_154, %mul3A_313 : i32
        %add3A_315 = arith.constant 2 : i32
        %add3A_316 = arith.addi %mul3A_314, %add3A_315 : i32
        %get3A_317 = arith.index_cast %add3A_316 : i32 to index
        %get3A_318 = arith.constant 0 : index
        %get3A_319 = tpu.vector_load %arg7[%get3A_317, %get3A_318] {strides = array<i32>} : memref<128x128xf32, #tpu.memory_space<vmem>>, vector<1x16xf32>,
        %get3A_320 = vector.shape_cast %get3A_319 : vector<1x16xf32> to vector<16xf32>
        %add3A_321 = arith.addf %add3A_249, %get3A_320 : vector<16xf32>
        %mul3A_322 = arith.constant 32 : i32
        %mul3A_323 = arith.muli %add3A_154, %mul3A_322 : i32
        %add3A_324 = arith.constant 2 : i32
        %add3A_325 = arith.addi %mul3A_323, %add3A_324 : i32
        %get3A_326 = arith.index_cast %add3A_325 : i32 to index
        %get3A_327 = arith.constant 16 : index
        %get3A_328 = tpu.vector_load %arg7[%get3A_326, %get3A_327] {strides = array<i32>} : memref<128x128xf32, #tpu.memory_space<vmem>>, vector<1x16xf32>,
        %get3A_329 = vector.shape_cast %get3A_328 : vector<1x16xf32> to vector<16xf32>
        %add3A_330 = arith.addf %add3A_258, %get3A_329 : vector<16xf32>
        %mul3A_331 = arith.constant 32 : i32
        %mul3A_332 = arith.muli %add3A_154, %mul3A_331 : i32
        %add3A_333 = arith.constant 2 : i32
        %add3A_334 = arith.addi %mul3A_332, %add3A_333 : i32
        %get3A_335 = arith.index_cast %add3A_334 : i32 to index
        %get3A_336 = arith.constant 32 : index
        %get3A_337 = tpu.vector_load %arg7[%get3A_335, %get3A_336] {strides = array<i32>} : memref<128x128xf32, #tpu.memory_space<vmem>>, vector<1x16xf32>,
        %get3A_338 = vector.shape_cast %get3A_337 : vector<1x16xf32> to vector<16xf32>
        %add3A_339 = arith.addf %add3A_267, %get3A_338 : vector<16xf32>
        %mul3A_340 = arith.constant 32 : i32
        %mul3A_341 = arith.muli %add3A_154, %mul3A_340 : i32
        %add3A_342 = arith.constant 2 : i32
        %add3A_343 = arith.addi %mul3A_341, %add3A_342 : i32
        %get3A_344 = arith.index_cast %add3A_343 : i32 to index
        %get3A_345 = arith.constant 48 : index
        %get3A_346 = tpu.vector_load %arg7[%get3A_344, %get3A_345] {strides = array<i32>} : memref<128x128xf32, #tpu.memory_space<vmem>>, vector<1x16xf32>,
        %get3A_347 = vector.shape_cast %get3A_346 : vector<1x16xf32> to vector<16xf32>
        %add3A_348 = arith.addf %add3A_276, %get3A_347 : vector<16xf32>
        %mul3A_349 = arith.constant 32 : i32
        %mul3A_350 = arith.muli %add3A_154, %mul3A_349 : i32
        %add3A_351 = arith.constant 2 : i32
        %add3A_352 = arith.addi %mul3A_350, %add3A_351 : i32
        %get3A_353 = arith.index_cast %add3A_352 : i32 to index
        %get3A_354 = arith.constant 64 : index
        %get3A_355 = tpu.vector_load %arg7[%get3A_353, %get3A_354] {strides = array<i32>} : memref<128x128xf32, #tpu.memory_space<vmem>>, vector<1x16xf32>,
        %get3A_356 = vector.shape_cast %get3A_355 : vector<1x16xf32> to vector<16xf32>
        %add3A_357 = arith.addf %add3A_285, %get3A_356 : vector<16xf32>
        %mul3A_358 = arith.constant 32 : i32
        %mul3A_359 = arith.muli %add3A_154, %mul3A_358 : i32
        %add3A_360 = arith.constant 2 : i32
        %add3A_361 = arith.addi %mul3A_359, %add3A_360 : i32
        %get3A_362 = arith.index_cast %add3A_361 : i32 to index
        %get3A_363 = arith.constant 80 : index
        %get3A_364 = tpu.vector_load %arg7[%get3A_362, %get3A_363] {strides = array<i32>} : memref<128x128xf32, #tpu.memory_space<vmem>>, vector<1x16xf32>,
        %get3A_365 = vector.shape_cast %get3A_364 : vector<1x16xf32> to vector<16xf32>
        %add3A_366 = arith.addf %add3A_294, %get3A_365 : vector<16xf32>
        %mul3A_367 = arith.constant 32 : i32
        %mul3A_368 = arith.muli %add3A_154, %mul3A_367 : i32
        %add3A_369 = arith.constant 2 : i32
        %add3A_370 = arith.addi %mul3A_368, %add3A_369 : i32
        %get3A_371 = arith.index_cast %add3A_370 : i32 to index
        %get3A_372 = arith.constant 96 : index
        %get3A_373 = tpu.vector_load %arg7[%get3A_371, %get3A_372] {strides = array<i32>} : memref<128x128xf32, #tpu.memory_space<vmem>>, vector<1x16xf32>,
        %get3A_374 = vector.shape_cast %get3A_373 : vector<1x16xf32> to vector<16xf32>
        %add3A_375 = arith.addf %add3A_303, %get3A_374 : vector<16xf32>
        %mul3A_376 = arith.constant 32 : i32
        %mul3A_377 = arith.muli %add3A_154, %mul3A_376 : i32
        %add3A_378 = arith.constant 2 : i32
        %add3A_379 = arith.addi %mul3A_377, %add3A_378 : i32
        %get3A_380 = arith.index_cast %add3A_379 : i32 to index
        %get3A_381 = arith.constant 112 : index
        %get3A_382 = tpu.vector_load %arg7[%get3A_380, %get3A_381] {strides = array<i32>} : memref<128x128xf32, #tpu.memory_space<vmem>>, vector<1x16xf32>,
        %get3A_383 = vector.shape_cast %get3A_382 : vector<1x16xf32> to vector<16xf32>
        %add3A_384 = arith.addf %add3A_312, %get3A_383 : vector<16xf32>
        %mul3A_385 = arith.constant 32 : i32
        %mul3A_386 = arith.muli %add3A_154, %mul3A_385 : i32
        %add3A_387 = arith.constant 3 : i32
        %add3A_388 = arith.addi %mul3A_386, %add3A_387 : i32
        %get3A_389 = arith.index_cast %add3A_388 : i32 to index
        %get3A_390 = arith.constant 0 : index
        %get3A_391 = tpu.vector_load %arg7[%get3A_389, %get3A_390] {strides = array<i32>} : memref<128x128xf32, #tpu.memory_space<vmem>>, vector<1x16xf32>,
        %get3A_392 = vector.shape_cast %get3A_391 : vector<1x16xf32> to vector<16xf32>
        %add3A_393 = arith.addf %add3A_321, %get3A_392 : vector<16xf32>
        %mul3A_394 = arith.constant 32 : i32
        %mul3A_395 = arith.muli %add3A_154, %mul3A_394 : i32
        %add3A_396 = arith.constant 3 : i32
        %add3A_397 = arith.addi %mul3A_395, %add3A_396 : i32
        %get3A_398 = arith.index_cast %add3A_397 : i32 to index
        %get3A_399 = arith.constant 16 : index
        %get3A_400 = tpu.vector_load %arg7[%get3A_398, %get3A_399] {strides = array<i32>} : memref<128x128xf32, #tpu.memory_space<vmem>>, vector<1x16xf32>,
        %get3A_401 = vector.shape_cast %get3A_400 : vector<1x16xf32> to vector<16xf32>
        %add3A_402 = arith.addf %add3A_330, %get3A_401 : vector<16xf32>
        %mul3A_403 = arith.constant 32 : i32
        %mul3A_404 = arith.muli %add3A_154, %mul3A_403 : i32
        %add3A_405 = arith.constant 3 : i32
        %add3A_406 = arith.addi %mul3A_404, %add3A_405 : i32
        %get3A_407 = arith.index_cast %add3A_406 : i32 to index
        %get3A_408 = arith.constant 32 : index
        %get3A_409 = tpu.vector_load %arg7[%get3A_407, %get3A_408] {strides = array<i32>} : memref<128x128xf32, #tpu.memory_space<vmem>>, vector<1x16xf32>,
        %get3A_410 = vector.shape_cast %get3A_409 : vector<1x16xf32> to vector<16xf32>
        %add3A_411 = arith.addf %add3A_339, %get3A_410 : vector<16xf32>
        %mul3A_412 = arith.constant 32 : i32
        %mul3A_413 = arith.muli %add3A_154, %mul3A_412 : i32
        %add3A_414 = arith.constant 3 : i32
        %add3A_415 = arith.addi %mul3A_413, %add3A_414 : i32
        %get3A_416 = arith.index_cast %add3A_415 : i32 to index
        %get3A_417 = arith.constant 48 : index
        %get3A_418 = tpu.vector_load %arg7[%get3A_416, %get3A_417] {strides = array<i32>} : memref<128x128xf32, #tpu.memory_space<vmem>>, vector<1x16xf32>,
        %get3A_419 = vector.shape_cast %get3A_418 : vector<1x16xf32> to vector<16xf32>
        %add3A_420 = arith.addf %add3A_348, %get3A_419 : vector<16xf32>
        %mul3A_421 = arith.constant 32 : i32
        %mul3A_422 = arith.muli %add3A_154, %mul3A_421 : i32
        %add3A_423 = arith.constant 3 : i32
        %add3A_424 = arith.addi %mul3A_422, %add3A_423 : i32
        %get3A_425 = arith.index_cast %add3A_424 : i32 to index
        %get3A_426 = arith.constant 64 : index
        %get3A_427 = tpu.vector_load %arg7[%get3A_425, %get3A_426] {strides = array<i32>} : memref<128x128xf32, #tpu.memory_space<vmem>>, vector<1x16xf32>,
        %get3A_428 = vector.shape_cast %get3A_427 : vector<1x16xf32> to vector<16xf32>
        %add3A_429 = arith.addf %add3A_357, %get3A_428 : vector<16xf32>
        %mul3A_430 = arith.constant 32 : i32
        %mul3A_431 = arith.muli %add3A_154, %mul3A_430 : i32
        %add3A_432 = arith.constant 3 : i32
        %add3A_433 = arith.addi %mul3A_431, %add3A_432 : i32
        %get3A_434 = arith.index_cast %add3A_433 : i32 to index
        %get3A_435 = arith.constant 80 : index
        %get3A_436 = tpu.vector_load %arg7[%get3A_434, %get3A_435] {strides = array<i32>} : memref<128x128xf32, #tpu.memory_space<vmem>>, vector<1x16xf32>,
        %get3A_437 = vector.shape_cast %get3A_436 : vector<1x16xf32> to vector<16xf32>
        %add3A_438 = arith.addf %add3A_366, %get3A_437 : vector<16xf32>
        %mul3A_439 = arith.constant 32 : i32
        %mul3A_440 = arith.muli %add3A_154, %mul3A_439 : i32
        %add3A_441 = arith.constant 3 : i32
        %add3A_442 = arith.addi %mul3A_440, %add3A_441 : i32
        %get3A_443 = arith.index_cast %add3A_442 : i32 to index
        %get3A_444 = arith.constant 96 : index
        %get3A_445 = tpu.vector_load %arg7[%get3A_443, %get3A_444] {strides = array<i32>} : memref<128x128xf32, #tpu.memory_space<vmem>>, vector<1x16xf32>,
        %get3A_446 = vector.shape_cast %get3A_445 : vector<1x16xf32> to vector<16xf32>
        %add3A_447 = arith.addf %add3A_375, %get3A_446 : vector<16xf32>
        %mul3A_448 = arith.constant 32 : i32
        %mul3A_449 = arith.muli %add3A_154, %mul3A_448 : i32
        %add3A_450 = arith.constant 3 : i32
        %add3A_451 = arith.addi %mul3A_449, %add3A_450 : i32
        %get3A_452 = arith.index_cast %add3A_451 : i32 to index
        %get3A_453 = arith.constant 112 : index
        %get3A_454 = tpu.vector_load %arg7[%get3A_452, %get3A_453] {strides = array<i32>} : memref<128x128xf32, #tpu.memory_space<vmem>>, vector<1x16xf32>,
        %get3A_455 = vector.shape_cast %get3A_454 : vector<1x16xf32> to vector<16xf32>
        %add3A_456 = arith.addf %add3A_384, %get3A_455 : vector<16xf32>
        %mul3A_457 = arith.constant 32 : i32
        %mul3A_458 = arith.muli %add3A_154, %mul3A_457 : i32
        %add3A_459 = arith.constant 4 : i32
        %add3A_460 = arith.addi %mul3A_458, %add3A_459 : i32
        %get3A_461 = arith.index_cast %add3A_460 : i32 to index
        %get3A_462 = arith.constant 0 : index
        %get3A_463 = tpu.vector_load %arg7[%get3A_461, %get3A_462] {strides = array<i32>} : memref<128x128xf32, #tpu.memory_space<vmem>>, vector<1x16xf32>,
        %get3A_464 = vector.shape_cast %get3A_463 : vector<1x16xf32> to vector<16xf32>
        %add3A_465 = arith.addf %add3A_393, %get3A_464 : vector<16xf32>
        %mul3A_466 = arith.constant 32 : i32
        %mul3A_467 = arith.muli %add3A_154, %mul3A_466 : i32
        %add3A_468 = arith.constant 4 : i32
        %add3A_469 = arith.addi %mul3A_467, %add3A_468 : i32
        %get3A_470 = arith.index_cast %add3A_469 : i32 to index
        %get3A_471 = arith.constant 16 : index
        %get3A_472 = tpu.vector_load %arg7[%get3A_470, %get3A_471] {strides = array<i32>} : memref<128x128xf32, #tpu.memory_space<vmem>>, vector<1x16xf32>,
        %get3A_473 = vector.shape_cast %get3A_472 : vector<1x16xf32> to vector<16xf32>
        %add3A_474 = arith.addf %add3A_402, %get3A_473 : vector<16xf32>
        %mul3A_475 = arith.constant 32 : i32
        %mul3A_476 = arith.muli %add3A_154, %mul3A_475 : i32
        %add3A_477 = arith.constant 4 : i32
        %add3A_478 = arith.addi %mul3A_476, %add3A_477 : i32
        %get3A_479 = arith.index_cast %add3A_478 : i32 to index
        %get3A_480 = arith.constant 32 : index
        %get3A_481 = tpu.vector_load %arg7[%get3A_479, %get3A_480] {strides = array<i32>} : memref<128x128xf32, #tpu.memory_space<vmem>>, vector<1x16xf32>,
        %get3A_482 = vector.shape_cast %get3A_481 : vector<1x16xf32> to vector<16xf32>
        %add3A_483 = arith.addf %add3A_411, %get3A_482 : vector<16xf32>
        %mul3A_484 = arith.constant 32 : i32
        %mul3A_485 = arith.muli %add3A_154, %mul3A_484 : i32
        %add3A_486 = arith.constant 4 : i32
        %add3A_487 = arith.addi %mul3A_485, %add3A_486 : i32
        %get3A_488 = arith.index_cast %add3A_487 : i32 to index
        %get3A_489 = arith.constant 48 : index
        %get3A_490 = tpu.vector_load %arg7[%get3A_488, %get3A_489] {strides = array<i32>} : memref<128x128xf32, #tpu.memory_space<vmem>>, vector<1x16xf32>,
        %get3A_491 = vector.shape_cast %get3A_490 : vector<1x16xf32> to vector<16xf32>
        %add3A_492 = arith.addf %add3A_420, %get3A_491 : vector<16xf32>
        %mul3A_493 = arith.constant 32 : i32
        %mul3A_494 = arith.muli %add3A_154, %mul3A_493 : i32
        %add3A_495 = arith.constant 4 : i32
        %add3A_496 = arith.addi %mul3A_494, %add3A_495 : i32
        %get3A_497 = arith.index_cast %add3A_496 : i32 to index
        %get3A_498 = arith.constant 64 : index
        %get3A_499 = tpu.vector_load %arg7[%get3A_497, %get3A_498] {strides = array<i32>} : memref<128x128xf32, #tpu.memory_space<vmem>>, vector<1x16xf32>,
        %get3A_500 = vector.shape_cast %get3A_499 : vector<1x16xf32> to vector<16xf32>
        %add3A_501 = arith.addf %add3A_429, %get3A_500 : vector<16xf32>
        %mul3A_502 = arith.constant 32 : i32
        %mul3A_503 = arith.muli %add3A_154, %mul3A_502 : i32
        %add3A_504 = arith.constant 4 : i32
        %add3A_505 = arith.addi %mul3A_503, %add3A_504 : i32
        %get3A_506 = arith.index_cast %add3A_505 : i32 to index
        %get3A_507 = arith.constant 80 : index
        %get3A_508 = tpu.vector_load %arg7[%get3A_506, %get3A_507] {strides = array<i32>} : memref<128x128xf32, #tpu.memory_space<vmem>>, vector<1x16xf32>,
        %get3A_509 = vector.shape_cast %get3A_508 : vector<1x16xf32> to vector<16xf32>
        %add3A_510 = arith.addf %add3A_438, %get3A_509 : vector<16xf32>
        %mul3A_511 = arith.constant 32 : i32
        %mul3A_512 = arith.muli %add3A_154, %mul3A_511 : i32
        %add3A_513 = arith.constant 4 : i32
        %add3A_514 = arith.addi %mul3A_512, %add3A_513 : i32
        %get3A_515 = arith.index_cast %add3A_514 : i32 to index
        %get3A_516 = arith.constant 96 : index
        %get3A_517 = tpu.vector_load %arg7[%get3A_515, %get3A_516] {strides = array<i32>} : memref<128x128xf32, #tpu.memory_space<vmem>>, vector<1x16xf32>,
        %get3A_518 = vector.shape_cast %get3A_517 : vector<1x16xf32> to vector<16xf32>
        %add3A_519 = arith.addf %add3A_447, %get3A_518 : vector<16xf32>
        %mul3A_520 = arith.constant 32 : i32
        %mul3A_521 = arith.muli %add3A_154, %mul3A_520 : i32
        %add3A_522 = arith.constant 4 : i32
        %add3A_523 = arith.addi %mul3A_521, %add3A_522 : i32
        %get3A_524 = arith.index_cast %add3A_523 : i32 to index
        %get3A_525 = arith.constant 112 : index
        %get3A_526 = tpu.vector_load %arg7[%get3A_524, %get3A_525] {strides = array<i32>} : memref<128x128xf32, #tpu.memory_space<vmem>>, vector<1x16xf32>,
        %get3A_527 = vector.shape_cast %get3A_526 : vector<1x16xf32> to vector<16xf32>
        %add3A_528 = arith.addf %add3A_456, %get3A_527 : vector<16xf32>
        %mul3A_529 = arith.constant 32 : i32
        %mul3A_530 = arith.muli %add3A_154, %mul3A_529 : i32
        %add3A_531 = arith.constant 5 : i32
        %add3A_532 = arith.addi %mul3A_530, %add3A_531 : i32
        %get3A_533 = arith.index_cast %add3A_532 : i32 to index
        %get3A_534 = arith.constant 0 : index
        %get3A_535 = tpu.vector_load %arg7[%get3A_533, %get3A_534] {strides = array<i32>} : memref<128x128xf32, #tpu.memory_space<vmem>>, vector<1x16xf32>,
        %get3A_536 = vector.shape_cast %get3A_535 : vector<1x16xf32> to vector<16xf32>
        %add3A_537 = arith.addf %add3A_465, %get3A_536 : vector<16xf32>
        %mul3A_538 = arith.constant 32 : i32
        %mul3A_539 = arith.muli %add3A_154, %mul3A_538 : i32
        %add3A_540 = arith.constant 5 : i32
        %add3A_541 = arith.addi %mul3A_539, %add3A_540 : i32
        %get3A_542 = arith.index_cast %add3A_541 : i32 to index
        %get3A_543 = arith.constant 16 : index
        %get3A_544 = tpu.vector_load %arg7[%get3A_542, %get3A_543] {strides = array<i32>} : memref<128x128xf32, #tpu.memory_space<vmem>>, vector<1x16xf32>,
        %get3A_545 = vector.shape_cast %get3A_544 : vector<1x16xf32> to vector<16xf32>
        %add3A_546 = arith.addf %add3A_474, %get3A_545 : vector<16xf32>
        %mul3A_547 = arith.constant 32 : i32
        %mul3A_548 = arith.muli %add3A_154, %mul3A_547 : i32
        %add3A_549 = arith.constant 5 : i32
        %add3A_550 = arith.addi %mul3A_548, %add3A_549 : i32
        %get3A_551 = arith.index_cast %add3A_550 : i32 to index
        %get3A_552 = arith.constant 32 : index
        %get3A_553 = tpu.vector_load %arg7[%get3A_551, %get3A_552] {strides = array<i32>} : memref<128x128xf32, #tpu.memory_space<vmem>>, vector<1x16xf32>,
        %get3A_554 = vector.shape_cast %get3A_553 : vector<1x16xf32> to vector<16xf32>
        %add3A_555 = arith.addf %add3A_483, %get3A_554 : vector<16xf32>
        %mul3A_556 = arith.constant 32 : i32
        %mul3A_557 = arith.muli %add3A_154, %mul3A_556 : i32
        %add3A_558 = arith.constant 5 : i32
        %add3A_559 = arith.addi %mul3A_557, %add3A_558 : i32
        %get3A_560 = arith.index_cast %add3A_559 : i32 to index
        %get3A_561 = arith.constant 48 : index
        %get3A_562 = tpu.vector_load %arg7[%get3A_560, %get3A_561] {strides = array<i32>} : memref<128x128xf32, #tpu.memory_space<vmem>>, vector<1x16xf32>,
        %get3A_563 = vector.shape_cast %get3A_562 : vector<1x16xf32> to vector<16xf32>
        %add3A_564 = arith.addf %add3A_492, %get3A_563 : vector<16xf32>
        %mul3A_565 = arith.constant 32 : i32
        %mul3A_566 = arith.muli %add3A_154, %mul3A_565 : i32
        %add3A_567 = arith.constant 5 : i32
        %add3A_568 = arith.addi %mul3A_566, %add3A_567 : i32
        %get3A_569 = arith.index_cast %add3A_568 : i32 to index
        %get3A_570 = arith.constant 64 : index
        %get3A_571 = tpu.vector_load %arg7[%get3A_569, %get3A_570] {strides = array<i32>} : memref<128x128xf32, #tpu.memory_space<vmem>>, vector<1x16xf32>,
        %get3A_572 = vector.shape_cast %get3A_571 : vector<1x16xf32> to vector<16xf32>
        %add3A_573 = arith.addf %add3A_501, %get3A_572 : vector<16xf32>
        %mul3A_574 = arith.constant 32 : i32
        %mul3A_575 = arith.muli %add3A_154, %mul3A_574 : i32
        %add3A_576 = arith.constant 5 : i32
        %add3A_577 = arith.addi %mul3A_575, %add3A_576 : i32
        %get3A_578 = arith.index_cast %add3A_577 : i32 to index
        %get3A_579 = arith.constant 80 : index
        %get3A_580 = tpu.vector_load %arg7[%get3A_578, %get3A_579] {strides = array<i32>} : memref<128x128xf32, #tpu.memory_space<vmem>>, vector<1x16xf32>,
        %get3A_581 = vector.shape_cast %get3A_580 : vector<1x16xf32> to vector<16xf32>
        %add3A_582 = arith.addf %add3A_510, %get3A_581 : vector<16xf32>
        %mul3A_583 = arith.constant 32 : i32
        %mul3A_584 = arith.muli %add3A_154, %mul3A_583 : i32
        %add3A_585 = arith.constant 5 : i32
        %add3A_586 = arith.addi %mul3A_584, %add3A_585 : i32
        %get3A_587 = arith.index_cast %add3A_586 : i32 to index
        %get3A_588 = arith.constant 96 : index
        %get3A_589 = tpu.vector_load %arg7[%get3A_587, %get3A_588] {strides = array<i32>} : memref<128x128xf32, #tpu.memory_space<vmem>>, vector<1x16xf32>,
        %get3A_590 = vector.shape_cast %get3A_589 : vector<1x16xf32> to vector<16xf32>
        %add3A_591 = arith.addf %add3A_519, %get3A_590 : vector<16xf32>
        %mul3A_592 = arith.constant 32 : i32
        %mul3A_593 = arith.muli %add3A_154, %mul3A_592 : i32
        %add3A_594 = arith.constant 5 : i32
        %add3A_595 = arith.addi %mul3A_593, %add3A_594 : i32
        %get3A_596 = arith.index_cast %add3A_595 : i32 to index
        %get3A_597 = arith.constant 112 : index
        %get3A_598 = tpu.vector_load %arg7[%get3A_596, %get3A_597] {strides = array<i32>} : memref<128x128xf32, #tpu.memory_space<vmem>>, vector<1x16xf32>,
        %get3A_599 = vector.shape_cast %get3A_598 : vector<1x16xf32> to vector<16xf32>
        %add3A_600 = arith.addf %add3A_528, %get3A_599 : vector<16xf32>
        %mul3A_601 = arith.constant 32 : i32
        %mul3A_602 = arith.muli %add3A_154, %mul3A_601 : i32
        %add3A_603 = arith.constant 6 : i32
        %add3A_604 = arith.addi %mul3A_602, %add3A_603 : i32
        %get3A_605 = arith.index_cast %add3A_604 : i32 to index
        %get3A_606 = arith.constant 0 : index
        %get3A_607 = tpu.vector_load %arg7[%get3A_605, %get3A_606] {strides = array<i32>} : memref<128x128xf32, #tpu.memory_space<vmem>>, vector<1x16xf32>,
        %get3A_608 = vector.shape_cast %get3A_607 : vector<1x16xf32> to vector<16xf32>
        %add3A_609 = arith.addf %add3A_537, %get3A_608 : vector<16xf32>
        %mul3A_610 = arith.constant 32 : i32
        %mul3A_611 = arith.muli %add3A_154, %mul3A_610 : i32
        %add3A_612 = arith.constant 6 : i32
        %add3A_613 = arith.addi %mul3A_611, %add3A_612 : i32
        %get3A_614 = arith.index_cast %add3A_613 : i32 to index
        %get3A_615 = arith.constant 16 : index
        %get3A_616 = tpu.vector_load %arg7[%get3A_614, %get3A_615] {strides = array<i32>} : memref<128x128xf32, #tpu.memory_space<vmem>>, vector<1x16xf32>,
        %get3A_617 = vector.shape_cast %get3A_616 : vector<1x16xf32> to vector<16xf32>
        %add3A_618 = arith.addf %add3A_546, %get3A_617 : vector<16xf32>
        %mul3A_619 = arith.constant 32 : i32
        %mul3A_620 = arith.muli %add3A_154, %mul3A_619 : i32
        %add3A_621 = arith.constant 6 : i32
        %add3A_622 = arith.addi %mul3A_620, %add3A_621 : i32
        %get3A_623 = arith.index_cast %add3A_622 : i32 to index
        %get3A_624 = arith.constant 32 : index
        %get3A_625 = tpu.vector_load %arg7[%get3A_623, %get3A_624] {strides = array<i32>} : memref<128x128xf32, #tpu.memory_space<vmem>>, vector<1x16xf32>,
        %get3A_626 = vector.shape_cast %get3A_625 : vector<1x16xf32> to vector<16xf32>
        %add3A_627 = arith.addf %add3A_555, %get3A_626 : vector<16xf32>
        %mul3A_628 = arith.constant 32 : i32
        %mul3A_629 = arith.muli %add3A_154, %mul3A_628 : i32
        %add3A_630 = arith.constant 6 : i32
        %add3A_631 = arith.addi %mul3A_629, %add3A_630 : i32
        %get3A_632 = arith.index_cast %add3A_631 : i32 to index
        %get3A_633 = arith.constant 48 : index
        %get3A_634 = tpu.vector_load %arg7[%get3A_632, %get3A_633] {strides = array<i32>} : memref<128x128xf32, #tpu.memory_space<vmem>>, vector<1x16xf32>,
        %get3A_635 = vector.shape_cast %get3A_634 : vector<1x16xf32> to vector<16xf32>
        %add3A_636 = arith.addf %add3A_564, %get3A_635 : vector<16xf32>
        %mul3A_637 = arith.constant 32 : i32
        %mul3A_638 = arith.muli %add3A_154, %mul3A_637 : i32
        %add3A_639 = arith.constant 6 : i32
        %add3A_640 = arith.addi %mul3A_638, %add3A_639 : i32
        %get3A_641 = arith.index_cast %add3A_640 : i32 to index
        %get3A_642 = arith.constant 64 : index
        %get3A_643 = tpu.vector_load %arg7[%get3A_641, %get3A_642] {strides = array<i32>} : memref<128x128xf32, #tpu.memory_space<vmem>>, vector<1x16xf32>,
        %get3A_644 = vector.shape_cast %get3A_643 : vector<1x16xf32> to vector<16xf32>
        %add3A_645 = arith.addf %add3A_573, %get3A_644 : vector<16xf32>
        %mul3A_646 = arith.constant 32 : i32
        %mul3A_647 = arith.muli %add3A_154, %mul3A_646 : i32
        %add3A_648 = arith.constant 6 : i32
        %add3A_649 = arith.addi %mul3A_647, %add3A_648 : i32
        %get3A_650 = arith.index_cast %add3A_649 : i32 to index
        %get3A_651 = arith.constant 80 : index
        %get3A_652 = tpu.vector_load %arg7[%get3A_650, %get3A_651] {strides = array<i32>} : memref<128x128xf32, #tpu.memory_space<vmem>>, vector<1x16xf32>,
        %get3A_653 = vector.shape_cast %get3A_652 : vector<1x16xf32> to vector<16xf32>
        %add3A_654 = arith.addf %add3A_582, %get3A_653 : vector<16xf32>
        %mul3A_655 = arith.constant 32 : i32
        %mul3A_656 = arith.muli %add3A_154, %mul3A_655 : i32
        %add3A_657 = arith.constant 6 : i32
        %add3A_658 = arith.addi %mul3A_656, %add3A_657 : i32
        %get3A_659 = arith.index_cast %add3A_658 : i32 to index
        %get3A_660 = arith.constant 96 : index
        %get3A_661 = tpu.vector_load %arg7[%get3A_659, %get3A_660] {strides = array<i32>} : memref<128x128xf32, #tpu.memory_space<vmem>>, vector<1x16xf32>,
        %get3A_662 = vector.shape_cast %get3A_661 : vector<1x16xf32> to vector<16xf32>
        %add3A_663 = arith.addf %add3A_591, %get3A_662 : vector<16xf32>
        %mul3A_664 = arith.constant 32 : i32
        %mul3A_665 = arith.muli %add3A_154, %mul3A_664 : i32
        %add3A_666 = arith.constant 6 : i32
        %add3A_667 = arith.addi %mul3A_665, %add3A_666 : i32
        %get3A_668 = arith.index_cast %add3A_667 : i32 to index
        %get3A_669 = arith.constant 112 : index
        %get3A_670 = tpu.vector_load %arg7[%get3A_668, %get3A_669] {strides = array<i32>} : memref<128x128xf32, #tpu.memory_space<vmem>>, vector<1x16xf32>,
        %get3A_671 = vector.shape_cast %get3A_670 : vector<1x16xf32> to vector<16xf32>
        %add3A_672 = arith.addf %add3A_600, %get3A_671 : vector<16xf32>
        %mul3A_673 = arith.constant 32 : i32
        %mul3A_674 = arith.muli %add3A_154, %mul3A_673 : i32
        %add3A_675 = arith.constant 7 : i32
        %add3A_676 = arith.addi %mul3A_674, %add3A_675 : i32
        %get3A_677 = arith.index_cast %add3A_676 : i32 to index
        %get3A_678 = arith.constant 0 : index
        %get3A_679 = tpu.vector_load %arg7[%get3A_677, %get3A_678] {strides = array<i32>} : memref<128x128xf32, #tpu.memory_space<vmem>>, vector<1x16xf32>,
        %get3A_680 = vector.shape_cast %get3A_679 : vector<1x16xf32> to vector<16xf32>
        %add3A_681 = arith.addf %add3A_609, %get3A_680 : vector<16xf32>
        %mul3A_682 = arith.constant 32 : i32
        %mul3A_683 = arith.muli %add3A_154, %mul3A_682 : i32
        %add3A_684 = arith.constant 7 : i32
        %add3A_685 = arith.addi %mul3A_683, %add3A_684 : i32
        %get3A_686 = arith.index_cast %add3A_685 : i32 to index
        %get3A_687 = arith.constant 16 : index
        %get3A_688 = tpu.vector_load %arg7[%get3A_686, %get3A_687] {strides = array<i32>} : memref<128x128xf32, #tpu.memory_space<vmem>>, vector<1x16xf32>,
        %get3A_689 = vector.shape_cast %get3A_688 : vector<1x16xf32> to vector<16xf32>
        %add3A_690 = arith.addf %add3A_618, %get3A_689 : vector<16xf32>
        %mul3A_691 = arith.constant 32 : i32
        %mul3A_692 = arith.muli %add3A_154, %mul3A_691 : i32
        %add3A_693 = arith.constant 7 : i32
        %add3A_694 = arith.addi %mul3A_692, %add3A_693 : i32
        %get3A_695 = arith.index_cast %add3A_694 : i32 to index
        %get3A_696 = arith.constant 32 : index
        %get3A_697 = tpu.vector_load %arg7[%get3A_695, %get3A_696] {strides = array<i32>} : memref<128x128xf32, #tpu.memory_space<vmem>>, vector<1x16xf32>,
        %get3A_698 = vector.shape_cast %get3A_697 : vector<1x16xf32> to vector<16xf32>
        %add3A_699 = arith.addf %add3A_627, %get3A_698 : vector<16xf32>
        %mul3A_700 = arith.constant 32 : i32
        %mul3A_701 = arith.muli %add3A_154, %mul3A_700 : i32
        %add3A_702 = arith.constant 7 : i32
        %add3A_703 = arith.addi %mul3A_701, %add3A_702 : i32
        %get3A_704 = arith.index_cast %add3A_703 : i32 to index
        %get3A_705 = arith.constant 48 : index
        %get3A_706 = tpu.vector_load %arg7[%get3A_704, %get3A_705] {strides = array<i32>} : memref<128x128xf32, #tpu.memory_space<vmem>>, vector<1x16xf32>,
        %get3A_707 = vector.shape_cast %get3A_706 : vector<1x16xf32> to vector<16xf32>
        %add3A_708 = arith.addf %add3A_636, %get3A_707 : vector<16xf32>
        %mul3A_709 = arith.constant 32 : i32
        %mul3A_710 = arith.muli %add3A_154, %mul3A_709 : i32
        %add3A_711 = arith.constant 7 : i32
        %add3A_712 = arith.addi %mul3A_710, %add3A_711 : i32
        %get3A_713 = arith.index_cast %add3A_712 : i32 to index
        %get3A_714 = arith.constant 64 : index
        %get3A_715 = tpu.vector_load %arg7[%get3A_713, %get3A_714] {strides = array<i32>} : memref<128x128xf32, #tpu.memory_space<vmem>>, vector<1x16xf32>,
        %get3A_716 = vector.shape_cast %get3A_715 : vector<1x16xf32> to vector<16xf32>
        %add3A_717 = arith.addf %add3A_645, %get3A_716 : vector<16xf32>
        %mul3A_718 = arith.constant 32 : i32
        %mul3A_719 = arith.muli %add3A_154, %mul3A_718 : i32
        %add3A_720 = arith.constant 7 : i32
        %add3A_721 = arith.addi %mul3A_719, %add3A_720 : i32
        %get3A_722 = arith.index_cast %add3A_721 : i32 to index
        %get3A_723 = arith.constant 80 : index
        %get3A_724 = tpu.vector_load %arg7[%get3A_722, %get3A_723] {strides = array<i32>} : memref<128x128xf32, #tpu.memory_space<vmem>>, vector<1x16xf32>,
        %get3A_725 = vector.shape_cast %get3A_724 : vector<1x16xf32> to vector<16xf32>
        %add3A_726 = arith.addf %add3A_654, %get3A_725 : vector<16xf32>
        %mul3A_727 = arith.constant 32 : i32
        %mul3A_728 = arith.muli %add3A_154, %mul3A_727 : i32
        %add3A_729 = arith.constant 7 : i32
        %add3A_730 = arith.addi %mul3A_728, %add3A_729 : i32
        %get3A_731 = arith.index_cast %add3A_730 : i32 to index
        %get3A_732 = arith.constant 96 : index
        %get3A_733 = tpu.vector_load %arg7[%get3A_731, %get3A_732] {strides = array<i32>} : memref<128x128xf32, #tpu.memory_space<vmem>>, vector<1x16xf32>,
        %get3A_734 = vector.shape_cast %get3A_733 : vector<1x16xf32> to vector<16xf32>
        %add3A_735 = arith.addf %add3A_663, %get3A_734 : vector<16xf32>
        %mul3A_736 = arith.constant 32 : i32
        %mul3A_737 = arith.muli %add3A_154, %mul3A_736 : i32
        %add3A_738 = arith.constant 7 : i32
        %add3A_739 = arith.addi %mul3A_737, %add3A_738 : i32
        %get3A_740 = arith.index_cast %add3A_739 : i32 to index
        %get3A_741 = arith.constant 112 : index
        %get3A_742 = tpu.vector_load %arg7[%get3A_740, %get3A_741] {strides = array<i32>} : memref<128x128xf32, #tpu.memory_space<vmem>>, vector<1x16xf32>,
        %get3A_743 = vector.shape_cast %get3A_742 : vector<1x16xf32> to vector<16xf32>
        %add3A_744 = arith.addf %add3A_672, %get3A_743 : vector<16xf32>
        %mul3A_745 = arith.constant 32 : i32
        %mul3A_746 = arith.muli %add3A_154, %mul3A_745 : i32
        %add3A_747 = arith.constant 8 : i32
        %add3A_748 = arith.addi %mul3A_746, %add3A_747 : i32
        %get3A_749 = arith.index_cast %add3A_748 : i32 to index
        %get3A_750 = arith.constant 0 : index
        %get3A_751 = tpu.vector_load %arg7[%get3A_749, %get3A_750] {strides = array<i32>} : memref<128x128xf32, #tpu.memory_space<vmem>>, vector<1x16xf32>,
        %get3A_752 = vector.shape_cast %get3A_751 : vector<1x16xf32> to vector<16xf32>
        %add3A_753 = arith.addf %add3A_681, %get3A_752 : vector<16xf32>
        %mul3A_754 = arith.constant 32 : i32
        %mul3A_755 = arith.muli %add3A_154, %mul3A_754 : i32
        %add3A_756 = arith.constant 8 : i32
        %add3A_757 = arith.addi %mul3A_755, %add3A_756 : i32
        %get3A_758 = arith.index_cast %add3A_757 : i32 to index
        %get3A_759 = arith.constant 16 : index
        %get3A_760 = tpu.vector_load %arg7[%get3A_758, %get3A_759] {strides = array<i32>} : memref<128x128xf32, #tpu.memory_space<vmem>>, vector<1x16xf32>,
        %get3A_761 = vector.shape_cast %get3A_760 : vector<1x16xf32> to vector<16xf32>
        %add3A_762 = arith.addf %add3A_690, %get3A_761 : vector<16xf32>
        %mul3A_763 = arith.constant 32 : i32
        %mul3A_764 = arith.muli %add3A_154, %mul3A_763 : i32
        %add3A_765 = arith.constant 8 : i32
        %add3A_766 = arith.addi %mul3A_764, %add3A_765 : i32
        %get3A_767 = arith.index_cast %add3A_766 : i32 to index
        %get3A_768 = arith.constant 32 : index
        %get3A_769 = tpu.vector_load %arg7[%get3A_767, %get3A_768] {strides = array<i32>} : memref<128x128xf32, #tpu.memory_space<vmem>>, vector<1x16xf32>,
        %get3A_770 = vector.shape_cast %get3A_769 : vector<1x16xf32> to vector<16xf32>
        %add3A_771 = arith.addf %add3A_699, %get3A_770 : vector<16xf32>
        %mul3A_772 = arith.constant 32 : i32
        %mul3A_773 = arith.muli %add3A_154, %mul3A_772 : i32
        %add3A_774 = arith.constant 8 : i32
        %add3A_775 = arith.addi %mul3A_773, %add3A_774 : i32
        %get3A_776 = arith.index_cast %add3A_775 : i32 to index
        %get3A_777 = arith.constant 48 : index
        %get3A_778 = tpu.vector_load %arg7[%get3A_776, %get3A_777] {strides = array<i32>} : memref<128x128xf32, #tpu.memory_space<vmem>>, vector<1x16xf32>,
        %get3A_779 = vector.shape_cast %get3A_778 : vector<1x16xf32> to vector<16xf32>
        %add3A_780 = arith.addf %add3A_708, %get3A_779 : vector<16xf32>
        %mul3A_781 = arith.constant 32 : i32
        %mul3A_782 = arith.muli %add3A_154, %mul3A_781 : i32
        %add3A_783 = arith.constant 8 : i32
        %add3A_784 = arith.addi %mul3A_782, %add3A_783 : i32
        %get3A_785 = arith.index_cast %add3A_784 : i32 to index
        %get3A_786 = arith.constant 64 : index
        %get3A_787 = tpu.vector_load %arg7[%get3A_785, %get3A_786] {strides = array<i32>} : memref<128x128xf32, #tpu.memory_space<vmem>>, vector<1x16xf32>,
        %get3A_788 = vector.shape_cast %get3A_787 : vector<1x16xf32> to vector<16xf32>
        %add3A_789 = arith.addf %add3A_717, %get3A_788 : vector<16xf32>
        %mul3A_790 = arith.constant 32 : i32
        %mul3A_791 = arith.muli %add3A_154, %mul3A_790 : i32
        %add3A_792 = arith.constant 8 : i32
        %add3A_793 = arith.addi %mul3A_791, %add3A_792 : i32
        %get3A_794 = arith.index_cast %add3A_793 : i32 to index
        %get3A_795 = arith.constant 80 : index
        %get3A_796 = tpu.vector_load %arg7[%get3A_794, %get3A_795] {strides = array<i32>} : memref<128x128xf32, #tpu.memory_space<vmem>>, vector<1x16xf32>,
        %get3A_797 = vector.shape_cast %get3A_796 : vector<1x16xf32> to vector<16xf32>
        %add3A_798 = arith.addf %add3A_726, %get3A_797 : vector<16xf32>
        %mul3A_799 = arith.constant 32 : i32
        %mul3A_800 = arith.muli %add3A_154, %mul3A_799 : i32
        %add3A_801 = arith.constant 8 : i32
        %add3A_802 = arith.addi %mul3A_800, %add3A_801 : i32
        %get3A_803 = arith.index_cast %add3A_802 : i32 to index
        %get3A_804 = arith.constant 96 : index
        %get3A_805 = tpu.vector_load %arg7[%get3A_803, %get3A_804] {strides = array<i32>} : memref<128x128xf32, #tpu.memory_space<vmem>>, vector<1x16xf32>,
        %get3A_806 = vector.shape_cast %get3A_805 : vector<1x16xf32> to vector<16xf32>
        %add3A_807 = arith.addf %add3A_735, %get3A_806 : vector<16xf32>
        %mul3A_808 = arith.constant 32 : i32
        %mul3A_809 = arith.muli %add3A_154, %mul3A_808 : i32
        %add3A_810 = arith.constant 8 : i32
        %add3A_811 = arith.addi %mul3A_809, %add3A_810 : i32
        %get3A_812 = arith.index_cast %add3A_811 : i32 to index
        %get3A_813 = arith.constant 112 : index
        %get3A_814 = tpu.vector_load %arg7[%get3A_812, %get3A_813] {strides = array<i32>} : memref<128x128xf32, #tpu.memory_space<vmem>>, vector<1x16xf32>,
        %get3A_815 = vector.shape_cast %get3A_814 : vector<1x16xf32> to vector<16xf32>
        %add3A_816 = arith.addf %add3A_744, %get3A_815 : vector<16xf32>
        %mul3A_817 = arith.constant 32 : i32
        %mul3A_818 = arith.muli %add3A_154, %mul3A_817 : i32
        %add3A_819 = arith.constant 9 : i32
        %add3A_820 = arith.addi %mul3A_818, %add3A_819 : i32
        %get3A_821 = arith.index_cast %add3A_820 : i32 to index
        %get3A_822 = arith.constant 0 : index
        %get3A_823 = tpu.vector_load %arg7[%get3A_821, %get3A_822] {strides = array<i32>} : memref<128x128xf32, #tpu.memory_space<vmem>>, vector<1x16xf32>,
        %get3A_824 = vector.shape_cast %get3A_823 : vector<1x16xf32> to vector<16xf32>
        %add3A_825 = arith.addf %add3A_753, %get3A_824 : vector<16xf32>
        %mul3A_826 = arith.constant 32 : i32
        %mul3A_827 = arith.muli %add3A_154, %mul3A_826 : i32
        %add3A_828 = arith.constant 9 : i32
        %add3A_829 = arith.addi %mul3A_827, %add3A_828 : i32
        %get3A_830 = arith.index_cast %add3A_829 : i32 to index
        %get3A_831 = arith.constant 16 : index
        %get3A_832 = tpu.vector_load %arg7[%get3A_830, %get3A_831] {strides = array<i32>} : memref<128x128xf32, #tpu.memory_space<vmem>>, vector<1x16xf32>,
        %get3A_833 = vector.shape_cast %get3A_832 : vector<1x16xf32> to vector<16xf32>
        %add3A_834 = arith.addf %add3A_762, %get3A_833 : vector<16xf32>
        %mul3A_835 = arith.constant 32 : i32
        %mul3A_836 = arith.muli %add3A_154, %mul3A_835 : i32
        %add3A_837 = arith.constant 9 : i32
        %add3A_838 = arith.addi %mul3A_836, %add3A_837 : i32
        %get3A_839 = arith.index_cast %add3A_838 : i32 to index
        %get3A_840 = arith.constant 32 : index
        %get3A_841 = tpu.vector_load %arg7[%get3A_839, %get3A_840] {strides = array<i32>} : memref<128x128xf32, #tpu.memory_space<vmem>>, vector<1x16xf32>,
        %get3A_842 = vector.shape_cast %get3A_841 : vector<1x16xf32> to vector<16xf32>
        %add3A_843 = arith.addf %add3A_771, %get3A_842 : vector<16xf32>
        %mul3A_844 = arith.constant 32 : i32
        %mul3A_845 = arith.muli %add3A_154, %mul3A_844 : i32
        %add3A_846 = arith.constant 9 : i32
        %add3A_847 = arith.addi %mul3A_845, %add3A_846 : i32
        %get3A_848 = arith.index_cast %add3A_847 : i32 to index
        %get3A_849 = arith.constant 48 : index
        %get3A_850 = tpu.vector_load %arg7[%get3A_848, %get3A_849] {strides = array<i32>} : memref<128x128xf32, #tpu.memory_space<vmem>>, vector<1x16xf32>,
        %get3A_851 = vector.shape_cast %get3A_850 : vector<1x16xf32> to vector<16xf32>
        %add3A_852 = arith.addf %add3A_780, %get3A_851 : vector<16xf32>
        %mul3A_853 = arith.constant 32 : i32
        %mul3A_854 = arith.muli %add3A_154, %mul3A_853 : i32
        %add3A_855 = arith.constant 9 : i32
        %add3A_856 = arith.addi %mul3A_854, %add3A_855 : i32
        %get3A_857 = arith.index_cast %add3A_856 : i32 to index
        %get3A_858 = arith.constant 64 : index
        %get3A_859 = tpu.vector_load %arg7[%get3A_857, %get3A_858] {strides = array<i32>} : memref<128x128xf32, #tpu.memory_space<vmem>>, vector<1x16xf32>,
        %get3A_860 = vector.shape_cast %get3A_859 : vector<1x16xf32> to vector<16xf32>
        %add3A_861 = arith.addf %add3A_789, %get3A_860 : vector<16xf32>
        %mul3A_862 = arith.constant 32 : i32
        %mul3A_863 = arith.muli %add3A_154, %mul3A_862 : i32
        %add3A_864 = arith.constant 9 : i32
        %add3A_865 = arith.addi %mul3A_863, %add3A_864 : i32
        %get3A_866 = arith.index_cast %add3A_865 : i32 to index
        %get3A_867 = arith.constant 80 : index
        %get3A_868 = tpu.vector_load %arg7[%get3A_866, %get3A_867] {strides = array<i32>} : memref<128x128xf32, #tpu.memory_space<vmem>>, vector<1x16xf32>,
        %get3A_869 = vector.shape_cast %get3A_868 : vector<1x16xf32> to vector<16xf32>
        %add3A_870 = arith.addf %add3A_798, %get3A_869 : vector<16xf32>
        %mul3A_871 = arith.constant 32 : i32
        %mul3A_872 = arith.muli %add3A_154, %mul3A_871 : i32
        %add3A_873 = arith.constant 9 : i32
        %add3A_874 = arith.addi %mul3A_872, %add3A_873 : i32
        %get3A_875 = arith.index_cast %add3A_874 : i32 to index
        %get3A_876 = arith.constant 96 : index
        %get3A_877 = tpu.vector_load %arg7[%get3A_875, %get3A_876] {strides = array<i32>} : memref<128x128xf32, #tpu.memory_space<vmem>>, vector<1x16xf32>,
        %get3A_878 = vector.shape_cast %get3A_877 : vector<1x16xf32> to vector<16xf32>
        %add3A_879 = arith.addf %add3A_807, %get3A_878 : vector<16xf32>
        %mul3A_880 = arith.constant 32 : i32
        %mul3A_881 = arith.muli %add3A_154, %mul3A_880 : i32
        %add3A_882 = arith.constant 9 : i32
        %add3A_883 = arith.addi %mul3A_881, %add3A_882 : i32
        %get3A_884 = arith.index_cast %add3A_883 : i32 to index
        %get3A_885 = arith.constant 112 : index
        %get3A_886 = tpu.vector_load %arg7[%get3A_884, %get3A_885] {strides = array<i32>} : memref<128x128xf32, #tpu.memory_space<vmem>>, vector<1x16xf32>,
        %get3A_887 = vector.shape_cast %get3A_886 : vector<1x16xf32> to vector<16xf32>
        %add3A_888 = arith.addf %add3A_816, %get3A_887 : vector<16xf32>
        %mul3A_889 = arith.constant 32 : i32
        %mul3A_890 = arith.muli %add3A_154, %mul3A_889 : i32
        %add3A_891 = arith.constant 10 : i32
        %add3A_892 = arith.addi %mul3A_890, %add3A_891 : i32
        %get3A_893 = arith.index_cast %add3A_892 : i32 to index
        %get3A_894 = arith.constant 0 : index
        %get3A_895 = tpu.vector_load %arg7[%get3A_893, %get3A_894] {strides = array<i32>} : memref<128x128xf32, #tpu.memory_space<vmem>>, vector<1x16xf32>,
        %get3A_896 = vector.shape_cast %get3A_895 : vector<1x16xf32> to vector<16xf32>
        %add3A_897 = arith.addf %add3A_825, %get3A_896 : vector<16xf32>
        %mul3A_898 = arith.constant 32 : i32
        %mul3A_899 = arith.muli %add3A_154, %mul3A_898 : i32
        %add3A_900 = arith.constant 10 : i32
        %add3A_901 = arith.addi %mul3A_899, %add3A_900 : i32
        %get3A_902 = arith.index_cast %add3A_901 : i32 to index
        %get3A_903 = arith.constant 16 : index
        %get3A_904 = tpu.vector_load %arg7[%get3A_902, %get3A_903] {strides = array<i32>} : memref<128x128xf32, #tpu.memory_space<vmem>>, vector<1x16xf32>,
        %get3A_905 = vector.shape_cast %get3A_904 : vector<1x16xf32> to vector<16xf32>
        %add3A_906 = arith.addf %add3A_834, %get3A_905 : vector<16xf32>
        %mul3A_907 = arith.constant 32 : i32
        %mul3A_908 = arith.muli %add3A_154, %mul3A_907 : i32
        %add3A_909 = arith.constant 10 : i32
        %add3A_910 = arith.addi %mul3A_908, %add3A_909 : i32
        %get3A_911 = arith.index_cast %add3A_910 : i32 to index
        %get3A_912 = arith.constant 32 : index
        %get3A_913 = tpu.vector_load %arg7[%get3A_911, %get3A_912] {strides = array<i32>} : memref<128x128xf32, #tpu.memory_space<vmem>>, vector<1x16xf32>,
        %get3A_914 = vector.shape_cast %get3A_913 : vector<1x16xf32> to vector<16xf32>
        %add3A_915 = arith.addf %add3A_843, %get3A_914 : vector<16xf32>
        %mul3A_916 = arith.constant 32 : i32
        %mul3A_917 = arith.muli %add3A_154, %mul3A_916 : i32
        %add3A_918 = arith.constant 10 : i32
        %add3A_919 = arith.addi %mul3A_917, %add3A_918 : i32
        %get3A_920 = arith.index_cast %add3A_919 : i32 to index
        %get3A_921 = arith.constant 48 : index
        %get3A_922 = tpu.vector_load %arg7[%get3A_920, %get3A_921] {strides = array<i32>} : memref<128x128xf32, #tpu.memory_space<vmem>>, vector<1x16xf32>,
        %get3A_923 = vector.shape_cast %get3A_922 : vector<1x16xf32> to vector<16xf32>
        %add3A_924 = arith.addf %add3A_852, %get3A_923 : vector<16xf32>
        %mul3A_925 = arith.constant 32 : i32
        %mul3A_926 = arith.muli %add3A_154, %mul3A_925 : i32
        %add3A_927 = arith.constant 10 : i32
        %add3A_928 = arith.addi %mul3A_926, %add3A_927 : i32
        %get3A_929 = arith.index_cast %add3A_928 : i32 to index
        %get3A_930 = arith.constant 64 : index
        %get3A_931 = tpu.vector_load %arg7[%get3A_929, %get3A_930] {strides = array<i32>} : memref<128x128xf32, #tpu.memory_space<vmem>>, vector<1x16xf32>,
        %get3A_932 = vector.shape_cast %get3A_931 : vector<1x16xf32> to vector<16xf32>
        %add3A_933 = arith.addf %add3A_861, %get3A_932 : vector<16xf32>
        %mul3A_934 = arith.constant 32 : i32
        %mul3A_935 = arith.muli %add3A_154, %mul3A_934 : i32
        %add3A_936 = arith.constant 10 : i32
        %add3A_937 = arith.addi %mul3A_935, %add3A_936 : i32
        %get3A_938 = arith.index_cast %add3A_937 : i32 to index
        %get3A_939 = arith.constant 80 : index
        %get3A_940 = tpu.vector_load %arg7[%get3A_938, %get3A_939] {strides = array<i32>} : memref<128x128xf32, #tpu.memory_space<vmem>>, vector<1x16xf32>,
        %get3A_941 = vector.shape_cast %get3A_940 : vector<1x16xf32> to vector<16xf32>
        %add3A_942 = arith.addf %add3A_870, %get3A_941 : vector<16xf32>
        %mul3A_943 = arith.constant 32 : i32
        %mul3A_944 = arith.muli %add3A_154, %mul3A_943 : i32
        %add3A_945 = arith.constant 10 : i32
        %add3A_946 = arith.addi %mul3A_944, %add3A_945 : i32
        %get3A_947 = arith.index_cast %add3A_946 : i32 to index
        %get3A_948 = arith.constant 96 : index
        %get3A_949 = tpu.vector_load %arg7[%get3A_947, %get3A_948] {strides = array<i32>} : memref<128x128xf32, #tpu.memory_space<vmem>>, vector<1x16xf32>,
        %get3A_950 = vector.shape_cast %get3A_949 : vector<1x16xf32> to vector<16xf32>
        %add3A_951 = arith.addf %add3A_879, %get3A_950 : vector<16xf32>
        %mul3A_952 = arith.constant 32 : i32
        %mul3A_953 = arith.muli %add3A_154, %mul3A_952 : i32
        %add3A_954 = arith.constant 10 : i32
        %add3A_955 = arith.addi %mul3A_953, %add3A_954 : i32
        %get3A_956 = arith.index_cast %add3A_955 : i32 to index
        %get3A_957 = arith.constant 112 : index
        %get3A_958 = tpu.vector_load %arg7[%get3A_956, %get3A_957] {strides = array<i32>} : memref<128x128xf32, #tpu.memory_space<vmem>>, vector<1x16xf32>,
        %get3A_959 = vector.shape_cast %get3A_958 : vector<1x16xf32> to vector<16xf32>
        %add3A_960 = arith.addf %add3A_888, %get3A_959 : vector<16xf32>
        %mul3A_961 = arith.constant 32 : i32
        %mul3A_962 = arith.muli %add3A_154, %mul3A_961 : i32
        %add3A_963 = arith.constant 11 : i32
        %add3A_964 = arith.addi %mul3A_962, %add3A_963 : i32
        %get3A_965 = arith.index_cast %add3A_964 : i32 to index
        %get3A_966 = arith.constant 0 : index
        %get3A_967 = tpu.vector_load %arg7[%get3A_965, %get3A_966] {strides = array<i32>} : memref<128x128xf32, #tpu.memory_space<vmem>>, vector<1x16xf32>,
        %get3A_968 = vector.shape_cast %get3A_967 : vector<1x16xf32> to vector<16xf32>
        %add3A_969 = arith.addf %add3A_897, %get3A_968 : vector<16xf32>
        %mul3A_970 = arith.constant 32 : i32
        %mul3A_971 = arith.muli %add3A_154, %mul3A_970 : i32
        %add3A_972 = arith.constant 11 : i32
        %add3A_973 = arith.addi %mul3A_971, %add3A_972 : i32
        %get3A_974 = arith.index_cast %add3A_973 : i32 to index
        %get3A_975 = arith.constant 16 : index
        %get3A_976 = tpu.vector_load %arg7[%get3A_974, %get3A_975] {strides = array<i32>} : memref<128x128xf32, #tpu.memory_space<vmem>>, vector<1x16xf32>,
        %get3A_977 = vector.shape_cast %get3A_976 : vector<1x16xf32> to vector<16xf32>
        %add3A_978 = arith.addf %add3A_906, %get3A_977 : vector<16xf32>
        %mul3A_979 = arith.constant 32 : i32
        %mul3A_980 = arith.muli %add3A_154, %mul3A_979 : i32
        %add3A_981 = arith.constant 11 : i32
        %add3A_982 = arith.addi %mul3A_980, %add3A_981 : i32
        %get3A_983 = arith.index_cast %add3A_982 : i32 to index
        %get3A_984 = arith.constant 32 : index
        %get3A_985 = tpu.vector_load %arg7[%get3A_983, %get3A_984] {strides = array<i32>} : memref<128x128xf32, #tpu.memory_space<vmem>>, vector<1x16xf32>,
        %get3A_986 = vector.shape_cast %get3A_985 : vector<1x16xf32> to vector<16xf32>
        %add3A_987 = arith.addf %add3A_915, %get3A_986 : vector<16xf32>
        %mul3A_988 = arith.constant 32 : i32
        %mul3A_989 = arith.muli %add3A_154, %mul3A_988 : i32
        %add3A_990 = arith.constant 11 : i32
        %add3A_991 = arith.addi %mul3A_989, %add3A_990 : i32
        %get3A_992 = arith.index_cast %add3A_991 : i32 to index
        %get3A_993 = arith.constant 48 : index
        %get3A_994 = tpu.vector_load %arg7[%get3A_992, %get3A_993] {strides = array<i32>} : memref<128x128xf32, #tpu.memory_space<vmem>>, vector<1x16xf32>,
        %get3A_995 = vector.shape_cast %get3A_994 : vector<1x16xf32> to vector<16xf32>
        %add3A_996 = arith.addf %add3A_924, %get3A_995 : vector<16xf32>
        %mul3A_997 = arith.constant 32 : i32
        %mul3A_998 = arith.muli %add3A_154, %mul3A_997 : i32
        %add3A_999 = arith.constant 11 : i32
        %add3A_1000 = arith.addi %mul3A_998, %add3A_999 : i32
        %get3A_1001 = arith.index_cast %add3A_1000 : i32 to index
        %get3A_1002 = arith.constant 64 : index
        %get3A_1003 = tpu.vector_load %arg7[%get3A_1001, %get3A_1002] {strides = array<i32>} : memref<128x128xf32, #tpu.memory_space<vmem>>, vector<1x16xf32>,
        %get3A_1004 = vector.shape_cast %get3A_1003 : vector<1x16xf32> to vector<16xf32>
        %add3A_1005 = arith.addf %add3A_933, %get3A_1004 : vector<16xf32>
        %mul3A_1006 = arith.constant 32 : i32
        %mul3A_1007 = arith.muli %add3A_154, %mul3A_1006 : i32
        %add3A_1008 = arith.constant 11 : i32
        %add3A_1009 = arith.addi %mul3A_1007, %add3A_1008 : i32
        %get3A_1010 = arith.index_cast %add3A_1009 : i32 to index
        %get3A_1011 = arith.constant 80 : index
        %get3A_1012 = tpu.vector_load %arg7[%get3A_1010, %get3A_1011] {strides = array<i32>} : memref<128x128xf32, #tpu.memory_space<vmem>>, vector<1x16xf32>,
        %get3A_1013 = vector.shape_cast %get3A_1012 : vector<1x16xf32> to vector<16xf32>
        %add3A_1014 = arith.addf %add3A_942, %get3A_1013 : vector<16xf32>
        %mul3A_1015 = arith.constant 32 : i32
        %mul3A_1016 = arith.muli %add3A_154, %mul3A_1015 : i32
        %add3A_1017 = arith.constant 11 : i32
        %add3A_1018 = arith.addi %mul3A_1016, %add3A_1017 : i32
        %get3A_1019 = arith.index_cast %add3A_1018 : i32 to index
        %get3A_1020 = arith.constant 96 : index
        %get3A_1021 = tpu.vector_load %arg7[%get3A_1019, %get3A_1020] {strides = array<i32>} : memref<128x128xf32, #tpu.memory_space<vmem>>, vector<1x16xf32>,
        %get3A_1022 = vector.shape_cast %get3A_1021 : vector<1x16xf32> to vector<16xf32>
        %add3A_1023 = arith.addf %add3A_951, %get3A_1022 : vector<16xf32>
        %mul3A_1024 = arith.constant 32 : i32
        %mul3A_1025 = arith.muli %add3A_154, %mul3A_1024 : i32
        %add3A_1026 = arith.constant 11 : i32
        %add3A_1027 = arith.addi %mul3A_1025, %add3A_1026 : i32
        %get3A_1028 = arith.index_cast %add3A_1027 : i32 to index
        %get3A_1029 = arith.constant 112 : index
        %get3A_1030 = tpu.vector_load %arg7[%get3A_1028, %get3A_1029] {strides = array<i32>} : memref<128x128xf32, #tpu.memory_space<vmem>>, vector<1x16xf32>,
        %get3A_1031 = vector.shape_cast %get3A_1030 : vector<1x16xf32> to vector<16xf32>
        %add3A_1032 = arith.addf %add3A_960, %get3A_1031 : vector<16xf32>
        %mul3A_1033 = arith.constant 32 : i32
        %mul3A_1034 = arith.muli %add3A_154, %mul3A_1033 : i32
        %add3A_1035 = arith.constant 12 : i32
        %add3A_1036 = arith.addi %mul3A_1034, %add3A_1035 : i32
        %get3A_1037 = arith.index_cast %add3A_1036 : i32 to index
        %get3A_1038 = arith.constant 0 : index
        %get3A_1039 = tpu.vector_load %arg7[%get3A_1037, %get3A_1038] {strides = array<i32>} : memref<128x128xf32, #tpu.memory_space<vmem>>, vector<1x16xf32>,
        %get3A_1040 = vector.shape_cast %get3A_1039 : vector<1x16xf32> to vector<16xf32>
        %add3A_1041 = arith.addf %add3A_969, %get3A_1040 : vector<16xf32>
        %mul3A_1042 = arith.constant 32 : i32
        %mul3A_1043 = arith.muli %add3A_154, %mul3A_1042 : i32
        %add3A_1044 = arith.constant 12 : i32
        %add3A_1045 = arith.addi %mul3A_1043, %add3A_1044 : i32
        %get3A_1046 = arith.index_cast %add3A_1045 : i32 to index
        %get3A_1047 = arith.constant 16 : index
        %get3A_1048 = tpu.vector_load %arg7[%get3A_1046, %get3A_1047] {strides = array<i32>} : memref<128x128xf32, #tpu.memory_space<vmem>>, vector<1x16xf32>,
        %get3A_1049 = vector.shape_cast %get3A_1048 : vector<1x16xf32> to vector<16xf32>
        %add3A_1050 = arith.addf %add3A_978, %get3A_1049 : vector<16xf32>
        %mul3A_1051 = arith.constant 32 : i32
        %mul3A_1052 = arith.muli %add3A_154, %mul3A_1051 : i32
        %add3A_1053 = arith.constant 12 : i32
        %add3A_1054 = arith.addi %mul3A_1052, %add3A_1053 : i32
        %get3A_1055 = arith.index_cast %add3A_1054 : i32 to index
        %get3A_1056 = arith.constant 32 : index
        %get3A_1057 = tpu.vector_load %arg7[%get3A_1055, %get3A_1056] {strides = array<i32>} : memref<128x128xf32, #tpu.memory_space<vmem>>, vector<1x16xf32>,
        %get3A_1058 = vector.shape_cast %get3A_1057 : vector<1x16xf32> to vector<16xf32>
        %add3A_1059 = arith.addf %add3A_987, %get3A_1058 : vector<16xf32>
        %mul3A_1060 = arith.constant 32 : i32
        %mul3A_1061 = arith.muli %add3A_154, %mul3A_1060 : i32
        %add3A_1062 = arith.constant 12 : i32
        %add3A_1063 = arith.addi %mul3A_1061, %add3A_1062 : i32
        %get3A_1064 = arith.index_cast %add3A_1063 : i32 to index
        %get3A_1065 = arith.constant 48 : index
        %get3A_1066 = tpu.vector_load %arg7[%get3A_1064, %get3A_1065] {strides = array<i32>} : memref<128x128xf32, #tpu.memory_space<vmem>>, vector<1x16xf32>,
        %get3A_1067 = vector.shape_cast %get3A_1066 : vector<1x16xf32> to vector<16xf32>
        %add3A_1068 = arith.addf %add3A_996, %get3A_1067 : vector<16xf32>
        %mul3A_1069 = arith.constant 32 : i32
        %mul3A_1070 = arith.muli %add3A_154, %mul3A_1069 : i32
        %add3A_1071 = arith.constant 12 : i32
        %add3A_1072 = arith.addi %mul3A_1070, %add3A_1071 : i32
        %get3A_1073 = arith.index_cast %add3A_1072 : i32 to index
        %get3A_1074 = arith.constant 64 : index
        %get3A_1075 = tpu.vector_load %arg7[%get3A_1073, %get3A_1074] {strides = array<i32>} : memref<128x128xf32, #tpu.memory_space<vmem>>, vector<1x16xf32>,
        %get3A_1076 = vector.shape_cast %get3A_1075 : vector<1x16xf32> to vector<16xf32>
        %add3A_1077 = arith.addf %add3A_1005, %get3A_1076 : vector<16xf32>
        %mul3A_1078 = arith.constant 32 : i32
        %mul3A_1079 = arith.muli %add3A_154, %mul3A_1078 : i32
        %add3A_1080 = arith.constant 12 : i32
        %add3A_1081 = arith.addi %mul3A_1079, %add3A_1080 : i32
        %get3A_1082 = arith.index_cast %add3A_1081 : i32 to index
        %get3A_1083 = arith.constant 80 : index
        %get3A_1084 = tpu.vector_load %arg7[%get3A_1082, %get3A_1083] {strides = array<i32>} : memref<128x128xf32, #tpu.memory_space<vmem>>, vector<1x16xf32>,
        %get3A_1085 = vector.shape_cast %get3A_1084 : vector<1x16xf32> to vector<16xf32>
        %add3A_1086 = arith.addf %add3A_1014, %get3A_1085 : vector<16xf32>
        %mul3A_1087 = arith.constant 32 : i32
        %mul3A_1088 = arith.muli %add3A_154, %mul3A_1087 : i32
        %add3A_1089 = arith.constant 12 : i32
        %add3A_1090 = arith.addi %mul3A_1088, %add3A_1089 : i32
        %get3A_1091 = arith.index_cast %add3A_1090 : i32 to index
        %get3A_1092 = arith.constant 96 : index
        %get3A_1093 = tpu.vector_load %arg7[%get3A_1091, %get3A_1092] {strides = array<i32>} : memref<128x128xf32, #tpu.memory_space<vmem>>, vector<1x16xf32>,
        %get3A_1094 = vector.shape_cast %get3A_1093 : vector<1x16xf32> to vector<16xf32>
        %add3A_1095 = arith.addf %add3A_1023, %get3A_1094 : vector<16xf32>
        %mul3A_1096 = arith.constant 32 : i32
        %mul3A_1097 = arith.muli %add3A_154, %mul3A_1096 : i32
        %add3A_1098 = arith.constant 12 : i32
        %add3A_1099 = arith.addi %mul3A_1097, %add3A_1098 : i32
        %get3A_1100 = arith.index_cast %add3A_1099 : i32 to index
        %get3A_1101 = arith.constant 112 : index
        %get3A_1102 = tpu.vector_load %arg7[%get3A_1100, %get3A_1101] {strides = array<i32>} : memref<128x128xf32, #tpu.memory_space<vmem>>, vector<1x16xf32>,
        %get3A_1103 = vector.shape_cast %get3A_1102 : vector<1x16xf32> to vector<16xf32>
        %add3A_1104 = arith.addf %add3A_1032, %get3A_1103 : vector<16xf32>
        %mul3A_1105 = arith.constant 32 : i32
        %mul3A_1106 = arith.muli %add3A_154, %mul3A_1105 : i32
        %add3A_1107 = arith.constant 13 : i32
        %add3A_1108 = arith.addi %mul3A_1106, %add3A_1107 : i32
        %get3A_1109 = arith.index_cast %add3A_1108 : i32 to index
        %get3A_1110 = arith.constant 0 : index
        %get3A_1111 = tpu.vector_load %arg7[%get3A_1109, %get3A_1110] {strides = array<i32>} : memref<128x128xf32, #tpu.memory_space<vmem>>, vector<1x16xf32>,
        %get3A_1112 = vector.shape_cast %get3A_1111 : vector<1x16xf32> to vector<16xf32>
        %add3A_1113 = arith.addf %add3A_1041, %get3A_1112 : vector<16xf32>
        %mul3A_1114 = arith.constant 32 : i32
        %mul3A_1115 = arith.muli %add3A_154, %mul3A_1114 : i32
        %add3A_1116 = arith.constant 13 : i32
        %add3A_1117 = arith.addi %mul3A_1115, %add3A_1116 : i32
        %get3A_1118 = arith.index_cast %add3A_1117 : i32 to index
        %get3A_1119 = arith.constant 16 : index
        %get3A_1120 = tpu.vector_load %arg7[%get3A_1118, %get3A_1119] {strides = array<i32>} : memref<128x128xf32, #tpu.memory_space<vmem>>, vector<1x16xf32>,
        %get3A_1121 = vector.shape_cast %get3A_1120 : vector<1x16xf32> to vector<16xf32>
        %add3A_1122 = arith.addf %add3A_1050, %get3A_1121 : vector<16xf32>
        %mul3A_1123 = arith.constant 32 : i32
        %mul3A_1124 = arith.muli %add3A_154, %mul3A_1123 : i32
        %add3A_1125 = arith.constant 13 : i32
        %add3A_1126 = arith.addi %mul3A_1124, %add3A_1125 : i32
        %get3A_1127 = arith.index_cast %add3A_1126 : i32 to index
        %get3A_1128 = arith.constant 32 : index
        %get3A_1129 = tpu.vector_load %arg7[%get3A_1127, %get3A_1128] {strides = array<i32>} : memref<128x128xf32, #tpu.memory_space<vmem>>, vector<1x16xf32>,
        %get3A_1130 = vector.shape_cast %get3A_1129 : vector<1x16xf32> to vector<16xf32>
        %add3A_1131 = arith.addf %add3A_1059, %get3A_1130 : vector<16xf32>
        %mul3A_1132 = arith.constant 32 : i32
        %mul3A_1133 = arith.muli %add3A_154, %mul3A_1132 : i32
        %add3A_1134 = arith.constant 13 : i32
        %add3A_1135 = arith.addi %mul3A_1133, %add3A_1134 : i32
        %get3A_1136 = arith.index_cast %add3A_1135 : i32 to index
        %get3A_1137 = arith.constant 48 : index
        %get3A_1138 = tpu.vector_load %arg7[%get3A_1136, %get3A_1137] {strides = array<i32>} : memref<128x128xf32, #tpu.memory_space<vmem>>, vector<1x16xf32>,
        %get3A_1139 = vector.shape_cast %get3A_1138 : vector<1x16xf32> to vector<16xf32>
        %add3A_1140 = arith.addf %add3A_1068, %get3A_1139 : vector<16xf32>
        %mul3A_1141 = arith.constant 32 : i32
        %mul3A_1142 = arith.muli %add3A_154, %mul3A_1141 : i32
        %add3A_1143 = arith.constant 13 : i32
        %add3A_1144 = arith.addi %mul3A_1142, %add3A_1143 : i32
        %get3A_1145 = arith.index_cast %add3A_1144 : i32 to index
        %get3A_1146 = arith.constant 64 : index
        %get3A_1147 = tpu.vector_load %arg7[%get3A_1145, %get3A_1146] {strides = array<i32>} : memref<128x128xf32, #tpu.memory_space<vmem>>, vector<1x16xf32>,
        %get3A_1148 = vector.shape_cast %get3A_1147 : vector<1x16xf32> to vector<16xf32>
        %add3A_1149 = arith.addf %add3A_1077, %get3A_1148 : vector<16xf32>
        %mul3A_1150 = arith.constant 32 : i32
        %mul3A_1151 = arith.muli %add3A_154, %mul3A_1150 : i32
        %add3A_1152 = arith.constant 13 : i32
        %add3A_1153 = arith.addi %mul3A_1151, %add3A_1152 : i32
        %get3A_1154 = arith.index_cast %add3A_1153 : i32 to index
        %get3A_1155 = arith.constant 80 : index
        %get3A_1156 = tpu.vector_load %arg7[%get3A_1154, %get3A_1155] {strides = array<i32>} : memref<128x128xf32, #tpu.memory_space<vmem>>, vector<1x16xf32>,
        %get3A_1157 = vector.shape_cast %get3A_1156 : vector<1x16xf32> to vector<16xf32>
        %add3A_1158 = arith.addf %add3A_1086, %get3A_1157 : vector<16xf32>
        %mul3A_1159 = arith.constant 32 : i32
        %mul3A_1160 = arith.muli %add3A_154, %mul3A_1159 : i32
        %add3A_1161 = arith.constant 13 : i32
        %add3A_1162 = arith.addi %mul3A_1160, %add3A_1161 : i32
        %get3A_1163 = arith.index_cast %add3A_1162 : i32 to index
        %get3A_1164 = arith.constant 96 : index
        %get3A_1165 = tpu.vector_load %arg7[%get3A_1163, %get3A_1164] {strides = array<i32>} : memref<128x128xf32, #tpu.memory_space<vmem>>, vector<1x16xf32>,
        %get3A_1166 = vector.shape_cast %get3A_1165 : vector<1x16xf32> to vector<16xf32>
        %add3A_1167 = arith.addf %add3A_1095, %get3A_1166 : vector<16xf32>
        %mul3A_1168 = arith.constant 32 : i32
        %mul3A_1169 = arith.muli %add3A_154, %mul3A_1168 : i32
        %add3A_1170 = arith.constant 13 : i32
        %add3A_1171 = arith.addi %mul3A_1169, %add3A_1170 : i32
        %get3A_1172 = arith.index_cast %add3A_1171 : i32 to index
        %get3A_1173 = arith.constant 112 : index
        %get3A_1174 = tpu.vector_load %arg7[%get3A_1172, %get3A_1173] {strides = array<i32>} : memref<128x128xf32, #tpu.memory_space<vmem>>, vector<1x16xf32>,
        %get3A_1175 = vector.shape_cast %get3A_1174 : vector<1x16xf32> to vector<16xf32>
        %add3A_1176 = arith.addf %add3A_1104, %get3A_1175 : vector<16xf32>
        %mul3A_1177 = arith.constant 32 : i32
        %mul3A_1178 = arith.muli %add3A_154, %mul3A_1177 : i32
        %add3A_1179 = arith.constant 14 : i32
        %add3A_1180 = arith.addi %mul3A_1178, %add3A_1179 : i32
        %get3A_1181 = arith.index_cast %add3A_1180 : i32 to index
        %get3A_1182 = arith.constant 0 : index
        %get3A_1183 = tpu.vector_load %arg7[%get3A_1181, %get3A_1182] {strides = array<i32>} : memref<128x128xf32, #tpu.memory_space<vmem>>, vector<1x16xf32>,
        %get3A_1184 = vector.shape_cast %get3A_1183 : vector<1x16xf32> to vector<16xf32>
        %add3A_1185 = arith.addf %add3A_1113, %get3A_1184 : vector<16xf32>
        %mul3A_1186 = arith.constant 32 : i32
        %mul3A_1187 = arith.muli %add3A_154, %mul3A_1186 : i32
        %add3A_1188 = arith.constant 14 : i32
        %add3A_1189 = arith.addi %mul3A_1187, %add3A_1188 : i32
        %get3A_1190 = arith.index_cast %add3A_1189 : i32 to index
        %get3A_1191 = arith.constant 16 : index
        %get3A_1192 = tpu.vector_load %arg7[%get3A_1190, %get3A_1191] {strides = array<i32>} : memref<128x128xf32, #tpu.memory_space<vmem>>, vector<1x16xf32>,
        %get3A_1193 = vector.shape_cast %get3A_1192 : vector<1x16xf32> to vector<16xf32>
        %add3A_1194 = arith.addf %add3A_1122, %get3A_1193 : vector<16xf32>
        %mul3A_1195 = arith.constant 32 : i32
        %mul3A_1196 = arith.muli %add3A_154, %mul3A_1195 : i32
        %add3A_1197 = arith.constant 14 : i32
        %add3A_1198 = arith.addi %mul3A_1196, %add3A_1197 : i32
        %get3A_1199 = arith.index_cast %add3A_1198 : i32 to index
        %get3A_1200 = arith.constant 32 : index
        %get3A_1201 = tpu.vector_load %arg7[%get3A_1199, %get3A_1200] {strides = array<i32>} : memref<128x128xf32, #tpu.memory_space<vmem>>, vector<1x16xf32>,
        %get3A_1202 = vector.shape_cast %get3A_1201 : vector<1x16xf32> to vector<16xf32>
        %add3A_1203 = arith.addf %add3A_1131, %get3A_1202 : vector<16xf32>
        %mul3A_1204 = arith.constant 32 : i32
        %mul3A_1205 = arith.muli %add3A_154, %mul3A_1204 : i32
        %add3A_1206 = arith.constant 14 : i32
        %add3A_1207 = arith.addi %mul3A_1205, %add3A_1206 : i32
        %get3A_1208 = arith.index_cast %add3A_1207 : i32 to index
        %get3A_1209 = arith.constant 48 : index
        %get3A_1210 = tpu.vector_load %arg7[%get3A_1208, %get3A_1209] {strides = array<i32>} : memref<128x128xf32, #tpu.memory_space<vmem>>, vector<1x16xf32>,
        %get3A_1211 = vector.shape_cast %get3A_1210 : vector<1x16xf32> to vector<16xf32>
        %add3A_1212 = arith.addf %add3A_1140, %get3A_1211 : vector<16xf32>
        %mul3A_1213 = arith.constant 32 : i32
        %mul3A_1214 = arith.muli %add3A_154, %mul3A_1213 : i32
        %add3A_1215 = arith.constant 14 : i32
        %add3A_1216 = arith.addi %mul3A_1214, %add3A_1215 : i32
        %get3A_1217 = arith.index_cast %add3A_1216 : i32 to index
        %get3A_1218 = arith.constant 64 : index
        %get3A_1219 = tpu.vector_load %arg7[%get3A_1217, %get3A_1218] {strides = array<i32>} : memref<128x128xf32, #tpu.memory_space<vmem>>, vector<1x16xf32>,
        %get3A_1220 = vector.shape_cast %get3A_1219 : vector<1x16xf32> to vector<16xf32>
        %add3A_1221 = arith.addf %add3A_1149, %get3A_1220 : vector<16xf32>
        %mul3A_1222 = arith.constant 32 : i32
        %mul3A_1223 = arith.muli %add3A_154, %mul3A_1222 : i32
        %add3A_1224 = arith.constant 14 : i32
        %add3A_1225 = arith.addi %mul3A_1223, %add3A_1224 : i32
        %get3A_1226 = arith.index_cast %add3A_1225 : i32 to index
        %get3A_1227 = arith.constant 80 : index
        %get3A_1228 = tpu.vector_load %arg7[%get3A_1226, %get3A_1227] {strides = array<i32>} : memref<128x128xf32, #tpu.memory_space<vmem>>, vector<1x16xf32>,
        %get3A_1229 = vector.shape_cast %get3A_1228 : vector<1x16xf32> to vector<16xf32>
        %add3A_1230 = arith.addf %add3A_1158, %get3A_1229 : vector<16xf32>
        %mul3A_1231 = arith.constant 32 : i32
        %mul3A_1232 = arith.muli %add3A_154, %mul3A_1231 : i32
        %add3A_1233 = arith.constant 14 : i32
        %add3A_1234 = arith.addi %mul3A_1232, %add3A_1233 : i32
        %get3A_1235 = arith.index_cast %add3A_1234 : i32 to index
        %get3A_1236 = arith.constant 96 : index
        %get3A_1237 = tpu.vector_load %arg7[%get3A_1235, %get3A_1236] {strides = array<i32>} : memref<128x128xf32, #tpu.memory_space<vmem>>, vector<1x16xf32>,
        %get3A_1238 = vector.shape_cast %get3A_1237 : vector<1x16xf32> to vector<16xf32>
        %add3A_1239 = arith.addf %add3A_1167, %get3A_1238 : vector<16xf32>
        %mul3A_1240 = arith.constant 32 : i32
        %mul3A_1241 = arith.muli %add3A_154, %mul3A_1240 : i32
        %add3A_1242 = arith.constant 14 : i32
        %add3A_1243 = arith.addi %mul3A_1241, %add3A_1242 : i32
        %get3A_1244 = arith.index_cast %add3A_1243 : i32 to index
        %get3A_1245 = arith.constant 112 : index
        %get3A_1246 = tpu.vector_load %arg7[%get3A_1244, %get3A_1245] {strides = array<i32>} : memref<128x128xf32, #tpu.memory_space<vmem>>, vector<1x16xf32>,
        %get3A_1247 = vector.shape_cast %get3A_1246 : vector<1x16xf32> to vector<16xf32>
        %add3A_1248 = arith.addf %add3A_1176, %get3A_1247 : vector<16xf32>
        %mul3A_1249 = arith.constant 32 : i32
        %mul3A_1250 = arith.muli %add3A_154, %mul3A_1249 : i32
        %add3A_1251 = arith.constant 15 : i32
        %add3A_1252 = arith.addi %mul3A_1250, %add3A_1251 : i32
        %get3A_1253 = arith.index_cast %add3A_1252 : i32 to index
        %get3A_1254 = arith.constant 0 : index
        %get3A_1255 = tpu.vector_load %arg7[%get3A_1253, %get3A_1254] {strides = array<i32>} : memref<128x128xf32, #tpu.memory_space<vmem>>, vector<1x16xf32>,
        %get3A_1256 = vector.shape_cast %get3A_1255 : vector<1x16xf32> to vector<16xf32>
        %add3A_1257 = arith.addf %add3A_1185, %get3A_1256 : vector<16xf32>
        %mul3A_1258 = arith.constant 32 : i32
        %mul3A_1259 = arith.muli %add3A_154, %mul3A_1258 : i32
        %add3A_1260 = arith.constant 15 : i32
        %add3A_1261 = arith.addi %mul3A_1259, %add3A_1260 : i32
        %get3A_1262 = arith.index_cast %add3A_1261 : i32 to index
        %get3A_1263 = arith.constant 16 : index
        %get3A_1264 = tpu.vector_load %arg7[%get3A_1262, %get3A_1263] {strides = array<i32>} : memref<128x128xf32, #tpu.memory_space<vmem>>, vector<1x16xf32>,
        %get3A_1265 = vector.shape_cast %get3A_1264 : vector<1x16xf32> to vector<16xf32>
        %add3A_1266 = arith.addf %add3A_1194, %get3A_1265 : vector<16xf32>
        %mul3A_1267 = arith.constant 32 : i32
        %mul3A_1268 = arith.muli %add3A_154, %mul3A_1267 : i32
        %add3A_1269 = arith.constant 15 : i32
        %add3A_1270 = arith.addi %mul3A_1268, %add3A_1269 : i32
        %get3A_1271 = arith.index_cast %add3A_1270 : i32 to index
        %get3A_1272 = arith.constant 32 : index
        %get3A_1273 = tpu.vector_load %arg7[%get3A_1271, %get3A_1272] {strides = array<i32>} : memref<128x128xf32, #tpu.memory_space<vmem>>, vector<1x16xf32>,
        %get3A_1274 = vector.shape_cast %get3A_1273 : vector<1x16xf32> to vector<16xf32>
        %add3A_1275 = arith.addf %add3A_1203, %get3A_1274 : vector<16xf32>
        %mul3A_1276 = arith.constant 32 : i32
        %mul3A_1277 = arith.muli %add3A_154, %mul3A_1276 : i32
        %add3A_1278 = arith.constant 15 : i32
        %add3A_1279 = arith.addi %mul3A_1277, %add3A_1278 : i32
        %get3A_1280 = arith.index_cast %add3A_1279 : i32 to index
        %get3A_1281 = arith.constant 48 : index
        %get3A_1282 = tpu.vector_load %arg7[%get3A_1280, %get3A_1281] {strides = array<i32>} : memref<128x128xf32, #tpu.memory_space<vmem>>, vector<1x16xf32>,
        %get3A_1283 = vector.shape_cast %get3A_1282 : vector<1x16xf32> to vector<16xf32>
        %add3A_1284 = arith.addf %add3A_1212, %get3A_1283 : vector<16xf32>
        %mul3A_1285 = arith.constant 32 : i32
        %mul3A_1286 = arith.muli %add3A_154, %mul3A_1285 : i32
        %add3A_1287 = arith.constant 15 : i32
        %add3A_1288 = arith.addi %mul3A_1286, %add3A_1287 : i32
        %get3A_1289 = arith.index_cast %add3A_1288 : i32 to index
        %get3A_1290 = arith.constant 64 : index
        %get3A_1291 = tpu.vector_load %arg7[%get3A_1289, %get3A_1290] {strides = array<i32>} : memref<128x128xf32, #tpu.memory_space<vmem>>, vector<1x16xf32>,
        %get3A_1292 = vector.shape_cast %get3A_1291 : vector<1x16xf32> to vector<16xf32>
        %add3A_1293 = arith.addf %add3A_1221, %get3A_1292 : vector<16xf32>
        %mul3A_1294 = arith.constant 32 : i32
        %mul3A_1295 = arith.muli %add3A_154, %mul3A_1294 : i32
        %add3A_1296 = arith.constant 15 : i32
        %add3A_1297 = arith.addi %mul3A_1295, %add3A_1296 : i32
        %get3A_1298 = arith.index_cast %add3A_1297 : i32 to index
        %get3A_1299 = arith.constant 80 : index
        %get3A_1300 = tpu.vector_load %arg7[%get3A_1298, %get3A_1299] {strides = array<i32>} : memref<128x128xf32, #tpu.memory_space<vmem>>, vector<1x16xf32>,
        %get3A_1301 = vector.shape_cast %get3A_1300 : vector<1x16xf32> to vector<16xf32>
        %add3A_1302 = arith.addf %add3A_1230, %get3A_1301 : vector<16xf32>
        %mul3A_1303 = arith.constant 32 : i32
        %mul3A_1304 = arith.muli %add3A_154, %mul3A_1303 : i32
        %add3A_1305 = arith.constant 15 : i32
        %add3A_1306 = arith.addi %mul3A_1304, %add3A_1305 : i32
        %get3A_1307 = arith.index_cast %add3A_1306 : i32 to index
        %get3A_1308 = arith.constant 96 : index
        %get3A_1309 = tpu.vector_load %arg7[%get3A_1307, %get3A_1308] {strides = array<i32>} : memref<128x128xf32, #tpu.memory_space<vmem>>, vector<1x16xf32>,
        %get3A_1310 = vector.shape_cast %get3A_1309 : vector<1x16xf32> to vector<16xf32>
        %add3A_1311 = arith.addf %add3A_1239, %get3A_1310 : vector<16xf32>
        %mul3A_1312 = arith.constant 32 : i32
        %mul3A_1313 = arith.muli %add3A_154, %mul3A_1312 : i32
        %add3A_1314 = arith.constant 15 : i32
        %add3A_1315 = arith.addi %mul3A_1313, %add3A_1314 : i32
        %get3A_1316 = arith.index_cast %add3A_1315 : i32 to index
        %get3A_1317 = arith.constant 112 : index
        %get3A_1318 = tpu.vector_load %arg7[%get3A_1316, %get3A_1317] {strides = array<i32>} : memref<128x128xf32, #tpu.memory_space<vmem>>, vector<1x16xf32>,
        %get3A_1319 = vector.shape_cast %get3A_1318 : vector<1x16xf32> to vector<16xf32>
        %add3A_1320 = arith.addf %add3A_1248, %get3A_1319 : vector<16xf32>
        %mul3A_1321 = arith.constant 32 : i32
        %mul3A_1322 = arith.muli %add3A_154, %mul3A_1321 : i32
        %add3A_1323 = arith.constant 16 : i32
        %add3A_1324 = arith.addi %mul3A_1322, %add3A_1323 : i32
        %get3A_1325 = arith.index_cast %add3A_1324 : i32 to index
        %get3A_1326 = arith.constant 0 : index
        %get3A_1327 = tpu.vector_load %arg7[%get3A_1325, %get3A_1326] {strides = array<i32>} : memref<128x128xf32, #tpu.memory_space<vmem>>, vector<1x16xf32>,
        %get3A_1328 = vector.shape_cast %get3A_1327 : vector<1x16xf32> to vector<16xf32>
        %add3A_1329 = arith.addf %add3A_1257, %get3A_1328 : vector<16xf32>
        %mul3A_1330 = arith.constant 32 : i32
        %mul3A_1331 = arith.muli %add3A_154, %mul3A_1330 : i32
        %add3A_1332 = arith.constant 16 : i32
        %add3A_1333 = arith.addi %mul3A_1331, %add3A_1332 : i32
        %get3A_1334 = arith.index_cast %add3A_1333 : i32 to index
        %get3A_1335 = arith.constant 16 : index
        %get3A_1336 = tpu.vector_load %arg7[%get3A_1334, %get3A_1335] {strides = array<i32>} : memref<128x128xf32, #tpu.memory_space<vmem>>, vector<1x16xf32>,
        %get3A_1337 = vector.shape_cast %get3A_1336 : vector<1x16xf32> to vector<16xf32>
        %add3A_1338 = arith.addf %add3A_1266, %get3A_1337 : vector<16xf32>
        %mul3A_1339 = arith.constant 32 : i32
        %mul3A_1340 = arith.muli %add3A_154, %mul3A_1339 : i32
        %add3A_1341 = arith.constant 16 : i32
        %add3A_1342 = arith.addi %mul3A_1340, %add3A_1341 : i32
        %get3A_1343 = arith.index_cast %add3A_1342 : i32 to index
        %get3A_1344 = arith.constant 32 : index
        %get3A_1345 = tpu.vector_load %arg7[%get3A_1343, %get3A_1344] {strides = array<i32>} : memref<128x128xf32, #tpu.memory_space<vmem>>, vector<1x16xf32>,
        %get3A_1346 = vector.shape_cast %get3A_1345 : vector<1x16xf32> to vector<16xf32>
        %add3A_1347 = arith.addf %add3A_1275, %get3A_1346 : vector<16xf32>
        %mul3A_1348 = arith.constant 32 : i32
        %mul3A_1349 = arith.muli %add3A_154, %mul3A_1348 : i32
        %add3A_1350 = arith.constant 16 : i32
        %add3A_1351 = arith.addi %mul3A_1349, %add3A_1350 : i32
        %get3A_1352 = arith.index_cast %add3A_1351 : i32 to index
        %get3A_1353 = arith.constant 48 : index
        %get3A_1354 = tpu.vector_load %arg7[%get3A_1352, %get3A_1353] {strides = array<i32>} : memref<128x128xf32, #tpu.memory_space<vmem>>, vector<1x16xf32>,
        %get3A_1355 = vector.shape_cast %get3A_1354 : vector<1x16xf32> to vector<16xf32>
        %add3A_1356 = arith.addf %add3A_1284, %get3A_1355 : vector<16xf32>
        %mul3A_1357 = arith.constant 32 : i32
        %mul3A_1358 = arith.muli %add3A_154, %mul3A_1357 : i32
        %add3A_1359 = arith.constant 16 : i32
        %add3A_1360 = arith.addi %mul3A_1358, %add3A_1359 : i32
        %get3A_1361 = arith.index_cast %add3A_1360 : i32 to index
        %get3A_1362 = arith.constant 64 : index
        %get3A_1363 = tpu.vector_load %arg7[%get3A_1361, %get3A_1362] {strides = array<i32>} : memref<128x128xf32, #tpu.memory_space<vmem>>, vector<1x16xf32>,
        %get3A_1364 = vector.shape_cast %get3A_1363 : vector<1x16xf32> to vector<16xf32>
        %add3A_1365 = arith.addf %add3A_1293, %get3A_1364 : vector<16xf32>
        %mul3A_1366 = arith.constant 32 : i32
        %mul3A_1367 = arith.muli %add3A_154, %mul3A_1366 : i32
        %add3A_1368 = arith.constant 16 : i32
        %add3A_1369 = arith.addi %mul3A_1367, %add3A_1368 : i32
        %get3A_1370 = arith.index_cast %add3A_1369 : i32 to index
        %get3A_1371 = arith.constant 80 : index
        %get3A_1372 = tpu.vector_load %arg7[%get3A_1370, %get3A_1371] {strides = array<i32>} : memref<128x128xf32, #tpu.memory_space<vmem>>, vector<1x16xf32>,
        %get3A_1373 = vector.shape_cast %get3A_1372 : vector<1x16xf32> to vector<16xf32>
        %add3A_1374 = arith.addf %add3A_1302, %get3A_1373 : vector<16xf32>
        %mul3A_1375 = arith.constant 32 : i32
        %mul3A_1376 = arith.muli %add3A_154, %mul3A_1375 : i32
        %add3A_1377 = arith.constant 16 : i32
        %add3A_1378 = arith.addi %mul3A_1376, %add3A_1377 : i32
        %get3A_1379 = arith.index_cast %add3A_1378 : i32 to index
        %get3A_1380 = arith.constant 96 : index
        %get3A_1381 = tpu.vector_load %arg7[%get3A_1379, %get3A_1380] {strides = array<i32>} : memref<128x128xf32, #tpu.memory_space<vmem>>, vector<1x16xf32>,
        %get3A_1382 = vector.shape_cast %get3A_1381 : vector<1x16xf32> to vector<16xf32>
        %add3A_1383 = arith.addf %add3A_1311, %get3A_1382 : vector<16xf32>
        %mul3A_1384 = arith.constant 32 : i32
        %mul3A_1385 = arith.muli %add3A_154, %mul3A_1384 : i32
        %add3A_1386 = arith.constant 16 : i32
        %add3A_1387 = arith.addi %mul3A_1385, %add3A_1386 : i32
        %get3A_1388 = arith.index_cast %add3A_1387 : i32 to index
        %get3A_1389 = arith.constant 112 : index
        %get3A_1390 = tpu.vector_load %arg7[%get3A_1388, %get3A_1389] {strides = array<i32>} : memref<128x128xf32, #tpu.memory_space<vmem>>, vector<1x16xf32>,
        %get3A_1391 = vector.shape_cast %get3A_1390 : vector<1x16xf32> to vector<16xf32>
        %add3A_1392 = arith.addf %add3A_1320, %get3A_1391 : vector<16xf32>
        %mul3A_1393 = arith.constant 32 : i32
        %mul3A_1394 = arith.muli %add3A_154, %mul3A_1393 : i32
        %add3A_1395 = arith.constant 17 : i32
        %add3A_1396 = arith.addi %mul3A_1394, %add3A_1395 : i32
        %get3A_1397 = arith.index_cast %add3A_1396 : i32 to index
        %get3A_1398 = arith.constant 0 : index
        %get3A_1399 = tpu.vector_load %arg7[%get3A_1397, %get3A_1398] {strides = array<i32>} : memref<128x128xf32, #tpu.memory_space<vmem>>, vector<1x16xf32>,
        %get3A_1400 = vector.shape_cast %get3A_1399 : vector<1x16xf32> to vector<16xf32>
        %add3A_1401 = arith.addf %add3A_1329, %get3A_1400 : vector<16xf32>
        %mul3A_1402 = arith.constant 32 : i32
        %mul3A_1403 = arith.muli %add3A_154, %mul3A_1402 : i32
        %add3A_1404 = arith.constant 17 : i32
        %add3A_1405 = arith.addi %mul3A_1403, %add3A_1404 : i32
        %get3A_1406 = arith.index_cast %add3A_1405 : i32 to index
        %get3A_1407 = arith.constant 16 : index
        %get3A_1408 = tpu.vector_load %arg7[%get3A_1406, %get3A_1407] {strides = array<i32>} : memref<128x128xf32, #tpu.memory_space<vmem>>, vector<1x16xf32>,
        %get3A_1409 = vector.shape_cast %get3A_1408 : vector<1x16xf32> to vector<16xf32>
        %add3A_1410 = arith.addf %add3A_1338, %get3A_1409 : vector<16xf32>
        %mul3A_1411 = arith.constant 32 : i32
        %mul3A_1412 = arith.muli %add3A_154, %mul3A_1411 : i32
        %add3A_1413 = arith.constant 17 : i32
        %add3A_1414 = arith.addi %mul3A_1412, %add3A_1413 : i32
        %get3A_1415 = arith.index_cast %add3A_1414 : i32 to index
        %get3A_1416 = arith.constant 32 : index
        %get3A_1417 = tpu.vector_load %arg7[%get3A_1415, %get3A_1416] {strides = array<i32>} : memref<128x128xf32, #tpu.memory_space<vmem>>, vector<1x16xf32>,
        %get3A_1418 = vector.shape_cast %get3A_1417 : vector<1x16xf32> to vector<16xf32>
        %add3A_1419 = arith.addf %add3A_1347, %get3A_1418 : vector<16xf32>
        %mul3A_1420 = arith.constant 32 : i32
        %mul3A_1421 = arith.muli %add3A_154, %mul3A_1420 : i32
        %add3A_1422 = arith.constant 17 : i32
        %add3A_1423 = arith.addi %mul3A_1421, %add3A_1422 : i32
        %get3A_1424 = arith.index_cast %add3A_1423 : i32 to index
        %get3A_1425 = arith.constant 48 : index
        %get3A_1426 = tpu.vector_load %arg7[%get3A_1424, %get3A_1425] {strides = array<i32>} : memref<128x128xf32, #tpu.memory_space<vmem>>, vector<1x16xf32>,
        %get3A_1427 = vector.shape_cast %get3A_1426 : vector<1x16xf32> to vector<16xf32>
        %add3A_1428 = arith.addf %add3A_1356, %get3A_1427 : vector<16xf32>
        %mul3A_1429 = arith.constant 32 : i32
        %mul3A_1430 = arith.muli %add3A_154, %mul3A_1429 : i32
        %add3A_1431 = arith.constant 17 : i32
        %add3A_1432 = arith.addi %mul3A_1430, %add3A_1431 : i32
        %get3A_1433 = arith.index_cast %add3A_1432 : i32 to index
        %get3A_1434 = arith.constant 64 : index
        %get3A_1435 = tpu.vector_load %arg7[%get3A_1433, %get3A_1434] {strides = array<i32>} : memref<128x128xf32, #tpu.memory_space<vmem>>, vector<1x16xf32>,
        %get3A_1436 = vector.shape_cast %get3A_1435 : vector<1x16xf32> to vector<16xf32>
        %add3A_1437 = arith.addf %add3A_1365, %get3A_1436 : vector<16xf32>
        %mul3A_1438 = arith.constant 32 : i32
        %mul3A_1439 = arith.muli %add3A_154, %mul3A_1438 : i32
        %add3A_1440 = arith.constant 17 : i32
        %add3A_1441 = arith.addi %mul3A_1439, %add3A_1440 : i32
        %get3A_1442 = arith.index_cast %add3A_1441 : i32 to index
        %get3A_1443 = arith.constant 80 : index
        %get3A_1444 = tpu.vector_load %arg7[%get3A_1442, %get3A_1443] {strides = array<i32>} : memref<128x128xf32, #tpu.memory_space<vmem>>, vector<1x16xf32>,
        %get3A_1445 = vector.shape_cast %get3A_1444 : vector<1x16xf32> to vector<16xf32>
        %add3A_1446 = arith.addf %add3A_1374, %get3A_1445 : vector<16xf32>
        %mul3A_1447 = arith.constant 32 : i32
        %mul3A_1448 = arith.muli %add3A_154, %mul3A_1447 : i32
        %add3A_1449 = arith.constant 17 : i32
        %add3A_1450 = arith.addi %mul3A_1448, %add3A_1449 : i32
        %get3A_1451 = arith.index_cast %add3A_1450 : i32 to index
        %get3A_1452 = arith.constant 96 : index
        %get3A_1453 = tpu.vector_load %arg7[%get3A_1451, %get3A_1452] {strides = array<i32>} : memref<128x128xf32, #tpu.memory_space<vmem>>, vector<1x16xf32>,
        %get3A_1454 = vector.shape_cast %get3A_1453 : vector<1x16xf32> to vector<16xf32>
        %add3A_1455 = arith.addf %add3A_1383, %get3A_1454 : vector<16xf32>
        %mul3A_1456 = arith.constant 32 : i32
        %mul3A_1457 = arith.muli %add3A_154, %mul3A_1456 : i32
        %add3A_1458 = arith.constant 17 : i32
        %add3A_1459 = arith.addi %mul3A_1457, %add3A_1458 : i32
        %get3A_1460 = arith.index_cast %add3A_1459 : i32 to index
        %get3A_1461 = arith.constant 112 : index
        %get3A_1462 = tpu.vector_load %arg7[%get3A_1460, %get3A_1461] {strides = array<i32>} : memref<128x128xf32, #tpu.memory_space<vmem>>, vector<1x16xf32>,
        %get3A_1463 = vector.shape_cast %get3A_1462 : vector<1x16xf32> to vector<16xf32>
        %add3A_1464 = arith.addf %add3A_1392, %get3A_1463 : vector<16xf32>
        %mul3A_1465 = arith.constant 32 : i32
        %mul3A_1466 = arith.muli %add3A_154, %mul3A_1465 : i32
        %add3A_1467 = arith.constant 18 : i32
        %add3A_1468 = arith.addi %mul3A_1466, %add3A_1467 : i32
        %get3A_1469 = arith.index_cast %add3A_1468 : i32 to index
        %get3A_1470 = arith.constant 0 : index
        %get3A_1471 = tpu.vector_load %arg7[%get3A_1469, %get3A_1470] {strides = array<i32>} : memref<128x128xf32, #tpu.memory_space<vmem>>, vector<1x16xf32>,
        %get3A_1472 = vector.shape_cast %get3A_1471 : vector<1x16xf32> to vector<16xf32>
        %add3A_1473 = arith.addf %add3A_1401, %get3A_1472 : vector<16xf32>
        %mul3A_1474 = arith.constant 32 : i32
        %mul3A_1475 = arith.muli %add3A_154, %mul3A_1474 : i32
        %add3A_1476 = arith.constant 18 : i32
        %add3A_1477 = arith.addi %mul3A_1475, %add3A_1476 : i32
        %get3A_1478 = arith.index_cast %add3A_1477 : i32 to index
        %get3A_1479 = arith.constant 16 : index
        %get3A_1480 = tpu.vector_load %arg7[%get3A_1478, %get3A_1479] {strides = array<i32>} : memref<128x128xf32, #tpu.memory_space<vmem>>, vector<1x16xf32>,
        %get3A_1481 = vector.shape_cast %get3A_1480 : vector<1x16xf32> to vector<16xf32>
        %add3A_1482 = arith.addf %add3A_1410, %get3A_1481 : vector<16xf32>
        %mul3A_1483 = arith.constant 32 : i32
        %mul3A_1484 = arith.muli %add3A_154, %mul3A_1483 : i32
        %add3A_1485 = arith.constant 18 : i32
        %add3A_1486 = arith.addi %mul3A_1484, %add3A_1485 : i32
        %get3A_1487 = arith.index_cast %add3A_1486 : i32 to index
        %get3A_1488 = arith.constant 32 : index
        %get3A_1489 = tpu.vector_load %arg7[%get3A_1487, %get3A_1488] {strides = array<i32>} : memref<128x128xf32, #tpu.memory_space<vmem>>, vector<1x16xf32>,
        %get3A_1490 = vector.shape_cast %get3A_1489 : vector<1x16xf32> to vector<16xf32>
        %add3A_1491 = arith.addf %add3A_1419, %get3A_1490 : vector<16xf32>
        %mul3A_1492 = arith.constant 32 : i32
        %mul3A_1493 = arith.muli %add3A_154, %mul3A_1492 : i32
        %add3A_1494 = arith.constant 18 : i32
        %add3A_1495 = arith.addi %mul3A_1493, %add3A_1494 : i32
        %get3A_1496 = arith.index_cast %add3A_1495 : i32 to index
        %get3A_1497 = arith.constant 48 : index
        %get3A_1498 = tpu.vector_load %arg7[%get3A_1496, %get3A_1497] {strides = array<i32>} : memref<128x128xf32, #tpu.memory_space<vmem>>, vector<1x16xf32>,
        %get3A_1499 = vector.shape_cast %get3A_1498 : vector<1x16xf32> to vector<16xf32>
        %add3A_1500 = arith.addf %add3A_1428, %get3A_1499 : vector<16xf32>
        %mul3A_1501 = arith.constant 32 : i32
        %mul3A_1502 = arith.muli %add3A_154, %mul3A_1501 : i32
        %add3A_1503 = arith.constant 18 : i32
        %add3A_1504 = arith.addi %mul3A_1502, %add3A_1503 : i32
        %get3A_1505 = arith.index_cast %add3A_1504 : i32 to index
        %get3A_1506 = arith.constant 64 : index
        %get3A_1507 = tpu.vector_load %arg7[%get3A_1505, %get3A_1506] {strides = array<i32>} : memref<128x128xf32, #tpu.memory_space<vmem>>, vector<1x16xf32>,
        %get3A_1508 = vector.shape_cast %get3A_1507 : vector<1x16xf32> to vector<16xf32>
        %add3A_1509 = arith.addf %add3A_1437, %get3A_1508 : vector<16xf32>
        %mul3A_1510 = arith.constant 32 : i32
        %mul3A_1511 = arith.muli %add3A_154, %mul3A_1510 : i32
        %add3A_1512 = arith.constant 18 : i32
        %add3A_1513 = arith.addi %mul3A_1511, %add3A_1512 : i32
        %get3A_1514 = arith.index_cast %add3A_1513 : i32 to index
        %get3A_1515 = arith.constant 80 : index
        %get3A_1516 = tpu.vector_load %arg7[%get3A_1514, %get3A_1515] {strides = array<i32>} : memref<128x128xf32, #tpu.memory_space<vmem>>, vector<1x16xf32>,
        %get3A_1517 = vector.shape_cast %get3A_1516 : vector<1x16xf32> to vector<16xf32>
        %add3A_1518 = arith.addf %add3A_1446, %get3A_1517 : vector<16xf32>
        %mul3A_1519 = arith.constant 32 : i32
        %mul3A_1520 = arith.muli %add3A_154, %mul3A_1519 : i32
        %add3A_1521 = arith.constant 18 : i32
        %add3A_1522 = arith.addi %mul3A_1520, %add3A_1521 : i32
        %get3A_1523 = arith.index_cast %add3A_1522 : i32 to index
        %get3A_1524 = arith.constant 96 : index
        %get3A_1525 = tpu.vector_load %arg7[%get3A_1523, %get3A_1524] {strides = array<i32>} : memref<128x128xf32, #tpu.memory_space<vmem>>, vector<1x16xf32>,
        %get3A_1526 = vector.shape_cast %get3A_1525 : vector<1x16xf32> to vector<16xf32>
        %add3A_1527 = arith.addf %add3A_1455, %get3A_1526 : vector<16xf32>
        %mul3A_1528 = arith.constant 32 : i32
        %mul3A_1529 = arith.muli %add3A_154, %mul3A_1528 : i32
        %add3A_1530 = arith.constant 18 : i32
        %add3A_1531 = arith.addi %mul3A_1529, %add3A_1530 : i32
        %get3A_1532 = arith.index_cast %add3A_1531 : i32 to index
        %get3A_1533 = arith.constant 112 : index
        %get3A_1534 = tpu.vector_load %arg7[%get3A_1532, %get3A_1533] {strides = array<i32>} : memref<128x128xf32, #tpu.memory_space<vmem>>, vector<1x16xf32>,
        %get3A_1535 = vector.shape_cast %get3A_1534 : vector<1x16xf32> to vector<16xf32>
        %add3A_1536 = arith.addf %add3A_1464, %get3A_1535 : vector<16xf32>
        %mul3A_1537 = arith.constant 32 : i32
        %mul3A_1538 = arith.muli %add3A_154, %mul3A_1537 : i32
        %add3A_1539 = arith.constant 19 : i32
        %add3A_1540 = arith.addi %mul3A_1538, %add3A_1539 : i32
        %get3A_1541 = arith.index_cast %add3A_1540 : i32 to index
        %get3A_1542 = arith.constant 0 : index
        %get3A_1543 = tpu.vector_load %arg7[%get3A_1541, %get3A_1542] {strides = array<i32>} : memref<128x128xf32, #tpu.memory_space<vmem>>, vector<1x16xf32>,
        %get3A_1544 = vector.shape_cast %get3A_1543 : vector<1x16xf32> to vector<16xf32>
        %add3A_1545 = arith.addf %add3A_1473, %get3A_1544 : vector<16xf32>
        %mul3A_1546 = arith.constant 32 : i32
        %mul3A_1547 = arith.muli %add3A_154, %mul3A_1546 : i32
        %add3A_1548 = arith.constant 19 : i32
        %add3A_1549 = arith.addi %mul3A_1547, %add3A_1548 : i32
        %get3A_1550 = arith.index_cast %add3A_1549 : i32 to index
        %get3A_1551 = arith.constant 16 : index
        %get3A_1552 = tpu.vector_load %arg7[%get3A_1550, %get3A_1551] {strides = array<i32>} : memref<128x128xf32, #tpu.memory_space<vmem>>, vector<1x16xf32>,
        %get3A_1553 = vector.shape_cast %get3A_1552 : vector<1x16xf32> to vector<16xf32>
        %add3A_1554 = arith.addf %add3A_1482, %get3A_1553 : vector<16xf32>
        %mul3A_1555 = arith.constant 32 : i32
        %mul3A_1556 = arith.muli %add3A_154, %mul3A_1555 : i32
        %add3A_1557 = arith.constant 19 : i32
        %add3A_1558 = arith.addi %mul3A_1556, %add3A_1557 : i32
        %get3A_1559 = arith.index_cast %add3A_1558 : i32 to index
        %get3A_1560 = arith.constant 32 : index
        %get3A_1561 = tpu.vector_load %arg7[%get3A_1559, %get3A_1560] {strides = array<i32>} : memref<128x128xf32, #tpu.memory_space<vmem>>, vector<1x16xf32>,
        %get3A_1562 = vector.shape_cast %get3A_1561 : vector<1x16xf32> to vector<16xf32>
        %add3A_1563 = arith.addf %add3A_1491, %get3A_1562 : vector<16xf32>
        %mul3A_1564 = arith.constant 32 : i32
        %mul3A_1565 = arith.muli %add3A_154, %mul3A_1564 : i32
        %add3A_1566 = arith.constant 19 : i32
        %add3A_1567 = arith.addi %mul3A_1565, %add3A_1566 : i32
        %get3A_1568 = arith.index_cast %add3A_1567 : i32 to index
        %get3A_1569 = arith.constant 48 : index
        %get3A_1570 = tpu.vector_load %arg7[%get3A_1568, %get3A_1569] {strides = array<i32>} : memref<128x128xf32, #tpu.memory_space<vmem>>, vector<1x16xf32>,
        %get3A_1571 = vector.shape_cast %get3A_1570 : vector<1x16xf32> to vector<16xf32>
        %add3A_1572 = arith.addf %add3A_1500, %get3A_1571 : vector<16xf32>
        %mul3A_1573 = arith.constant 32 : i32
        %mul3A_1574 = arith.muli %add3A_154, %mul3A_1573 : i32
        %add3A_1575 = arith.constant 19 : i32
        %add3A_1576 = arith.addi %mul3A_1574, %add3A_1575 : i32
        %get3A_1577 = arith.index_cast %add3A_1576 : i32 to index
        %get3A_1578 = arith.constant 64 : index
        %get3A_1579 = tpu.vector_load %arg7[%get3A_1577, %get3A_1578] {strides = array<i32>} : memref<128x128xf32, #tpu.memory_space<vmem>>, vector<1x16xf32>,
        %get3A_1580 = vector.shape_cast %get3A_1579 : vector<1x16xf32> to vector<16xf32>
        %add3A_1581 = arith.addf %add3A_1509, %get3A_1580 : vector<16xf32>
        %mul3A_1582 = arith.constant 32 : i32
        %mul3A_1583 = arith.muli %add3A_154, %mul3A_1582 : i32
        %add3A_1584 = arith.constant 19 : i32
        %add3A_1585 = arith.addi %mul3A_1583, %add3A_1584 : i32
        %get3A_1586 = arith.index_cast %add3A_1585 : i32 to index
        %get3A_1587 = arith.constant 80 : index
        %get3A_1588 = tpu.vector_load %arg7[%get3A_1586, %get3A_1587] {strides = array<i32>} : memref<128x128xf32, #tpu.memory_space<vmem>>, vector<1x16xf32>,
        %get3A_1589 = vector.shape_cast %get3A_1588 : vector<1x16xf32> to vector<16xf32>
        %add3A_1590 = arith.addf %add3A_1518, %get3A_1589 : vector<16xf32>
        %mul3A_1591 = arith.constant 32 : i32
        %mul3A_1592 = arith.muli %add3A_154, %mul3A_1591 : i32
        %add3A_1593 = arith.constant 19 : i32
        %add3A_1594 = arith.addi %mul3A_1592, %add3A_1593 : i32
        %get3A_1595 = arith.index_cast %add3A_1594 : i32 to index
        %get3A_1596 = arith.constant 96 : index
        %get3A_1597 = tpu.vector_load %arg7[%get3A_1595, %get3A_1596] {strides = array<i32>} : memref<128x128xf32, #tpu.memory_space<vmem>>, vector<1x16xf32>,
        %get3A_1598 = vector.shape_cast %get3A_1597 : vector<1x16xf32> to vector<16xf32>
        %add3A_1599 = arith.addf %add3A_1527, %get3A_1598 : vector<16xf32>
        %mul3A_1600 = arith.constant 32 : i32
        %mul3A_1601 = arith.muli %add3A_154, %mul3A_1600 : i32
        %add3A_1602 = arith.constant 19 : i32
        %add3A_1603 = arith.addi %mul3A_1601, %add3A_1602 : i32
        %get3A_1604 = arith.index_cast %add3A_1603 : i32 to index
        %get3A_1605 = arith.constant 112 : index
        %get3A_1606 = tpu.vector_load %arg7[%get3A_1604, %get3A_1605] {strides = array<i32>} : memref<128x128xf32, #tpu.memory_space<vmem>>, vector<1x16xf32>,
        %get3A_1607 = vector.shape_cast %get3A_1606 : vector<1x16xf32> to vector<16xf32>
        %add3A_1608 = arith.addf %add3A_1536, %get3A_1607 : vector<16xf32>
        %mul3A_1609 = arith.constant 32 : i32
        %mul3A_1610 = arith.muli %add3A_154, %mul3A_1609 : i32
        %add3A_1611 = arith.constant 20 : i32
        %add3A_1612 = arith.addi %mul3A_1610, %add3A_1611 : i32
        %get3A_1613 = arith.index_cast %add3A_1612 : i32 to index
        %get3A_1614 = arith.constant 0 : index
        %get3A_1615 = tpu.vector_load %arg7[%get3A_1613, %get3A_1614] {strides = array<i32>} : memref<128x128xf32, #tpu.memory_space<vmem>>, vector<1x16xf32>,
        %get3A_1616 = vector.shape_cast %get3A_1615 : vector<1x16xf32> to vector<16xf32>
        %add3A_1617 = arith.addf %add3A_1545, %get3A_1616 : vector<16xf32>
        %mul3A_1618 = arith.constant 32 : i32
        %mul3A_1619 = arith.muli %add3A_154, %mul3A_1618 : i32
        %add3A_1620 = arith.constant 20 : i32
        %add3A_1621 = arith.addi %mul3A_1619, %add3A_1620 : i32
        %get3A_1622 = arith.index_cast %add3A_1621 : i32 to index
        %get3A_1623 = arith.constant 16 : index
        %get3A_1624 = tpu.vector_load %arg7[%get3A_1622, %get3A_1623] {strides = array<i32>} : memref<128x128xf32, #tpu.memory_space<vmem>>, vector<1x16xf32>,
        %get3A_1625 = vector.shape_cast %get3A_1624 : vector<1x16xf32> to vector<16xf32>
        %add3A_1626 = arith.addf %add3A_1554, %get3A_1625 : vector<16xf32>
        %mul3A_1627 = arith.constant 32 : i32
        %mul3A_1628 = arith.muli %add3A_154, %mul3A_1627 : i32
        %add3A_1629 = arith.constant 20 : i32
        %add3A_1630 = arith.addi %mul3A_1628, %add3A_1629 : i32
        %get3A_1631 = arith.index_cast %add3A_1630 : i32 to index
        %get3A_1632 = arith.constant 32 : index
        %get3A_1633 = tpu.vector_load %arg7[%get3A_1631, %get3A_1632] {strides = array<i32>} : memref<128x128xf32, #tpu.memory_space<vmem>>, vector<1x16xf32>,
        %get3A_1634 = vector.shape_cast %get3A_1633 : vector<1x16xf32> to vector<16xf32>
        %add3A_1635 = arith.addf %add3A_1563, %get3A_1634 : vector<16xf32>
        %mul3A_1636 = arith.constant 32 : i32
        %mul3A_1637 = arith.muli %add3A_154, %mul3A_1636 : i32
        %add3A_1638 = arith.constant 20 : i32
        %add3A_1639 = arith.addi %mul3A_1637, %add3A_1638 : i32
        %get3A_1640 = arith.index_cast %add3A_1639 : i32 to index
        %get3A_1641 = arith.constant 48 : index
        %get3A_1642 = tpu.vector_load %arg7[%get3A_1640, %get3A_1641] {strides = array<i32>} : memref<128x128xf32, #tpu.memory_space<vmem>>, vector<1x16xf32>,
        %get3A_1643 = vector.shape_cast %get3A_1642 : vector<1x16xf32> to vector<16xf32>
        %add3A_1644 = arith.addf %add3A_1572, %get3A_1643 : vector<16xf32>
        %mul3A_1645 = arith.constant 32 : i32
        %mul3A_1646 = arith.muli %add3A_154, %mul3A_1645 : i32
        %add3A_1647 = arith.constant 20 : i32
        %add3A_1648 = arith.addi %mul3A_1646, %add3A_1647 : i32
        %get3A_1649 = arith.index_cast %add3A_1648 : i32 to index
        %get3A_1650 = arith.constant 64 : index
        %get3A_1651 = tpu.vector_load %arg7[%get3A_1649, %get3A_1650] {strides = array<i32>} : memref<128x128xf32, #tpu.memory_space<vmem>>, vector<1x16xf32>,
        %get3A_1652 = vector.shape_cast %get3A_1651 : vector<1x16xf32> to vector<16xf32>
        %add3A_1653 = arith.addf %add3A_1581, %get3A_1652 : vector<16xf32>
        %mul3A_1654 = arith.constant 32 : i32
        %mul3A_1655 = arith.muli %add3A_154, %mul3A_1654 : i32
        %add3A_1656 = arith.constant 20 : i32
        %add3A_1657 = arith.addi %mul3A_1655, %add3A_1656 : i32
        %get3A_1658 = arith.index_cast %add3A_1657 : i32 to index
        %get3A_1659 = arith.constant 80 : index
        %get3A_1660 = tpu.vector_load %arg7[%get3A_1658, %get3A_1659] {strides = array<i32>} : memref<128x128xf32, #tpu.memory_space<vmem>>, vector<1x16xf32>,
        %get3A_1661 = vector.shape_cast %get3A_1660 : vector<1x16xf32> to vector<16xf32>
        %add3A_1662 = arith.addf %add3A_1590, %get3A_1661 : vector<16xf32>
        %mul3A_1663 = arith.constant 32 : i32
        %mul3A_1664 = arith.muli %add3A_154, %mul3A_1663 : i32
        %add3A_1665 = arith.constant 20 : i32
        %add3A_1666 = arith.addi %mul3A_1664, %add3A_1665 : i32
        %get3A_1667 = arith.index_cast %add3A_1666 : i32 to index
        %get3A_1668 = arith.constant 96 : index
        %get3A_1669 = tpu.vector_load %arg7[%get3A_1667, %get3A_1668] {strides = array<i32>} : memref<128x128xf32, #tpu.memory_space<vmem>>, vector<1x16xf32>,
        %get3A_1670 = vector.shape_cast %get3A_1669 : vector<1x16xf32> to vector<16xf32>
        %add3A_1671 = arith.addf %add3A_1599, %get3A_1670 : vector<16xf32>
        %mul3A_1672 = arith.constant 32 : i32
        %mul3A_1673 = arith.muli %add3A_154, %mul3A_1672 : i32
        %add3A_1674 = arith.constant 20 : i32
        %add3A_1675 = arith.addi %mul3A_1673, %add3A_1674 : i32
        %get3A_1676 = arith.index_cast %add3A_1675 : i32 to index
        %get3A_1677 = arith.constant 112 : index
        %get3A_1678 = tpu.vector_load %arg7[%get3A_1676, %get3A_1677] {strides = array<i32>} : memref<128x128xf32, #tpu.memory_space<vmem>>, vector<1x16xf32>,
        %get3A_1679 = vector.shape_cast %get3A_1678 : vector<1x16xf32> to vector<16xf32>
        %add3A_1680 = arith.addf %add3A_1608, %get3A_1679 : vector<16xf32>
        %mul3A_1681 = arith.constant 32 : i32
        %mul3A_1682 = arith.muli %add3A_154, %mul3A_1681 : i32
        %add3A_1683 = arith.constant 21 : i32
        %add3A_1684 = arith.addi %mul3A_1682, %add3A_1683 : i32
        %get3A_1685 = arith.index_cast %add3A_1684 : i32 to index
        %get3A_1686 = arith.constant 0 : index
        %get3A_1687 = tpu.vector_load %arg7[%get3A_1685, %get3A_1686] {strides = array<i32>} : memref<128x128xf32, #tpu.memory_space<vmem>>, vector<1x16xf32>,
        %get3A_1688 = vector.shape_cast %get3A_1687 : vector<1x16xf32> to vector<16xf32>
        %add3A_1689 = arith.addf %add3A_1617, %get3A_1688 : vector<16xf32>
        %mul3A_1690 = arith.constant 32 : i32
        %mul3A_1691 = arith.muli %add3A_154, %mul3A_1690 : i32
        %add3A_1692 = arith.constant 21 : i32
        %add3A_1693 = arith.addi %mul3A_1691, %add3A_1692 : i32
        %get3A_1694 = arith.index_cast %add3A_1693 : i32 to index
        %get3A_1695 = arith.constant 16 : index
        %get3A_1696 = tpu.vector_load %arg7[%get3A_1694, %get3A_1695] {strides = array<i32>} : memref<128x128xf32, #tpu.memory_space<vmem>>, vector<1x16xf32>,
        %get3A_1697 = vector.shape_cast %get3A_1696 : vector<1x16xf32> to vector<16xf32>
        %add3A_1698 = arith.addf %add3A_1626, %get3A_1697 : vector<16xf32>
        %mul3A_1699 = arith.constant 32 : i32
        %mul3A_1700 = arith.muli %add3A_154, %mul3A_1699 : i32
        %add3A_1701 = arith.constant 21 : i32
        %add3A_1702 = arith.addi %mul3A_1700, %add3A_1701 : i32
        %get3A_1703 = arith.index_cast %add3A_1702 : i32 to index
        %get3A_1704 = arith.constant 32 : index
        %get3A_1705 = tpu.vector_load %arg7[%get3A_1703, %get3A_1704] {strides = array<i32>} : memref<128x128xf32, #tpu.memory_space<vmem>>, vector<1x16xf32>,
        %get3A_1706 = vector.shape_cast %get3A_1705 : vector<1x16xf32> to vector<16xf32>
        %add3A_1707 = arith.addf %add3A_1635, %get3A_1706 : vector<16xf32>
        %mul3A_1708 = arith.constant 32 : i32
        %mul3A_1709 = arith.muli %add3A_154, %mul3A_1708 : i32
        %add3A_1710 = arith.constant 21 : i32
        %add3A_1711 = arith.addi %mul3A_1709, %add3A_1710 : i32
        %get3A_1712 = arith.index_cast %add3A_1711 : i32 to index
        %get3A_1713 = arith.constant 48 : index
        %get3A_1714 = tpu.vector_load %arg7[%get3A_1712, %get3A_1713] {strides = array<i32>} : memref<128x128xf32, #tpu.memory_space<vmem>>, vector<1x16xf32>,
        %get3A_1715 = vector.shape_cast %get3A_1714 : vector<1x16xf32> to vector<16xf32>
        %add3A_1716 = arith.addf %add3A_1644, %get3A_1715 : vector<16xf32>
        %mul3A_1717 = arith.constant 32 : i32
        %mul3A_1718 = arith.muli %add3A_154, %mul3A_1717 : i32
        %add3A_1719 = arith.constant 21 : i32
        %add3A_1720 = arith.addi %mul3A_1718, %add3A_1719 : i32
        %get3A_1721 = arith.index_cast %add3A_1720 : i32 to index
        %get3A_1722 = arith.constant 64 : index
        %get3A_1723 = tpu.vector_load %arg7[%get3A_1721, %get3A_1722] {strides = array<i32>} : memref<128x128xf32, #tpu.memory_space<vmem>>, vector<1x16xf32>,
        %get3A_1724 = vector.shape_cast %get3A_1723 : vector<1x16xf32> to vector<16xf32>
        %add3A_1725 = arith.addf %add3A_1653, %get3A_1724 : vector<16xf32>
        %mul3A_1726 = arith.constant 32 : i32
        %mul3A_1727 = arith.muli %add3A_154, %mul3A_1726 : i32
        %add3A_1728 = arith.constant 21 : i32
        %add3A_1729 = arith.addi %mul3A_1727, %add3A_1728 : i32
        %get3A_1730 = arith.index_cast %add3A_1729 : i32 to index
        %get3A_1731 = arith.constant 80 : index
        %get3A_1732 = tpu.vector_load %arg7[%get3A_1730, %get3A_1731] {strides = array<i32>} : memref<128x128xf32, #tpu.memory_space<vmem>>, vector<1x16xf32>,
        %get3A_1733 = vector.shape_cast %get3A_1732 : vector<1x16xf32> to vector<16xf32>
        %add3A_1734 = arith.addf %add3A_1662, %get3A_1733 : vector<16xf32>
        %mul3A_1735 = arith.constant 32 : i32
        %mul3A_1736 = arith.muli %add3A_154, %mul3A_1735 : i32
        %add3A_1737 = arith.constant 21 : i32
        %add3A_1738 = arith.addi %mul3A_1736, %add3A_1737 : i32
        %get3A_1739 = arith.index_cast %add3A_1738 : i32 to index
        %get3A_1740 = arith.constant 96 : index
        %get3A_1741 = tpu.vector_load %arg7[%get3A_1739, %get3A_1740] {strides = array<i32>} : memref<128x128xf32, #tpu.memory_space<vmem>>, vector<1x16xf32>,
        %get3A_1742 = vector.shape_cast %get3A_1741 : vector<1x16xf32> to vector<16xf32>
        %add3A_1743 = arith.addf %add3A_1671, %get3A_1742 : vector<16xf32>
        %mul3A_1744 = arith.constant 32 : i32
        %mul3A_1745 = arith.muli %add3A_154, %mul3A_1744 : i32
        %add3A_1746 = arith.constant 21 : i32
        %add3A_1747 = arith.addi %mul3A_1745, %add3A_1746 : i32
        %get3A_1748 = arith.index_cast %add3A_1747 : i32 to index
        %get3A_1749 = arith.constant 112 : index
        %get3A_1750 = tpu.vector_load %arg7[%get3A_1748, %get3A_1749] {strides = array<i32>} : memref<128x128xf32, #tpu.memory_space<vmem>>, vector<1x16xf32>,
        %get3A_1751 = vector.shape_cast %get3A_1750 : vector<1x16xf32> to vector<16xf32>
        %add3A_1752 = arith.addf %add3A_1680, %get3A_1751 : vector<16xf32>
        %mul3A_1753 = arith.constant 32 : i32
        %mul3A_1754 = arith.muli %add3A_154, %mul3A_1753 : i32
        %add3A_1755 = arith.constant 22 : i32
        %add3A_1756 = arith.addi %mul3A_1754, %add3A_1755 : i32
        %get3A_1757 = arith.index_cast %add3A_1756 : i32 to index
        %get3A_1758 = arith.constant 0 : index
        %get3A_1759 = tpu.vector_load %arg7[%get3A_1757, %get3A_1758] {strides = array<i32>} : memref<128x128xf32, #tpu.memory_space<vmem>>, vector<1x16xf32>,
        %get3A_1760 = vector.shape_cast %get3A_1759 : vector<1x16xf32> to vector<16xf32>
        %add3A_1761 = arith.addf %add3A_1689, %get3A_1760 : vector<16xf32>
        %mul3A_1762 = arith.constant 32 : i32
        %mul3A_1763 = arith.muli %add3A_154, %mul3A_1762 : i32
        %add3A_1764 = arith.constant 22 : i32
        %add3A_1765 = arith.addi %mul3A_1763, %add3A_1764 : i32
        %get3A_1766 = arith.index_cast %add3A_1765 : i32 to index
        %get3A_1767 = arith.constant 16 : index
        %get3A_1768 = tpu.vector_load %arg7[%get3A_1766, %get3A_1767] {strides = array<i32>} : memref<128x128xf32, #tpu.memory_space<vmem>>, vector<1x16xf32>,
        %get3A_1769 = vector.shape_cast %get3A_1768 : vector<1x16xf32> to vector<16xf32>
        %add3A_1770 = arith.addf %add3A_1698, %get3A_1769 : vector<16xf32>
        %mul3A_1771 = arith.constant 32 : i32
        %mul3A_1772 = arith.muli %add3A_154, %mul3A_1771 : i32
        %add3A_1773 = arith.constant 22 : i32
        %add3A_1774 = arith.addi %mul3A_1772, %add3A_1773 : i32
        %get3A_1775 = arith.index_cast %add3A_1774 : i32 to index
        %get3A_1776 = arith.constant 32 : index
        %get3A_1777 = tpu.vector_load %arg7[%get3A_1775, %get3A_1776] {strides = array<i32>} : memref<128x128xf32, #tpu.memory_space<vmem>>, vector<1x16xf32>,
        %get3A_1778 = vector.shape_cast %get3A_1777 : vector<1x16xf32> to vector<16xf32>
        %add3A_1779 = arith.addf %add3A_1707, %get3A_1778 : vector<16xf32>
        %mul3A_1780 = arith.constant 32 : i32
        %mul3A_1781 = arith.muli %add3A_154, %mul3A_1780 : i32
        %add3A_1782 = arith.constant 22 : i32
        %add3A_1783 = arith.addi %mul3A_1781, %add3A_1782 : i32
        %get3A_1784 = arith.index_cast %add3A_1783 : i32 to index
        %get3A_1785 = arith.constant 48 : index
        %get3A_1786 = tpu.vector_load %arg7[%get3A_1784, %get3A_1785] {strides = array<i32>} : memref<128x128xf32, #tpu.memory_space<vmem>>, vector<1x16xf32>,
        %get3A_1787 = vector.shape_cast %get3A_1786 : vector<1x16xf32> to vector<16xf32>
        %add3A_1788 = arith.addf %add3A_1716, %get3A_1787 : vector<16xf32>
        %mul3A_1789 = arith.constant 32 : i32
        %mul3A_1790 = arith.muli %add3A_154, %mul3A_1789 : i32
        %add3A_1791 = arith.constant 22 : i32
        %add3A_1792 = arith.addi %mul3A_1790, %add3A_1791 : i32
        %get3A_1793 = arith.index_cast %add3A_1792 : i32 to index
        %get3A_1794 = arith.constant 64 : index
        %get3A_1795 = tpu.vector_load %arg7[%get3A_1793, %get3A_1794] {strides = array<i32>} : memref<128x128xf32, #tpu.memory_space<vmem>>, vector<1x16xf32>,
        %get3A_1796 = vector.shape_cast %get3A_1795 : vector<1x16xf32> to vector<16xf32>
        %add3A_1797 = arith.addf %add3A_1725, %get3A_1796 : vector<16xf32>
        %mul3A_1798 = arith.constant 32 : i32
        %mul3A_1799 = arith.muli %add3A_154, %mul3A_1798 : i32
        %add3A_1800 = arith.constant 22 : i32
        %add3A_1801 = arith.addi %mul3A_1799, %add3A_1800 : i32
        %get3A_1802 = arith.index_cast %add3A_1801 : i32 to index
        %get3A_1803 = arith.constant 80 : index
        %get3A_1804 = tpu.vector_load %arg7[%get3A_1802, %get3A_1803] {strides = array<i32>} : memref<128x128xf32, #tpu.memory_space<vmem>>, vector<1x16xf32>,
        %get3A_1805 = vector.shape_cast %get3A_1804 : vector<1x16xf32> to vector<16xf32>
        %add3A_1806 = arith.addf %add3A_1734, %get3A_1805 : vector<16xf32>
        %mul3A_1807 = arith.constant 32 : i32
        %mul3A_1808 = arith.muli %add3A_154, %mul3A_1807 : i32
        %add3A_1809 = arith.constant 22 : i32
        %add3A_1810 = arith.addi %mul3A_1808, %add3A_1809 : i32
        %get3A_1811 = arith.index_cast %add3A_1810 : i32 to index
        %get3A_1812 = arith.constant 96 : index
        %get3A_1813 = tpu.vector_load %arg7[%get3A_1811, %get3A_1812] {strides = array<i32>} : memref<128x128xf32, #tpu.memory_space<vmem>>, vector<1x16xf32>,
        %get3A_1814 = vector.shape_cast %get3A_1813 : vector<1x16xf32> to vector<16xf32>
        %add3A_1815 = arith.addf %add3A_1743, %get3A_1814 : vector<16xf32>
        %mul3A_1816 = arith.constant 32 : i32
        %mul3A_1817 = arith.muli %add3A_154, %mul3A_1816 : i32
        %add3A_1818 = arith.constant 22 : i32
        %add3A_1819 = arith.addi %mul3A_1817, %add3A_1818 : i32
        %get3A_1820 = arith.index_cast %add3A_1819 : i32 to index
        %get3A_1821 = arith.constant 112 : index
        %get3A_1822 = tpu.vector_load %arg7[%get3A_1820, %get3A_1821] {strides = array<i32>} : memref<128x128xf32, #tpu.memory_space<vmem>>, vector<1x16xf32>,
        %get3A_1823 = vector.shape_cast %get3A_1822 : vector<1x16xf32> to vector<16xf32>
        %add3A_1824 = arith.addf %add3A_1752, %get3A_1823 : vector<16xf32>
        %mul3A_1825 = arith.constant 32 : i32
        %mul3A_1826 = arith.muli %add3A_154, %mul3A_1825 : i32
        %add3A_1827 = arith.constant 23 : i32
        %add3A_1828 = arith.addi %mul3A_1826, %add3A_1827 : i32
        %get3A_1829 = arith.index_cast %add3A_1828 : i32 to index
        %get3A_1830 = arith.constant 0 : index
        %get3A_1831 = tpu.vector_load %arg7[%get3A_1829, %get3A_1830] {strides = array<i32>} : memref<128x128xf32, #tpu.memory_space<vmem>>, vector<1x16xf32>,
        %get3A_1832 = vector.shape_cast %get3A_1831 : vector<1x16xf32> to vector<16xf32>
        %add3A_1833 = arith.addf %add3A_1761, %get3A_1832 : vector<16xf32>
        %mul3A_1834 = arith.constant 32 : i32
        %mul3A_1835 = arith.muli %add3A_154, %mul3A_1834 : i32
        %add3A_1836 = arith.constant 23 : i32
        %add3A_1837 = arith.addi %mul3A_1835, %add3A_1836 : i32
        %get3A_1838 = arith.index_cast %add3A_1837 : i32 to index
        %get3A_1839 = arith.constant 16 : index
        %get3A_1840 = tpu.vector_load %arg7[%get3A_1838, %get3A_1839] {strides = array<i32>} : memref<128x128xf32, #tpu.memory_space<vmem>>, vector<1x16xf32>,
        %get3A_1841 = vector.shape_cast %get3A_1840 : vector<1x16xf32> to vector<16xf32>
        %add3A_1842 = arith.addf %add3A_1770, %get3A_1841 : vector<16xf32>
        %mul3A_1843 = arith.constant 32 : i32
        %mul3A_1844 = arith.muli %add3A_154, %mul3A_1843 : i32
        %add3A_1845 = arith.constant 23 : i32
        %add3A_1846 = arith.addi %mul3A_1844, %add3A_1845 : i32
        %get3A_1847 = arith.index_cast %add3A_1846 : i32 to index
        %get3A_1848 = arith.constant 32 : index
        %get3A_1849 = tpu.vector_load %arg7[%get3A_1847, %get3A_1848] {strides = array<i32>} : memref<128x128xf32, #tpu.memory_space<vmem>>, vector<1x16xf32>,
        %get3A_1850 = vector.shape_cast %get3A_1849 : vector<1x16xf32> to vector<16xf32>
        %add3A_1851 = arith.addf %add3A_1779, %get3A_1850 : vector<16xf32>
        %mul3A_1852 = arith.constant 32 : i32
        %mul3A_1853 = arith.muli %add3A_154, %mul3A_1852 : i32
        %add3A_1854 = arith.constant 23 : i32
        %add3A_1855 = arith.addi %mul3A_1853, %add3A_1854 : i32
        %get3A_1856 = arith.index_cast %add3A_1855 : i32 to index
        %get3A_1857 = arith.constant 48 : index
        %get3A_1858 = tpu.vector_load %arg7[%get3A_1856, %get3A_1857] {strides = array<i32>} : memref<128x128xf32, #tpu.memory_space<vmem>>, vector<1x16xf32>,
        %get3A_1859 = vector.shape_cast %get3A_1858 : vector<1x16xf32> to vector<16xf32>
        %add3A_1860 = arith.addf %add3A_1788, %get3A_1859 : vector<16xf32>
        %mul3A_1861 = arith.constant 32 : i32
        %mul3A_1862 = arith.muli %add3A_154, %mul3A_1861 : i32
        %add3A_1863 = arith.constant 23 : i32
        %add3A_1864 = arith.addi %mul3A_1862, %add3A_1863 : i32
        %get3A_1865 = arith.index_cast %add3A_1864 : i32 to index
        %get3A_1866 = arith.constant 64 : index
        %get3A_1867 = tpu.vector_load %arg7[%get3A_1865, %get3A_1866] {strides = array<i32>} : memref<128x128xf32, #tpu.memory_space<vmem>>, vector<1x16xf32>,
        %get3A_1868 = vector.shape_cast %get3A_1867 : vector<1x16xf32> to vector<16xf32>
        %add3A_1869 = arith.addf %add3A_1797, %get3A_1868 : vector<16xf32>
        %mul3A_1870 = arith.constant 32 : i32
        %mul3A_1871 = arith.muli %add3A_154, %mul3A_1870 : i32
        %add3A_1872 = arith.constant 23 : i32
        %add3A_1873 = arith.addi %mul3A_1871, %add3A_1872 : i32
        %get3A_1874 = arith.index_cast %add3A_1873 : i32 to index
        %get3A_1875 = arith.constant 80 : index
        %get3A_1876 = tpu.vector_load %arg7[%get3A_1874, %get3A_1875] {strides = array<i32>} : memref<128x128xf32, #tpu.memory_space<vmem>>, vector<1x16xf32>,
        %get3A_1877 = vector.shape_cast %get3A_1876 : vector<1x16xf32> to vector<16xf32>
        %add3A_1878 = arith.addf %add3A_1806, %get3A_1877 : vector<16xf32>
        %mul3A_1879 = arith.constant 32 : i32
        %mul3A_1880 = arith.muli %add3A_154, %mul3A_1879 : i32
        %add3A_1881 = arith.constant 23 : i32
        %add3A_1882 = arith.addi %mul3A_1880, %add3A_1881 : i32
        %get3A_1883 = arith.index_cast %add3A_1882 : i32 to index
        %get3A_1884 = arith.constant 96 : index
        %get3A_1885 = tpu.vector_load %arg7[%get3A_1883, %get3A_1884] {strides = array<i32>} : memref<128x128xf32, #tpu.memory_space<vmem>>, vector<1x16xf32>,
        %get3A_1886 = vector.shape_cast %get3A_1885 : vector<1x16xf32> to vector<16xf32>
        %add3A_1887 = arith.addf %add3A_1815, %get3A_1886 : vector<16xf32>
        %mul3A_1888 = arith.constant 32 : i32
        %mul3A_1889 = arith.muli %add3A_154, %mul3A_1888 : i32
        %add3A_1890 = arith.constant 23 : i32
        %add3A_1891 = arith.addi %mul3A_1889, %add3A_1890 : i32
        %get3A_1892 = arith.index_cast %add3A_1891 : i32 to index
        %get3A_1893 = arith.constant 112 : index
        %get3A_1894 = tpu.vector_load %arg7[%get3A_1892, %get3A_1893] {strides = array<i32>} : memref<128x128xf32, #tpu.memory_space<vmem>>, vector<1x16xf32>,
        %get3A_1895 = vector.shape_cast %get3A_1894 : vector<1x16xf32> to vector<16xf32>
        %add3A_1896 = arith.addf %add3A_1824, %get3A_1895 : vector<16xf32>
        %mul3A_1897 = arith.constant 32 : i32
        %mul3A_1898 = arith.muli %add3A_154, %mul3A_1897 : i32
        %add3A_1899 = arith.constant 24 : i32
        %add3A_1900 = arith.addi %mul3A_1898, %add3A_1899 : i32
        %get3A_1901 = arith.index_cast %add3A_1900 : i32 to index
        %get3A_1902 = arith.constant 0 : index
        %get3A_1903 = tpu.vector_load %arg7[%get3A_1901, %get3A_1902] {strides = array<i32>} : memref<128x128xf32, #tpu.memory_space<vmem>>, vector<1x16xf32>,
        %get3A_1904 = vector.shape_cast %get3A_1903 : vector<1x16xf32> to vector<16xf32>
        %add3A_1905 = arith.addf %add3A_1833, %get3A_1904 : vector<16xf32>
        %mul3A_1906 = arith.constant 32 : i32
        %mul3A_1907 = arith.muli %add3A_154, %mul3A_1906 : i32
        %add3A_1908 = arith.constant 24 : i32
        %add3A_1909 = arith.addi %mul3A_1907, %add3A_1908 : i32
        %get3A_1910 = arith.index_cast %add3A_1909 : i32 to index
        %get3A_1911 = arith.constant 16 : index
        %get3A_1912 = tpu.vector_load %arg7[%get3A_1910, %get3A_1911] {strides = array<i32>} : memref<128x128xf32, #tpu.memory_space<vmem>>, vector<1x16xf32>,
        %get3A_1913 = vector.shape_cast %get3A_1912 : vector<1x16xf32> to vector<16xf32>
        %add3A_1914 = arith.addf %add3A_1842, %get3A_1913 : vector<16xf32>
        %mul3A_1915 = arith.constant 32 : i32
        %mul3A_1916 = arith.muli %add3A_154, %mul3A_1915 : i32
        %add3A_1917 = arith.constant 24 : i32
        %add3A_1918 = arith.addi %mul3A_1916, %add3A_1917 : i32
        %get3A_1919 = arith.index_cast %add3A_1918 : i32 to index
        %get3A_1920 = arith.constant 32 : index
        %get3A_1921 = tpu.vector_load %arg7[%get3A_1919, %get3A_1920] {strides = array<i32>} : memref<128x128xf32, #tpu.memory_space<vmem>>, vector<1x16xf32>,
        %get3A_1922 = vector.shape_cast %get3A_1921 : vector<1x16xf32> to vector<16xf32>
        %add3A_1923 = arith.addf %add3A_1851, %get3A_1922 : vector<16xf32>
        %mul3A_1924 = arith.constant 32 : i32
        %mul3A_1925 = arith.muli %add3A_154, %mul3A_1924 : i32
        %add3A_1926 = arith.constant 24 : i32
        %add3A_1927 = arith.addi %mul3A_1925, %add3A_1926 : i32
        %get3A_1928 = arith.index_cast %add3A_1927 : i32 to index
        %get3A_1929 = arith.constant 48 : index
        %get3A_1930 = tpu.vector_load %arg7[%get3A_1928, %get3A_1929] {strides = array<i32>} : memref<128x128xf32, #tpu.memory_space<vmem>>, vector<1x16xf32>,
        %get3A_1931 = vector.shape_cast %get3A_1930 : vector<1x16xf32> to vector<16xf32>
        %add3A_1932 = arith.addf %add3A_1860, %get3A_1931 : vector<16xf32>
        %mul3A_1933 = arith.constant 32 : i32
        %mul3A_1934 = arith.muli %add3A_154, %mul3A_1933 : i32
        %add3A_1935 = arith.constant 24 : i32
        %add3A_1936 = arith.addi %mul3A_1934, %add3A_1935 : i32
        %get3A_1937 = arith.index_cast %add3A_1936 : i32 to index
        %get3A_1938 = arith.constant 64 : index
        %get3A_1939 = tpu.vector_load %arg7[%get3A_1937, %get3A_1938] {strides = array<i32>} : memref<128x128xf32, #tpu.memory_space<vmem>>, vector<1x16xf32>,
        %get3A_1940 = vector.shape_cast %get3A_1939 : vector<1x16xf32> to vector<16xf32>
        %add3A_1941 = arith.addf %add3A_1869, %get3A_1940 : vector<16xf32>
        %mul3A_1942 = arith.constant 32 : i32
        %mul3A_1943 = arith.muli %add3A_154, %mul3A_1942 : i32
        %add3A_1944 = arith.constant 24 : i32
        %add3A_1945 = arith.addi %mul3A_1943, %add3A_1944 : i32
        %get3A_1946 = arith.index_cast %add3A_1945 : i32 to index
        %get3A_1947 = arith.constant 80 : index
        %get3A_1948 = tpu.vector_load %arg7[%get3A_1946, %get3A_1947] {strides = array<i32>} : memref<128x128xf32, #tpu.memory_space<vmem>>, vector<1x16xf32>,
        %get3A_1949 = vector.shape_cast %get3A_1948 : vector<1x16xf32> to vector<16xf32>
        %add3A_1950 = arith.addf %add3A_1878, %get3A_1949 : vector<16xf32>
        %mul3A_1951 = arith.constant 32 : i32
        %mul3A_1952 = arith.muli %add3A_154, %mul3A_1951 : i32
        %add3A_1953 = arith.constant 24 : i32
        %add3A_1954 = arith.addi %mul3A_1952, %add3A_1953 : i32
        %get3A_1955 = arith.index_cast %add3A_1954 : i32 to index
        %get3A_1956 = arith.constant 96 : index
        %get3A_1957 = tpu.vector_load %arg7[%get3A_1955, %get3A_1956] {strides = array<i32>} : memref<128x128xf32, #tpu.memory_space<vmem>>, vector<1x16xf32>,
        %get3A_1958 = vector.shape_cast %get3A_1957 : vector<1x16xf32> to vector<16xf32>
        %add3A_1959 = arith.addf %add3A_1887, %get3A_1958 : vector<16xf32>
        %mul3A_1960 = arith.constant 32 : i32
        %mul3A_1961 = arith.muli %add3A_154, %mul3A_1960 : i32
        %add3A_1962 = arith.constant 24 : i32
        %add3A_1963 = arith.addi %mul3A_1961, %add3A_1962 : i32
        %get3A_1964 = arith.index_cast %add3A_1963 : i32 to index
        %get3A_1965 = arith.constant 112 : index
        %get3A_1966 = tpu.vector_load %arg7[%get3A_1964, %get3A_1965] {strides = array<i32>} : memref<128x128xf32, #tpu.memory_space<vmem>>, vector<1x16xf32>,
        %get3A_1967 = vector.shape_cast %get3A_1966 : vector<1x16xf32> to vector<16xf32>
        %add3A_1968 = arith.addf %add3A_1896, %get3A_1967 : vector<16xf32>
        %mul3A_1969 = arith.constant 32 : i32
        %mul3A_1970 = arith.muli %add3A_154, %mul3A_1969 : i32
        %add3A_1971 = arith.constant 25 : i32
        %add3A_1972 = arith.addi %mul3A_1970, %add3A_1971 : i32
        %get3A_1973 = arith.index_cast %add3A_1972 : i32 to index
        %get3A_1974 = arith.constant 0 : index
        %get3A_1975 = tpu.vector_load %arg7[%get3A_1973, %get3A_1974] {strides = array<i32>} : memref<128x128xf32, #tpu.memory_space<vmem>>, vector<1x16xf32>,
        %get3A_1976 = vector.shape_cast %get3A_1975 : vector<1x16xf32> to vector<16xf32>
        %add3A_1977 = arith.addf %add3A_1905, %get3A_1976 : vector<16xf32>
        %mul3A_1978 = arith.constant 32 : i32
        %mul3A_1979 = arith.muli %add3A_154, %mul3A_1978 : i32
        %add3A_1980 = arith.constant 25 : i32
        %add3A_1981 = arith.addi %mul3A_1979, %add3A_1980 : i32
        %get3A_1982 = arith.index_cast %add3A_1981 : i32 to index
        %get3A_1983 = arith.constant 16 : index
        %get3A_1984 = tpu.vector_load %arg7[%get3A_1982, %get3A_1983] {strides = array<i32>} : memref<128x128xf32, #tpu.memory_space<vmem>>, vector<1x16xf32>,
        %get3A_1985 = vector.shape_cast %get3A_1984 : vector<1x16xf32> to vector<16xf32>
        %add3A_1986 = arith.addf %add3A_1914, %get3A_1985 : vector<16xf32>
        %mul3A_1987 = arith.constant 32 : i32
        %mul3A_1988 = arith.muli %add3A_154, %mul3A_1987 : i32
        %add3A_1989 = arith.constant 25 : i32
        %add3A_1990 = arith.addi %mul3A_1988, %add3A_1989 : i32
        %get3A_1991 = arith.index_cast %add3A_1990 : i32 to index
        %get3A_1992 = arith.constant 32 : index
        %get3A_1993 = tpu.vector_load %arg7[%get3A_1991, %get3A_1992] {strides = array<i32>} : memref<128x128xf32, #tpu.memory_space<vmem>>, vector<1x16xf32>,
        %get3A_1994 = vector.shape_cast %get3A_1993 : vector<1x16xf32> to vector<16xf32>
        %add3A_1995 = arith.addf %add3A_1923, %get3A_1994 : vector<16xf32>
        %mul3A_1996 = arith.constant 32 : i32
        %mul3A_1997 = arith.muli %add3A_154, %mul3A_1996 : i32
        %add3A_1998 = arith.constant 25 : i32
        %add3A_1999 = arith.addi %mul3A_1997, %add3A_1998 : i32
        %get3A_2000 = arith.index_cast %add3A_1999 : i32 to index
        %get3A_2001 = arith.constant 48 : index
        %get3A_2002 = tpu.vector_load %arg7[%get3A_2000, %get3A_2001] {strides = array<i32>} : memref<128x128xf32, #tpu.memory_space<vmem>>, vector<1x16xf32>,
        %get3A_2003 = vector.shape_cast %get3A_2002 : vector<1x16xf32> to vector<16xf32>
        %add3A_2004 = arith.addf %add3A_1932, %get3A_2003 : vector<16xf32>
        %mul3A_2005 = arith.constant 32 : i32
        %mul3A_2006 = arith.muli %add3A_154, %mul3A_2005 : i32
        %add3A_2007 = arith.constant 25 : i32
        %add3A_2008 = arith.addi %mul3A_2006, %add3A_2007 : i32
        %get3A_2009 = arith.index_cast %add3A_2008 : i32 to index
        %get3A_2010 = arith.constant 64 : index
        %get3A_2011 = tpu.vector_load %arg7[%get3A_2009, %get3A_2010] {strides = array<i32>} : memref<128x128xf32, #tpu.memory_space<vmem>>, vector<1x16xf32>,
        %get3A_2012 = vector.shape_cast %get3A_2011 : vector<1x16xf32> to vector<16xf32>
        %add3A_2013 = arith.addf %add3A_1941, %get3A_2012 : vector<16xf32>
        %mul3A_2014 = arith.constant 32 : i32
        %mul3A_2015 = arith.muli %add3A_154, %mul3A_2014 : i32
        %add3A_2016 = arith.constant 25 : i32
        %add3A_2017 = arith.addi %mul3A_2015, %add3A_2016 : i32
        %get3A_2018 = arith.index_cast %add3A_2017 : i32 to index
        %get3A_2019 = arith.constant 80 : index
        %get3A_2020 = tpu.vector_load %arg7[%get3A_2018, %get3A_2019] {strides = array<i32>} : memref<128x128xf32, #tpu.memory_space<vmem>>, vector<1x16xf32>,
        %get3A_2021 = vector.shape_cast %get3A_2020 : vector<1x16xf32> to vector<16xf32>
        %add3A_2022 = arith.addf %add3A_1950, %get3A_2021 : vector<16xf32>
        %mul3A_2023 = arith.constant 32 : i32
        %mul3A_2024 = arith.muli %add3A_154, %mul3A_2023 : i32
        %add3A_2025 = arith.constant 25 : i32
        %add3A_2026 = arith.addi %mul3A_2024, %add3A_2025 : i32
        %get3A_2027 = arith.index_cast %add3A_2026 : i32 to index
        %get3A_2028 = arith.constant 96 : index
        %get3A_2029 = tpu.vector_load %arg7[%get3A_2027, %get3A_2028] {strides = array<i32>} : memref<128x128xf32, #tpu.memory_space<vmem>>, vector<1x16xf32>,
        %get3A_2030 = vector.shape_cast %get3A_2029 : vector<1x16xf32> to vector<16xf32>
        %add3A_2031 = arith.addf %add3A_1959, %get3A_2030 : vector<16xf32>
        %mul3A_2032 = arith.constant 32 : i32
        %mul3A_2033 = arith.muli %add3A_154, %mul3A_2032 : i32
        %add3A_2034 = arith.constant 25 : i32
        %add3A_2035 = arith.addi %mul3A_2033, %add3A_2034 : i32
        %get3A_2036 = arith.index_cast %add3A_2035 : i32 to index
        %get3A_2037 = arith.constant 112 : index
        %get3A_2038 = tpu.vector_load %arg7[%get3A_2036, %get3A_2037] {strides = array<i32>} : memref<128x128xf32, #tpu.memory_space<vmem>>, vector<1x16xf32>,
        %get3A_2039 = vector.shape_cast %get3A_2038 : vector<1x16xf32> to vector<16xf32>
        %add3A_2040 = arith.addf %add3A_1968, %get3A_2039 : vector<16xf32>
        %mul3A_2041 = arith.constant 32 : i32
        %mul3A_2042 = arith.muli %add3A_154, %mul3A_2041 : i32
        %add3A_2043 = arith.constant 26 : i32
        %add3A_2044 = arith.addi %mul3A_2042, %add3A_2043 : i32
        %get3A_2045 = arith.index_cast %add3A_2044 : i32 to index
        %get3A_2046 = arith.constant 0 : index
        %get3A_2047 = tpu.vector_load %arg7[%get3A_2045, %get3A_2046] {strides = array<i32>} : memref<128x128xf32, #tpu.memory_space<vmem>>, vector<1x16xf32>,
        %get3A_2048 = vector.shape_cast %get3A_2047 : vector<1x16xf32> to vector<16xf32>
        %add3A_2049 = arith.addf %add3A_1977, %get3A_2048 : vector<16xf32>
        %mul3A_2050 = arith.constant 32 : i32
        %mul3A_2051 = arith.muli %add3A_154, %mul3A_2050 : i32
        %add3A_2052 = arith.constant 26 : i32
        %add3A_2053 = arith.addi %mul3A_2051, %add3A_2052 : i32
        %get3A_2054 = arith.index_cast %add3A_2053 : i32 to index
        %get3A_2055 = arith.constant 16 : index
        %get3A_2056 = tpu.vector_load %arg7[%get3A_2054, %get3A_2055] {strides = array<i32>} : memref<128x128xf32, #tpu.memory_space<vmem>>, vector<1x16xf32>,
        %get3A_2057 = vector.shape_cast %get3A_2056 : vector<1x16xf32> to vector<16xf32>
        %add3A_2058 = arith.addf %add3A_1986, %get3A_2057 : vector<16xf32>
        %mul3A_2059 = arith.constant 32 : i32
        %mul3A_2060 = arith.muli %add3A_154, %mul3A_2059 : i32
        %add3A_2061 = arith.constant 26 : i32
        %add3A_2062 = arith.addi %mul3A_2060, %add3A_2061 : i32
        %get3A_2063 = arith.index_cast %add3A_2062 : i32 to index
        %get3A_2064 = arith.constant 32 : index
        %get3A_2065 = tpu.vector_load %arg7[%get3A_2063, %get3A_2064] {strides = array<i32>} : memref<128x128xf32, #tpu.memory_space<vmem>>, vector<1x16xf32>,
        %get3A_2066 = vector.shape_cast %get3A_2065 : vector<1x16xf32> to vector<16xf32>
        %add3A_2067 = arith.addf %add3A_1995, %get3A_2066 : vector<16xf32>
        %mul3A_2068 = arith.constant 32 : i32
        %mul3A_2069 = arith.muli %add3A_154, %mul3A_2068 : i32
        %add3A_2070 = arith.constant 26 : i32
        %add3A_2071 = arith.addi %mul3A_2069, %add3A_2070 : i32
        %get3A_2072 = arith.index_cast %add3A_2071 : i32 to index
        %get3A_2073 = arith.constant 48 : index
        %get3A_2074 = tpu.vector_load %arg7[%get3A_2072, %get3A_2073] {strides = array<i32>} : memref<128x128xf32, #tpu.memory_space<vmem>>, vector<1x16xf32>,
        %get3A_2075 = vector.shape_cast %get3A_2074 : vector<1x16xf32> to vector<16xf32>
        %add3A_2076 = arith.addf %add3A_2004, %get3A_2075 : vector<16xf32>
        %mul3A_2077 = arith.constant 32 : i32
        %mul3A_2078 = arith.muli %add3A_154, %mul3A_2077 : i32
        %add3A_2079 = arith.constant 26 : i32
        %add3A_2080 = arith.addi %mul3A_2078, %add3A_2079 : i32
        %get3A_2081 = arith.index_cast %add3A_2080 : i32 to index
        %get3A_2082 = arith.constant 64 : index
        %get3A_2083 = tpu.vector_load %arg7[%get3A_2081, %get3A_2082] {strides = array<i32>} : memref<128x128xf32, #tpu.memory_space<vmem>>, vector<1x16xf32>,
        %get3A_2084 = vector.shape_cast %get3A_2083 : vector<1x16xf32> to vector<16xf32>
        %add3A_2085 = arith.addf %add3A_2013, %get3A_2084 : vector<16xf32>
        %mul3A_2086 = arith.constant 32 : i32
        %mul3A_2087 = arith.muli %add3A_154, %mul3A_2086 : i32
        %add3A_2088 = arith.constant 26 : i32
        %add3A_2089 = arith.addi %mul3A_2087, %add3A_2088 : i32
        %get3A_2090 = arith.index_cast %add3A_2089 : i32 to index
        %get3A_2091 = arith.constant 80 : index
        %get3A_2092 = tpu.vector_load %arg7[%get3A_2090, %get3A_2091] {strides = array<i32>} : memref<128x128xf32, #tpu.memory_space<vmem>>, vector<1x16xf32>,
        %get3A_2093 = vector.shape_cast %get3A_2092 : vector<1x16xf32> to vector<16xf32>
        %add3A_2094 = arith.addf %add3A_2022, %get3A_2093 : vector<16xf32>
        %mul3A_2095 = arith.constant 32 : i32
        %mul3A_2096 = arith.muli %add3A_154, %mul3A_2095 : i32
        %add3A_2097 = arith.constant 26 : i32
        %add3A_2098 = arith.addi %mul3A_2096, %add3A_2097 : i32
        %get3A_2099 = arith.index_cast %add3A_2098 : i32 to index
        %get3A_2100 = arith.constant 96 : index
        %get3A_2101 = tpu.vector_load %arg7[%get3A_2099, %get3A_2100] {strides = array<i32>} : memref<128x128xf32, #tpu.memory_space<vmem>>, vector<1x16xf32>,
        %get3A_2102 = vector.shape_cast %get3A_2101 : vector<1x16xf32> to vector<16xf32>
        %add3A_2103 = arith.addf %add3A_2031, %get3A_2102 : vector<16xf32>
        %mul3A_2104 = arith.constant 32 : i32
        %mul3A_2105 = arith.muli %add3A_154, %mul3A_2104 : i32
        %add3A_2106 = arith.constant 26 : i32
        %add3A_2107 = arith.addi %mul3A_2105, %add3A_2106 : i32
        %get3A_2108 = arith.index_cast %add3A_2107 : i32 to index
        %get3A_2109 = arith.constant 112 : index
        %get3A_2110 = tpu.vector_load %arg7[%get3A_2108, %get3A_2109] {strides = array<i32>} : memref<128x128xf32, #tpu.memory_space<vmem>>, vector<1x16xf32>,
        %get3A_2111 = vector.shape_cast %get3A_2110 : vector<1x16xf32> to vector<16xf32>
        %add3A_2112 = arith.addf %add3A_2040, %get3A_2111 : vector<16xf32>
        %mul3A_2113 = arith.constant 32 : i32
        %mul3A_2114 = arith.muli %add3A_154, %mul3A_2113 : i32
        %add3A_2115 = arith.constant 27 : i32
        %add3A_2116 = arith.addi %mul3A_2114, %add3A_2115 : i32
        %get3A_2117 = arith.index_cast %add3A_2116 : i32 to index
        %get3A_2118 = arith.constant 0 : index
        %get3A_2119 = tpu.vector_load %arg7[%get3A_2117, %get3A_2118] {strides = array<i32>} : memref<128x128xf32, #tpu.memory_space<vmem>>, vector<1x16xf32>,
        %get3A_2120 = vector.shape_cast %get3A_2119 : vector<1x16xf32> to vector<16xf32>
        %add3A_2121 = arith.addf %add3A_2049, %get3A_2120 : vector<16xf32>
        %mul3A_2122 = arith.constant 32 : i32
        %mul3A_2123 = arith.muli %add3A_154, %mul3A_2122 : i32
        %add3A_2124 = arith.constant 27 : i32
        %add3A_2125 = arith.addi %mul3A_2123, %add3A_2124 : i32
        %get3A_2126 = arith.index_cast %add3A_2125 : i32 to index
        %get3A_2127 = arith.constant 16 : index
        %get3A_2128 = tpu.vector_load %arg7[%get3A_2126, %get3A_2127] {strides = array<i32>} : memref<128x128xf32, #tpu.memory_space<vmem>>, vector<1x16xf32>,
        %get3A_2129 = vector.shape_cast %get3A_2128 : vector<1x16xf32> to vector<16xf32>
        %add3A_2130 = arith.addf %add3A_2058, %get3A_2129 : vector<16xf32>
        %mul3A_2131 = arith.constant 32 : i32
        %mul3A_2132 = arith.muli %add3A_154, %mul3A_2131 : i32
        %add3A_2133 = arith.constant 27 : i32
        %add3A_2134 = arith.addi %mul3A_2132, %add3A_2133 : i32
        %get3A_2135 = arith.index_cast %add3A_2134 : i32 to index
        %get3A_2136 = arith.constant 32 : index
        %get3A_2137 = tpu.vector_load %arg7[%get3A_2135, %get3A_2136] {strides = array<i32>} : memref<128x128xf32, #tpu.memory_space<vmem>>, vector<1x16xf32>,
        %get3A_2138 = vector.shape_cast %get3A_2137 : vector<1x16xf32> to vector<16xf32>
        %add3A_2139 = arith.addf %add3A_2067, %get3A_2138 : vector<16xf32>
        %mul3A_2140 = arith.constant 32 : i32
        %mul3A_2141 = arith.muli %add3A_154, %mul3A_2140 : i32
        %add3A_2142 = arith.constant 27 : i32
        %add3A_2143 = arith.addi %mul3A_2141, %add3A_2142 : i32
        %get3A_2144 = arith.index_cast %add3A_2143 : i32 to index
        %get3A_2145 = arith.constant 48 : index
        %get3A_2146 = tpu.vector_load %arg7[%get3A_2144, %get3A_2145] {strides = array<i32>} : memref<128x128xf32, #tpu.memory_space<vmem>>, vector<1x16xf32>,
        %get3A_2147 = vector.shape_cast %get3A_2146 : vector<1x16xf32> to vector<16xf32>
        %add3A_2148 = arith.addf %add3A_2076, %get3A_2147 : vector<16xf32>
        %mul3A_2149 = arith.constant 32 : i32
        %mul3A_2150 = arith.muli %add3A_154, %mul3A_2149 : i32
        %add3A_2151 = arith.constant 27 : i32
        %add3A_2152 = arith.addi %mul3A_2150, %add3A_2151 : i32
        %get3A_2153 = arith.index_cast %add3A_2152 : i32 to index
        %get3A_2154 = arith.constant 64 : index
        %get3A_2155 = tpu.vector_load %arg7[%get3A_2153, %get3A_2154] {strides = array<i32>} : memref<128x128xf32, #tpu.memory_space<vmem>>, vector<1x16xf32>,
        %get3A_2156 = vector.shape_cast %get3A_2155 : vector<1x16xf32> to vector<16xf32>
        %add3A_2157 = arith.addf %add3A_2085, %get3A_2156 : vector<16xf32>
        %mul3A_2158 = arith.constant 32 : i32
        %mul3A_2159 = arith.muli %add3A_154, %mul3A_2158 : i32
        %add3A_2160 = arith.constant 27 : i32
        %add3A_2161 = arith.addi %mul3A_2159, %add3A_2160 : i32
        %get3A_2162 = arith.index_cast %add3A_2161 : i32 to index
        %get3A_2163 = arith.constant 80 : index
        %get3A_2164 = tpu.vector_load %arg7[%get3A_2162, %get3A_2163] {strides = array<i32>} : memref<128x128xf32, #tpu.memory_space<vmem>>, vector<1x16xf32>,
        %get3A_2165 = vector.shape_cast %get3A_2164 : vector<1x16xf32> to vector<16xf32>
        %add3A_2166 = arith.addf %add3A_2094, %get3A_2165 : vector<16xf32>
        %mul3A_2167 = arith.constant 32 : i32
        %mul3A_2168 = arith.muli %add3A_154, %mul3A_2167 : i32
        %add3A_2169 = arith.constant 27 : i32
        %add3A_2170 = arith.addi %mul3A_2168, %add3A_2169 : i32
        %get3A_2171 = arith.index_cast %add3A_2170 : i32 to index
        %get3A_2172 = arith.constant 96 : index
        %get3A_2173 = tpu.vector_load %arg7[%get3A_2171, %get3A_2172] {strides = array<i32>} : memref<128x128xf32, #tpu.memory_space<vmem>>, vector<1x16xf32>,
        %get3A_2174 = vector.shape_cast %get3A_2173 : vector<1x16xf32> to vector<16xf32>
        %add3A_2175 = arith.addf %add3A_2103, %get3A_2174 : vector<16xf32>
        %mul3A_2176 = arith.constant 32 : i32
        %mul3A_2177 = arith.muli %add3A_154, %mul3A_2176 : i32
        %add3A_2178 = arith.constant 27 : i32
        %add3A_2179 = arith.addi %mul3A_2177, %add3A_2178 : i32
        %get3A_2180 = arith.index_cast %add3A_2179 : i32 to index
        %get3A_2181 = arith.constant 112 : index
        %get3A_2182 = tpu.vector_load %arg7[%get3A_2180, %get3A_2181] {strides = array<i32>} : memref<128x128xf32, #tpu.memory_space<vmem>>, vector<1x16xf32>,
        %get3A_2183 = vector.shape_cast %get3A_2182 : vector<1x16xf32> to vector<16xf32>
        %add3A_2184 = arith.addf %add3A_2112, %get3A_2183 : vector<16xf32>
        %mul3A_2185 = arith.constant 32 : i32
        %mul3A_2186 = arith.muli %add3A_154, %mul3A_2185 : i32
        %add3A_2187 = arith.constant 28 : i32
        %add3A_2188 = arith.addi %mul3A_2186, %add3A_2187 : i32
        %get3A_2189 = arith.index_cast %add3A_2188 : i32 to index
        %get3A_2190 = arith.constant 0 : index
        %get3A_2191 = tpu.vector_load %arg7[%get3A_2189, %get3A_2190] {strides = array<i32>} : memref<128x128xf32, #tpu.memory_space<vmem>>, vector<1x16xf32>,
        %get3A_2192 = vector.shape_cast %get3A_2191 : vector<1x16xf32> to vector<16xf32>
        %add3A_2193 = arith.addf %add3A_2121, %get3A_2192 : vector<16xf32>
        %mul3A_2194 = arith.constant 32 : i32
        %mul3A_2195 = arith.muli %add3A_154, %mul3A_2194 : i32
        %add3A_2196 = arith.constant 28 : i32
        %add3A_2197 = arith.addi %mul3A_2195, %add3A_2196 : i32
        %get3A_2198 = arith.index_cast %add3A_2197 : i32 to index
        %get3A_2199 = arith.constant 16 : index
        %get3A_2200 = tpu.vector_load %arg7[%get3A_2198, %get3A_2199] {strides = array<i32>} : memref<128x128xf32, #tpu.memory_space<vmem>>, vector<1x16xf32>,
        %get3A_2201 = vector.shape_cast %get3A_2200 : vector<1x16xf32> to vector<16xf32>
        %add3A_2202 = arith.addf %add3A_2130, %get3A_2201 : vector<16xf32>
        %mul3A_2203 = arith.constant 32 : i32
        %mul3A_2204 = arith.muli %add3A_154, %mul3A_2203 : i32
        %add3A_2205 = arith.constant 28 : i32
        %add3A_2206 = arith.addi %mul3A_2204, %add3A_2205 : i32
        %get3A_2207 = arith.index_cast %add3A_2206 : i32 to index
        %get3A_2208 = arith.constant 32 : index
        %get3A_2209 = tpu.vector_load %arg7[%get3A_2207, %get3A_2208] {strides = array<i32>} : memref<128x128xf32, #tpu.memory_space<vmem>>, vector<1x16xf32>,
        %get3A_2210 = vector.shape_cast %get3A_2209 : vector<1x16xf32> to vector<16xf32>
        %add3A_2211 = arith.addf %add3A_2139, %get3A_2210 : vector<16xf32>
        %mul3A_2212 = arith.constant 32 : i32
        %mul3A_2213 = arith.muli %add3A_154, %mul3A_2212 : i32
        %add3A_2214 = arith.constant 28 : i32
        %add3A_2215 = arith.addi %mul3A_2213, %add3A_2214 : i32
        %get3A_2216 = arith.index_cast %add3A_2215 : i32 to index
        %get3A_2217 = arith.constant 48 : index
        %get3A_2218 = tpu.vector_load %arg7[%get3A_2216, %get3A_2217] {strides = array<i32>} : memref<128x128xf32, #tpu.memory_space<vmem>>, vector<1x16xf32>,
        %get3A_2219 = vector.shape_cast %get3A_2218 : vector<1x16xf32> to vector<16xf32>
        %add3A_2220 = arith.addf %add3A_2148, %get3A_2219 : vector<16xf32>
        %mul3A_2221 = arith.constant 32 : i32
        %mul3A_2222 = arith.muli %add3A_154, %mul3A_2221 : i32
        %add3A_2223 = arith.constant 28 : i32
        %add3A_2224 = arith.addi %mul3A_2222, %add3A_2223 : i32
        %get3A_2225 = arith.index_cast %add3A_2224 : i32 to index
        %get3A_2226 = arith.constant 64 : index
        %get3A_2227 = tpu.vector_load %arg7[%get3A_2225, %get3A_2226] {strides = array<i32>} : memref<128x128xf32, #tpu.memory_space<vmem>>, vector<1x16xf32>,
        %get3A_2228 = vector.shape_cast %get3A_2227 : vector<1x16xf32> to vector<16xf32>
        %add3A_2229 = arith.addf %add3A_2157, %get3A_2228 : vector<16xf32>
        %mul3A_2230 = arith.constant 32 : i32
        %mul3A_2231 = arith.muli %add3A_154, %mul3A_2230 : i32
        %add3A_2232 = arith.constant 28 : i32
        %add3A_2233 = arith.addi %mul3A_2231, %add3A_2232 : i32
        %get3A_2234 = arith.index_cast %add3A_2233 : i32 to index
        %get3A_2235 = arith.constant 80 : index
        %get3A_2236 = tpu.vector_load %arg7[%get3A_2234, %get3A_2235] {strides = array<i32>} : memref<128x128xf32, #tpu.memory_space<vmem>>, vector<1x16xf32>,
        %get3A_2237 = vector.shape_cast %get3A_2236 : vector<1x16xf32> to vector<16xf32>
        %add3A_2238 = arith.addf %add3A_2166, %get3A_2237 : vector<16xf32>
        %mul3A_2239 = arith.constant 32 : i32
        %mul3A_2240 = arith.muli %add3A_154, %mul3A_2239 : i32
        %add3A_2241 = arith.constant 28 : i32
        %add3A_2242 = arith.addi %mul3A_2240, %add3A_2241 : i32
        %get3A_2243 = arith.index_cast %add3A_2242 : i32 to index
        %get3A_2244 = arith.constant 96 : index
        %get3A_2245 = tpu.vector_load %arg7[%get3A_2243, %get3A_2244] {strides = array<i32>} : memref<128x128xf32, #tpu.memory_space<vmem>>, vector<1x16xf32>,
        %get3A_2246 = vector.shape_cast %get3A_2245 : vector<1x16xf32> to vector<16xf32>
        %add3A_2247 = arith.addf %add3A_2175, %get3A_2246 : vector<16xf32>
        %mul3A_2248 = arith.constant 32 : i32
        %mul3A_2249 = arith.muli %add3A_154, %mul3A_2248 : i32
        %add3A_2250 = arith.constant 28 : i32
        %add3A_2251 = arith.addi %mul3A_2249, %add3A_2250 : i32
        %get3A_2252 = arith.index_cast %add3A_2251 : i32 to index
        %get3A_2253 = arith.constant 112 : index
        %get3A_2254 = tpu.vector_load %arg7[%get3A_2252, %get3A_2253] {strides = array<i32>} : memref<128x128xf32, #tpu.memory_space<vmem>>, vector<1x16xf32>,
        %get3A_2255 = vector.shape_cast %get3A_2254 : vector<1x16xf32> to vector<16xf32>
        %add3A_2256 = arith.addf %add3A_2184, %get3A_2255 : vector<16xf32>
        %mul3A_2257 = arith.constant 32 : i32
        %mul3A_2258 = arith.muli %add3A_154, %mul3A_2257 : i32
        %add3A_2259 = arith.constant 29 : i32
        %add3A_2260 = arith.addi %mul3A_2258, %add3A_2259 : i32
        %get3A_2261 = arith.index_cast %add3A_2260 : i32 to index
        %get3A_2262 = arith.constant 0 : index
        %get3A_2263 = tpu.vector_load %arg7[%get3A_2261, %get3A_2262] {strides = array<i32>} : memref<128x128xf32, #tpu.memory_space<vmem>>, vector<1x16xf32>,
        %get3A_2264 = vector.shape_cast %get3A_2263 : vector<1x16xf32> to vector<16xf32>
        %add3A_2265 = arith.addf %add3A_2193, %get3A_2264 : vector<16xf32>
        %mul3A_2266 = arith.constant 32 : i32
        %mul3A_2267 = arith.muli %add3A_154, %mul3A_2266 : i32
        %add3A_2268 = arith.constant 29 : i32
        %add3A_2269 = arith.addi %mul3A_2267, %add3A_2268 : i32
        %get3A_2270 = arith.index_cast %add3A_2269 : i32 to index
        %get3A_2271 = arith.constant 16 : index
        %get3A_2272 = tpu.vector_load %arg7[%get3A_2270, %get3A_2271] {strides = array<i32>} : memref<128x128xf32, #tpu.memory_space<vmem>>, vector<1x16xf32>,
        %get3A_2273 = vector.shape_cast %get3A_2272 : vector<1x16xf32> to vector<16xf32>
        %add3A_2274 = arith.addf %add3A_2202, %get3A_2273 : vector<16xf32>
        %mul3A_2275 = arith.constant 32 : i32
        %mul3A_2276 = arith.muli %add3A_154, %mul3A_2275 : i32
        %add3A_2277 = arith.constant 29 : i32
        %add3A_2278 = arith.addi %mul3A_2276, %add3A_2277 : i32
        %get3A_2279 = arith.index_cast %add3A_2278 : i32 to index
        %get3A_2280 = arith.constant 32 : index
        %get3A_2281 = tpu.vector_load %arg7[%get3A_2279, %get3A_2280] {strides = array<i32>} : memref<128x128xf32, #tpu.memory_space<vmem>>, vector<1x16xf32>,
        %get3A_2282 = vector.shape_cast %get3A_2281 : vector<1x16xf32> to vector<16xf32>
        %add3A_2283 = arith.addf %add3A_2211, %get3A_2282 : vector<16xf32>
        %mul3A_2284 = arith.constant 32 : i32
        %mul3A_2285 = arith.muli %add3A_154, %mul3A_2284 : i32
        %add3A_2286 = arith.constant 29 : i32
        %add3A_2287 = arith.addi %mul3A_2285, %add3A_2286 : i32
        %get3A_2288 = arith.index_cast %add3A_2287 : i32 to index
        %get3A_2289 = arith.constant 48 : index
        %get3A_2290 = tpu.vector_load %arg7[%get3A_2288, %get3A_2289] {strides = array<i32>} : memref<128x128xf32, #tpu.memory_space<vmem>>, vector<1x16xf32>,
        %get3A_2291 = vector.shape_cast %get3A_2290 : vector<1x16xf32> to vector<16xf32>
        %add3A_2292 = arith.addf %add3A_2220, %get3A_2291 : vector<16xf32>
        %mul3A_2293 = arith.constant 32 : i32
        %mul3A_2294 = arith.muli %add3A_154, %mul3A_2293 : i32
        %add3A_2295 = arith.constant 29 : i32
        %add3A_2296 = arith.addi %mul3A_2294, %add3A_2295 : i32
        %get3A_2297 = arith.index_cast %add3A_2296 : i32 to index
        %get3A_2298 = arith.constant 64 : index
        %get3A_2299 = tpu.vector_load %arg7[%get3A_2297, %get3A_2298] {strides = array<i32>} : memref<128x128xf32, #tpu.memory_space<vmem>>, vector<1x16xf32>,
        %get3A_2300 = vector.shape_cast %get3A_2299 : vector<1x16xf32> to vector<16xf32>
        %add3A_2301 = arith.addf %add3A_2229, %get3A_2300 : vector<16xf32>
        %mul3A_2302 = arith.constant 32 : i32
        %mul3A_2303 = arith.muli %add3A_154, %mul3A_2302 : i32
        %add3A_2304 = arith.constant 29 : i32
        %add3A_2305 = arith.addi %mul3A_2303, %add3A_2304 : i32
        %get3A_2306 = arith.index_cast %add3A_2305 : i32 to index
        %get3A_2307 = arith.constant 80 : index
        %get3A_2308 = tpu.vector_load %arg7[%get3A_2306, %get3A_2307] {strides = array<i32>} : memref<128x128xf32, #tpu.memory_space<vmem>>, vector<1x16xf32>,
        %get3A_2309 = vector.shape_cast %get3A_2308 : vector<1x16xf32> to vector<16xf32>
        %add3A_2310 = arith.addf %add3A_2238, %get3A_2309 : vector<16xf32>
        %mul3A_2311 = arith.constant 32 : i32
        %mul3A_2312 = arith.muli %add3A_154, %mul3A_2311 : i32
        %add3A_2313 = arith.constant 29 : i32
        %add3A_2314 = arith.addi %mul3A_2312, %add3A_2313 : i32
        %get3A_2315 = arith.index_cast %add3A_2314 : i32 to index
        %get3A_2316 = arith.constant 96 : index
        %get3A_2317 = tpu.vector_load %arg7[%get3A_2315, %get3A_2316] {strides = array<i32>} : memref<128x128xf32, #tpu.memory_space<vmem>>, vector<1x16xf32>,
        %get3A_2318 = vector.shape_cast %get3A_2317 : vector<1x16xf32> to vector<16xf32>
        %add3A_2319 = arith.addf %add3A_2247, %get3A_2318 : vector<16xf32>
        %mul3A_2320 = arith.constant 32 : i32
        %mul3A_2321 = arith.muli %add3A_154, %mul3A_2320 : i32
        %add3A_2322 = arith.constant 29 : i32
        %add3A_2323 = arith.addi %mul3A_2321, %add3A_2322 : i32
        %get3A_2324 = arith.index_cast %add3A_2323 : i32 to index
        %get3A_2325 = arith.constant 112 : index
        %get3A_2326 = tpu.vector_load %arg7[%get3A_2324, %get3A_2325] {strides = array<i32>} : memref<128x128xf32, #tpu.memory_space<vmem>>, vector<1x16xf32>,
        %get3A_2327 = vector.shape_cast %get3A_2326 : vector<1x16xf32> to vector<16xf32>
        %add3A_2328 = arith.addf %add3A_2256, %get3A_2327 : vector<16xf32>
        %mul3A_2329 = arith.constant 32 : i32
        %mul3A_2330 = arith.muli %add3A_154, %mul3A_2329 : i32
        %add3A_2331 = arith.constant 30 : i32
        %add3A_2332 = arith.addi %mul3A_2330, %add3A_2331 : i32
        %get3A_2333 = arith.index_cast %add3A_2332 : i32 to index
        %get3A_2334 = arith.constant 0 : index
        %get3A_2335 = tpu.vector_load %arg7[%get3A_2333, %get3A_2334] {strides = array<i32>} : memref<128x128xf32, #tpu.memory_space<vmem>>, vector<1x16xf32>,
        %get3A_2336 = vector.shape_cast %get3A_2335 : vector<1x16xf32> to vector<16xf32>
        %add3A_2337 = arith.addf %add3A_2265, %get3A_2336 : vector<16xf32>
        %mul3A_2338 = arith.constant 32 : i32
        %mul3A_2339 = arith.muli %add3A_154, %mul3A_2338 : i32
        %add3A_2340 = arith.constant 30 : i32
        %add3A_2341 = arith.addi %mul3A_2339, %add3A_2340 : i32
        %get3A_2342 = arith.index_cast %add3A_2341 : i32 to index
        %get3A_2343 = arith.constant 16 : index
        %get3A_2344 = tpu.vector_load %arg7[%get3A_2342, %get3A_2343] {strides = array<i32>} : memref<128x128xf32, #tpu.memory_space<vmem>>, vector<1x16xf32>,
        %get3A_2345 = vector.shape_cast %get3A_2344 : vector<1x16xf32> to vector<16xf32>
        %add3A_2346 = arith.addf %add3A_2274, %get3A_2345 : vector<16xf32>
        %mul3A_2347 = arith.constant 32 : i32
        %mul3A_2348 = arith.muli %add3A_154, %mul3A_2347 : i32
        %add3A_2349 = arith.constant 30 : i32
        %add3A_2350 = arith.addi %mul3A_2348, %add3A_2349 : i32
        %get3A_2351 = arith.index_cast %add3A_2350 : i32 to index
        %get3A_2352 = arith.constant 32 : index
        %get3A_2353 = tpu.vector_load %arg7[%get3A_2351, %get3A_2352] {strides = array<i32>} : memref<128x128xf32, #tpu.memory_space<vmem>>, vector<1x16xf32>,
        %get3A_2354 = vector.shape_cast %get3A_2353 : vector<1x16xf32> to vector<16xf32>
        %add3A_2355 = arith.addf %add3A_2283, %get3A_2354 : vector<16xf32>
        %mul3A_2356 = arith.constant 32 : i32
        %mul3A_2357 = arith.muli %add3A_154, %mul3A_2356 : i32
        %add3A_2358 = arith.constant 30 : i32
        %add3A_2359 = arith.addi %mul3A_2357, %add3A_2358 : i32
        %get3A_2360 = arith.index_cast %add3A_2359 : i32 to index
        %get3A_2361 = arith.constant 48 : index
        %get3A_2362 = tpu.vector_load %arg7[%get3A_2360, %get3A_2361] {strides = array<i32>} : memref<128x128xf32, #tpu.memory_space<vmem>>, vector<1x16xf32>,
        %get3A_2363 = vector.shape_cast %get3A_2362 : vector<1x16xf32> to vector<16xf32>
        %add3A_2364 = arith.addf %add3A_2292, %get3A_2363 : vector<16xf32>
        %mul3A_2365 = arith.constant 32 : i32
        %mul3A_2366 = arith.muli %add3A_154, %mul3A_2365 : i32
        %add3A_2367 = arith.constant 30 : i32
        %add3A_2368 = arith.addi %mul3A_2366, %add3A_2367 : i32
        %get3A_2369 = arith.index_cast %add3A_2368 : i32 to index
        %get3A_2370 = arith.constant 64 : index
        %get3A_2371 = tpu.vector_load %arg7[%get3A_2369, %get3A_2370] {strides = array<i32>} : memref<128x128xf32, #tpu.memory_space<vmem>>, vector<1x16xf32>,
        %get3A_2372 = vector.shape_cast %get3A_2371 : vector<1x16xf32> to vector<16xf32>
        %add3A_2373 = arith.addf %add3A_2301, %get3A_2372 : vector<16xf32>
        %mul3A_2374 = arith.constant 32 : i32
        %mul3A_2375 = arith.muli %add3A_154, %mul3A_2374 : i32
        %add3A_2376 = arith.constant 30 : i32
        %add3A_2377 = arith.addi %mul3A_2375, %add3A_2376 : i32
        %get3A_2378 = arith.index_cast %add3A_2377 : i32 to index
        %get3A_2379 = arith.constant 80 : index
        %get3A_2380 = tpu.vector_load %arg7[%get3A_2378, %get3A_2379] {strides = array<i32>} : memref<128x128xf32, #tpu.memory_space<vmem>>, vector<1x16xf32>,
        %get3A_2381 = vector.shape_cast %get3A_2380 : vector<1x16xf32> to vector<16xf32>
        %add3A_2382 = arith.addf %add3A_2310, %get3A_2381 : vector<16xf32>
        %mul3A_2383 = arith.constant 32 : i32
        %mul3A_2384 = arith.muli %add3A_154, %mul3A_2383 : i32
        %add3A_2385 = arith.constant 30 : i32
        %add3A_2386 = arith.addi %mul3A_2384, %add3A_2385 : i32
        %get3A_2387 = arith.index_cast %add3A_2386 : i32 to index
        %get3A_2388 = arith.constant 96 : index
        %get3A_2389 = tpu.vector_load %arg7[%get3A_2387, %get3A_2388] {strides = array<i32>} : memref<128x128xf32, #tpu.memory_space<vmem>>, vector<1x16xf32>,
        %get3A_2390 = vector.shape_cast %get3A_2389 : vector<1x16xf32> to vector<16xf32>
        %add3A_2391 = arith.addf %add3A_2319, %get3A_2390 : vector<16xf32>
        %mul3A_2392 = arith.constant 32 : i32
        %mul3A_2393 = arith.muli %add3A_154, %mul3A_2392 : i32
        %add3A_2394 = arith.constant 30 : i32
        %add3A_2395 = arith.addi %mul3A_2393, %add3A_2394 : i32
        %get3A_2396 = arith.index_cast %add3A_2395 : i32 to index
        %get3A_2397 = arith.constant 112 : index
        %get3A_2398 = tpu.vector_load %arg7[%get3A_2396, %get3A_2397] {strides = array<i32>} : memref<128x128xf32, #tpu.memory_space<vmem>>, vector<1x16xf32>,
        %get3A_2399 = vector.shape_cast %get3A_2398 : vector<1x16xf32> to vector<16xf32>
        %add3A_2400 = arith.addf %add3A_2328, %get3A_2399 : vector<16xf32>
        %mul3A_2401 = arith.constant 32 : i32
        %mul3A_2402 = arith.muli %add3A_154, %mul3A_2401 : i32
        %add3A_2403 = arith.constant 31 : i32
        %add3A_2404 = arith.addi %mul3A_2402, %add3A_2403 : i32
        %get3A_2405 = arith.index_cast %add3A_2404 : i32 to index
        %get3A_2406 = arith.constant 0 : index
        %get3A_2407 = tpu.vector_load %arg7[%get3A_2405, %get3A_2406] {strides = array<i32>} : memref<128x128xf32, #tpu.memory_space<vmem>>, vector<1x16xf32>,
        %get3A_2408 = vector.shape_cast %get3A_2407 : vector<1x16xf32> to vector<16xf32>
        %add3A_2409 = arith.addf %add3A_2337, %get3A_2408 : vector<16xf32>
        %mul3A_2410 = arith.constant 32 : i32
        %mul3A_2411 = arith.muli %add3A_154, %mul3A_2410 : i32
        %add3A_2412 = arith.constant 31 : i32
        %add3A_2413 = arith.addi %mul3A_2411, %add3A_2412 : i32
        %get3A_2414 = arith.index_cast %add3A_2413 : i32 to index
        %get3A_2415 = arith.constant 16 : index
        %get3A_2416 = tpu.vector_load %arg7[%get3A_2414, %get3A_2415] {strides = array<i32>} : memref<128x128xf32, #tpu.memory_space<vmem>>, vector<1x16xf32>,
        %get3A_2417 = vector.shape_cast %get3A_2416 : vector<1x16xf32> to vector<16xf32>
        %add3A_2418 = arith.addf %add3A_2346, %get3A_2417 : vector<16xf32>
        %mul3A_2419 = arith.constant 32 : i32
        %mul3A_2420 = arith.muli %add3A_154, %mul3A_2419 : i32
        %add3A_2421 = arith.constant 31 : i32
        %add3A_2422 = arith.addi %mul3A_2420, %add3A_2421 : i32
        %get3A_2423 = arith.index_cast %add3A_2422 : i32 to index
        %get3A_2424 = arith.constant 32 : index
        %get3A_2425 = tpu.vector_load %arg7[%get3A_2423, %get3A_2424] {strides = array<i32>} : memref<128x128xf32, #tpu.memory_space<vmem>>, vector<1x16xf32>,
        %get3A_2426 = vector.shape_cast %get3A_2425 : vector<1x16xf32> to vector<16xf32>
        %add3A_2427 = arith.addf %add3A_2355, %get3A_2426 : vector<16xf32>
        %mul3A_2428 = arith.constant 32 : i32
        %mul3A_2429 = arith.muli %add3A_154, %mul3A_2428 : i32
        %add3A_2430 = arith.constant 31 : i32
        %add3A_2431 = arith.addi %mul3A_2429, %add3A_2430 : i32
        %get3A_2432 = arith.index_cast %add3A_2431 : i32 to index
        %get3A_2433 = arith.constant 48 : index
        %get3A_2434 = tpu.vector_load %arg7[%get3A_2432, %get3A_2433] {strides = array<i32>} : memref<128x128xf32, #tpu.memory_space<vmem>>, vector<1x16xf32>,
        %get3A_2435 = vector.shape_cast %get3A_2434 : vector<1x16xf32> to vector<16xf32>
        %add3A_2436 = arith.addf %add3A_2364, %get3A_2435 : vector<16xf32>
        %mul3A_2437 = arith.constant 32 : i32
        %mul3A_2438 = arith.muli %add3A_154, %mul3A_2437 : i32
        %add3A_2439 = arith.constant 31 : i32
        %add3A_2440 = arith.addi %mul3A_2438, %add3A_2439 : i32
        %get3A_2441 = arith.index_cast %add3A_2440 : i32 to index
        %get3A_2442 = arith.constant 64 : index
        %get3A_2443 = tpu.vector_load %arg7[%get3A_2441, %get3A_2442] {strides = array<i32>} : memref<128x128xf32, #tpu.memory_space<vmem>>, vector<1x16xf32>,
        %get3A_2444 = vector.shape_cast %get3A_2443 : vector<1x16xf32> to vector<16xf32>
        %add3A_2445 = arith.addf %add3A_2373, %get3A_2444 : vector<16xf32>
        %mul3A_2446 = arith.constant 32 : i32
        %mul3A_2447 = arith.muli %add3A_154, %mul3A_2446 : i32
        %add3A_2448 = arith.constant 31 : i32
        %add3A_2449 = arith.addi %mul3A_2447, %add3A_2448 : i32
        %get3A_2450 = arith.index_cast %add3A_2449 : i32 to index
        %get3A_2451 = arith.constant 80 : index
        %get3A_2452 = tpu.vector_load %arg7[%get3A_2450, %get3A_2451] {strides = array<i32>} : memref<128x128xf32, #tpu.memory_space<vmem>>, vector<1x16xf32>,
        %get3A_2453 = vector.shape_cast %get3A_2452 : vector<1x16xf32> to vector<16xf32>
        %add3A_2454 = arith.addf %add3A_2382, %get3A_2453 : vector<16xf32>
        %mul3A_2455 = arith.constant 32 : i32
        %mul3A_2456 = arith.muli %add3A_154, %mul3A_2455 : i32
        %add3A_2457 = arith.constant 31 : i32
        %add3A_2458 = arith.addi %mul3A_2456, %add3A_2457 : i32
        %get3A_2459 = arith.index_cast %add3A_2458 : i32 to index
        %get3A_2460 = arith.constant 96 : index
        %get3A_2461 = tpu.vector_load %arg7[%get3A_2459, %get3A_2460] {strides = array<i32>} : memref<128x128xf32, #tpu.memory_space<vmem>>, vector<1x16xf32>,
        %get3A_2462 = vector.shape_cast %get3A_2461 : vector<1x16xf32> to vector<16xf32>
        %add3A_2463 = arith.addf %add3A_2391, %get3A_2462 : vector<16xf32>
        %mul3A_2464 = arith.constant 32 : i32
        %mul3A_2465 = arith.muli %add3A_154, %mul3A_2464 : i32
        %add3A_2466 = arith.constant 31 : i32
        %add3A_2467 = arith.addi %mul3A_2465, %add3A_2466 : i32
        %get3A_2468 = arith.index_cast %add3A_2467 : i32 to index
        %get3A_2469 = arith.constant 112 : index
        %get3A_2470 = tpu.vector_load %arg7[%get3A_2468, %get3A_2469] {strides = array<i32>} : memref<128x128xf32, #tpu.memory_space<vmem>>, vector<1x16xf32>,
        %get3A_2471 = vector.shape_cast %get3A_2470 : vector<1x16xf32> to vector<16xf32>
        %add3A_2472 = arith.addf %add3A_2400, %get3A_2471 : vector<16xf32>
        %mul3A_2473 = arith.constant 3.125000e-02 : f32
        %mul3A_2474 = vector.broadcast %mul3A_2473 : f32 to vector<16xf32>
        %mul3A_2475 = arith.mulf %add3A_2409, %mul3A_2474 : vector<16xf32>
        %swap3A = arith.index_cast %add3A_154 : i32 to index
        %swap3A_2476 = arith.constant 0 : index
        %swap3A_2477 = tpu.vector_load %arg9[%swap3A, %swap3A_2476] {strides = array<i32>} : memref<4x128xf32, #tpu.memory_space<vmem>>, vector<1x16xf32>,
        %swap3A_2478 = vector.shape_cast %swap3A_2477 : vector<1x16xf32> to vector<16xf32>
        %swap3A_2479 = vector.shape_cast %mul3A_2475 : vector<16xf32> to vector<1x16xf32>
        tpu.vector_store %arg9[%swap3A, %swap3A_2476], %swap3A_2479 {strides = array<i32>} : memref<4x128xf32, #tpu.memory_space<vmem>>, vector<1x16xf32>,
        %mul3A_2480 = arith.constant 3.125000e-02 : f32
        %mul3A_2481 = vector.broadcast %mul3A_2480 : f32 to vector<16xf32>
        %mul3A_2482 = arith.mulf %add3A_2418, %mul3A_2481 : vector<16xf32>
        %swap3A_2483 = arith.index_cast %add3A_154 : i32 to index
        %swap3A_2484 = arith.constant 16 : index
        %swap3A_2485 = tpu.vector_load %arg9[%swap3A_2483, %swap3A_2484] {strides = array<i32>} : memref<4x128xf32, #tpu.memory_space<vmem>>, vector<1x16xf32>,
        %swap3A_2486 = vector.shape_cast %swap3A_2485 : vector<1x16xf32> to vector<16xf32>
        %swap3A_2487 = vector.shape_cast %mul3A_2482 : vector<16xf32> to vector<1x16xf32>
        tpu.vector_store %arg9[%swap3A_2483, %swap3A_2484], %swap3A_2487 {strides = array<i32>} : memref<4x128xf32, #tpu.memory_space<vmem>>, vector<1x16xf32>,
        %mul3A_2488 = arith.constant 3.125000e-02 : f32
        %mul3A_2489 = vector.broadcast %mul3A_2488 : f32 to vector<16xf32>
        %mul3A_2490 = arith.mulf %add3A_2427, %mul3A_2489 : vector<16xf32>
        %swap3A_2491 = arith.index_cast %add3A_154 : i32 to index
        %swap3A_2492 = arith.constant 32 : index
        %swap3A_2493 = tpu.vector_load %arg9[%swap3A_2491, %swap3A_2492] {strides = array<i32>} : memref<4x128xf32, #tpu.memory_space<vmem>>, vector<1x16xf32>,
        %swap3A_2494 = vector.shape_cast %swap3A_2493 : vector<1x16xf32> to vector<16xf32>
        %swap3A_2495 = vector.shape_cast %mul3A_2490 : vector<16xf32> to vector<1x16xf32>
        tpu.vector_store %arg9[%swap3A_2491, %swap3A_2492], %swap3A_2495 {strides = array<i32>} : memref<4x128xf32, #tpu.memory_space<vmem>>, vector<1x16xf32>,
        %mul3A_2496 = arith.constant 3.125000e-02 : f32
        %mul3A_2497 = vector.broadcast %mul3A_2496 : f32 to vector<16xf32>
        %mul3A_2498 = arith.mulf %add3A_2436, %mul3A_2497 : vector<16xf32>
        %swap3A_2499 = arith.index_cast %add3A_154 : i32 to index
        %swap3A_2500 = arith.constant 48 : index
        %swap3A_2501 = tpu.vector_load %arg9[%swap3A_2499, %swap3A_2500] {strides = array<i32>} : memref<4x128xf32, #tpu.memory_space<vmem>>, vector<1x16xf32>,
        %swap3A_2502 = vector.shape_cast %swap3A_2501 : vector<1x16xf32> to vector<16xf32>
        %swap3A_2503 = vector.shape_cast %mul3A_2498 : vector<16xf32> to vector<1x16xf32>
        tpu.vector_store %arg9[%swap3A_2499, %swap3A_2500], %swap3A_2503 {strides = array<i32>} : memref<4x128xf32, #tpu.memory_space<vmem>>, vector<1x16xf32>,
        %mul3A_2504 = arith.constant 3.125000e-02 : f32
        %mul3A_2505 = vector.broadcast %mul3A_2504 : f32 to vector<16xf32>
        %mul3A_2506 = arith.mulf %add3A_2445, %mul3A_2505 : vector<16xf32>
        %swap3A_2507 = arith.index_cast %add3A_154 : i32 to index
        %swap3A_2508 = arith.constant 64 : index
        %swap3A_2509 = tpu.vector_load %arg9[%swap3A_2507, %swap3A_2508] {strides = array<i32>} : memref<4x128xf32, #tpu.memory_space<vmem>>, vector<1x16xf32>,
        %swap3A_2510 = vector.shape_cast %swap3A_2509 : vector<1x16xf32> to vector<16xf32>
        %swap3A_2511 = vector.shape_cast %mul3A_2506 : vector<16xf32> to vector<1x16xf32>
        tpu.vector_store %arg9[%swap3A_2507, %swap3A_2508], %swap3A_2511 {strides = array<i32>} : memref<4x128xf32, #tpu.memory_space<vmem>>, vector<1x16xf32>,
        %mul3A_2512 = arith.constant 3.125000e-02 : f32
        %mul3A_2513 = vector.broadcast %mul3A_2512 : f32 to vector<16xf32>
        %mul3A_2514 = arith.mulf %add3A_2454, %mul3A_2513 : vector<16xf32>
        %swap3A_2515 = arith.index_cast %add3A_154 : i32 to index
        %swap3A_2516 = arith.constant 80 : index
        %swap3A_2517 = tpu.vector_load %arg9[%swap3A_2515, %swap3A_2516] {strides = array<i32>} : memref<4x128xf32, #tpu.memory_space<vmem>>, vector<1x16xf32>,
        %swap3A_2518 = vector.shape_cast %swap3A_2517 : vector<1x16xf32> to vector<16xf32>
        %swap3A_2519 = vector.shape_cast %mul3A_2514 : vector<16xf32> to vector<1x16xf32>
        tpu.vector_store %arg9[%swap3A_2515, %swap3A_2516], %swap3A_2519 {strides = array<i32>} : memref<4x128xf32, #tpu.memory_space<vmem>>, vector<1x16xf32>,
        %mul3A_2520 = arith.constant 3.125000e-02 : f32
        %mul3A_2521 = vector.broadcast %mul3A_2520 : f32 to vector<16xf32>
        %mul3A_2522 = arith.mulf %add3A_2463, %mul3A_2521 : vector<16xf32>
        %swap3A_2523 = arith.index_cast %add3A_154 : i32 to index
        %swap3A_2524 = arith.constant 96 : index
        %swap3A_2525 = tpu.vector_load %arg9[%swap3A_2523, %swap3A_2524] {strides = array<i32>} : memref<4x128xf32, #tpu.memory_space<vmem>>, vector<1x16xf32>,
        %swap3A_2526 = vector.shape_cast %swap3A_2525 : vector<1x16xf32> to vector<16xf32>
        %swap3A_2527 = vector.shape_cast %mul3A_2522 : vector<16xf32> to vector<1x16xf32>
        tpu.vector_store %arg9[%swap3A_2523, %swap3A_2524], %swap3A_2527 {strides = array<i32>} : memref<4x128xf32, #tpu.memory_space<vmem>>, vector<1x16xf32>,
        %mul3A_2528 = arith.constant 3.125000e-02 : f32
        %mul3A_2529 = vector.broadcast %mul3A_2528 : f32 to vector<16xf32>
        %mul3A_2530 = arith.mulf %add3A_2472, %mul3A_2529 : vector<16xf32>
        %swap3A_2531 = arith.index_cast %add3A_154 : i32 to index
        %swap3A_2532 = arith.constant 112 : index
        %swap3A_2533 = tpu.vector_load %arg9[%swap3A_2531, %swap3A_2532] {strides = array<i32>} : memref<4x128xf32, #tpu.memory_space<vmem>>, vector<1x16xf32>,
        %swap3A_2534 = vector.shape_cast %swap3A_2533 : vector<1x16xf32> to vector<16xf32>
        %swap3A_2535 = vector.shape_cast %mul3A_2530 : vector<16xf32> to vector<1x16xf32>
        tpu.vector_store %arg9[%swap3A_2531, %swap3A_2532], %swap3A_2535 {strides = array<i32>} : memref<4x128xf32, #tpu.memory_space<vmem>>, vector<1x16xf32>,
      }
      %scan3A_104 = arith.constant 4 : i32
      %add3A_105 = arith.constant 2 : i32
      %add3A_106 = arith.addi %add3A_85, %add3A_105 : i32
      %lt3A_107 = arith.constant 80 : i32
      %lt3A_108 = arith.cmpi slt, %add3A_106, %lt3A_107 : i32
      %convert_element_type3A_109 = arith.extui %lt3A_108 : i1 to i32
      %cond3A_110 = arith.constant 0 : i32
      %cond3A_111 = arith.cmpi ne, %convert_element_type3A_109, %cond3A_110 : i32
      scf.if %cond3A_111 {
        %add3A_150 = arith.constant 2 : i32
        %add3A_151 = arith.addi %add3A_85, %add3A_150 : i32
        %mul3A_152 = arith.constant 128 : i32
        %mul3A_153 = arith.muli %add3A_151, %mul3A_152 : i32
        %add3A_154 = arith.addi %sub3A_28, %mul3A_153 : i32
        %min3A_155 = arith.constant 10112 : i32
        %min3A_156 = arith.minsi %add3A_154, %min3A_155 : i32
        %dma_start3A_157 = tpu.memref_slice %arg6[%min3A_156] : memref<10240xi32, #tpu.memory_space<vmem>> -> memref<128xi32, #tpu.memory_space<vmem>>
        %dma_start3A_158 = arith.constant 0 : i32
        %dma_start3A_159 = arith.constant 0 : i32
        %dma_start3A_160 = tpu.memref_slice %arg5[%dma_start3A_158, %dma_start3A_159] : memref<10000x128xf32, #tpu.memory_space<vmem_shared>> -> memref<10000x128xf32, #tpu.memory_space<vmem_shared>>
        tpu.enqueue_indirect_dma source(%dma_start3A_160 : memref<10000x128xf32, #tpu.memory_space<vmem_shared>>) target(%arg7 : memref<128x128xf32, #tpu.memory_space<vmem>>) offsets(%dma_start3A_157 : memref<128xi32, #tpu.memory_space<vmem>>) semaphore(%arg11 : memref<!tpu.dma_semaphore, #tpu.memory_space<semaphore_mem>>)
      } else {
      }
      %lt3A_112 = arith.cmpi slt, %add3A_85, %min3A_21 : i32
      %convert_element_type3A_113 = arith.extui %lt3A_112 : i1 to i32
      %cond3A_114 = arith.constant 0 : i32
      %cond3A_115 = arith.cmpi ne, %convert_element_type3A_113, %cond3A_114 : i32
      scf.if %cond3A_115 {
        %mul3A_150 = arith.constant 4 : i32
        %mul3A_151 = arith.muli %add3A_85, %mul3A_150 : i32
        %add3A_152 = arith.addi %mul3A_2, %mul3A_151 : i32
        %min3A_153 = arith.constant 9996 : i32
        %min3A_154 = arith.minsi %add3A_152, %min3A_153 : i32
        %dma_start3A_155 = arith.constant 0 : i32
        %dma_start3A_156 = tpu.memref_slice %arg4[%min3A_154, %dma_start3A_155] : memref<10000x128xf32, #tpu.memory_space<hbm>> -> memref<4x128xf32, #tpu.memory_space<hbm>>
        %dma_start3A_157 = arith.constant 0 : i32
        %dma_start3A_158 = tpu.memref_slice %arg4[%min3A_154, %dma_start3A_157] : memref<10000x128xf32, #tpu.memory_space<hbm>> -> memref<4x128xf32, #tpu.memory_space<hbm>>
        tpu.enqueue_dma source(%arg9 : memref<4x128xf32, #tpu.memory_space<vmem>>) target(%dma_start3A_158 : memref<4x128xf32, #tpu.memory_space<hbm>>) target_semaphore(%arg13 : memref<!tpu.dma_semaphore, #tpu.memory_space<semaphore_mem>>)
      } else {
      }
      %add3A_116 = arith.constant 1 : i32
      %add3A_117 = arith.addi %add3A_83, %add3A_116 : i32
      %mul3A_118 = arith.constant 128 : i32
      %mul3A_119 = arith.muli %add3A_117, %mul3A_118 : i32
      %add3A_120 = arith.addi %sub3A_28, %mul3A_119 : i32
      %min3A_121 = arith.constant 10112 : i32
      %min3A_122 = arith.minsi %add3A_120, %min3A_121 : i32
      %dma_wait3A_123 = tpu.memref_slice %arg6[%min3A_122] : memref<10240xi32, #tpu.memory_space<vmem>> -> memref<128xi32, #tpu.memory_space<vmem>>
      %dma_wait3A_124 = arith.constant 0 : i32
      %dma_wait3A_125 = arith.constant 0 : i32
      %dma_wait3A_126 = tpu.memref_slice %arg5[%dma_wait3A_124, %dma_wait3A_125] : memref<10000x128xf32, #tpu.memory_space<vmem_shared>> -> memref<10000x128xf32, #tpu.memory_space<vmem_shared>>
      tpu.wait_indirect_dma semaphore(%arg12 : memref<!tpu.dma_semaphore, #tpu.memory_space<semaphore_mem>>) src(%dma_wait3A_126 : memref<10000x128xf32, #tpu.memory_space<vmem_shared>>) dst(%arg8 : memref<128x128xf32, #tpu.memory_space<vmem>>)
      %ge3A_127 = arith.constant 2 : i32
      %ge3A_128 = arith.cmpi sge, %add3A_117, %ge3A_127 : i32
      %lt3A_129 = arith.cmpi slt, %add3A_117, %min3A_21 : i32
      %and3A_130 = arith.andi %ge3A_128, %lt3A_129 : i1
      %convert_element_type3A_131 = arith.extui %and3A_130 : i1 to i32
      %cond3A_132 = arith.constant 0 : i32
      %cond3A_133 = arith.cmpi ne, %convert_element_type3A_131, %cond3A_132 : i32
      scf.if %cond3A_133 {
        %mul3A_150 = arith.constant 4 : i32
        %mul3A_151 = arith.muli %add3A_117, %mul3A_150 : i32
        %add3A_152 = arith.addi %mul3A_2, %mul3A_151 : i32
        %min3A_153 = arith.constant 9996 : i32
        %min3A_154 = arith.minsi %add3A_152, %min3A_153 : i32
        %dma_wait3A_155 = arith.constant 0 : i32
        %dma_wait3A_156 = tpu.memref_slice %arg4[%min3A_154, %dma_wait3A_155] : memref<10000x128xf32, #tpu.memory_space<hbm>> -> memref<4x128xf32, #tpu.memory_space<hbm>>
        %dma_wait3A_157 = arith.constant 0 : i32
        %dma_wait3A_158 = tpu.memref_slice %arg4[%min3A_154, %dma_wait3A_157] : memref<10000x128xf32, #tpu.memory_space<hbm>> -> memref<4x128xf32, #tpu.memory_space<hbm>>
        tpu.wait_dma2 semaphore(%arg14 : memref<!tpu.dma_semaphore, #tpu.memory_space<semaphore_mem>>) src(%arg10 : memref<4x128xf32, #tpu.memory_space<vmem>>) dst(%dma_wait3A_158 : memref<4x128xf32, #tpu.memory_space<hbm>>)
      } else {
      }
      %scan3A_134 = arith.constant 0 : i32
      %scan3A_135 = arith.constant 4 : i32
      %scan3A_136 = arith.addi %scan3A_134, %scan3A_135 : i32
      %scan3A_137 = arith.constant 1 : i32
      scf.for %scan3A_150 = %scan3A_134 to %scan3A_136 step %scan3A_137  : i32 {
        %mul3A_151 = arith.constant 1 : i32
        %mul3A_152 = arith.muli %scan3A_150, %mul3A_151 : i32
        %add3A_153 = arith.constant 0 : i32
        %add3A_154 = arith.addi %add3A_153, %mul3A_152 : i32
        %broadcast_in_dim3A = arith.constant 0.000000e+00 : f32
        %broadcast_in_dim3A_155 = vector.broadcast %broadcast_in_dim3A : f32 to vector<16xf32>
        %broadcast_in_dim3A_156 = arith.constant 0.000000e+00 : f32
        %broadcast_in_dim3A_157 = vector.broadcast %broadcast_in_dim3A_156 : f32 to vector<16xf32>
        %broadcast_in_dim3A_158 = arith.constant 0.000000e+00 : f32
        %broadcast_in_dim3A_159 = vector.broadcast %broadcast_in_dim3A_158 : f32 to vector<16xf32>
        %broadcast_in_dim3A_160 = arith.constant 0.000000e+00 : f32
        %broadcast_in_dim3A_161 = vector.broadcast %broadcast_in_dim3A_160 : f32 to vector<16xf32>
        %broadcast_in_dim3A_162 = arith.constant 0.000000e+00 : f32
        %broadcast_in_dim3A_163 = vector.broadcast %broadcast_in_dim3A_162 : f32 to vector<16xf32>
        %broadcast_in_dim3A_164 = arith.constant 0.000000e+00 : f32
        %broadcast_in_dim3A_165 = vector.broadcast %broadcast_in_dim3A_164 : f32 to vector<16xf32>
        %broadcast_in_dim3A_166 = arith.constant 0.000000e+00 : f32
        %broadcast_in_dim3A_167 = vector.broadcast %broadcast_in_dim3A_166 : f32 to vector<16xf32>
        %broadcast_in_dim3A_168 = arith.constant 0.000000e+00 : f32
        %broadcast_in_dim3A_169 = vector.broadcast %broadcast_in_dim3A_168 : f32 to vector<16xf32>
        %mul3A_170 = arith.constant 32 : i32
        %mul3A_171 = arith.muli %add3A_154, %mul3A_170 : i32
        %add3A_172 = arith.constant 0 : i32
        %add3A_173 = arith.addi %mul3A_171, %add3A_172 : i32
        %get3A = arith.index_cast %add3A_173 : i32 to index
        %get3A_174 = arith.constant 0 : index
        %get3A_175 = tpu.vector_load %arg8[%get3A, %get3A_174] {strides = array<i32>} : memref<128x128xf32, #tpu.memory_space<vmem>>, vector<1x16xf32>,
        %get3A_176 = vector.shape_cast %get3A_175 : vector<1x16xf32> to vector<16xf32>
        %add3A_177 = arith.addf %broadcast_in_dim3A_155, %get3A_176 : vector<16xf32>
        %mul3A_178 = arith.constant 32 : i32
        %mul3A_179 = arith.muli %add3A_154, %mul3A_178 : i32
        %add3A_180 = arith.constant 0 : i32
        %add3A_181 = arith.addi %mul3A_179, %add3A_180 : i32
        %get3A_182 = arith.index_cast %add3A_181 : i32 to index
        %get3A_183 = arith.constant 16 : index
        %get3A_184 = tpu.vector_load %arg8[%get3A_182, %get3A_183] {strides = array<i32>} : memref<128x128xf32, #tpu.memory_space<vmem>>, vector<1x16xf32>,
        %get3A_185 = vector.shape_cast %get3A_184 : vector<1x16xf32> to vector<16xf32>
        %add3A_186 = arith.addf %broadcast_in_dim3A_157, %get3A_185 : vector<16xf32>
        %mul3A_187 = arith.constant 32 : i32
        %mul3A_188 = arith.muli %add3A_154, %mul3A_187 : i32
        %add3A_189 = arith.constant 0 : i32
        %add3A_190 = arith.addi %mul3A_188, %add3A_189 : i32
        %get3A_191 = arith.index_cast %add3A_190 : i32 to index
        %get3A_192 = arith.constant 32 : index
        %get3A_193 = tpu.vector_load %arg8[%get3A_191, %get3A_192] {strides = array<i32>} : memref<128x128xf32, #tpu.memory_space<vmem>>, vector<1x16xf32>,
        %get3A_194 = vector.shape_cast %get3A_193 : vector<1x16xf32> to vector<16xf32>
        %add3A_195 = arith.addf %broadcast_in_dim3A_159, %get3A_194 : vector<16xf32>
        %mul3A_196 = arith.constant 32 : i32
        %mul3A_197 = arith.muli %add3A_154, %mul3A_196 : i32
        %add3A_198 = arith.constant 0 : i32
        %add3A_199 = arith.addi %mul3A_197, %add3A_198 : i32
        %get3A_200 = arith.index_cast %add3A_199 : i32 to index
        %get3A_201 = arith.constant 48 : index
        %get3A_202 = tpu.vector_load %arg8[%get3A_200, %get3A_201] {strides = array<i32>} : memref<128x128xf32, #tpu.memory_space<vmem>>, vector<1x16xf32>,
        %get3A_203 = vector.shape_cast %get3A_202 : vector<1x16xf32> to vector<16xf32>
        %add3A_204 = arith.addf %broadcast_in_dim3A_161, %get3A_203 : vector<16xf32>
        %mul3A_205 = arith.constant 32 : i32
        %mul3A_206 = arith.muli %add3A_154, %mul3A_205 : i32
        %add3A_207 = arith.constant 0 : i32
        %add3A_208 = arith.addi %mul3A_206, %add3A_207 : i32
        %get3A_209 = arith.index_cast %add3A_208 : i32 to index
        %get3A_210 = arith.constant 64 : index
        %get3A_211 = tpu.vector_load %arg8[%get3A_209, %get3A_210] {strides = array<i32>} : memref<128x128xf32, #tpu.memory_space<vmem>>, vector<1x16xf32>,
        %get3A_212 = vector.shape_cast %get3A_211 : vector<1x16xf32> to vector<16xf32>
        %add3A_213 = arith.addf %broadcast_in_dim3A_163, %get3A_212 : vector<16xf32>
        %mul3A_214 = arith.constant 32 : i32
        %mul3A_215 = arith.muli %add3A_154, %mul3A_214 : i32
        %add3A_216 = arith.constant 0 : i32
        %add3A_217 = arith.addi %mul3A_215, %add3A_216 : i32
        %get3A_218 = arith.index_cast %add3A_217 : i32 to index
        %get3A_219 = arith.constant 80 : index
        %get3A_220 = tpu.vector_load %arg8[%get3A_218, %get3A_219] {strides = array<i32>} : memref<128x128xf32, #tpu.memory_space<vmem>>, vector<1x16xf32>,
        %get3A_221 = vector.shape_cast %get3A_220 : vector<1x16xf32> to vector<16xf32>
        %add3A_222 = arith.addf %broadcast_in_dim3A_165, %get3A_221 : vector<16xf32>
        %mul3A_223 = arith.constant 32 : i32
        %mul3A_224 = arith.muli %add3A_154, %mul3A_223 : i32
        %add3A_225 = arith.constant 0 : i32
        %add3A_226 = arith.addi %mul3A_224, %add3A_225 : i32
        %get3A_227 = arith.index_cast %add3A_226 : i32 to index
        %get3A_228 = arith.constant 96 : index
        %get3A_229 = tpu.vector_load %arg8[%get3A_227, %get3A_228] {strides = array<i32>} : memref<128x128xf32, #tpu.memory_space<vmem>>, vector<1x16xf32>,
        %get3A_230 = vector.shape_cast %get3A_229 : vector<1x16xf32> to vector<16xf32>
        %add3A_231 = arith.addf %broadcast_in_dim3A_167, %get3A_230 : vector<16xf32>
        %mul3A_232 = arith.constant 32 : i32
        %mul3A_233 = arith.muli %add3A_154, %mul3A_232 : i32
        %add3A_234 = arith.constant 0 : i32
        %add3A_235 = arith.addi %mul3A_233, %add3A_234 : i32
        %get3A_236 = arith.index_cast %add3A_235 : i32 to index
        %get3A_237 = arith.constant 112 : index
        %get3A_238 = tpu.vector_load %arg8[%get3A_236, %get3A_237] {strides = array<i32>} : memref<128x128xf32, #tpu.memory_space<vmem>>, vector<1x16xf32>,
        %get3A_239 = vector.shape_cast %get3A_238 : vector<1x16xf32> to vector<16xf32>
        %add3A_240 = arith.addf %broadcast_in_dim3A_169, %get3A_239 : vector<16xf32>
        %mul3A_241 = arith.constant 32 : i32
        %mul3A_242 = arith.muli %add3A_154, %mul3A_241 : i32
        %add3A_243 = arith.constant 1 : i32
        %add3A_244 = arith.addi %mul3A_242, %add3A_243 : i32
        %get3A_245 = arith.index_cast %add3A_244 : i32 to index
        %get3A_246 = arith.constant 0 : index
        %get3A_247 = tpu.vector_load %arg8[%get3A_245, %get3A_246] {strides = array<i32>} : memref<128x128xf32, #tpu.memory_space<vmem>>, vector<1x16xf32>,
        %get3A_248 = vector.shape_cast %get3A_247 : vector<1x16xf32> to vector<16xf32>
        %add3A_249 = arith.addf %add3A_177, %get3A_248 : vector<16xf32>
        %mul3A_250 = arith.constant 32 : i32
        %mul3A_251 = arith.muli %add3A_154, %mul3A_250 : i32
        %add3A_252 = arith.constant 1 : i32
        %add3A_253 = arith.addi %mul3A_251, %add3A_252 : i32
        %get3A_254 = arith.index_cast %add3A_253 : i32 to index
        %get3A_255 = arith.constant 16 : index
        %get3A_256 = tpu.vector_load %arg8[%get3A_254, %get3A_255] {strides = array<i32>} : memref<128x128xf32, #tpu.memory_space<vmem>>, vector<1x16xf32>,
        %get3A_257 = vector.shape_cast %get3A_256 : vector<1x16xf32> to vector<16xf32>
        %add3A_258 = arith.addf %add3A_186, %get3A_257 : vector<16xf32>
        %mul3A_259 = arith.constant 32 : i32
        %mul3A_260 = arith.muli %add3A_154, %mul3A_259 : i32
        %add3A_261 = arith.constant 1 : i32
        %add3A_262 = arith.addi %mul3A_260, %add3A_261 : i32
        %get3A_263 = arith.index_cast %add3A_262 : i32 to index
        %get3A_264 = arith.constant 32 : index
        %get3A_265 = tpu.vector_load %arg8[%get3A_263, %get3A_264] {strides = array<i32>} : memref<128x128xf32, #tpu.memory_space<vmem>>, vector<1x16xf32>,
        %get3A_266 = vector.shape_cast %get3A_265 : vector<1x16xf32> to vector<16xf32>
        %add3A_267 = arith.addf %add3A_195, %get3A_266 : vector<16xf32>
        %mul3A_268 = arith.constant 32 : i32
        %mul3A_269 = arith.muli %add3A_154, %mul3A_268 : i32
        %add3A_270 = arith.constant 1 : i32
        %add3A_271 = arith.addi %mul3A_269, %add3A_270 : i32
        %get3A_272 = arith.index_cast %add3A_271 : i32 to index
        %get3A_273 = arith.constant 48 : index
        %get3A_274 = tpu.vector_load %arg8[%get3A_272, %get3A_273] {strides = array<i32>} : memref<128x128xf32, #tpu.memory_space<vmem>>, vector<1x16xf32>,
        %get3A_275 = vector.shape_cast %get3A_274 : vector<1x16xf32> to vector<16xf32>
        %add3A_276 = arith.addf %add3A_204, %get3A_275 : vector<16xf32>
        %mul3A_277 = arith.constant 32 : i32
        %mul3A_278 = arith.muli %add3A_154, %mul3A_277 : i32
        %add3A_279 = arith.constant 1 : i32
        %add3A_280 = arith.addi %mul3A_278, %add3A_279 : i32
        %get3A_281 = arith.index_cast %add3A_280 : i32 to index
        %get3A_282 = arith.constant 64 : index
        %get3A_283 = tpu.vector_load %arg8[%get3A_281, %get3A_282] {strides = array<i32>} : memref<128x128xf32, #tpu.memory_space<vmem>>, vector<1x16xf32>,
        %get3A_284 = vector.shape_cast %get3A_283 : vector<1x16xf32> to vector<16xf32>
        %add3A_285 = arith.addf %add3A_213, %get3A_284 : vector<16xf32>
        %mul3A_286 = arith.constant 32 : i32
        %mul3A_287 = arith.muli %add3A_154, %mul3A_286 : i32
        %add3A_288 = arith.constant 1 : i32
        %add3A_289 = arith.addi %mul3A_287, %add3A_288 : i32
        %get3A_290 = arith.index_cast %add3A_289 : i32 to index
        %get3A_291 = arith.constant 80 : index
        %get3A_292 = tpu.vector_load %arg8[%get3A_290, %get3A_291] {strides = array<i32>} : memref<128x128xf32, #tpu.memory_space<vmem>>, vector<1x16xf32>,
        %get3A_293 = vector.shape_cast %get3A_292 : vector<1x16xf32> to vector<16xf32>
        %add3A_294 = arith.addf %add3A_222, %get3A_293 : vector<16xf32>
        %mul3A_295 = arith.constant 32 : i32
        %mul3A_296 = arith.muli %add3A_154, %mul3A_295 : i32
        %add3A_297 = arith.constant 1 : i32
        %add3A_298 = arith.addi %mul3A_296, %add3A_297 : i32
        %get3A_299 = arith.index_cast %add3A_298 : i32 to index
        %get3A_300 = arith.constant 96 : index
        %get3A_301 = tpu.vector_load %arg8[%get3A_299, %get3A_300] {strides = array<i32>} : memref<128x128xf32, #tpu.memory_space<vmem>>, vector<1x16xf32>,
        %get3A_302 = vector.shape_cast %get3A_301 : vector<1x16xf32> to vector<16xf32>
        %add3A_303 = arith.addf %add3A_231, %get3A_302 : vector<16xf32>
        %mul3A_304 = arith.constant 32 : i32
        %mul3A_305 = arith.muli %add3A_154, %mul3A_304 : i32
        %add3A_306 = arith.constant 1 : i32
        %add3A_307 = arith.addi %mul3A_305, %add3A_306 : i32
        %get3A_308 = arith.index_cast %add3A_307 : i32 to index
        %get3A_309 = arith.constant 112 : index
        %get3A_310 = tpu.vector_load %arg8[%get3A_308, %get3A_309] {strides = array<i32>} : memref<128x128xf32, #tpu.memory_space<vmem>>, vector<1x16xf32>,
        %get3A_311 = vector.shape_cast %get3A_310 : vector<1x16xf32> to vector<16xf32>
        %add3A_312 = arith.addf %add3A_240, %get3A_311 : vector<16xf32>
        %mul3A_313 = arith.constant 32 : i32
        %mul3A_314 = arith.muli %add3A_154, %mul3A_313 : i32
        %add3A_315 = arith.constant 2 : i32
        %add3A_316 = arith.addi %mul3A_314, %add3A_315 : i32
        %get3A_317 = arith.index_cast %add3A_316 : i32 to index
        %get3A_318 = arith.constant 0 : index
        %get3A_319 = tpu.vector_load %arg8[%get3A_317, %get3A_318] {strides = array<i32>} : memref<128x128xf32, #tpu.memory_space<vmem>>, vector<1x16xf32>,
        %get3A_320 = vector.shape_cast %get3A_319 : vector<1x16xf32> to vector<16xf32>
        %add3A_321 = arith.addf %add3A_249, %get3A_320 : vector<16xf32>
        %mul3A_322 = arith.constant 32 : i32
        %mul3A_323 = arith.muli %add3A_154, %mul3A_322 : i32
        %add3A_324 = arith.constant 2 : i32
        %add3A_325 = arith.addi %mul3A_323, %add3A_324 : i32
        %get3A_326 = arith.index_cast %add3A_325 : i32 to index
        %get3A_327 = arith.constant 16 : index
        %get3A_328 = tpu.vector_load %arg8[%get3A_326, %get3A_327] {strides = array<i32>} : memref<128x128xf32, #tpu.memory_space<vmem>>, vector<1x16xf32>,
        %get3A_329 = vector.shape_cast %get3A_328 : vector<1x16xf32> to vector<16xf32>
        %add3A_330 = arith.addf %add3A_258, %get3A_329 : vector<16xf32>
        %mul3A_331 = arith.constant 32 : i32
        %mul3A_332 = arith.muli %add3A_154, %mul3A_331 : i32
        %add3A_333 = arith.constant 2 : i32
        %add3A_334 = arith.addi %mul3A_332, %add3A_333 : i32
        %get3A_335 = arith.index_cast %add3A_334 : i32 to index
        %get3A_336 = arith.constant 32 : index
        %get3A_337 = tpu.vector_load %arg8[%get3A_335, %get3A_336] {strides = array<i32>} : memref<128x128xf32, #tpu.memory_space<vmem>>, vector<1x16xf32>,
        %get3A_338 = vector.shape_cast %get3A_337 : vector<1x16xf32> to vector<16xf32>
        %add3A_339 = arith.addf %add3A_267, %get3A_338 : vector<16xf32>
        %mul3A_340 = arith.constant 32 : i32
        %mul3A_341 = arith.muli %add3A_154, %mul3A_340 : i32
        %add3A_342 = arith.constant 2 : i32
        %add3A_343 = arith.addi %mul3A_341, %add3A_342 : i32
        %get3A_344 = arith.index_cast %add3A_343 : i32 to index
        %get3A_345 = arith.constant 48 : index
        %get3A_346 = tpu.vector_load %arg8[%get3A_344, %get3A_345] {strides = array<i32>} : memref<128x128xf32, #tpu.memory_space<vmem>>, vector<1x16xf32>,
        %get3A_347 = vector.shape_cast %get3A_346 : vector<1x16xf32> to vector<16xf32>
        %add3A_348 = arith.addf %add3A_276, %get3A_347 : vector<16xf32>
        %mul3A_349 = arith.constant 32 : i32
        %mul3A_350 = arith.muli %add3A_154, %mul3A_349 : i32
        %add3A_351 = arith.constant 2 : i32
        %add3A_352 = arith.addi %mul3A_350, %add3A_351 : i32
        %get3A_353 = arith.index_cast %add3A_352 : i32 to index
        %get3A_354 = arith.constant 64 : index
        %get3A_355 = tpu.vector_load %arg8[%get3A_353, %get3A_354] {strides = array<i32>} : memref<128x128xf32, #tpu.memory_space<vmem>>, vector<1x16xf32>,
        %get3A_356 = vector.shape_cast %get3A_355 : vector<1x16xf32> to vector<16xf32>
        %add3A_357 = arith.addf %add3A_285, %get3A_356 : vector<16xf32>
        %mul3A_358 = arith.constant 32 : i32
        %mul3A_359 = arith.muli %add3A_154, %mul3A_358 : i32
        %add3A_360 = arith.constant 2 : i32
        %add3A_361 = arith.addi %mul3A_359, %add3A_360 : i32
        %get3A_362 = arith.index_cast %add3A_361 : i32 to index
        %get3A_363 = arith.constant 80 : index
        %get3A_364 = tpu.vector_load %arg8[%get3A_362, %get3A_363] {strides = array<i32>} : memref<128x128xf32, #tpu.memory_space<vmem>>, vector<1x16xf32>,
        %get3A_365 = vector.shape_cast %get3A_364 : vector<1x16xf32> to vector<16xf32>
        %add3A_366 = arith.addf %add3A_294, %get3A_365 : vector<16xf32>
        %mul3A_367 = arith.constant 32 : i32
        %mul3A_368 = arith.muli %add3A_154, %mul3A_367 : i32
        %add3A_369 = arith.constant 2 : i32
        %add3A_370 = arith.addi %mul3A_368, %add3A_369 : i32
        %get3A_371 = arith.index_cast %add3A_370 : i32 to index
        %get3A_372 = arith.constant 96 : index
        %get3A_373 = tpu.vector_load %arg8[%get3A_371, %get3A_372] {strides = array<i32>} : memref<128x128xf32, #tpu.memory_space<vmem>>, vector<1x16xf32>,
        %get3A_374 = vector.shape_cast %get3A_373 : vector<1x16xf32> to vector<16xf32>
        %add3A_375 = arith.addf %add3A_303, %get3A_374 : vector<16xf32>
        %mul3A_376 = arith.constant 32 : i32
        %mul3A_377 = arith.muli %add3A_154, %mul3A_376 : i32
        %add3A_378 = arith.constant 2 : i32
        %add3A_379 = arith.addi %mul3A_377, %add3A_378 : i32
        %get3A_380 = arith.index_cast %add3A_379 : i32 to index
        %get3A_381 = arith.constant 112 : index
        %get3A_382 = tpu.vector_load %arg8[%get3A_380, %get3A_381] {strides = array<i32>} : memref<128x128xf32, #tpu.memory_space<vmem>>, vector<1x16xf32>,
        %get3A_383 = vector.shape_cast %get3A_382 : vector<1x16xf32> to vector<16xf32>
        %add3A_384 = arith.addf %add3A_312, %get3A_383 : vector<16xf32>
        %mul3A_385 = arith.constant 32 : i32
        %mul3A_386 = arith.muli %add3A_154, %mul3A_385 : i32
        %add3A_387 = arith.constant 3 : i32
        %add3A_388 = arith.addi %mul3A_386, %add3A_387 : i32
        %get3A_389 = arith.index_cast %add3A_388 : i32 to index
        %get3A_390 = arith.constant 0 : index
        %get3A_391 = tpu.vector_load %arg8[%get3A_389, %get3A_390] {strides = array<i32>} : memref<128x128xf32, #tpu.memory_space<vmem>>, vector<1x16xf32>,
        %get3A_392 = vector.shape_cast %get3A_391 : vector<1x16xf32> to vector<16xf32>
        %add3A_393 = arith.addf %add3A_321, %get3A_392 : vector<16xf32>
        %mul3A_394 = arith.constant 32 : i32
        %mul3A_395 = arith.muli %add3A_154, %mul3A_394 : i32
        %add3A_396 = arith.constant 3 : i32
        %add3A_397 = arith.addi %mul3A_395, %add3A_396 : i32
        %get3A_398 = arith.index_cast %add3A_397 : i32 to index
        %get3A_399 = arith.constant 16 : index
        %get3A_400 = tpu.vector_load %arg8[%get3A_398, %get3A_399] {strides = array<i32>} : memref<128x128xf32, #tpu.memory_space<vmem>>, vector<1x16xf32>,
        %get3A_401 = vector.shape_cast %get3A_400 : vector<1x16xf32> to vector<16xf32>
        %add3A_402 = arith.addf %add3A_330, %get3A_401 : vector<16xf32>
        %mul3A_403 = arith.constant 32 : i32
        %mul3A_404 = arith.muli %add3A_154, %mul3A_403 : i32
        %add3A_405 = arith.constant 3 : i32
        %add3A_406 = arith.addi %mul3A_404, %add3A_405 : i32
        %get3A_407 = arith.index_cast %add3A_406 : i32 to index
        %get3A_408 = arith.constant 32 : index
        %get3A_409 = tpu.vector_load %arg8[%get3A_407, %get3A_408] {strides = array<i32>} : memref<128x128xf32, #tpu.memory_space<vmem>>, vector<1x16xf32>,
        %get3A_410 = vector.shape_cast %get3A_409 : vector<1x16xf32> to vector<16xf32>
        %add3A_411 = arith.addf %add3A_339, %get3A_410 : vector<16xf32>
        %mul3A_412 = arith.constant 32 : i32
        %mul3A_413 = arith.muli %add3A_154, %mul3A_412 : i32
        %add3A_414 = arith.constant 3 : i32
        %add3A_415 = arith.addi %mul3A_413, %add3A_414 : i32
        %get3A_416 = arith.index_cast %add3A_415 : i32 to index
        %get3A_417 = arith.constant 48 : index
        %get3A_418 = tpu.vector_load %arg8[%get3A_416, %get3A_417] {strides = array<i32>} : memref<128x128xf32, #tpu.memory_space<vmem>>, vector<1x16xf32>,
        %get3A_419 = vector.shape_cast %get3A_418 : vector<1x16xf32> to vector<16xf32>
        %add3A_420 = arith.addf %add3A_348, %get3A_419 : vector<16xf32>
        %mul3A_421 = arith.constant 32 : i32
        %mul3A_422 = arith.muli %add3A_154, %mul3A_421 : i32
        %add3A_423 = arith.constant 3 : i32
        %add3A_424 = arith.addi %mul3A_422, %add3A_423 : i32
        %get3A_425 = arith.index_cast %add3A_424 : i32 to index
        %get3A_426 = arith.constant 64 : index
        %get3A_427 = tpu.vector_load %arg8[%get3A_425, %get3A_426] {strides = array<i32>} : memref<128x128xf32, #tpu.memory_space<vmem>>, vector<1x16xf32>,
        %get3A_428 = vector.shape_cast %get3A_427 : vector<1x16xf32> to vector<16xf32>
        %add3A_429 = arith.addf %add3A_357, %get3A_428 : vector<16xf32>
        %mul3A_430 = arith.constant 32 : i32
        %mul3A_431 = arith.muli %add3A_154, %mul3A_430 : i32
        %add3A_432 = arith.constant 3 : i32
        %add3A_433 = arith.addi %mul3A_431, %add3A_432 : i32
        %get3A_434 = arith.index_cast %add3A_433 : i32 to index
        %get3A_435 = arith.constant 80 : index
        %get3A_436 = tpu.vector_load %arg8[%get3A_434, %get3A_435] {strides = array<i32>} : memref<128x128xf32, #tpu.memory_space<vmem>>, vector<1x16xf32>,
        %get3A_437 = vector.shape_cast %get3A_436 : vector<1x16xf32> to vector<16xf32>
        %add3A_438 = arith.addf %add3A_366, %get3A_437 : vector<16xf32>
        %mul3A_439 = arith.constant 32 : i32
        %mul3A_440 = arith.muli %add3A_154, %mul3A_439 : i32
        %add3A_441 = arith.constant 3 : i32
        %add3A_442 = arith.addi %mul3A_440, %add3A_441 : i32
        %get3A_443 = arith.index_cast %add3A_442 : i32 to index
        %get3A_444 = arith.constant 96 : index
        %get3A_445 = tpu.vector_load %arg8[%get3A_443, %get3A_444] {strides = array<i32>} : memref<128x128xf32, #tpu.memory_space<vmem>>, vector<1x16xf32>,
        %get3A_446 = vector.shape_cast %get3A_445 : vector<1x16xf32> to vector<16xf32>
        %add3A_447 = arith.addf %add3A_375, %get3A_446 : vector<16xf32>
        %mul3A_448 = arith.constant 32 : i32
        %mul3A_449 = arith.muli %add3A_154, %mul3A_448 : i32
        %add3A_450 = arith.constant 3 : i32
        %add3A_451 = arith.addi %mul3A_449, %add3A_450 : i32
        %get3A_452 = arith.index_cast %add3A_451 : i32 to index
        %get3A_453 = arith.constant 112 : index
        %get3A_454 = tpu.vector_load %arg8[%get3A_452, %get3A_453] {strides = array<i32>} : memref<128x128xf32, #tpu.memory_space<vmem>>, vector<1x16xf32>,
        %get3A_455 = vector.shape_cast %get3A_454 : vector<1x16xf32> to vector<16xf32>
        %add3A_456 = arith.addf %add3A_384, %get3A_455 : vector<16xf32>
        %mul3A_457 = arith.constant 32 : i32
        %mul3A_458 = arith.muli %add3A_154, %mul3A_457 : i32
        %add3A_459 = arith.constant 4 : i32
        %add3A_460 = arith.addi %mul3A_458, %add3A_459 : i32
        %get3A_461 = arith.index_cast %add3A_460 : i32 to index
        %get3A_462 = arith.constant 0 : index
        %get3A_463 = tpu.vector_load %arg8[%get3A_461, %get3A_462] {strides = array<i32>} : memref<128x128xf32, #tpu.memory_space<vmem>>, vector<1x16xf32>,
        %get3A_464 = vector.shape_cast %get3A_463 : vector<1x16xf32> to vector<16xf32>
        %add3A_465 = arith.addf %add3A_393, %get3A_464 : vector<16xf32>
        %mul3A_466 = arith.constant 32 : i32
        %mul3A_467 = arith.muli %add3A_154, %mul3A_466 : i32
        %add3A_468 = arith.constant 4 : i32
        %add3A_469 = arith.addi %mul3A_467, %add3A_468 : i32
        %get3A_470 = arith.index_cast %add3A_469 : i32 to index
        %get3A_471 = arith.constant 16 : index
        %get3A_472 = tpu.vector_load %arg8[%get3A_470, %get3A_471] {strides = array<i32>} : memref<128x128xf32, #tpu.memory_space<vmem>>, vector<1x16xf32>,
        %get3A_473 = vector.shape_cast %get3A_472 : vector<1x16xf32> to vector<16xf32>
        %add3A_474 = arith.addf %add3A_402, %get3A_473 : vector<16xf32>
        %mul3A_475 = arith.constant 32 : i32
        %mul3A_476 = arith.muli %add3A_154, %mul3A_475 : i32
        %add3A_477 = arith.constant 4 : i32
        %add3A_478 = arith.addi %mul3A_476, %add3A_477 : i32
        %get3A_479 = arith.index_cast %add3A_478 : i32 to index
        %get3A_480 = arith.constant 32 : index
        %get3A_481 = tpu.vector_load %arg8[%get3A_479, %get3A_480] {strides = array<i32>} : memref<128x128xf32, #tpu.memory_space<vmem>>, vector<1x16xf32>,
        %get3A_482 = vector.shape_cast %get3A_481 : vector<1x16xf32> to vector<16xf32>
        %add3A_483 = arith.addf %add3A_411, %get3A_482 : vector<16xf32>
        %mul3A_484 = arith.constant 32 : i32
        %mul3A_485 = arith.muli %add3A_154, %mul3A_484 : i32
        %add3A_486 = arith.constant 4 : i32
        %add3A_487 = arith.addi %mul3A_485, %add3A_486 : i32
        %get3A_488 = arith.index_cast %add3A_487 : i32 to index
        %get3A_489 = arith.constant 48 : index
        %get3A_490 = tpu.vector_load %arg8[%get3A_488, %get3A_489] {strides = array<i32>} : memref<128x128xf32, #tpu.memory_space<vmem>>, vector<1x16xf32>,
        %get3A_491 = vector.shape_cast %get3A_490 : vector<1x16xf32> to vector<16xf32>
        %add3A_492 = arith.addf %add3A_420, %get3A_491 : vector<16xf32>
        %mul3A_493 = arith.constant 32 : i32
        %mul3A_494 = arith.muli %add3A_154, %mul3A_493 : i32
        %add3A_495 = arith.constant 4 : i32
        %add3A_496 = arith.addi %mul3A_494, %add3A_495 : i32
        %get3A_497 = arith.index_cast %add3A_496 : i32 to index
        %get3A_498 = arith.constant 64 : index
        %get3A_499 = tpu.vector_load %arg8[%get3A_497, %get3A_498] {strides = array<i32>} : memref<128x128xf32, #tpu.memory_space<vmem>>, vector<1x16xf32>,
        %get3A_500 = vector.shape_cast %get3A_499 : vector<1x16xf32> to vector<16xf32>
        %add3A_501 = arith.addf %add3A_429, %get3A_500 : vector<16xf32>
        %mul3A_502 = arith.constant 32 : i32
        %mul3A_503 = arith.muli %add3A_154, %mul3A_502 : i32
        %add3A_504 = arith.constant 4 : i32
        %add3A_505 = arith.addi %mul3A_503, %add3A_504 : i32
        %get3A_506 = arith.index_cast %add3A_505 : i32 to index
        %get3A_507 = arith.constant 80 : index
        %get3A_508 = tpu.vector_load %arg8[%get3A_506, %get3A_507] {strides = array<i32>} : memref<128x128xf32, #tpu.memory_space<vmem>>, vector<1x16xf32>,
        %get3A_509 = vector.shape_cast %get3A_508 : vector<1x16xf32> to vector<16xf32>
        %add3A_510 = arith.addf %add3A_438, %get3A_509 : vector<16xf32>
        %mul3A_511 = arith.constant 32 : i32
        %mul3A_512 = arith.muli %add3A_154, %mul3A_511 : i32
        %add3A_513 = arith.constant 4 : i32
        %add3A_514 = arith.addi %mul3A_512, %add3A_513 : i32
        %get3A_515 = arith.index_cast %add3A_514 : i32 to index
        %get3A_516 = arith.constant 96 : index
        %get3A_517 = tpu.vector_load %arg8[%get3A_515, %get3A_516] {strides = array<i32>} : memref<128x128xf32, #tpu.memory_space<vmem>>, vector<1x16xf32>,
        %get3A_518 = vector.shape_cast %get3A_517 : vector<1x16xf32> to vector<16xf32>
        %add3A_519 = arith.addf %add3A_447, %get3A_518 : vector<16xf32>
        %mul3A_520 = arith.constant 32 : i32
        %mul3A_521 = arith.muli %add3A_154, %mul3A_520 : i32
        %add3A_522 = arith.constant 4 : i32
        %add3A_523 = arith.addi %mul3A_521, %add3A_522 : i32
        %get3A_524 = arith.index_cast %add3A_523 : i32 to index
        %get3A_525 = arith.constant 112 : index
        %get3A_526 = tpu.vector_load %arg8[%get3A_524, %get3A_525] {strides = array<i32>} : memref<128x128xf32, #tpu.memory_space<vmem>>, vector<1x16xf32>,
        %get3A_527 = vector.shape_cast %get3A_526 : vector<1x16xf32> to vector<16xf32>
        %add3A_528 = arith.addf %add3A_456, %get3A_527 : vector<16xf32>
        %mul3A_529 = arith.constant 32 : i32
        %mul3A_530 = arith.muli %add3A_154, %mul3A_529 : i32
        %add3A_531 = arith.constant 5 : i32
        %add3A_532 = arith.addi %mul3A_530, %add3A_531 : i32
        %get3A_533 = arith.index_cast %add3A_532 : i32 to index
        %get3A_534 = arith.constant 0 : index
        %get3A_535 = tpu.vector_load %arg8[%get3A_533, %get3A_534] {strides = array<i32>} : memref<128x128xf32, #tpu.memory_space<vmem>>, vector<1x16xf32>,
        %get3A_536 = vector.shape_cast %get3A_535 : vector<1x16xf32> to vector<16xf32>
        %add3A_537 = arith.addf %add3A_465, %get3A_536 : vector<16xf32>
        %mul3A_538 = arith.constant 32 : i32
        %mul3A_539 = arith.muli %add3A_154, %mul3A_538 : i32
        %add3A_540 = arith.constant 5 : i32
        %add3A_541 = arith.addi %mul3A_539, %add3A_540 : i32
        %get3A_542 = arith.index_cast %add3A_541 : i32 to index
        %get3A_543 = arith.constant 16 : index
        %get3A_544 = tpu.vector_load %arg8[%get3A_542, %get3A_543] {strides = array<i32>} : memref<128x128xf32, #tpu.memory_space<vmem>>, vector<1x16xf32>,
        %get3A_545 = vector.shape_cast %get3A_544 : vector<1x16xf32> to vector<16xf32>
        %add3A_546 = arith.addf %add3A_474, %get3A_545 : vector<16xf32>
        %mul3A_547 = arith.constant 32 : i32
        %mul3A_548 = arith.muli %add3A_154, %mul3A_547 : i32
        %add3A_549 = arith.constant 5 : i32
        %add3A_550 = arith.addi %mul3A_548, %add3A_549 : i32
        %get3A_551 = arith.index_cast %add3A_550 : i32 to index
        %get3A_552 = arith.constant 32 : index
        %get3A_553 = tpu.vector_load %arg8[%get3A_551, %get3A_552] {strides = array<i32>} : memref<128x128xf32, #tpu.memory_space<vmem>>, vector<1x16xf32>,
        %get3A_554 = vector.shape_cast %get3A_553 : vector<1x16xf32> to vector<16xf32>
        %add3A_555 = arith.addf %add3A_483, %get3A_554 : vector<16xf32>
        %mul3A_556 = arith.constant 32 : i32
        %mul3A_557 = arith.muli %add3A_154, %mul3A_556 : i32
        %add3A_558 = arith.constant 5 : i32
        %add3A_559 = arith.addi %mul3A_557, %add3A_558 : i32
        %get3A_560 = arith.index_cast %add3A_559 : i32 to index
        %get3A_561 = arith.constant 48 : index
        %get3A_562 = tpu.vector_load %arg8[%get3A_560, %get3A_561] {strides = array<i32>} : memref<128x128xf32, #tpu.memory_space<vmem>>, vector<1x16xf32>,
        %get3A_563 = vector.shape_cast %get3A_562 : vector<1x16xf32> to vector<16xf32>
        %add3A_564 = arith.addf %add3A_492, %get3A_563 : vector<16xf32>
        %mul3A_565 = arith.constant 32 : i32
        %mul3A_566 = arith.muli %add3A_154, %mul3A_565 : i32
        %add3A_567 = arith.constant 5 : i32
        %add3A_568 = arith.addi %mul3A_566, %add3A_567 : i32
        %get3A_569 = arith.index_cast %add3A_568 : i32 to index
        %get3A_570 = arith.constant 64 : index
        %get3A_571 = tpu.vector_load %arg8[%get3A_569, %get3A_570] {strides = array<i32>} : memref<128x128xf32, #tpu.memory_space<vmem>>, vector<1x16xf32>,
        %get3A_572 = vector.shape_cast %get3A_571 : vector<1x16xf32> to vector<16xf32>
        %add3A_573 = arith.addf %add3A_501, %get3A_572 : vector<16xf32>
        %mul3A_574 = arith.constant 32 : i32
        %mul3A_575 = arith.muli %add3A_154, %mul3A_574 : i32
        %add3A_576 = arith.constant 5 : i32
        %add3A_577 = arith.addi %mul3A_575, %add3A_576 : i32
        %get3A_578 = arith.index_cast %add3A_577 : i32 to index
        %get3A_579 = arith.constant 80 : index
        %get3A_580 = tpu.vector_load %arg8[%get3A_578, %get3A_579] {strides = array<i32>} : memref<128x128xf32, #tpu.memory_space<vmem>>, vector<1x16xf32>,
        %get3A_581 = vector.shape_cast %get3A_580 : vector<1x16xf32> to vector<16xf32>
        %add3A_582 = arith.addf %add3A_510, %get3A_581 : vector<16xf32>
        %mul3A_583 = arith.constant 32 : i32
        %mul3A_584 = arith.muli %add3A_154, %mul3A_583 : i32
        %add3A_585 = arith.constant 5 : i32
        %add3A_586 = arith.addi %mul3A_584, %add3A_585 : i32
        %get3A_587 = arith.index_cast %add3A_586 : i32 to index
        %get3A_588 = arith.constant 96 : index
        %get3A_589 = tpu.vector_load %arg8[%get3A_587, %get3A_588] {strides = array<i32>} : memref<128x128xf32, #tpu.memory_space<vmem>>, vector<1x16xf32>,
        %get3A_590 = vector.shape_cast %get3A_589 : vector<1x16xf32> to vector<16xf32>
        %add3A_591 = arith.addf %add3A_519, %get3A_590 : vector<16xf32>
        %mul3A_592 = arith.constant 32 : i32
        %mul3A_593 = arith.muli %add3A_154, %mul3A_592 : i32
        %add3A_594 = arith.constant 5 : i32
        %add3A_595 = arith.addi %mul3A_593, %add3A_594 : i32
        %get3A_596 = arith.index_cast %add3A_595 : i32 to index
        %get3A_597 = arith.constant 112 : index
        %get3A_598 = tpu.vector_load %arg8[%get3A_596, %get3A_597] {strides = array<i32>} : memref<128x128xf32, #tpu.memory_space<vmem>>, vector<1x16xf32>,
        %get3A_599 = vector.shape_cast %get3A_598 : vector<1x16xf32> to vector<16xf32>
        %add3A_600 = arith.addf %add3A_528, %get3A_599 : vector<16xf32>
        %mul3A_601 = arith.constant 32 : i32
        %mul3A_602 = arith.muli %add3A_154, %mul3A_601 : i32
        %add3A_603 = arith.constant 6 : i32
        %add3A_604 = arith.addi %mul3A_602, %add3A_603 : i32
        %get3A_605 = arith.index_cast %add3A_604 : i32 to index
        %get3A_606 = arith.constant 0 : index
        %get3A_607 = tpu.vector_load %arg8[%get3A_605, %get3A_606] {strides = array<i32>} : memref<128x128xf32, #tpu.memory_space<vmem>>, vector<1x16xf32>,
        %get3A_608 = vector.shape_cast %get3A_607 : vector<1x16xf32> to vector<16xf32>
        %add3A_609 = arith.addf %add3A_537, %get3A_608 : vector<16xf32>
        %mul3A_610 = arith.constant 32 : i32
        %mul3A_611 = arith.muli %add3A_154, %mul3A_610 : i32
        %add3A_612 = arith.constant 6 : i32
        %add3A_613 = arith.addi %mul3A_611, %add3A_612 : i32
        %get3A_614 = arith.index_cast %add3A_613 : i32 to index
        %get3A_615 = arith.constant 16 : index
        %get3A_616 = tpu.vector_load %arg8[%get3A_614, %get3A_615] {strides = array<i32>} : memref<128x128xf32, #tpu.memory_space<vmem>>, vector<1x16xf32>,
        %get3A_617 = vector.shape_cast %get3A_616 : vector<1x16xf32> to vector<16xf32>
        %add3A_618 = arith.addf %add3A_546, %get3A_617 : vector<16xf32>
        %mul3A_619 = arith.constant 32 : i32
        %mul3A_620 = arith.muli %add3A_154, %mul3A_619 : i32
        %add3A_621 = arith.constant 6 : i32
        %add3A_622 = arith.addi %mul3A_620, %add3A_621 : i32
        %get3A_623 = arith.index_cast %add3A_622 : i32 to index
        %get3A_624 = arith.constant 32 : index
        %get3A_625 = tpu.vector_load %arg8[%get3A_623, %get3A_624] {strides = array<i32>} : memref<128x128xf32, #tpu.memory_space<vmem>>, vector<1x16xf32>,
        %get3A_626 = vector.shape_cast %get3A_625 : vector<1x16xf32> to vector<16xf32>
        %add3A_627 = arith.addf %add3A_555, %get3A_626 : vector<16xf32>
        %mul3A_628 = arith.constant 32 : i32
        %mul3A_629 = arith.muli %add3A_154, %mul3A_628 : i32
        %add3A_630 = arith.constant 6 : i32
        %add3A_631 = arith.addi %mul3A_629, %add3A_630 : i32
        %get3A_632 = arith.index_cast %add3A_631 : i32 to index
        %get3A_633 = arith.constant 48 : index
        %get3A_634 = tpu.vector_load %arg8[%get3A_632, %get3A_633] {strides = array<i32>} : memref<128x128xf32, #tpu.memory_space<vmem>>, vector<1x16xf32>,
        %get3A_635 = vector.shape_cast %get3A_634 : vector<1x16xf32> to vector<16xf32>
        %add3A_636 = arith.addf %add3A_564, %get3A_635 : vector<16xf32>
        %mul3A_637 = arith.constant 32 : i32
        %mul3A_638 = arith.muli %add3A_154, %mul3A_637 : i32
        %add3A_639 = arith.constant 6 : i32
        %add3A_640 = arith.addi %mul3A_638, %add3A_639 : i32
        %get3A_641 = arith.index_cast %add3A_640 : i32 to index
        %get3A_642 = arith.constant 64 : index
        %get3A_643 = tpu.vector_load %arg8[%get3A_641, %get3A_642] {strides = array<i32>} : memref<128x128xf32, #tpu.memory_space<vmem>>, vector<1x16xf32>,
        %get3A_644 = vector.shape_cast %get3A_643 : vector<1x16xf32> to vector<16xf32>
        %add3A_645 = arith.addf %add3A_573, %get3A_644 : vector<16xf32>
        %mul3A_646 = arith.constant 32 : i32
        %mul3A_647 = arith.muli %add3A_154, %mul3A_646 : i32
        %add3A_648 = arith.constant 6 : i32
        %add3A_649 = arith.addi %mul3A_647, %add3A_648 : i32
        %get3A_650 = arith.index_cast %add3A_649 : i32 to index
        %get3A_651 = arith.constant 80 : index
        %get3A_652 = tpu.vector_load %arg8[%get3A_650, %get3A_651] {strides = array<i32>} : memref<128x128xf32, #tpu.memory_space<vmem>>, vector<1x16xf32>,
        %get3A_653 = vector.shape_cast %get3A_652 : vector<1x16xf32> to vector<16xf32>
        %add3A_654 = arith.addf %add3A_582, %get3A_653 : vector<16xf32>
        %mul3A_655 = arith.constant 32 : i32
        %mul3A_656 = arith.muli %add3A_154, %mul3A_655 : i32
        %add3A_657 = arith.constant 6 : i32
        %add3A_658 = arith.addi %mul3A_656, %add3A_657 : i32
        %get3A_659 = arith.index_cast %add3A_658 : i32 to index
        %get3A_660 = arith.constant 96 : index
        %get3A_661 = tpu.vector_load %arg8[%get3A_659, %get3A_660] {strides = array<i32>} : memref<128x128xf32, #tpu.memory_space<vmem>>, vector<1x16xf32>,
        %get3A_662 = vector.shape_cast %get3A_661 : vector<1x16xf32> to vector<16xf32>
        %add3A_663 = arith.addf %add3A_591, %get3A_662 : vector<16xf32>
        %mul3A_664 = arith.constant 32 : i32
        %mul3A_665 = arith.muli %add3A_154, %mul3A_664 : i32
        %add3A_666 = arith.constant 6 : i32
        %add3A_667 = arith.addi %mul3A_665, %add3A_666 : i32
        %get3A_668 = arith.index_cast %add3A_667 : i32 to index
        %get3A_669 = arith.constant 112 : index
        %get3A_670 = tpu.vector_load %arg8[%get3A_668, %get3A_669] {strides = array<i32>} : memref<128x128xf32, #tpu.memory_space<vmem>>, vector<1x16xf32>,
        %get3A_671 = vector.shape_cast %get3A_670 : vector<1x16xf32> to vector<16xf32>
        %add3A_672 = arith.addf %add3A_600, %get3A_671 : vector<16xf32>
        %mul3A_673 = arith.constant 32 : i32
        %mul3A_674 = arith.muli %add3A_154, %mul3A_673 : i32
        %add3A_675 = arith.constant 7 : i32
        %add3A_676 = arith.addi %mul3A_674, %add3A_675 : i32
        %get3A_677 = arith.index_cast %add3A_676 : i32 to index
        %get3A_678 = arith.constant 0 : index
        %get3A_679 = tpu.vector_load %arg8[%get3A_677, %get3A_678] {strides = array<i32>} : memref<128x128xf32, #tpu.memory_space<vmem>>, vector<1x16xf32>,
        %get3A_680 = vector.shape_cast %get3A_679 : vector<1x16xf32> to vector<16xf32>
        %add3A_681 = arith.addf %add3A_609, %get3A_680 : vector<16xf32>
        %mul3A_682 = arith.constant 32 : i32
        %mul3A_683 = arith.muli %add3A_154, %mul3A_682 : i32
        %add3A_684 = arith.constant 7 : i32
        %add3A_685 = arith.addi %mul3A_683, %add3A_684 : i32
        %get3A_686 = arith.index_cast %add3A_685 : i32 to index
        %get3A_687 = arith.constant 16 : index
        %get3A_688 = tpu.vector_load %arg8[%get3A_686, %get3A_687] {strides = array<i32>} : memref<128x128xf32, #tpu.memory_space<vmem>>, vector<1x16xf32>,
        %get3A_689 = vector.shape_cast %get3A_688 : vector<1x16xf32> to vector<16xf32>
        %add3A_690 = arith.addf %add3A_618, %get3A_689 : vector<16xf32>
        %mul3A_691 = arith.constant 32 : i32
        %mul3A_692 = arith.muli %add3A_154, %mul3A_691 : i32
        %add3A_693 = arith.constant 7 : i32
        %add3A_694 = arith.addi %mul3A_692, %add3A_693 : i32
        %get3A_695 = arith.index_cast %add3A_694 : i32 to index
        %get3A_696 = arith.constant 32 : index
        %get3A_697 = tpu.vector_load %arg8[%get3A_695, %get3A_696] {strides = array<i32>} : memref<128x128xf32, #tpu.memory_space<vmem>>, vector<1x16xf32>,
        %get3A_698 = vector.shape_cast %get3A_697 : vector<1x16xf32> to vector<16xf32>
        %add3A_699 = arith.addf %add3A_627, %get3A_698 : vector<16xf32>
        %mul3A_700 = arith.constant 32 : i32
        %mul3A_701 = arith.muli %add3A_154, %mul3A_700 : i32
        %add3A_702 = arith.constant 7 : i32
        %add3A_703 = arith.addi %mul3A_701, %add3A_702 : i32
        %get3A_704 = arith.index_cast %add3A_703 : i32 to index
        %get3A_705 = arith.constant 48 : index
        %get3A_706 = tpu.vector_load %arg8[%get3A_704, %get3A_705] {strides = array<i32>} : memref<128x128xf32, #tpu.memory_space<vmem>>, vector<1x16xf32>,
        %get3A_707 = vector.shape_cast %get3A_706 : vector<1x16xf32> to vector<16xf32>
        %add3A_708 = arith.addf %add3A_636, %get3A_707 : vector<16xf32>
        %mul3A_709 = arith.constant 32 : i32
        %mul3A_710 = arith.muli %add3A_154, %mul3A_709 : i32
        %add3A_711 = arith.constant 7 : i32
        %add3A_712 = arith.addi %mul3A_710, %add3A_711 : i32
        %get3A_713 = arith.index_cast %add3A_712 : i32 to index
        %get3A_714 = arith.constant 64 : index
        %get3A_715 = tpu.vector_load %arg8[%get3A_713, %get3A_714] {strides = array<i32>} : memref<128x128xf32, #tpu.memory_space<vmem>>, vector<1x16xf32>,
        %get3A_716 = vector.shape_cast %get3A_715 : vector<1x16xf32> to vector<16xf32>
        %add3A_717 = arith.addf %add3A_645, %get3A_716 : vector<16xf32>
        %mul3A_718 = arith.constant 32 : i32
        %mul3A_719 = arith.muli %add3A_154, %mul3A_718 : i32
        %add3A_720 = arith.constant 7 : i32
        %add3A_721 = arith.addi %mul3A_719, %add3A_720 : i32
        %get3A_722 = arith.index_cast %add3A_721 : i32 to index
        %get3A_723 = arith.constant 80 : index
        %get3A_724 = tpu.vector_load %arg8[%get3A_722, %get3A_723] {strides = array<i32>} : memref<128x128xf32, #tpu.memory_space<vmem>>, vector<1x16xf32>,
        %get3A_725 = vector.shape_cast %get3A_724 : vector<1x16xf32> to vector<16xf32>
        %add3A_726 = arith.addf %add3A_654, %get3A_725 : vector<16xf32>
        %mul3A_727 = arith.constant 32 : i32
        %mul3A_728 = arith.muli %add3A_154, %mul3A_727 : i32
        %add3A_729 = arith.constant 7 : i32
        %add3A_730 = arith.addi %mul3A_728, %add3A_729 : i32
        %get3A_731 = arith.index_cast %add3A_730 : i32 to index
        %get3A_732 = arith.constant 96 : index
        %get3A_733 = tpu.vector_load %arg8[%get3A_731, %get3A_732] {strides = array<i32>} : memref<128x128xf32, #tpu.memory_space<vmem>>, vector<1x16xf32>,
        %get3A_734 = vector.shape_cast %get3A_733 : vector<1x16xf32> to vector<16xf32>
        %add3A_735 = arith.addf %add3A_663, %get3A_734 : vector<16xf32>
        %mul3A_736 = arith.constant 32 : i32
        %mul3A_737 = arith.muli %add3A_154, %mul3A_736 : i32
        %add3A_738 = arith.constant 7 : i32
        %add3A_739 = arith.addi %mul3A_737, %add3A_738 : i32
        %get3A_740 = arith.index_cast %add3A_739 : i32 to index
        %get3A_741 = arith.constant 112 : index
        %get3A_742 = tpu.vector_load %arg8[%get3A_740, %get3A_741] {strides = array<i32>} : memref<128x128xf32, #tpu.memory_space<vmem>>, vector<1x16xf32>,
        %get3A_743 = vector.shape_cast %get3A_742 : vector<1x16xf32> to vector<16xf32>
        %add3A_744 = arith.addf %add3A_672, %get3A_743 : vector<16xf32>
        %mul3A_745 = arith.constant 32 : i32
        %mul3A_746 = arith.muli %add3A_154, %mul3A_745 : i32
        %add3A_747 = arith.constant 8 : i32
        %add3A_748 = arith.addi %mul3A_746, %add3A_747 : i32
        %get3A_749 = arith.index_cast %add3A_748 : i32 to index
        %get3A_750 = arith.constant 0 : index
        %get3A_751 = tpu.vector_load %arg8[%get3A_749, %get3A_750] {strides = array<i32>} : memref<128x128xf32, #tpu.memory_space<vmem>>, vector<1x16xf32>,
        %get3A_752 = vector.shape_cast %get3A_751 : vector<1x16xf32> to vector<16xf32>
        %add3A_753 = arith.addf %add3A_681, %get3A_752 : vector<16xf32>
        %mul3A_754 = arith.constant 32 : i32
        %mul3A_755 = arith.muli %add3A_154, %mul3A_754 : i32
        %add3A_756 = arith.constant 8 : i32
        %add3A_757 = arith.addi %mul3A_755, %add3A_756 : i32
        %get3A_758 = arith.index_cast %add3A_757 : i32 to index
        %get3A_759 = arith.constant 16 : index
        %get3A_760 = tpu.vector_load %arg8[%get3A_758, %get3A_759] {strides = array<i32>} : memref<128x128xf32, #tpu.memory_space<vmem>>, vector<1x16xf32>,
        %get3A_761 = vector.shape_cast %get3A_760 : vector<1x16xf32> to vector<16xf32>
        %add3A_762 = arith.addf %add3A_690, %get3A_761 : vector<16xf32>
        %mul3A_763 = arith.constant 32 : i32
        %mul3A_764 = arith.muli %add3A_154, %mul3A_763 : i32
        %add3A_765 = arith.constant 8 : i32
        %add3A_766 = arith.addi %mul3A_764, %add3A_765 : i32
        %get3A_767 = arith.index_cast %add3A_766 : i32 to index
        %get3A_768 = arith.constant 32 : index
        %get3A_769 = tpu.vector_load %arg8[%get3A_767, %get3A_768] {strides = array<i32>} : memref<128x128xf32, #tpu.memory_space<vmem>>, vector<1x16xf32>,
        %get3A_770 = vector.shape_cast %get3A_769 : vector<1x16xf32> to vector<16xf32>
        %add3A_771 = arith.addf %add3A_699, %get3A_770 : vector<16xf32>
        %mul3A_772 = arith.constant 32 : i32
        %mul3A_773 = arith.muli %add3A_154, %mul3A_772 : i32
        %add3A_774 = arith.constant 8 : i32
        %add3A_775 = arith.addi %mul3A_773, %add3A_774 : i32
        %get3A_776 = arith.index_cast %add3A_775 : i32 to index
        %get3A_777 = arith.constant 48 : index
        %get3A_778 = tpu.vector_load %arg8[%get3A_776, %get3A_777] {strides = array<i32>} : memref<128x128xf32, #tpu.memory_space<vmem>>, vector<1x16xf32>,
        %get3A_779 = vector.shape_cast %get3A_778 : vector<1x16xf32> to vector<16xf32>
        %add3A_780 = arith.addf %add3A_708, %get3A_779 : vector<16xf32>
        %mul3A_781 = arith.constant 32 : i32
        %mul3A_782 = arith.muli %add3A_154, %mul3A_781 : i32
        %add3A_783 = arith.constant 8 : i32
        %add3A_784 = arith.addi %mul3A_782, %add3A_783 : i32
        %get3A_785 = arith.index_cast %add3A_784 : i32 to index
        %get3A_786 = arith.constant 64 : index
        %get3A_787 = tpu.vector_load %arg8[%get3A_785, %get3A_786] {strides = array<i32>} : memref<128x128xf32, #tpu.memory_space<vmem>>, vector<1x16xf32>,
        %get3A_788 = vector.shape_cast %get3A_787 : vector<1x16xf32> to vector<16xf32>
        %add3A_789 = arith.addf %add3A_717, %get3A_788 : vector<16xf32>
        %mul3A_790 = arith.constant 32 : i32
        %mul3A_791 = arith.muli %add3A_154, %mul3A_790 : i32
        %add3A_792 = arith.constant 8 : i32
        %add3A_793 = arith.addi %mul3A_791, %add3A_792 : i32
        %get3A_794 = arith.index_cast %add3A_793 : i32 to index
        %get3A_795 = arith.constant 80 : index
        %get3A_796 = tpu.vector_load %arg8[%get3A_794, %get3A_795] {strides = array<i32>} : memref<128x128xf32, #tpu.memory_space<vmem>>, vector<1x16xf32>,
        %get3A_797 = vector.shape_cast %get3A_796 : vector<1x16xf32> to vector<16xf32>
        %add3A_798 = arith.addf %add3A_726, %get3A_797 : vector<16xf32>
        %mul3A_799 = arith.constant 32 : i32
        %mul3A_800 = arith.muli %add3A_154, %mul3A_799 : i32
        %add3A_801 = arith.constant 8 : i32
        %add3A_802 = arith.addi %mul3A_800, %add3A_801 : i32
        %get3A_803 = arith.index_cast %add3A_802 : i32 to index
        %get3A_804 = arith.constant 96 : index
        %get3A_805 = tpu.vector_load %arg8[%get3A_803, %get3A_804] {strides = array<i32>} : memref<128x128xf32, #tpu.memory_space<vmem>>, vector<1x16xf32>,
        %get3A_806 = vector.shape_cast %get3A_805 : vector<1x16xf32> to vector<16xf32>
        %add3A_807 = arith.addf %add3A_735, %get3A_806 : vector<16xf32>
        %mul3A_808 = arith.constant 32 : i32
        %mul3A_809 = arith.muli %add3A_154, %mul3A_808 : i32
        %add3A_810 = arith.constant 8 : i32
        %add3A_811 = arith.addi %mul3A_809, %add3A_810 : i32
        %get3A_812 = arith.index_cast %add3A_811 : i32 to index
        %get3A_813 = arith.constant 112 : index
        %get3A_814 = tpu.vector_load %arg8[%get3A_812, %get3A_813] {strides = array<i32>} : memref<128x128xf32, #tpu.memory_space<vmem>>, vector<1x16xf32>,
        %get3A_815 = vector.shape_cast %get3A_814 : vector<1x16xf32> to vector<16xf32>
        %add3A_816 = arith.addf %add3A_744, %get3A_815 : vector<16xf32>
        %mul3A_817 = arith.constant 32 : i32
        %mul3A_818 = arith.muli %add3A_154, %mul3A_817 : i32
        %add3A_819 = arith.constant 9 : i32
        %add3A_820 = arith.addi %mul3A_818, %add3A_819 : i32
        %get3A_821 = arith.index_cast %add3A_820 : i32 to index
        %get3A_822 = arith.constant 0 : index
        %get3A_823 = tpu.vector_load %arg8[%get3A_821, %get3A_822] {strides = array<i32>} : memref<128x128xf32, #tpu.memory_space<vmem>>, vector<1x16xf32>,
        %get3A_824 = vector.shape_cast %get3A_823 : vector<1x16xf32> to vector<16xf32>
        %add3A_825 = arith.addf %add3A_753, %get3A_824 : vector<16xf32>
        %mul3A_826 = arith.constant 32 : i32
        %mul3A_827 = arith.muli %add3A_154, %mul3A_826 : i32
        %add3A_828 = arith.constant 9 : i32
        %add3A_829 = arith.addi %mul3A_827, %add3A_828 : i32
        %get3A_830 = arith.index_cast %add3A_829 : i32 to index
        %get3A_831 = arith.constant 16 : index
        %get3A_832 = tpu.vector_load %arg8[%get3A_830, %get3A_831] {strides = array<i32>} : memref<128x128xf32, #tpu.memory_space<vmem>>, vector<1x16xf32>,
        %get3A_833 = vector.shape_cast %get3A_832 : vector<1x16xf32> to vector<16xf32>
        %add3A_834 = arith.addf %add3A_762, %get3A_833 : vector<16xf32>
        %mul3A_835 = arith.constant 32 : i32
        %mul3A_836 = arith.muli %add3A_154, %mul3A_835 : i32
        %add3A_837 = arith.constant 9 : i32
        %add3A_838 = arith.addi %mul3A_836, %add3A_837 : i32
        %get3A_839 = arith.index_cast %add3A_838 : i32 to index
        %get3A_840 = arith.constant 32 : index
        %get3A_841 = tpu.vector_load %arg8[%get3A_839, %get3A_840] {strides = array<i32>} : memref<128x128xf32, #tpu.memory_space<vmem>>, vector<1x16xf32>,
        %get3A_842 = vector.shape_cast %get3A_841 : vector<1x16xf32> to vector<16xf32>
        %add3A_843 = arith.addf %add3A_771, %get3A_842 : vector<16xf32>
        %mul3A_844 = arith.constant 32 : i32
        %mul3A_845 = arith.muli %add3A_154, %mul3A_844 : i32
        %add3A_846 = arith.constant 9 : i32
        %add3A_847 = arith.addi %mul3A_845, %add3A_846 : i32
        %get3A_848 = arith.index_cast %add3A_847 : i32 to index
        %get3A_849 = arith.constant 48 : index
        %get3A_850 = tpu.vector_load %arg8[%get3A_848, %get3A_849] {strides = array<i32>} : memref<128x128xf32, #tpu.memory_space<vmem>>, vector<1x16xf32>,
        %get3A_851 = vector.shape_cast %get3A_850 : vector<1x16xf32> to vector<16xf32>
        %add3A_852 = arith.addf %add3A_780, %get3A_851 : vector<16xf32>
        %mul3A_853 = arith.constant 32 : i32
        %mul3A_854 = arith.muli %add3A_154, %mul3A_853 : i32
        %add3A_855 = arith.constant 9 : i32
        %add3A_856 = arith.addi %mul3A_854, %add3A_855 : i32
        %get3A_857 = arith.index_cast %add3A_856 : i32 to index
        %get3A_858 = arith.constant 64 : index
        %get3A_859 = tpu.vector_load %arg8[%get3A_857, %get3A_858] {strides = array<i32>} : memref<128x128xf32, #tpu.memory_space<vmem>>, vector<1x16xf32>,
        %get3A_860 = vector.shape_cast %get3A_859 : vector<1x16xf32> to vector<16xf32>
        %add3A_861 = arith.addf %add3A_789, %get3A_860 : vector<16xf32>
        %mul3A_862 = arith.constant 32 : i32
        %mul3A_863 = arith.muli %add3A_154, %mul3A_862 : i32
        %add3A_864 = arith.constant 9 : i32
        %add3A_865 = arith.addi %mul3A_863, %add3A_864 : i32
        %get3A_866 = arith.index_cast %add3A_865 : i32 to index
        %get3A_867 = arith.constant 80 : index
        %get3A_868 = tpu.vector_load %arg8[%get3A_866, %get3A_867] {strides = array<i32>} : memref<128x128xf32, #tpu.memory_space<vmem>>, vector<1x16xf32>,
        %get3A_869 = vector.shape_cast %get3A_868 : vector<1x16xf32> to vector<16xf32>
        %add3A_870 = arith.addf %add3A_798, %get3A_869 : vector<16xf32>
        %mul3A_871 = arith.constant 32 : i32
        %mul3A_872 = arith.muli %add3A_154, %mul3A_871 : i32
        %add3A_873 = arith.constant 9 : i32
        %add3A_874 = arith.addi %mul3A_872, %add3A_873 : i32
        %get3A_875 = arith.index_cast %add3A_874 : i32 to index
        %get3A_876 = arith.constant 96 : index
        %get3A_877 = tpu.vector_load %arg8[%get3A_875, %get3A_876] {strides = array<i32>} : memref<128x128xf32, #tpu.memory_space<vmem>>, vector<1x16xf32>,
        %get3A_878 = vector.shape_cast %get3A_877 : vector<1x16xf32> to vector<16xf32>
        %add3A_879 = arith.addf %add3A_807, %get3A_878 : vector<16xf32>
        %mul3A_880 = arith.constant 32 : i32
        %mul3A_881 = arith.muli %add3A_154, %mul3A_880 : i32
        %add3A_882 = arith.constant 9 : i32
        %add3A_883 = arith.addi %mul3A_881, %add3A_882 : i32
        %get3A_884 = arith.index_cast %add3A_883 : i32 to index
        %get3A_885 = arith.constant 112 : index
        %get3A_886 = tpu.vector_load %arg8[%get3A_884, %get3A_885] {strides = array<i32>} : memref<128x128xf32, #tpu.memory_space<vmem>>, vector<1x16xf32>,
        %get3A_887 = vector.shape_cast %get3A_886 : vector<1x16xf32> to vector<16xf32>
        %add3A_888 = arith.addf %add3A_816, %get3A_887 : vector<16xf32>
        %mul3A_889 = arith.constant 32 : i32
        %mul3A_890 = arith.muli %add3A_154, %mul3A_889 : i32
        %add3A_891 = arith.constant 10 : i32
        %add3A_892 = arith.addi %mul3A_890, %add3A_891 : i32
        %get3A_893 = arith.index_cast %add3A_892 : i32 to index
        %get3A_894 = arith.constant 0 : index
        %get3A_895 = tpu.vector_load %arg8[%get3A_893, %get3A_894] {strides = array<i32>} : memref<128x128xf32, #tpu.memory_space<vmem>>, vector<1x16xf32>,
        %get3A_896 = vector.shape_cast %get3A_895 : vector<1x16xf32> to vector<16xf32>
        %add3A_897 = arith.addf %add3A_825, %get3A_896 : vector<16xf32>
        %mul3A_898 = arith.constant 32 : i32
        %mul3A_899 = arith.muli %add3A_154, %mul3A_898 : i32
        %add3A_900 = arith.constant 10 : i32
        %add3A_901 = arith.addi %mul3A_899, %add3A_900 : i32
        %get3A_902 = arith.index_cast %add3A_901 : i32 to index
        %get3A_903 = arith.constant 16 : index
        %get3A_904 = tpu.vector_load %arg8[%get3A_902, %get3A_903] {strides = array<i32>} : memref<128x128xf32, #tpu.memory_space<vmem>>, vector<1x16xf32>,
        %get3A_905 = vector.shape_cast %get3A_904 : vector<1x16xf32> to vector<16xf32>
        %add3A_906 = arith.addf %add3A_834, %get3A_905 : vector<16xf32>
        %mul3A_907 = arith.constant 32 : i32
        %mul3A_908 = arith.muli %add3A_154, %mul3A_907 : i32
        %add3A_909 = arith.constant 10 : i32
        %add3A_910 = arith.addi %mul3A_908, %add3A_909 : i32
        %get3A_911 = arith.index_cast %add3A_910 : i32 to index
        %get3A_912 = arith.constant 32 : index
        %get3A_913 = tpu.vector_load %arg8[%get3A_911, %get3A_912] {strides = array<i32>} : memref<128x128xf32, #tpu.memory_space<vmem>>, vector<1x16xf32>,
        %get3A_914 = vector.shape_cast %get3A_913 : vector<1x16xf32> to vector<16xf32>
        %add3A_915 = arith.addf %add3A_843, %get3A_914 : vector<16xf32>
        %mul3A_916 = arith.constant 32 : i32
        %mul3A_917 = arith.muli %add3A_154, %mul3A_916 : i32
        %add3A_918 = arith.constant 10 : i32
        %add3A_919 = arith.addi %mul3A_917, %add3A_918 : i32
        %get3A_920 = arith.index_cast %add3A_919 : i32 to index
        %get3A_921 = arith.constant 48 : index
        %get3A_922 = tpu.vector_load %arg8[%get3A_920, %get3A_921] {strides = array<i32>} : memref<128x128xf32, #tpu.memory_space<vmem>>, vector<1x16xf32>,
        %get3A_923 = vector.shape_cast %get3A_922 : vector<1x16xf32> to vector<16xf32>
        %add3A_924 = arith.addf %add3A_852, %get3A_923 : vector<16xf32>
        %mul3A_925 = arith.constant 32 : i32
        %mul3A_926 = arith.muli %add3A_154, %mul3A_925 : i32
        %add3A_927 = arith.constant 10 : i32
        %add3A_928 = arith.addi %mul3A_926, %add3A_927 : i32
        %get3A_929 = arith.index_cast %add3A_928 : i32 to index
        %get3A_930 = arith.constant 64 : index
        %get3A_931 = tpu.vector_load %arg8[%get3A_929, %get3A_930] {strides = array<i32>} : memref<128x128xf32, #tpu.memory_space<vmem>>, vector<1x16xf32>,
        %get3A_932 = vector.shape_cast %get3A_931 : vector<1x16xf32> to vector<16xf32>
        %add3A_933 = arith.addf %add3A_861, %get3A_932 : vector<16xf32>
        %mul3A_934 = arith.constant 32 : i32
        %mul3A_935 = arith.muli %add3A_154, %mul3A_934 : i32
        %add3A_936 = arith.constant 10 : i32
        %add3A_937 = arith.addi %mul3A_935, %add3A_936 : i32
        %get3A_938 = arith.index_cast %add3A_937 : i32 to index
        %get3A_939 = arith.constant 80 : index
        %get3A_940 = tpu.vector_load %arg8[%get3A_938, %get3A_939] {strides = array<i32>} : memref<128x128xf32, #tpu.memory_space<vmem>>, vector<1x16xf32>,
        %get3A_941 = vector.shape_cast %get3A_940 : vector<1x16xf32> to vector<16xf32>
        %add3A_942 = arith.addf %add3A_870, %get3A_941 : vector<16xf32>
        %mul3A_943 = arith.constant 32 : i32
        %mul3A_944 = arith.muli %add3A_154, %mul3A_943 : i32
        %add3A_945 = arith.constant 10 : i32
        %add3A_946 = arith.addi %mul3A_944, %add3A_945 : i32
        %get3A_947 = arith.index_cast %add3A_946 : i32 to index
        %get3A_948 = arith.constant 96 : index
        %get3A_949 = tpu.vector_load %arg8[%get3A_947, %get3A_948] {strides = array<i32>} : memref<128x128xf32, #tpu.memory_space<vmem>>, vector<1x16xf32>,
        %get3A_950 = vector.shape_cast %get3A_949 : vector<1x16xf32> to vector<16xf32>
        %add3A_951 = arith.addf %add3A_879, %get3A_950 : vector<16xf32>
        %mul3A_952 = arith.constant 32 : i32
        %mul3A_953 = arith.muli %add3A_154, %mul3A_952 : i32
        %add3A_954 = arith.constant 10 : i32
        %add3A_955 = arith.addi %mul3A_953, %add3A_954 : i32
        %get3A_956 = arith.index_cast %add3A_955 : i32 to index
        %get3A_957 = arith.constant 112 : index
        %get3A_958 = tpu.vector_load %arg8[%get3A_956, %get3A_957] {strides = array<i32>} : memref<128x128xf32, #tpu.memory_space<vmem>>, vector<1x16xf32>,
        %get3A_959 = vector.shape_cast %get3A_958 : vector<1x16xf32> to vector<16xf32>
        %add3A_960 = arith.addf %add3A_888, %get3A_959 : vector<16xf32>
        %mul3A_961 = arith.constant 32 : i32
        %mul3A_962 = arith.muli %add3A_154, %mul3A_961 : i32
        %add3A_963 = arith.constant 11 : i32
        %add3A_964 = arith.addi %mul3A_962, %add3A_963 : i32
        %get3A_965 = arith.index_cast %add3A_964 : i32 to index
        %get3A_966 = arith.constant 0 : index
        %get3A_967 = tpu.vector_load %arg8[%get3A_965, %get3A_966] {strides = array<i32>} : memref<128x128xf32, #tpu.memory_space<vmem>>, vector<1x16xf32>,
        %get3A_968 = vector.shape_cast %get3A_967 : vector<1x16xf32> to vector<16xf32>
        %add3A_969 = arith.addf %add3A_897, %get3A_968 : vector<16xf32>
        %mul3A_970 = arith.constant 32 : i32
        %mul3A_971 = arith.muli %add3A_154, %mul3A_970 : i32
        %add3A_972 = arith.constant 11 : i32
        %add3A_973 = arith.addi %mul3A_971, %add3A_972 : i32
        %get3A_974 = arith.index_cast %add3A_973 : i32 to index
        %get3A_975 = arith.constant 16 : index
        %get3A_976 = tpu.vector_load %arg8[%get3A_974, %get3A_975] {strides = array<i32>} : memref<128x128xf32, #tpu.memory_space<vmem>>, vector<1x16xf32>,
        %get3A_977 = vector.shape_cast %get3A_976 : vector<1x16xf32> to vector<16xf32>
        %add3A_978 = arith.addf %add3A_906, %get3A_977 : vector<16xf32>
        %mul3A_979 = arith.constant 32 : i32
        %mul3A_980 = arith.muli %add3A_154, %mul3A_979 : i32
        %add3A_981 = arith.constant 11 : i32
        %add3A_982 = arith.addi %mul3A_980, %add3A_981 : i32
        %get3A_983 = arith.index_cast %add3A_982 : i32 to index
        %get3A_984 = arith.constant 32 : index
        %get3A_985 = tpu.vector_load %arg8[%get3A_983, %get3A_984] {strides = array<i32>} : memref<128x128xf32, #tpu.memory_space<vmem>>, vector<1x16xf32>,
        %get3A_986 = vector.shape_cast %get3A_985 : vector<1x16xf32> to vector<16xf32>
        %add3A_987 = arith.addf %add3A_915, %get3A_986 : vector<16xf32>
        %mul3A_988 = arith.constant 32 : i32
        %mul3A_989 = arith.muli %add3A_154, %mul3A_988 : i32
        %add3A_990 = arith.constant 11 : i32
        %add3A_991 = arith.addi %mul3A_989, %add3A_990 : i32
        %get3A_992 = arith.index_cast %add3A_991 : i32 to index
        %get3A_993 = arith.constant 48 : index
        %get3A_994 = tpu.vector_load %arg8[%get3A_992, %get3A_993] {strides = array<i32>} : memref<128x128xf32, #tpu.memory_space<vmem>>, vector<1x16xf32>,
        %get3A_995 = vector.shape_cast %get3A_994 : vector<1x16xf32> to vector<16xf32>
        %add3A_996 = arith.addf %add3A_924, %get3A_995 : vector<16xf32>
        %mul3A_997 = arith.constant 32 : i32
        %mul3A_998 = arith.muli %add3A_154, %mul3A_997 : i32
        %add3A_999 = arith.constant 11 : i32
        %add3A_1000 = arith.addi %mul3A_998, %add3A_999 : i32
        %get3A_1001 = arith.index_cast %add3A_1000 : i32 to index
        %get3A_1002 = arith.constant 64 : index
        %get3A_1003 = tpu.vector_load %arg8[%get3A_1001, %get3A_1002] {strides = array<i32>} : memref<128x128xf32, #tpu.memory_space<vmem>>, vector<1x16xf32>,
        %get3A_1004 = vector.shape_cast %get3A_1003 : vector<1x16xf32> to vector<16xf32>
        %add3A_1005 = arith.addf %add3A_933, %get3A_1004 : vector<16xf32>
        %mul3A_1006 = arith.constant 32 : i32
        %mul3A_1007 = arith.muli %add3A_154, %mul3A_1006 : i32
        %add3A_1008 = arith.constant 11 : i32
        %add3A_1009 = arith.addi %mul3A_1007, %add3A_1008 : i32
        %get3A_1010 = arith.index_cast %add3A_1009 : i32 to index
        %get3A_1011 = arith.constant 80 : index
        %get3A_1012 = tpu.vector_load %arg8[%get3A_1010, %get3A_1011] {strides = array<i32>} : memref<128x128xf32, #tpu.memory_space<vmem>>, vector<1x16xf32>,
        %get3A_1013 = vector.shape_cast %get3A_1012 : vector<1x16xf32> to vector<16xf32>
        %add3A_1014 = arith.addf %add3A_942, %get3A_1013 : vector<16xf32>
        %mul3A_1015 = arith.constant 32 : i32
        %mul3A_1016 = arith.muli %add3A_154, %mul3A_1015 : i32
        %add3A_1017 = arith.constant 11 : i32
        %add3A_1018 = arith.addi %mul3A_1016, %add3A_1017 : i32
        %get3A_1019 = arith.index_cast %add3A_1018 : i32 to index
        %get3A_1020 = arith.constant 96 : index
        %get3A_1021 = tpu.vector_load %arg8[%get3A_1019, %get3A_1020] {strides = array<i32>} : memref<128x128xf32, #tpu.memory_space<vmem>>, vector<1x16xf32>,
        %get3A_1022 = vector.shape_cast %get3A_1021 : vector<1x16xf32> to vector<16xf32>
        %add3A_1023 = arith.addf %add3A_951, %get3A_1022 : vector<16xf32>
        %mul3A_1024 = arith.constant 32 : i32
        %mul3A_1025 = arith.muli %add3A_154, %mul3A_1024 : i32
        %add3A_1026 = arith.constant 11 : i32
        %add3A_1027 = arith.addi %mul3A_1025, %add3A_1026 : i32
        %get3A_1028 = arith.index_cast %add3A_1027 : i32 to index
        %get3A_1029 = arith.constant 112 : index
        %get3A_1030 = tpu.vector_load %arg8[%get3A_1028, %get3A_1029] {strides = array<i32>} : memref<128x128xf32, #tpu.memory_space<vmem>>, vector<1x16xf32>,
        %get3A_1031 = vector.shape_cast %get3A_1030 : vector<1x16xf32> to vector<16xf32>
        %add3A_1032 = arith.addf %add3A_960, %get3A_1031 : vector<16xf32>
        %mul3A_1033 = arith.constant 32 : i32
        %mul3A_1034 = arith.muli %add3A_154, %mul3A_1033 : i32
        %add3A_1035 = arith.constant 12 : i32
        %add3A_1036 = arith.addi %mul3A_1034, %add3A_1035 : i32
        %get3A_1037 = arith.index_cast %add3A_1036 : i32 to index
        %get3A_1038 = arith.constant 0 : index
        %get3A_1039 = tpu.vector_load %arg8[%get3A_1037, %get3A_1038] {strides = array<i32>} : memref<128x128xf32, #tpu.memory_space<vmem>>, vector<1x16xf32>,
        %get3A_1040 = vector.shape_cast %get3A_1039 : vector<1x16xf32> to vector<16xf32>
        %add3A_1041 = arith.addf %add3A_969, %get3A_1040 : vector<16xf32>
        %mul3A_1042 = arith.constant 32 : i32
        %mul3A_1043 = arith.muli %add3A_154, %mul3A_1042 : i32
        %add3A_1044 = arith.constant 12 : i32
        %add3A_1045 = arith.addi %mul3A_1043, %add3A_1044 : i32
        %get3A_1046 = arith.index_cast %add3A_1045 : i32 to index
        %get3A_1047 = arith.constant 16 : index
        %get3A_1048 = tpu.vector_load %arg8[%get3A_1046, %get3A_1047] {strides = array<i32>} : memref<128x128xf32, #tpu.memory_space<vmem>>, vector<1x16xf32>,
        %get3A_1049 = vector.shape_cast %get3A_1048 : vector<1x16xf32> to vector<16xf32>
        %add3A_1050 = arith.addf %add3A_978, %get3A_1049 : vector<16xf32>
        %mul3A_1051 = arith.constant 32 : i32
        %mul3A_1052 = arith.muli %add3A_154, %mul3A_1051 : i32
        %add3A_1053 = arith.constant 12 : i32
        %add3A_1054 = arith.addi %mul3A_1052, %add3A_1053 : i32
        %get3A_1055 = arith.index_cast %add3A_1054 : i32 to index
        %get3A_1056 = arith.constant 32 : index
        %get3A_1057 = tpu.vector_load %arg8[%get3A_1055, %get3A_1056] {strides = array<i32>} : memref<128x128xf32, #tpu.memory_space<vmem>>, vector<1x16xf32>,
        %get3A_1058 = vector.shape_cast %get3A_1057 : vector<1x16xf32> to vector<16xf32>
        %add3A_1059 = arith.addf %add3A_987, %get3A_1058 : vector<16xf32>
        %mul3A_1060 = arith.constant 32 : i32
        %mul3A_1061 = arith.muli %add3A_154, %mul3A_1060 : i32
        %add3A_1062 = arith.constant 12 : i32
        %add3A_1063 = arith.addi %mul3A_1061, %add3A_1062 : i32
        %get3A_1064 = arith.index_cast %add3A_1063 : i32 to index
        %get3A_1065 = arith.constant 48 : index
        %get3A_1066 = tpu.vector_load %arg8[%get3A_1064, %get3A_1065] {strides = array<i32>} : memref<128x128xf32, #tpu.memory_space<vmem>>, vector<1x16xf32>,
        %get3A_1067 = vector.shape_cast %get3A_1066 : vector<1x16xf32> to vector<16xf32>
        %add3A_1068 = arith.addf %add3A_996, %get3A_1067 : vector<16xf32>
        %mul3A_1069 = arith.constant 32 : i32
        %mul3A_1070 = arith.muli %add3A_154, %mul3A_1069 : i32
        %add3A_1071 = arith.constant 12 : i32
        %add3A_1072 = arith.addi %mul3A_1070, %add3A_1071 : i32
        %get3A_1073 = arith.index_cast %add3A_1072 : i32 to index
        %get3A_1074 = arith.constant 64 : index
        %get3A_1075 = tpu.vector_load %arg8[%get3A_1073, %get3A_1074] {strides = array<i32>} : memref<128x128xf32, #tpu.memory_space<vmem>>, vector<1x16xf32>,
        %get3A_1076 = vector.shape_cast %get3A_1075 : vector<1x16xf32> to vector<16xf32>
        %add3A_1077 = arith.addf %add3A_1005, %get3A_1076 : vector<16xf32>
        %mul3A_1078 = arith.constant 32 : i32
        %mul3A_1079 = arith.muli %add3A_154, %mul3A_1078 : i32
        %add3A_1080 = arith.constant 12 : i32
        %add3A_1081 = arith.addi %mul3A_1079, %add3A_1080 : i32
        %get3A_1082 = arith.index_cast %add3A_1081 : i32 to index
        %get3A_1083 = arith.constant 80 : index
        %get3A_1084 = tpu.vector_load %arg8[%get3A_1082, %get3A_1083] {strides = array<i32>} : memref<128x128xf32, #tpu.memory_space<vmem>>, vector<1x16xf32>,
        %get3A_1085 = vector.shape_cast %get3A_1084 : vector<1x16xf32> to vector<16xf32>
        %add3A_1086 = arith.addf %add3A_1014, %get3A_1085 : vector<16xf32>
        %mul3A_1087 = arith.constant 32 : i32
        %mul3A_1088 = arith.muli %add3A_154, %mul3A_1087 : i32
        %add3A_1089 = arith.constant 12 : i32
        %add3A_1090 = arith.addi %mul3A_1088, %add3A_1089 : i32
        %get3A_1091 = arith.index_cast %add3A_1090 : i32 to index
        %get3A_1092 = arith.constant 96 : index
        %get3A_1093 = tpu.vector_load %arg8[%get3A_1091, %get3A_1092] {strides = array<i32>} : memref<128x128xf32, #tpu.memory_space<vmem>>, vector<1x16xf32>,
        %get3A_1094 = vector.shape_cast %get3A_1093 : vector<1x16xf32> to vector<16xf32>
        %add3A_1095 = arith.addf %add3A_1023, %get3A_1094 : vector<16xf32>
        %mul3A_1096 = arith.constant 32 : i32
        %mul3A_1097 = arith.muli %add3A_154, %mul3A_1096 : i32
        %add3A_1098 = arith.constant 12 : i32
        %add3A_1099 = arith.addi %mul3A_1097, %add3A_1098 : i32
        %get3A_1100 = arith.index_cast %add3A_1099 : i32 to index
        %get3A_1101 = arith.constant 112 : index
        %get3A_1102 = tpu.vector_load %arg8[%get3A_1100, %get3A_1101] {strides = array<i32>} : memref<128x128xf32, #tpu.memory_space<vmem>>, vector<1x16xf32>,
        %get3A_1103 = vector.shape_cast %get3A_1102 : vector<1x16xf32> to vector<16xf32>
        %add3A_1104 = arith.addf %add3A_1032, %get3A_1103 : vector<16xf32>
        %mul3A_1105 = arith.constant 32 : i32
        %mul3A_1106 = arith.muli %add3A_154, %mul3A_1105 : i32
        %add3A_1107 = arith.constant 13 : i32
        %add3A_1108 = arith.addi %mul3A_1106, %add3A_1107 : i32
        %get3A_1109 = arith.index_cast %add3A_1108 : i32 to index
        %get3A_1110 = arith.constant 0 : index
        %get3A_1111 = tpu.vector_load %arg8[%get3A_1109, %get3A_1110] {strides = array<i32>} : memref<128x128xf32, #tpu.memory_space<vmem>>, vector<1x16xf32>,
        %get3A_1112 = vector.shape_cast %get3A_1111 : vector<1x16xf32> to vector<16xf32>
        %add3A_1113 = arith.addf %add3A_1041, %get3A_1112 : vector<16xf32>
        %mul3A_1114 = arith.constant 32 : i32
        %mul3A_1115 = arith.muli %add3A_154, %mul3A_1114 : i32
        %add3A_1116 = arith.constant 13 : i32
        %add3A_1117 = arith.addi %mul3A_1115, %add3A_1116 : i32
        %get3A_1118 = arith.index_cast %add3A_1117 : i32 to index
        %get3A_1119 = arith.constant 16 : index
        %get3A_1120 = tpu.vector_load %arg8[%get3A_1118, %get3A_1119] {strides = array<i32>} : memref<128x128xf32, #tpu.memory_space<vmem>>, vector<1x16xf32>,
        %get3A_1121 = vector.shape_cast %get3A_1120 : vector<1x16xf32> to vector<16xf32>
        %add3A_1122 = arith.addf %add3A_1050, %get3A_1121 : vector<16xf32>
        %mul3A_1123 = arith.constant 32 : i32
        %mul3A_1124 = arith.muli %add3A_154, %mul3A_1123 : i32
        %add3A_1125 = arith.constant 13 : i32
        %add3A_1126 = arith.addi %mul3A_1124, %add3A_1125 : i32
        %get3A_1127 = arith.index_cast %add3A_1126 : i32 to index
        %get3A_1128 = arith.constant 32 : index
        %get3A_1129 = tpu.vector_load %arg8[%get3A_1127, %get3A_1128] {strides = array<i32>} : memref<128x128xf32, #tpu.memory_space<vmem>>, vector<1x16xf32>,
        %get3A_1130 = vector.shape_cast %get3A_1129 : vector<1x16xf32> to vector<16xf32>
        %add3A_1131 = arith.addf %add3A_1059, %get3A_1130 : vector<16xf32>
        %mul3A_1132 = arith.constant 32 : i32
        %mul3A_1133 = arith.muli %add3A_154, %mul3A_1132 : i32
        %add3A_1134 = arith.constant 13 : i32
        %add3A_1135 = arith.addi %mul3A_1133, %add3A_1134 : i32
        %get3A_1136 = arith.index_cast %add3A_1135 : i32 to index
        %get3A_1137 = arith.constant 48 : index
        %get3A_1138 = tpu.vector_load %arg8[%get3A_1136, %get3A_1137] {strides = array<i32>} : memref<128x128xf32, #tpu.memory_space<vmem>>, vector<1x16xf32>,
        %get3A_1139 = vector.shape_cast %get3A_1138 : vector<1x16xf32> to vector<16xf32>
        %add3A_1140 = arith.addf %add3A_1068, %get3A_1139 : vector<16xf32>
        %mul3A_1141 = arith.constant 32 : i32
        %mul3A_1142 = arith.muli %add3A_154, %mul3A_1141 : i32
        %add3A_1143 = arith.constant 13 : i32
        %add3A_1144 = arith.addi %mul3A_1142, %add3A_1143 : i32
        %get3A_1145 = arith.index_cast %add3A_1144 : i32 to index
        %get3A_1146 = arith.constant 64 : index
        %get3A_1147 = tpu.vector_load %arg8[%get3A_1145, %get3A_1146] {strides = array<i32>} : memref<128x128xf32, #tpu.memory_space<vmem>>, vector<1x16xf32>,
        %get3A_1148 = vector.shape_cast %get3A_1147 : vector<1x16xf32> to vector<16xf32>
        %add3A_1149 = arith.addf %add3A_1077, %get3A_1148 : vector<16xf32>
        %mul3A_1150 = arith.constant 32 : i32
        %mul3A_1151 = arith.muli %add3A_154, %mul3A_1150 : i32
        %add3A_1152 = arith.constant 13 : i32
        %add3A_1153 = arith.addi %mul3A_1151, %add3A_1152 : i32
        %get3A_1154 = arith.index_cast %add3A_1153 : i32 to index
        %get3A_1155 = arith.constant 80 : index
        %get3A_1156 = tpu.vector_load %arg8[%get3A_1154, %get3A_1155] {strides = array<i32>} : memref<128x128xf32, #tpu.memory_space<vmem>>, vector<1x16xf32>,
        %get3A_1157 = vector.shape_cast %get3A_1156 : vector<1x16xf32> to vector<16xf32>
        %add3A_1158 = arith.addf %add3A_1086, %get3A_1157 : vector<16xf32>
        %mul3A_1159 = arith.constant 32 : i32
        %mul3A_1160 = arith.muli %add3A_154, %mul3A_1159 : i32
        %add3A_1161 = arith.constant 13 : i32
        %add3A_1162 = arith.addi %mul3A_1160, %add3A_1161 : i32
        %get3A_1163 = arith.index_cast %add3A_1162 : i32 to index
        %get3A_1164 = arith.constant 96 : index
        %get3A_1165 = tpu.vector_load %arg8[%get3A_1163, %get3A_1164] {strides = array<i32>} : memref<128x128xf32, #tpu.memory_space<vmem>>, vector<1x16xf32>,
        %get3A_1166 = vector.shape_cast %get3A_1165 : vector<1x16xf32> to vector<16xf32>
        %add3A_1167 = arith.addf %add3A_1095, %get3A_1166 : vector<16xf32>
        %mul3A_1168 = arith.constant 32 : i32
        %mul3A_1169 = arith.muli %add3A_154, %mul3A_1168 : i32
        %add3A_1170 = arith.constant 13 : i32
        %add3A_1171 = arith.addi %mul3A_1169, %add3A_1170 : i32
        %get3A_1172 = arith.index_cast %add3A_1171 : i32 to index
        %get3A_1173 = arith.constant 112 : index
        %get3A_1174 = tpu.vector_load %arg8[%get3A_1172, %get3A_1173] {strides = array<i32>} : memref<128x128xf32, #tpu.memory_space<vmem>>, vector<1x16xf32>,
        %get3A_1175 = vector.shape_cast %get3A_1174 : vector<1x16xf32> to vector<16xf32>
        %add3A_1176 = arith.addf %add3A_1104, %get3A_1175 : vector<16xf32>
        %mul3A_1177 = arith.constant 32 : i32
        %mul3A_1178 = arith.muli %add3A_154, %mul3A_1177 : i32
        %add3A_1179 = arith.constant 14 : i32
        %add3A_1180 = arith.addi %mul3A_1178, %add3A_1179 : i32
        %get3A_1181 = arith.index_cast %add3A_1180 : i32 to index
        %get3A_1182 = arith.constant 0 : index
        %get3A_1183 = tpu.vector_load %arg8[%get3A_1181, %get3A_1182] {strides = array<i32>} : memref<128x128xf32, #tpu.memory_space<vmem>>, vector<1x16xf32>,
        %get3A_1184 = vector.shape_cast %get3A_1183 : vector<1x16xf32> to vector<16xf32>
        %add3A_1185 = arith.addf %add3A_1113, %get3A_1184 : vector<16xf32>
        %mul3A_1186 = arith.constant 32 : i32
        %mul3A_1187 = arith.muli %add3A_154, %mul3A_1186 : i32
        %add3A_1188 = arith.constant 14 : i32
        %add3A_1189 = arith.addi %mul3A_1187, %add3A_1188 : i32
        %get3A_1190 = arith.index_cast %add3A_1189 : i32 to index
        %get3A_1191 = arith.constant 16 : index
        %get3A_1192 = tpu.vector_load %arg8[%get3A_1190, %get3A_1191] {strides = array<i32>} : memref<128x128xf32, #tpu.memory_space<vmem>>, vector<1x16xf32>,
        %get3A_1193 = vector.shape_cast %get3A_1192 : vector<1x16xf32> to vector<16xf32>
        %add3A_1194 = arith.addf %add3A_1122, %get3A_1193 : vector<16xf32>
        %mul3A_1195 = arith.constant 32 : i32
        %mul3A_1196 = arith.muli %add3A_154, %mul3A_1195 : i32
        %add3A_1197 = arith.constant 14 : i32
        %add3A_1198 = arith.addi %mul3A_1196, %add3A_1197 : i32
        %get3A_1199 = arith.index_cast %add3A_1198 : i32 to index
        %get3A_1200 = arith.constant 32 : index
        %get3A_1201 = tpu.vector_load %arg8[%get3A_1199, %get3A_1200] {strides = array<i32>} : memref<128x128xf32, #tpu.memory_space<vmem>>, vector<1x16xf32>,
        %get3A_1202 = vector.shape_cast %get3A_1201 : vector<1x16xf32> to vector<16xf32>
        %add3A_1203 = arith.addf %add3A_1131, %get3A_1202 : vector<16xf32>
        %mul3A_1204 = arith.constant 32 : i32
        %mul3A_1205 = arith.muli %add3A_154, %mul3A_1204 : i32
        %add3A_1206 = arith.constant 14 : i32
        %add3A_1207 = arith.addi %mul3A_1205, %add3A_1206 : i32
        %get3A_1208 = arith.index_cast %add3A_1207 : i32 to index
        %get3A_1209 = arith.constant 48 : index
        %get3A_1210 = tpu.vector_load %arg8[%get3A_1208, %get3A_1209] {strides = array<i32>} : memref<128x128xf32, #tpu.memory_space<vmem>>, vector<1x16xf32>,
        %get3A_1211 = vector.shape_cast %get3A_1210 : vector<1x16xf32> to vector<16xf32>
        %add3A_1212 = arith.addf %add3A_1140, %get3A_1211 : vector<16xf32>
        %mul3A_1213 = arith.constant 32 : i32
        %mul3A_1214 = arith.muli %add3A_154, %mul3A_1213 : i32
        %add3A_1215 = arith.constant 14 : i32
        %add3A_1216 = arith.addi %mul3A_1214, %add3A_1215 : i32
        %get3A_1217 = arith.index_cast %add3A_1216 : i32 to index
        %get3A_1218 = arith.constant 64 : index
        %get3A_1219 = tpu.vector_load %arg8[%get3A_1217, %get3A_1218] {strides = array<i32>} : memref<128x128xf32, #tpu.memory_space<vmem>>, vector<1x16xf32>,
        %get3A_1220 = vector.shape_cast %get3A_1219 : vector<1x16xf32> to vector<16xf32>
        %add3A_1221 = arith.addf %add3A_1149, %get3A_1220 : vector<16xf32>
        %mul3A_1222 = arith.constant 32 : i32
        %mul3A_1223 = arith.muli %add3A_154, %mul3A_1222 : i32
        %add3A_1224 = arith.constant 14 : i32
        %add3A_1225 = arith.addi %mul3A_1223, %add3A_1224 : i32
        %get3A_1226 = arith.index_cast %add3A_1225 : i32 to index
        %get3A_1227 = arith.constant 80 : index
        %get3A_1228 = tpu.vector_load %arg8[%get3A_1226, %get3A_1227] {strides = array<i32>} : memref<128x128xf32, #tpu.memory_space<vmem>>, vector<1x16xf32>,
        %get3A_1229 = vector.shape_cast %get3A_1228 : vector<1x16xf32> to vector<16xf32>
        %add3A_1230 = arith.addf %add3A_1158, %get3A_1229 : vector<16xf32>
        %mul3A_1231 = arith.constant 32 : i32
        %mul3A_1232 = arith.muli %add3A_154, %mul3A_1231 : i32
        %add3A_1233 = arith.constant 14 : i32
        %add3A_1234 = arith.addi %mul3A_1232, %add3A_1233 : i32
        %get3A_1235 = arith.index_cast %add3A_1234 : i32 to index
        %get3A_1236 = arith.constant 96 : index
        %get3A_1237 = tpu.vector_load %arg8[%get3A_1235, %get3A_1236] {strides = array<i32>} : memref<128x128xf32, #tpu.memory_space<vmem>>, vector<1x16xf32>,
        %get3A_1238 = vector.shape_cast %get3A_1237 : vector<1x16xf32> to vector<16xf32>
        %add3A_1239 = arith.addf %add3A_1167, %get3A_1238 : vector<16xf32>
        %mul3A_1240 = arith.constant 32 : i32
        %mul3A_1241 = arith.muli %add3A_154, %mul3A_1240 : i32
        %add3A_1242 = arith.constant 14 : i32
        %add3A_1243 = arith.addi %mul3A_1241, %add3A_1242 : i32
        %get3A_1244 = arith.index_cast %add3A_1243 : i32 to index
        %get3A_1245 = arith.constant 112 : index
        %get3A_1246 = tpu.vector_load %arg8[%get3A_1244, %get3A_1245] {strides = array<i32>} : memref<128x128xf32, #tpu.memory_space<vmem>>, vector<1x16xf32>,
        %get3A_1247 = vector.shape_cast %get3A_1246 : vector<1x16xf32> to vector<16xf32>
        %add3A_1248 = arith.addf %add3A_1176, %get3A_1247 : vector<16xf32>
        %mul3A_1249 = arith.constant 32 : i32
        %mul3A_1250 = arith.muli %add3A_154, %mul3A_1249 : i32
        %add3A_1251 = arith.constant 15 : i32
        %add3A_1252 = arith.addi %mul3A_1250, %add3A_1251 : i32
        %get3A_1253 = arith.index_cast %add3A_1252 : i32 to index
        %get3A_1254 = arith.constant 0 : index
        %get3A_1255 = tpu.vector_load %arg8[%get3A_1253, %get3A_1254] {strides = array<i32>} : memref<128x128xf32, #tpu.memory_space<vmem>>, vector<1x16xf32>,
        %get3A_1256 = vector.shape_cast %get3A_1255 : vector<1x16xf32> to vector<16xf32>
        %add3A_1257 = arith.addf %add3A_1185, %get3A_1256 : vector<16xf32>
        %mul3A_1258 = arith.constant 32 : i32
        %mul3A_1259 = arith.muli %add3A_154, %mul3A_1258 : i32
        %add3A_1260 = arith.constant 15 : i32
        %add3A_1261 = arith.addi %mul3A_1259, %add3A_1260 : i32
        %get3A_1262 = arith.index_cast %add3A_1261 : i32 to index
        %get3A_1263 = arith.constant 16 : index
        %get3A_1264 = tpu.vector_load %arg8[%get3A_1262, %get3A_1263] {strides = array<i32>} : memref<128x128xf32, #tpu.memory_space<vmem>>, vector<1x16xf32>,
        %get3A_1265 = vector.shape_cast %get3A_1264 : vector<1x16xf32> to vector<16xf32>
        %add3A_1266 = arith.addf %add3A_1194, %get3A_1265 : vector<16xf32>
        %mul3A_1267 = arith.constant 32 : i32
        %mul3A_1268 = arith.muli %add3A_154, %mul3A_1267 : i32
        %add3A_1269 = arith.constant 15 : i32
        %add3A_1270 = arith.addi %mul3A_1268, %add3A_1269 : i32
        %get3A_1271 = arith.index_cast %add3A_1270 : i32 to index
        %get3A_1272 = arith.constant 32 : index
        %get3A_1273 = tpu.vector_load %arg8[%get3A_1271, %get3A_1272] {strides = array<i32>} : memref<128x128xf32, #tpu.memory_space<vmem>>, vector<1x16xf32>,
        %get3A_1274 = vector.shape_cast %get3A_1273 : vector<1x16xf32> to vector<16xf32>
        %add3A_1275 = arith.addf %add3A_1203, %get3A_1274 : vector<16xf32>
        %mul3A_1276 = arith.constant 32 : i32
        %mul3A_1277 = arith.muli %add3A_154, %mul3A_1276 : i32
        %add3A_1278 = arith.constant 15 : i32
        %add3A_1279 = arith.addi %mul3A_1277, %add3A_1278 : i32
        %get3A_1280 = arith.index_cast %add3A_1279 : i32 to index
        %get3A_1281 = arith.constant 48 : index
        %get3A_1282 = tpu.vector_load %arg8[%get3A_1280, %get3A_1281] {strides = array<i32>} : memref<128x128xf32, #tpu.memory_space<vmem>>, vector<1x16xf32>,
        %get3A_1283 = vector.shape_cast %get3A_1282 : vector<1x16xf32> to vector<16xf32>
        %add3A_1284 = arith.addf %add3A_1212, %get3A_1283 : vector<16xf32>
        %mul3A_1285 = arith.constant 32 : i32
        %mul3A_1286 = arith.muli %add3A_154, %mul3A_1285 : i32
        %add3A_1287 = arith.constant 15 : i32
        %add3A_1288 = arith.addi %mul3A_1286, %add3A_1287 : i32
        %get3A_1289 = arith.index_cast %add3A_1288 : i32 to index
        %get3A_1290 = arith.constant 64 : index
        %get3A_1291 = tpu.vector_load %arg8[%get3A_1289, %get3A_1290] {strides = array<i32>} : memref<128x128xf32, #tpu.memory_space<vmem>>, vector<1x16xf32>,
        %get3A_1292 = vector.shape_cast %get3A_1291 : vector<1x16xf32> to vector<16xf32>
        %add3A_1293 = arith.addf %add3A_1221, %get3A_1292 : vector<16xf32>
        %mul3A_1294 = arith.constant 32 : i32
        %mul3A_1295 = arith.muli %add3A_154, %mul3A_1294 : i32
        %add3A_1296 = arith.constant 15 : i32
        %add3A_1297 = arith.addi %mul3A_1295, %add3A_1296 : i32
        %get3A_1298 = arith.index_cast %add3A_1297 : i32 to index
        %get3A_1299 = arith.constant 80 : index
        %get3A_1300 = tpu.vector_load %arg8[%get3A_1298, %get3A_1299] {strides = array<i32>} : memref<128x128xf32, #tpu.memory_space<vmem>>, vector<1x16xf32>,
        %get3A_1301 = vector.shape_cast %get3A_1300 : vector<1x16xf32> to vector<16xf32>
        %add3A_1302 = arith.addf %add3A_1230, %get3A_1301 : vector<16xf32>
        %mul3A_1303 = arith.constant 32 : i32
        %mul3A_1304 = arith.muli %add3A_154, %mul3A_1303 : i32
        %add3A_1305 = arith.constant 15 : i32
        %add3A_1306 = arith.addi %mul3A_1304, %add3A_1305 : i32
        %get3A_1307 = arith.index_cast %add3A_1306 : i32 to index
        %get3A_1308 = arith.constant 96 : index
        %get3A_1309 = tpu.vector_load %arg8[%get3A_1307, %get3A_1308] {strides = array<i32>} : memref<128x128xf32, #tpu.memory_space<vmem>>, vector<1x16xf32>,
        %get3A_1310 = vector.shape_cast %get3A_1309 : vector<1x16xf32> to vector<16xf32>
        %add3A_1311 = arith.addf %add3A_1239, %get3A_1310 : vector<16xf32>
        %mul3A_1312 = arith.constant 32 : i32
        %mul3A_1313 = arith.muli %add3A_154, %mul3A_1312 : i32
        %add3A_1314 = arith.constant 15 : i32
        %add3A_1315 = arith.addi %mul3A_1313, %add3A_1314 : i32
        %get3A_1316 = arith.index_cast %add3A_1315 : i32 to index
        %get3A_1317 = arith.constant 112 : index
        %get3A_1318 = tpu.vector_load %arg8[%get3A_1316, %get3A_1317] {strides = array<i32>} : memref<128x128xf32, #tpu.memory_space<vmem>>, vector<1x16xf32>,
        %get3A_1319 = vector.shape_cast %get3A_1318 : vector<1x16xf32> to vector<16xf32>
        %add3A_1320 = arith.addf %add3A_1248, %get3A_1319 : vector<16xf32>
        %mul3A_1321 = arith.constant 32 : i32
        %mul3A_1322 = arith.muli %add3A_154, %mul3A_1321 : i32
        %add3A_1323 = arith.constant 16 : i32
        %add3A_1324 = arith.addi %mul3A_1322, %add3A_1323 : i32
        %get3A_1325 = arith.index_cast %add3A_1324 : i32 to index
        %get3A_1326 = arith.constant 0 : index
        %get3A_1327 = tpu.vector_load %arg8[%get3A_1325, %get3A_1326] {strides = array<i32>} : memref<128x128xf32, #tpu.memory_space<vmem>>, vector<1x16xf32>,
        %get3A_1328 = vector.shape_cast %get3A_1327 : vector<1x16xf32> to vector<16xf32>
        %add3A_1329 = arith.addf %add3A_1257, %get3A_1328 : vector<16xf32>
        %mul3A_1330 = arith.constant 32 : i32
        %mul3A_1331 = arith.muli %add3A_154, %mul3A_1330 : i32
        %add3A_1332 = arith.constant 16 : i32
        %add3A_1333 = arith.addi %mul3A_1331, %add3A_1332 : i32
        %get3A_1334 = arith.index_cast %add3A_1333 : i32 to index
        %get3A_1335 = arith.constant 16 : index
        %get3A_1336 = tpu.vector_load %arg8[%get3A_1334, %get3A_1335] {strides = array<i32>} : memref<128x128xf32, #tpu.memory_space<vmem>>, vector<1x16xf32>,
        %get3A_1337 = vector.shape_cast %get3A_1336 : vector<1x16xf32> to vector<16xf32>
        %add3A_1338 = arith.addf %add3A_1266, %get3A_1337 : vector<16xf32>
        %mul3A_1339 = arith.constant 32 : i32
        %mul3A_1340 = arith.muli %add3A_154, %mul3A_1339 : i32
        %add3A_1341 = arith.constant 16 : i32
        %add3A_1342 = arith.addi %mul3A_1340, %add3A_1341 : i32
        %get3A_1343 = arith.index_cast %add3A_1342 : i32 to index
        %get3A_1344 = arith.constant 32 : index
        %get3A_1345 = tpu.vector_load %arg8[%get3A_1343, %get3A_1344] {strides = array<i32>} : memref<128x128xf32, #tpu.memory_space<vmem>>, vector<1x16xf32>,
        %get3A_1346 = vector.shape_cast %get3A_1345 : vector<1x16xf32> to vector<16xf32>
        %add3A_1347 = arith.addf %add3A_1275, %get3A_1346 : vector<16xf32>
        %mul3A_1348 = arith.constant 32 : i32
        %mul3A_1349 = arith.muli %add3A_154, %mul3A_1348 : i32
        %add3A_1350 = arith.constant 16 : i32
        %add3A_1351 = arith.addi %mul3A_1349, %add3A_1350 : i32
        %get3A_1352 = arith.index_cast %add3A_1351 : i32 to index
        %get3A_1353 = arith.constant 48 : index
        %get3A_1354 = tpu.vector_load %arg8[%get3A_1352, %get3A_1353] {strides = array<i32>} : memref<128x128xf32, #tpu.memory_space<vmem>>, vector<1x16xf32>,
        %get3A_1355 = vector.shape_cast %get3A_1354 : vector<1x16xf32> to vector<16xf32>
        %add3A_1356 = arith.addf %add3A_1284, %get3A_1355 : vector<16xf32>
        %mul3A_1357 = arith.constant 32 : i32
        %mul3A_1358 = arith.muli %add3A_154, %mul3A_1357 : i32
        %add3A_1359 = arith.constant 16 : i32
        %add3A_1360 = arith.addi %mul3A_1358, %add3A_1359 : i32
        %get3A_1361 = arith.index_cast %add3A_1360 : i32 to index
        %get3A_1362 = arith.constant 64 : index
        %get3A_1363 = tpu.vector_load %arg8[%get3A_1361, %get3A_1362] {strides = array<i32>} : memref<128x128xf32, #tpu.memory_space<vmem>>, vector<1x16xf32>,
        %get3A_1364 = vector.shape_cast %get3A_1363 : vector<1x16xf32> to vector<16xf32>
        %add3A_1365 = arith.addf %add3A_1293, %get3A_1364 : vector<16xf32>
        %mul3A_1366 = arith.constant 32 : i32
        %mul3A_1367 = arith.muli %add3A_154, %mul3A_1366 : i32
        %add3A_1368 = arith.constant 16 : i32
        %add3A_1369 = arith.addi %mul3A_1367, %add3A_1368 : i32
        %get3A_1370 = arith.index_cast %add3A_1369 : i32 to index
        %get3A_1371 = arith.constant 80 : index
        %get3A_1372 = tpu.vector_load %arg8[%get3A_1370, %get3A_1371] {strides = array<i32>} : memref<128x128xf32, #tpu.memory_space<vmem>>, vector<1x16xf32>,
        %get3A_1373 = vector.shape_cast %get3A_1372 : vector<1x16xf32> to vector<16xf32>
        %add3A_1374 = arith.addf %add3A_1302, %get3A_1373 : vector<16xf32>
        %mul3A_1375 = arith.constant 32 : i32
        %mul3A_1376 = arith.muli %add3A_154, %mul3A_1375 : i32
        %add3A_1377 = arith.constant 16 : i32
        %add3A_1378 = arith.addi %mul3A_1376, %add3A_1377 : i32
        %get3A_1379 = arith.index_cast %add3A_1378 : i32 to index
        %get3A_1380 = arith.constant 96 : index
        %get3A_1381 = tpu.vector_load %arg8[%get3A_1379, %get3A_1380] {strides = array<i32>} : memref<128x128xf32, #tpu.memory_space<vmem>>, vector<1x16xf32>,
        %get3A_1382 = vector.shape_cast %get3A_1381 : vector<1x16xf32> to vector<16xf32>
        %add3A_1383 = arith.addf %add3A_1311, %get3A_1382 : vector<16xf32>
        %mul3A_1384 = arith.constant 32 : i32
        %mul3A_1385 = arith.muli %add3A_154, %mul3A_1384 : i32
        %add3A_1386 = arith.constant 16 : i32
        %add3A_1387 = arith.addi %mul3A_1385, %add3A_1386 : i32
        %get3A_1388 = arith.index_cast %add3A_1387 : i32 to index
        %get3A_1389 = arith.constant 112 : index
        %get3A_1390 = tpu.vector_load %arg8[%get3A_1388, %get3A_1389] {strides = array<i32>} : memref<128x128xf32, #tpu.memory_space<vmem>>, vector<1x16xf32>,
        %get3A_1391 = vector.shape_cast %get3A_1390 : vector<1x16xf32> to vector<16xf32>
        %add3A_1392 = arith.addf %add3A_1320, %get3A_1391 : vector<16xf32>
        %mul3A_1393 = arith.constant 32 : i32
        %mul3A_1394 = arith.muli %add3A_154, %mul3A_1393 : i32
        %add3A_1395 = arith.constant 17 : i32
        %add3A_1396 = arith.addi %mul3A_1394, %add3A_1395 : i32
        %get3A_1397 = arith.index_cast %add3A_1396 : i32 to index
        %get3A_1398 = arith.constant 0 : index
        %get3A_1399 = tpu.vector_load %arg8[%get3A_1397, %get3A_1398] {strides = array<i32>} : memref<128x128xf32, #tpu.memory_space<vmem>>, vector<1x16xf32>,
        %get3A_1400 = vector.shape_cast %get3A_1399 : vector<1x16xf32> to vector<16xf32>
        %add3A_1401 = arith.addf %add3A_1329, %get3A_1400 : vector<16xf32>
        %mul3A_1402 = arith.constant 32 : i32
        %mul3A_1403 = arith.muli %add3A_154, %mul3A_1402 : i32
        %add3A_1404 = arith.constant 17 : i32
        %add3A_1405 = arith.addi %mul3A_1403, %add3A_1404 : i32
        %get3A_1406 = arith.index_cast %add3A_1405 : i32 to index
        %get3A_1407 = arith.constant 16 : index
        %get3A_1408 = tpu.vector_load %arg8[%get3A_1406, %get3A_1407] {strides = array<i32>} : memref<128x128xf32, #tpu.memory_space<vmem>>, vector<1x16xf32>,
        %get3A_1409 = vector.shape_cast %get3A_1408 : vector<1x16xf32> to vector<16xf32>
        %add3A_1410 = arith.addf %add3A_1338, %get3A_1409 : vector<16xf32>
        %mul3A_1411 = arith.constant 32 : i32
        %mul3A_1412 = arith.muli %add3A_154, %mul3A_1411 : i32
        %add3A_1413 = arith.constant 17 : i32
        %add3A_1414 = arith.addi %mul3A_1412, %add3A_1413 : i32
        %get3A_1415 = arith.index_cast %add3A_1414 : i32 to index
        %get3A_1416 = arith.constant 32 : index
        %get3A_1417 = tpu.vector_load %arg8[%get3A_1415, %get3A_1416] {strides = array<i32>} : memref<128x128xf32, #tpu.memory_space<vmem>>, vector<1x16xf32>,
        %get3A_1418 = vector.shape_cast %get3A_1417 : vector<1x16xf32> to vector<16xf32>
        %add3A_1419 = arith.addf %add3A_1347, %get3A_1418 : vector<16xf32>
        %mul3A_1420 = arith.constant 32 : i32
        %mul3A_1421 = arith.muli %add3A_154, %mul3A_1420 : i32
        %add3A_1422 = arith.constant 17 : i32
        %add3A_1423 = arith.addi %mul3A_1421, %add3A_1422 : i32
        %get3A_1424 = arith.index_cast %add3A_1423 : i32 to index
        %get3A_1425 = arith.constant 48 : index
        %get3A_1426 = tpu.vector_load %arg8[%get3A_1424, %get3A_1425] {strides = array<i32>} : memref<128x128xf32, #tpu.memory_space<vmem>>, vector<1x16xf32>,
        %get3A_1427 = vector.shape_cast %get3A_1426 : vector<1x16xf32> to vector<16xf32>
        %add3A_1428 = arith.addf %add3A_1356, %get3A_1427 : vector<16xf32>
        %mul3A_1429 = arith.constant 32 : i32
        %mul3A_1430 = arith.muli %add3A_154, %mul3A_1429 : i32
        %add3A_1431 = arith.constant 17 : i32
        %add3A_1432 = arith.addi %mul3A_1430, %add3A_1431 : i32
        %get3A_1433 = arith.index_cast %add3A_1432 : i32 to index
        %get3A_1434 = arith.constant 64 : index
        %get3A_1435 = tpu.vector_load %arg8[%get3A_1433, %get3A_1434] {strides = array<i32>} : memref<128x128xf32, #tpu.memory_space<vmem>>, vector<1x16xf32>,
        %get3A_1436 = vector.shape_cast %get3A_1435 : vector<1x16xf32> to vector<16xf32>
        %add3A_1437 = arith.addf %add3A_1365, %get3A_1436 : vector<16xf32>
        %mul3A_1438 = arith.constant 32 : i32
        %mul3A_1439 = arith.muli %add3A_154, %mul3A_1438 : i32
        %add3A_1440 = arith.constant 17 : i32
        %add3A_1441 = arith.addi %mul3A_1439, %add3A_1440 : i32
        %get3A_1442 = arith.index_cast %add3A_1441 : i32 to index
        %get3A_1443 = arith.constant 80 : index
        %get3A_1444 = tpu.vector_load %arg8[%get3A_1442, %get3A_1443] {strides = array<i32>} : memref<128x128xf32, #tpu.memory_space<vmem>>, vector<1x16xf32>,
        %get3A_1445 = vector.shape_cast %get3A_1444 : vector<1x16xf32> to vector<16xf32>
        %add3A_1446 = arith.addf %add3A_1374, %get3A_1445 : vector<16xf32>
        %mul3A_1447 = arith.constant 32 : i32
        %mul3A_1448 = arith.muli %add3A_154, %mul3A_1447 : i32
        %add3A_1449 = arith.constant 17 : i32
        %add3A_1450 = arith.addi %mul3A_1448, %add3A_1449 : i32
        %get3A_1451 = arith.index_cast %add3A_1450 : i32 to index
        %get3A_1452 = arith.constant 96 : index
        %get3A_1453 = tpu.vector_load %arg8[%get3A_1451, %get3A_1452] {strides = array<i32>} : memref<128x128xf32, #tpu.memory_space<vmem>>, vector<1x16xf32>,
        %get3A_1454 = vector.shape_cast %get3A_1453 : vector<1x16xf32> to vector<16xf32>
        %add3A_1455 = arith.addf %add3A_1383, %get3A_1454 : vector<16xf32>
        %mul3A_1456 = arith.constant 32 : i32
        %mul3A_1457 = arith.muli %add3A_154, %mul3A_1456 : i32
        %add3A_1458 = arith.constant 17 : i32
        %add3A_1459 = arith.addi %mul3A_1457, %add3A_1458 : i32
        %get3A_1460 = arith.index_cast %add3A_1459 : i32 to index
        %get3A_1461 = arith.constant 112 : index
        %get3A_1462 = tpu.vector_load %arg8[%get3A_1460, %get3A_1461] {strides = array<i32>} : memref<128x128xf32, #tpu.memory_space<vmem>>, vector<1x16xf32>,
        %get3A_1463 = vector.shape_cast %get3A_1462 : vector<1x16xf32> to vector<16xf32>
        %add3A_1464 = arith.addf %add3A_1392, %get3A_1463 : vector<16xf32>
        %mul3A_1465 = arith.constant 32 : i32
        %mul3A_1466 = arith.muli %add3A_154, %mul3A_1465 : i32
        %add3A_1467 = arith.constant 18 : i32
        %add3A_1468 = arith.addi %mul3A_1466, %add3A_1467 : i32
        %get3A_1469 = arith.index_cast %add3A_1468 : i32 to index
        %get3A_1470 = arith.constant 0 : index
        %get3A_1471 = tpu.vector_load %arg8[%get3A_1469, %get3A_1470] {strides = array<i32>} : memref<128x128xf32, #tpu.memory_space<vmem>>, vector<1x16xf32>,
        %get3A_1472 = vector.shape_cast %get3A_1471 : vector<1x16xf32> to vector<16xf32>
        %add3A_1473 = arith.addf %add3A_1401, %get3A_1472 : vector<16xf32>
        %mul3A_1474 = arith.constant 32 : i32
        %mul3A_1475 = arith.muli %add3A_154, %mul3A_1474 : i32
        %add3A_1476 = arith.constant 18 : i32
        %add3A_1477 = arith.addi %mul3A_1475, %add3A_1476 : i32
        %get3A_1478 = arith.index_cast %add3A_1477 : i32 to index
        %get3A_1479 = arith.constant 16 : index
        %get3A_1480 = tpu.vector_load %arg8[%get3A_1478, %get3A_1479] {strides = array<i32>} : memref<128x128xf32, #tpu.memory_space<vmem>>, vector<1x16xf32>,
        %get3A_1481 = vector.shape_cast %get3A_1480 : vector<1x16xf32> to vector<16xf32>
        %add3A_1482 = arith.addf %add3A_1410, %get3A_1481 : vector<16xf32>
        %mul3A_1483 = arith.constant 32 : i32
        %mul3A_1484 = arith.muli %add3A_154, %mul3A_1483 : i32
        %add3A_1485 = arith.constant 18 : i32
        %add3A_1486 = arith.addi %mul3A_1484, %add3A_1485 : i32
        %get3A_1487 = arith.index_cast %add3A_1486 : i32 to index
        %get3A_1488 = arith.constant 32 : index
        %get3A_1489 = tpu.vector_load %arg8[%get3A_1487, %get3A_1488] {strides = array<i32>} : memref<128x128xf32, #tpu.memory_space<vmem>>, vector<1x16xf32>,
        %get3A_1490 = vector.shape_cast %get3A_1489 : vector<1x16xf32> to vector<16xf32>
        %add3A_1491 = arith.addf %add3A_1419, %get3A_1490 : vector<16xf32>
        %mul3A_1492 = arith.constant 32 : i32
        %mul3A_1493 = arith.muli %add3A_154, %mul3A_1492 : i32
        %add3A_1494 = arith.constant 18 : i32
        %add3A_1495 = arith.addi %mul3A_1493, %add3A_1494 : i32
        %get3A_1496 = arith.index_cast %add3A_1495 : i32 to index
        %get3A_1497 = arith.constant 48 : index
        %get3A_1498 = tpu.vector_load %arg8[%get3A_1496, %get3A_1497] {strides = array<i32>} : memref<128x128xf32, #tpu.memory_space<vmem>>, vector<1x16xf32>,
        %get3A_1499 = vector.shape_cast %get3A_1498 : vector<1x16xf32> to vector<16xf32>
        %add3A_1500 = arith.addf %add3A_1428, %get3A_1499 : vector<16xf32>
        %mul3A_1501 = arith.constant 32 : i32
        %mul3A_1502 = arith.muli %add3A_154, %mul3A_1501 : i32
        %add3A_1503 = arith.constant 18 : i32
        %add3A_1504 = arith.addi %mul3A_1502, %add3A_1503 : i32
        %get3A_1505 = arith.index_cast %add3A_1504 : i32 to index
        %get3A_1506 = arith.constant 64 : index
        %get3A_1507 = tpu.vector_load %arg8[%get3A_1505, %get3A_1506] {strides = array<i32>} : memref<128x128xf32, #tpu.memory_space<vmem>>, vector<1x16xf32>,
        %get3A_1508 = vector.shape_cast %get3A_1507 : vector<1x16xf32> to vector<16xf32>
        %add3A_1509 = arith.addf %add3A_1437, %get3A_1508 : vector<16xf32>
        %mul3A_1510 = arith.constant 32 : i32
        %mul3A_1511 = arith.muli %add3A_154, %mul3A_1510 : i32
        %add3A_1512 = arith.constant 18 : i32
        %add3A_1513 = arith.addi %mul3A_1511, %add3A_1512 : i32
        %get3A_1514 = arith.index_cast %add3A_1513 : i32 to index
        %get3A_1515 = arith.constant 80 : index
        %get3A_1516 = tpu.vector_load %arg8[%get3A_1514, %get3A_1515] {strides = array<i32>} : memref<128x128xf32, #tpu.memory_space<vmem>>, vector<1x16xf32>,
        %get3A_1517 = vector.shape_cast %get3A_1516 : vector<1x16xf32> to vector<16xf32>
        %add3A_1518 = arith.addf %add3A_1446, %get3A_1517 : vector<16xf32>
        %mul3A_1519 = arith.constant 32 : i32
        %mul3A_1520 = arith.muli %add3A_154, %mul3A_1519 : i32
        %add3A_1521 = arith.constant 18 : i32
        %add3A_1522 = arith.addi %mul3A_1520, %add3A_1521 : i32
        %get3A_1523 = arith.index_cast %add3A_1522 : i32 to index
        %get3A_1524 = arith.constant 96 : index
        %get3A_1525 = tpu.vector_load %arg8[%get3A_1523, %get3A_1524] {strides = array<i32>} : memref<128x128xf32, #tpu.memory_space<vmem>>, vector<1x16xf32>,
        %get3A_1526 = vector.shape_cast %get3A_1525 : vector<1x16xf32> to vector<16xf32>
        %add3A_1527 = arith.addf %add3A_1455, %get3A_1526 : vector<16xf32>
        %mul3A_1528 = arith.constant 32 : i32
        %mul3A_1529 = arith.muli %add3A_154, %mul3A_1528 : i32
        %add3A_1530 = arith.constant 18 : i32
        %add3A_1531 = arith.addi %mul3A_1529, %add3A_1530 : i32
        %get3A_1532 = arith.index_cast %add3A_1531 : i32 to index
        %get3A_1533 = arith.constant 112 : index
        %get3A_1534 = tpu.vector_load %arg8[%get3A_1532, %get3A_1533] {strides = array<i32>} : memref<128x128xf32, #tpu.memory_space<vmem>>, vector<1x16xf32>,
        %get3A_1535 = vector.shape_cast %get3A_1534 : vector<1x16xf32> to vector<16xf32>
        %add3A_1536 = arith.addf %add3A_1464, %get3A_1535 : vector<16xf32>
        %mul3A_1537 = arith.constant 32 : i32
        %mul3A_1538 = arith.muli %add3A_154, %mul3A_1537 : i32
        %add3A_1539 = arith.constant 19 : i32
        %add3A_1540 = arith.addi %mul3A_1538, %add3A_1539 : i32
        %get3A_1541 = arith.index_cast %add3A_1540 : i32 to index
        %get3A_1542 = arith.constant 0 : index
        %get3A_1543 = tpu.vector_load %arg8[%get3A_1541, %get3A_1542] {strides = array<i32>} : memref<128x128xf32, #tpu.memory_space<vmem>>, vector<1x16xf32>,
        %get3A_1544 = vector.shape_cast %get3A_1543 : vector<1x16xf32> to vector<16xf32>
        %add3A_1545 = arith.addf %add3A_1473, %get3A_1544 : vector<16xf32>
        %mul3A_1546 = arith.constant 32 : i32
        %mul3A_1547 = arith.muli %add3A_154, %mul3A_1546 : i32
        %add3A_1548 = arith.constant 19 : i32
        %add3A_1549 = arith.addi %mul3A_1547, %add3A_1548 : i32
        %get3A_1550 = arith.index_cast %add3A_1549 : i32 to index
        %get3A_1551 = arith.constant 16 : index
        %get3A_1552 = tpu.vector_load %arg8[%get3A_1550, %get3A_1551] {strides = array<i32>} : memref<128x128xf32, #tpu.memory_space<vmem>>, vector<1x16xf32>,
        %get3A_1553 = vector.shape_cast %get3A_1552 : vector<1x16xf32> to vector<16xf32>
        %add3A_1554 = arith.addf %add3A_1482, %get3A_1553 : vector<16xf32>
        %mul3A_1555 = arith.constant 32 : i32
        %mul3A_1556 = arith.muli %add3A_154, %mul3A_1555 : i32
        %add3A_1557 = arith.constant 19 : i32
        %add3A_1558 = arith.addi %mul3A_1556, %add3A_1557 : i32
        %get3A_1559 = arith.index_cast %add3A_1558 : i32 to index
        %get3A_1560 = arith.constant 32 : index
        %get3A_1561 = tpu.vector_load %arg8[%get3A_1559, %get3A_1560] {strides = array<i32>} : memref<128x128xf32, #tpu.memory_space<vmem>>, vector<1x16xf32>,
        %get3A_1562 = vector.shape_cast %get3A_1561 : vector<1x16xf32> to vector<16xf32>
        %add3A_1563 = arith.addf %add3A_1491, %get3A_1562 : vector<16xf32>
        %mul3A_1564 = arith.constant 32 : i32
        %mul3A_1565 = arith.muli %add3A_154, %mul3A_1564 : i32
        %add3A_1566 = arith.constant 19 : i32
        %add3A_1567 = arith.addi %mul3A_1565, %add3A_1566 : i32
        %get3A_1568 = arith.index_cast %add3A_1567 : i32 to index
        %get3A_1569 = arith.constant 48 : index
        %get3A_1570 = tpu.vector_load %arg8[%get3A_1568, %get3A_1569] {strides = array<i32>} : memref<128x128xf32, #tpu.memory_space<vmem>>, vector<1x16xf32>,
        %get3A_1571 = vector.shape_cast %get3A_1570 : vector<1x16xf32> to vector<16xf32>
        %add3A_1572 = arith.addf %add3A_1500, %get3A_1571 : vector<16xf32>
        %mul3A_1573 = arith.constant 32 : i32
        %mul3A_1574 = arith.muli %add3A_154, %mul3A_1573 : i32
        %add3A_1575 = arith.constant 19 : i32
        %add3A_1576 = arith.addi %mul3A_1574, %add3A_1575 : i32
        %get3A_1577 = arith.index_cast %add3A_1576 : i32 to index
        %get3A_1578 = arith.constant 64 : index
        %get3A_1579 = tpu.vector_load %arg8[%get3A_1577, %get3A_1578] {strides = array<i32>} : memref<128x128xf32, #tpu.memory_space<vmem>>, vector<1x16xf32>,
        %get3A_1580 = vector.shape_cast %get3A_1579 : vector<1x16xf32> to vector<16xf32>
        %add3A_1581 = arith.addf %add3A_1509, %get3A_1580 : vector<16xf32>
        %mul3A_1582 = arith.constant 32 : i32
        %mul3A_1583 = arith.muli %add3A_154, %mul3A_1582 : i32
        %add3A_1584 = arith.constant 19 : i32
        %add3A_1585 = arith.addi %mul3A_1583, %add3A_1584 : i32
        %get3A_1586 = arith.index_cast %add3A_1585 : i32 to index
        %get3A_1587 = arith.constant 80 : index
        %get3A_1588 = tpu.vector_load %arg8[%get3A_1586, %get3A_1587] {strides = array<i32>} : memref<128x128xf32, #tpu.memory_space<vmem>>, vector<1x16xf32>,
        %get3A_1589 = vector.shape_cast %get3A_1588 : vector<1x16xf32> to vector<16xf32>
        %add3A_1590 = arith.addf %add3A_1518, %get3A_1589 : vector<16xf32>
        %mul3A_1591 = arith.constant 32 : i32
        %mul3A_1592 = arith.muli %add3A_154, %mul3A_1591 : i32
        %add3A_1593 = arith.constant 19 : i32
        %add3A_1594 = arith.addi %mul3A_1592, %add3A_1593 : i32
        %get3A_1595 = arith.index_cast %add3A_1594 : i32 to index
        %get3A_1596 = arith.constant 96 : index
        %get3A_1597 = tpu.vector_load %arg8[%get3A_1595, %get3A_1596] {strides = array<i32>} : memref<128x128xf32, #tpu.memory_space<vmem>>, vector<1x16xf32>,
        %get3A_1598 = vector.shape_cast %get3A_1597 : vector<1x16xf32> to vector<16xf32>
        %add3A_1599 = arith.addf %add3A_1527, %get3A_1598 : vector<16xf32>
        %mul3A_1600 = arith.constant 32 : i32
        %mul3A_1601 = arith.muli %add3A_154, %mul3A_1600 : i32
        %add3A_1602 = arith.constant 19 : i32
        %add3A_1603 = arith.addi %mul3A_1601, %add3A_1602 : i32
        %get3A_1604 = arith.index_cast %add3A_1603 : i32 to index
        %get3A_1605 = arith.constant 112 : index
        %get3A_1606 = tpu.vector_load %arg8[%get3A_1604, %get3A_1605] {strides = array<i32>} : memref<128x128xf32, #tpu.memory_space<vmem>>, vector<1x16xf32>,
        %get3A_1607 = vector.shape_cast %get3A_1606 : vector<1x16xf32> to vector<16xf32>
        %add3A_1608 = arith.addf %add3A_1536, %get3A_1607 : vector<16xf32>
        %mul3A_1609 = arith.constant 32 : i32
        %mul3A_1610 = arith.muli %add3A_154, %mul3A_1609 : i32
        %add3A_1611 = arith.constant 20 : i32
        %add3A_1612 = arith.addi %mul3A_1610, %add3A_1611 : i32
        %get3A_1613 = arith.index_cast %add3A_1612 : i32 to index
        %get3A_1614 = arith.constant 0 : index
        %get3A_1615 = tpu.vector_load %arg8[%get3A_1613, %get3A_1614] {strides = array<i32>} : memref<128x128xf32, #tpu.memory_space<vmem>>, vector<1x16xf32>,
        %get3A_1616 = vector.shape_cast %get3A_1615 : vector<1x16xf32> to vector<16xf32>
        %add3A_1617 = arith.addf %add3A_1545, %get3A_1616 : vector<16xf32>
        %mul3A_1618 = arith.constant 32 : i32
        %mul3A_1619 = arith.muli %add3A_154, %mul3A_1618 : i32
        %add3A_1620 = arith.constant 20 : i32
        %add3A_1621 = arith.addi %mul3A_1619, %add3A_1620 : i32
        %get3A_1622 = arith.index_cast %add3A_1621 : i32 to index
        %get3A_1623 = arith.constant 16 : index
        %get3A_1624 = tpu.vector_load %arg8[%get3A_1622, %get3A_1623] {strides = array<i32>} : memref<128x128xf32, #tpu.memory_space<vmem>>, vector<1x16xf32>,
        %get3A_1625 = vector.shape_cast %get3A_1624 : vector<1x16xf32> to vector<16xf32>
        %add3A_1626 = arith.addf %add3A_1554, %get3A_1625 : vector<16xf32>
        %mul3A_1627 = arith.constant 32 : i32
        %mul3A_1628 = arith.muli %add3A_154, %mul3A_1627 : i32
        %add3A_1629 = arith.constant 20 : i32
        %add3A_1630 = arith.addi %mul3A_1628, %add3A_1629 : i32
        %get3A_1631 = arith.index_cast %add3A_1630 : i32 to index
        %get3A_1632 = arith.constant 32 : index
        %get3A_1633 = tpu.vector_load %arg8[%get3A_1631, %get3A_1632] {strides = array<i32>} : memref<128x128xf32, #tpu.memory_space<vmem>>, vector<1x16xf32>,
        %get3A_1634 = vector.shape_cast %get3A_1633 : vector<1x16xf32> to vector<16xf32>
        %add3A_1635 = arith.addf %add3A_1563, %get3A_1634 : vector<16xf32>
        %mul3A_1636 = arith.constant 32 : i32
        %mul3A_1637 = arith.muli %add3A_154, %mul3A_1636 : i32
        %add3A_1638 = arith.constant 20 : i32
        %add3A_1639 = arith.addi %mul3A_1637, %add3A_1638 : i32
        %get3A_1640 = arith.index_cast %add3A_1639 : i32 to index
        %get3A_1641 = arith.constant 48 : index
        %get3A_1642 = tpu.vector_load %arg8[%get3A_1640, %get3A_1641] {strides = array<i32>} : memref<128x128xf32, #tpu.memory_space<vmem>>, vector<1x16xf32>,
        %get3A_1643 = vector.shape_cast %get3A_1642 : vector<1x16xf32> to vector<16xf32>
        %add3A_1644 = arith.addf %add3A_1572, %get3A_1643 : vector<16xf32>
        %mul3A_1645 = arith.constant 32 : i32
        %mul3A_1646 = arith.muli %add3A_154, %mul3A_1645 : i32
        %add3A_1647 = arith.constant 20 : i32
        %add3A_1648 = arith.addi %mul3A_1646, %add3A_1647 : i32
        %get3A_1649 = arith.index_cast %add3A_1648 : i32 to index
        %get3A_1650 = arith.constant 64 : index
        %get3A_1651 = tpu.vector_load %arg8[%get3A_1649, %get3A_1650] {strides = array<i32>} : memref<128x128xf32, #tpu.memory_space<vmem>>, vector<1x16xf32>,
        %get3A_1652 = vector.shape_cast %get3A_1651 : vector<1x16xf32> to vector<16xf32>
        %add3A_1653 = arith.addf %add3A_1581, %get3A_1652 : vector<16xf32>
        %mul3A_1654 = arith.constant 32 : i32
        %mul3A_1655 = arith.muli %add3A_154, %mul3A_1654 : i32
        %add3A_1656 = arith.constant 20 : i32
        %add3A_1657 = arith.addi %mul3A_1655, %add3A_1656 : i32
        %get3A_1658 = arith.index_cast %add3A_1657 : i32 to index
        %get3A_1659 = arith.constant 80 : index
        %get3A_1660 = tpu.vector_load %arg8[%get3A_1658, %get3A_1659] {strides = array<i32>} : memref<128x128xf32, #tpu.memory_space<vmem>>, vector<1x16xf32>,
        %get3A_1661 = vector.shape_cast %get3A_1660 : vector<1x16xf32> to vector<16xf32>
        %add3A_1662 = arith.addf %add3A_1590, %get3A_1661 : vector<16xf32>
        %mul3A_1663 = arith.constant 32 : i32
        %mul3A_1664 = arith.muli %add3A_154, %mul3A_1663 : i32
        %add3A_1665 = arith.constant 20 : i32
        %add3A_1666 = arith.addi %mul3A_1664, %add3A_1665 : i32
        %get3A_1667 = arith.index_cast %add3A_1666 : i32 to index
        %get3A_1668 = arith.constant 96 : index
        %get3A_1669 = tpu.vector_load %arg8[%get3A_1667, %get3A_1668] {strides = array<i32>} : memref<128x128xf32, #tpu.memory_space<vmem>>, vector<1x16xf32>,
        %get3A_1670 = vector.shape_cast %get3A_1669 : vector<1x16xf32> to vector<16xf32>
        %add3A_1671 = arith.addf %add3A_1599, %get3A_1670 : vector<16xf32>
        %mul3A_1672 = arith.constant 32 : i32
        %mul3A_1673 = arith.muli %add3A_154, %mul3A_1672 : i32
        %add3A_1674 = arith.constant 20 : i32
        %add3A_1675 = arith.addi %mul3A_1673, %add3A_1674 : i32
        %get3A_1676 = arith.index_cast %add3A_1675 : i32 to index
        %get3A_1677 = arith.constant 112 : index
        %get3A_1678 = tpu.vector_load %arg8[%get3A_1676, %get3A_1677] {strides = array<i32>} : memref<128x128xf32, #tpu.memory_space<vmem>>, vector<1x16xf32>,
        %get3A_1679 = vector.shape_cast %get3A_1678 : vector<1x16xf32> to vector<16xf32>
        %add3A_1680 = arith.addf %add3A_1608, %get3A_1679 : vector<16xf32>
        %mul3A_1681 = arith.constant 32 : i32
        %mul3A_1682 = arith.muli %add3A_154, %mul3A_1681 : i32
        %add3A_1683 = arith.constant 21 : i32
        %add3A_1684 = arith.addi %mul3A_1682, %add3A_1683 : i32
        %get3A_1685 = arith.index_cast %add3A_1684 : i32 to index
        %get3A_1686 = arith.constant 0 : index
        %get3A_1687 = tpu.vector_load %arg8[%get3A_1685, %get3A_1686] {strides = array<i32>} : memref<128x128xf32, #tpu.memory_space<vmem>>, vector<1x16xf32>,
        %get3A_1688 = vector.shape_cast %get3A_1687 : vector<1x16xf32> to vector<16xf32>
        %add3A_1689 = arith.addf %add3A_1617, %get3A_1688 : vector<16xf32>
        %mul3A_1690 = arith.constant 32 : i32
        %mul3A_1691 = arith.muli %add3A_154, %mul3A_1690 : i32
        %add3A_1692 = arith.constant 21 : i32
        %add3A_1693 = arith.addi %mul3A_1691, %add3A_1692 : i32
        %get3A_1694 = arith.index_cast %add3A_1693 : i32 to index
        %get3A_1695 = arith.constant 16 : index
        %get3A_1696 = tpu.vector_load %arg8[%get3A_1694, %get3A_1695] {strides = array<i32>} : memref<128x128xf32, #tpu.memory_space<vmem>>, vector<1x16xf32>,
        %get3A_1697 = vector.shape_cast %get3A_1696 : vector<1x16xf32> to vector<16xf32>
        %add3A_1698 = arith.addf %add3A_1626, %get3A_1697 : vector<16xf32>
        %mul3A_1699 = arith.constant 32 : i32
        %mul3A_1700 = arith.muli %add3A_154, %mul3A_1699 : i32
        %add3A_1701 = arith.constant 21 : i32
        %add3A_1702 = arith.addi %mul3A_1700, %add3A_1701 : i32
        %get3A_1703 = arith.index_cast %add3A_1702 : i32 to index
        %get3A_1704 = arith.constant 32 : index
        %get3A_1705 = tpu.vector_load %arg8[%get3A_1703, %get3A_1704] {strides = array<i32>} : memref<128x128xf32, #tpu.memory_space<vmem>>, vector<1x16xf32>,
        %get3A_1706 = vector.shape_cast %get3A_1705 : vector<1x16xf32> to vector<16xf32>
        %add3A_1707 = arith.addf %add3A_1635, %get3A_1706 : vector<16xf32>
        %mul3A_1708 = arith.constant 32 : i32
        %mul3A_1709 = arith.muli %add3A_154, %mul3A_1708 : i32
        %add3A_1710 = arith.constant 21 : i32
        %add3A_1711 = arith.addi %mul3A_1709, %add3A_1710 : i32
        %get3A_1712 = arith.index_cast %add3A_1711 : i32 to index
        %get3A_1713 = arith.constant 48 : index
        %get3A_1714 = tpu.vector_load %arg8[%get3A_1712, %get3A_1713] {strides = array<i32>} : memref<128x128xf32, #tpu.memory_space<vmem>>, vector<1x16xf32>,
        %get3A_1715 = vector.shape_cast %get3A_1714 : vector<1x16xf32> to vector<16xf32>
        %add3A_1716 = arith.addf %add3A_1644, %get3A_1715 : vector<16xf32>
        %mul3A_1717 = arith.constant 32 : i32
        %mul3A_1718 = arith.muli %add3A_154, %mul3A_1717 : i32
        %add3A_1719 = arith.constant 21 : i32
        %add3A_1720 = arith.addi %mul3A_1718, %add3A_1719 : i32
        %get3A_1721 = arith.index_cast %add3A_1720 : i32 to index
        %get3A_1722 = arith.constant 64 : index
        %get3A_1723 = tpu.vector_load %arg8[%get3A_1721, %get3A_1722] {strides = array<i32>} : memref<128x128xf32, #tpu.memory_space<vmem>>, vector<1x16xf32>,
        %get3A_1724 = vector.shape_cast %get3A_1723 : vector<1x16xf32> to vector<16xf32>
        %add3A_1725 = arith.addf %add3A_1653, %get3A_1724 : vector<16xf32>
        %mul3A_1726 = arith.constant 32 : i32
        %mul3A_1727 = arith.muli %add3A_154, %mul3A_1726 : i32
        %add3A_1728 = arith.constant 21 : i32
        %add3A_1729 = arith.addi %mul3A_1727, %add3A_1728 : i32
        %get3A_1730 = arith.index_cast %add3A_1729 : i32 to index
        %get3A_1731 = arith.constant 80 : index
        %get3A_1732 = tpu.vector_load %arg8[%get3A_1730, %get3A_1731] {strides = array<i32>} : memref<128x128xf32, #tpu.memory_space<vmem>>, vector<1x16xf32>,
        %get3A_1733 = vector.shape_cast %get3A_1732 : vector<1x16xf32> to vector<16xf32>
        %add3A_1734 = arith.addf %add3A_1662, %get3A_1733 : vector<16xf32>
        %mul3A_1735 = arith.constant 32 : i32
        %mul3A_1736 = arith.muli %add3A_154, %mul3A_1735 : i32
        %add3A_1737 = arith.constant 21 : i32
        %add3A_1738 = arith.addi %mul3A_1736, %add3A_1737 : i32
        %get3A_1739 = arith.index_cast %add3A_1738 : i32 to index
        %get3A_1740 = arith.constant 96 : index
        %get3A_1741 = tpu.vector_load %arg8[%get3A_1739, %get3A_1740] {strides = array<i32>} : memref<128x128xf32, #tpu.memory_space<vmem>>, vector<1x16xf32>,
        %get3A_1742 = vector.shape_cast %get3A_1741 : vector<1x16xf32> to vector<16xf32>
        %add3A_1743 = arith.addf %add3A_1671, %get3A_1742 : vector<16xf32>
        %mul3A_1744 = arith.constant 32 : i32
        %mul3A_1745 = arith.muli %add3A_154, %mul3A_1744 : i32
        %add3A_1746 = arith.constant 21 : i32
        %add3A_1747 = arith.addi %mul3A_1745, %add3A_1746 : i32
        %get3A_1748 = arith.index_cast %add3A_1747 : i32 to index
        %get3A_1749 = arith.constant 112 : index
        %get3A_1750 = tpu.vector_load %arg8[%get3A_1748, %get3A_1749] {strides = array<i32>} : memref<128x128xf32, #tpu.memory_space<vmem>>, vector<1x16xf32>,
        %get3A_1751 = vector.shape_cast %get3A_1750 : vector<1x16xf32> to vector<16xf32>
        %add3A_1752 = arith.addf %add3A_1680, %get3A_1751 : vector<16xf32>
        %mul3A_1753 = arith.constant 32 : i32
        %mul3A_1754 = arith.muli %add3A_154, %mul3A_1753 : i32
        %add3A_1755 = arith.constant 22 : i32
        %add3A_1756 = arith.addi %mul3A_1754, %add3A_1755 : i32
        %get3A_1757 = arith.index_cast %add3A_1756 : i32 to index
        %get3A_1758 = arith.constant 0 : index
        %get3A_1759 = tpu.vector_load %arg8[%get3A_1757, %get3A_1758] {strides = array<i32>} : memref<128x128xf32, #tpu.memory_space<vmem>>, vector<1x16xf32>,
        %get3A_1760 = vector.shape_cast %get3A_1759 : vector<1x16xf32> to vector<16xf32>
        %add3A_1761 = arith.addf %add3A_1689, %get3A_1760 : vector<16xf32>
        %mul3A_1762 = arith.constant 32 : i32
        %mul3A_1763 = arith.muli %add3A_154, %mul3A_1762 : i32
        %add3A_1764 = arith.constant 22 : i32
        %add3A_1765 = arith.addi %mul3A_1763, %add3A_1764 : i32
        %get3A_1766 = arith.index_cast %add3A_1765 : i32 to index
        %get3A_1767 = arith.constant 16 : index
        %get3A_1768 = tpu.vector_load %arg8[%get3A_1766, %get3A_1767] {strides = array<i32>} : memref<128x128xf32, #tpu.memory_space<vmem>>, vector<1x16xf32>,
        %get3A_1769 = vector.shape_cast %get3A_1768 : vector<1x16xf32> to vector<16xf32>
        %add3A_1770 = arith.addf %add3A_1698, %get3A_1769 : vector<16xf32>
        %mul3A_1771 = arith.constant 32 : i32
        %mul3A_1772 = arith.muli %add3A_154, %mul3A_1771 : i32
        %add3A_1773 = arith.constant 22 : i32
        %add3A_1774 = arith.addi %mul3A_1772, %add3A_1773 : i32
        %get3A_1775 = arith.index_cast %add3A_1774 : i32 to index
        %get3A_1776 = arith.constant 32 : index
        %get3A_1777 = tpu.vector_load %arg8[%get3A_1775, %get3A_1776] {strides = array<i32>} : memref<128x128xf32, #tpu.memory_space<vmem>>, vector<1x16xf32>,
        %get3A_1778 = vector.shape_cast %get3A_1777 : vector<1x16xf32> to vector<16xf32>
        %add3A_1779 = arith.addf %add3A_1707, %get3A_1778 : vector<16xf32>
        %mul3A_1780 = arith.constant 32 : i32
        %mul3A_1781 = arith.muli %add3A_154, %mul3A_1780 : i32
        %add3A_1782 = arith.constant 22 : i32
        %add3A_1783 = arith.addi %mul3A_1781, %add3A_1782 : i32
        %get3A_1784 = arith.index_cast %add3A_1783 : i32 to index
        %get3A_1785 = arith.constant 48 : index
        %get3A_1786 = tpu.vector_load %arg8[%get3A_1784, %get3A_1785] {strides = array<i32>} : memref<128x128xf32, #tpu.memory_space<vmem>>, vector<1x16xf32>,
        %get3A_1787 = vector.shape_cast %get3A_1786 : vector<1x16xf32> to vector<16xf32>
        %add3A_1788 = arith.addf %add3A_1716, %get3A_1787 : vector<16xf32>
        %mul3A_1789 = arith.constant 32 : i32
        %mul3A_1790 = arith.muli %add3A_154, %mul3A_1789 : i32
        %add3A_1791 = arith.constant 22 : i32
        %add3A_1792 = arith.addi %mul3A_1790, %add3A_1791 : i32
        %get3A_1793 = arith.index_cast %add3A_1792 : i32 to index
        %get3A_1794 = arith.constant 64 : index
        %get3A_1795 = tpu.vector_load %arg8[%get3A_1793, %get3A_1794] {strides = array<i32>} : memref<128x128xf32, #tpu.memory_space<vmem>>, vector<1x16xf32>,
        %get3A_1796 = vector.shape_cast %get3A_1795 : vector<1x16xf32> to vector<16xf32>
        %add3A_1797 = arith.addf %add3A_1725, %get3A_1796 : vector<16xf32>
        %mul3A_1798 = arith.constant 32 : i32
        %mul3A_1799 = arith.muli %add3A_154, %mul3A_1798 : i32
        %add3A_1800 = arith.constant 22 : i32
        %add3A_1801 = arith.addi %mul3A_1799, %add3A_1800 : i32
        %get3A_1802 = arith.index_cast %add3A_1801 : i32 to index
        %get3A_1803 = arith.constant 80 : index
        %get3A_1804 = tpu.vector_load %arg8[%get3A_1802, %get3A_1803] {strides = array<i32>} : memref<128x128xf32, #tpu.memory_space<vmem>>, vector<1x16xf32>,
        %get3A_1805 = vector.shape_cast %get3A_1804 : vector<1x16xf32> to vector<16xf32>
        %add3A_1806 = arith.addf %add3A_1734, %get3A_1805 : vector<16xf32>
        %mul3A_1807 = arith.constant 32 : i32
        %mul3A_1808 = arith.muli %add3A_154, %mul3A_1807 : i32
        %add3A_1809 = arith.constant 22 : i32
        %add3A_1810 = arith.addi %mul3A_1808, %add3A_1809 : i32
        %get3A_1811 = arith.index_cast %add3A_1810 : i32 to index
        %get3A_1812 = arith.constant 96 : index
        %get3A_1813 = tpu.vector_load %arg8[%get3A_1811, %get3A_1812] {strides = array<i32>} : memref<128x128xf32, #tpu.memory_space<vmem>>, vector<1x16xf32>,
        %get3A_1814 = vector.shape_cast %get3A_1813 : vector<1x16xf32> to vector<16xf32>
        %add3A_1815 = arith.addf %add3A_1743, %get3A_1814 : vector<16xf32>
        %mul3A_1816 = arith.constant 32 : i32
        %mul3A_1817 = arith.muli %add3A_154, %mul3A_1816 : i32
        %add3A_1818 = arith.constant 22 : i32
        %add3A_1819 = arith.addi %mul3A_1817, %add3A_1818 : i32
        %get3A_1820 = arith.index_cast %add3A_1819 : i32 to index
        %get3A_1821 = arith.constant 112 : index
        %get3A_1822 = tpu.vector_load %arg8[%get3A_1820, %get3A_1821] {strides = array<i32>} : memref<128x128xf32, #tpu.memory_space<vmem>>, vector<1x16xf32>,
        %get3A_1823 = vector.shape_cast %get3A_1822 : vector<1x16xf32> to vector<16xf32>
        %add3A_1824 = arith.addf %add3A_1752, %get3A_1823 : vector<16xf32>
        %mul3A_1825 = arith.constant 32 : i32
        %mul3A_1826 = arith.muli %add3A_154, %mul3A_1825 : i32
        %add3A_1827 = arith.constant 23 : i32
        %add3A_1828 = arith.addi %mul3A_1826, %add3A_1827 : i32
        %get3A_1829 = arith.index_cast %add3A_1828 : i32 to index
        %get3A_1830 = arith.constant 0 : index
        %get3A_1831 = tpu.vector_load %arg8[%get3A_1829, %get3A_1830] {strides = array<i32>} : memref<128x128xf32, #tpu.memory_space<vmem>>, vector<1x16xf32>,
        %get3A_1832 = vector.shape_cast %get3A_1831 : vector<1x16xf32> to vector<16xf32>
        %add3A_1833 = arith.addf %add3A_1761, %get3A_1832 : vector<16xf32>
        %mul3A_1834 = arith.constant 32 : i32
        %mul3A_1835 = arith.muli %add3A_154, %mul3A_1834 : i32
        %add3A_1836 = arith.constant 23 : i32
        %add3A_1837 = arith.addi %mul3A_1835, %add3A_1836 : i32
        %get3A_1838 = arith.index_cast %add3A_1837 : i32 to index
        %get3A_1839 = arith.constant 16 : index
        %get3A_1840 = tpu.vector_load %arg8[%get3A_1838, %get3A_1839] {strides = array<i32>} : memref<128x128xf32, #tpu.memory_space<vmem>>, vector<1x16xf32>,
        %get3A_1841 = vector.shape_cast %get3A_1840 : vector<1x16xf32> to vector<16xf32>
        %add3A_1842 = arith.addf %add3A_1770, %get3A_1841 : vector<16xf32>
        %mul3A_1843 = arith.constant 32 : i32
        %mul3A_1844 = arith.muli %add3A_154, %mul3A_1843 : i32
        %add3A_1845 = arith.constant 23 : i32
        %add3A_1846 = arith.addi %mul3A_1844, %add3A_1845 : i32
        %get3A_1847 = arith.index_cast %add3A_1846 : i32 to index
        %get3A_1848 = arith.constant 32 : index
        %get3A_1849 = tpu.vector_load %arg8[%get3A_1847, %get3A_1848] {strides = array<i32>} : memref<128x128xf32, #tpu.memory_space<vmem>>, vector<1x16xf32>,
        %get3A_1850 = vector.shape_cast %get3A_1849 : vector<1x16xf32> to vector<16xf32>
        %add3A_1851 = arith.addf %add3A_1779, %get3A_1850 : vector<16xf32>
        %mul3A_1852 = arith.constant 32 : i32
        %mul3A_1853 = arith.muli %add3A_154, %mul3A_1852 : i32
        %add3A_1854 = arith.constant 23 : i32
        %add3A_1855 = arith.addi %mul3A_1853, %add3A_1854 : i32
        %get3A_1856 = arith.index_cast %add3A_1855 : i32 to index
        %get3A_1857 = arith.constant 48 : index
        %get3A_1858 = tpu.vector_load %arg8[%get3A_1856, %get3A_1857] {strides = array<i32>} : memref<128x128xf32, #tpu.memory_space<vmem>>, vector<1x16xf32>,
        %get3A_1859 = vector.shape_cast %get3A_1858 : vector<1x16xf32> to vector<16xf32>
        %add3A_1860 = arith.addf %add3A_1788, %get3A_1859 : vector<16xf32>
        %mul3A_1861 = arith.constant 32 : i32
        %mul3A_1862 = arith.muli %add3A_154, %mul3A_1861 : i32
        %add3A_1863 = arith.constant 23 : i32
        %add3A_1864 = arith.addi %mul3A_1862, %add3A_1863 : i32
        %get3A_1865 = arith.index_cast %add3A_1864 : i32 to index
        %get3A_1866 = arith.constant 64 : index
        %get3A_1867 = tpu.vector_load %arg8[%get3A_1865, %get3A_1866] {strides = array<i32>} : memref<128x128xf32, #tpu.memory_space<vmem>>, vector<1x16xf32>,
        %get3A_1868 = vector.shape_cast %get3A_1867 : vector<1x16xf32> to vector<16xf32>
        %add3A_1869 = arith.addf %add3A_1797, %get3A_1868 : vector<16xf32>
        %mul3A_1870 = arith.constant 32 : i32
        %mul3A_1871 = arith.muli %add3A_154, %mul3A_1870 : i32
        %add3A_1872 = arith.constant 23 : i32
        %add3A_1873 = arith.addi %mul3A_1871, %add3A_1872 : i32
        %get3A_1874 = arith.index_cast %add3A_1873 : i32 to index
        %get3A_1875 = arith.constant 80 : index
        %get3A_1876 = tpu.vector_load %arg8[%get3A_1874, %get3A_1875] {strides = array<i32>} : memref<128x128xf32, #tpu.memory_space<vmem>>, vector<1x16xf32>,
        %get3A_1877 = vector.shape_cast %get3A_1876 : vector<1x16xf32> to vector<16xf32>
        %add3A_1878 = arith.addf %add3A_1806, %get3A_1877 : vector<16xf32>
        %mul3A_1879 = arith.constant 32 : i32
        %mul3A_1880 = arith.muli %add3A_154, %mul3A_1879 : i32
        %add3A_1881 = arith.constant 23 : i32
        %add3A_1882 = arith.addi %mul3A_1880, %add3A_1881 : i32
        %get3A_1883 = arith.index_cast %add3A_1882 : i32 to index
        %get3A_1884 = arith.constant 96 : index
        %get3A_1885 = tpu.vector_load %arg8[%get3A_1883, %get3A_1884] {strides = array<i32>} : memref<128x128xf32, #tpu.memory_space<vmem>>, vector<1x16xf32>,
        %get3A_1886 = vector.shape_cast %get3A_1885 : vector<1x16xf32> to vector<16xf32>
        %add3A_1887 = arith.addf %add3A_1815, %get3A_1886 : vector<16xf32>
        %mul3A_1888 = arith.constant 32 : i32
        %mul3A_1889 = arith.muli %add3A_154, %mul3A_1888 : i32
        %add3A_1890 = arith.constant 23 : i32
        %add3A_1891 = arith.addi %mul3A_1889, %add3A_1890 : i32
        %get3A_1892 = arith.index_cast %add3A_1891 : i32 to index
        %get3A_1893 = arith.constant 112 : index
        %get3A_1894 = tpu.vector_load %arg8[%get3A_1892, %get3A_1893] {strides = array<i32>} : memref<128x128xf32, #tpu.memory_space<vmem>>, vector<1x16xf32>,
        %get3A_1895 = vector.shape_cast %get3A_1894 : vector<1x16xf32> to vector<16xf32>
        %add3A_1896 = arith.addf %add3A_1824, %get3A_1895 : vector<16xf32>
        %mul3A_1897 = arith.constant 32 : i32
        %mul3A_1898 = arith.muli %add3A_154, %mul3A_1897 : i32
        %add3A_1899 = arith.constant 24 : i32
        %add3A_1900 = arith.addi %mul3A_1898, %add3A_1899 : i32
        %get3A_1901 = arith.index_cast %add3A_1900 : i32 to index
        %get3A_1902 = arith.constant 0 : index
        %get3A_1903 = tpu.vector_load %arg8[%get3A_1901, %get3A_1902] {strides = array<i32>} : memref<128x128xf32, #tpu.memory_space<vmem>>, vector<1x16xf32>,
        %get3A_1904 = vector.shape_cast %get3A_1903 : vector<1x16xf32> to vector<16xf32>
        %add3A_1905 = arith.addf %add3A_1833, %get3A_1904 : vector<16xf32>
        %mul3A_1906 = arith.constant 32 : i32
        %mul3A_1907 = arith.muli %add3A_154, %mul3A_1906 : i32
        %add3A_1908 = arith.constant 24 : i32
        %add3A_1909 = arith.addi %mul3A_1907, %add3A_1908 : i32
        %get3A_1910 = arith.index_cast %add3A_1909 : i32 to index
        %get3A_1911 = arith.constant 16 : index
        %get3A_1912 = tpu.vector_load %arg8[%get3A_1910, %get3A_1911] {strides = array<i32>} : memref<128x128xf32, #tpu.memory_space<vmem>>, vector<1x16xf32>,
        %get3A_1913 = vector.shape_cast %get3A_1912 : vector<1x16xf32> to vector<16xf32>
        %add3A_1914 = arith.addf %add3A_1842, %get3A_1913 : vector<16xf32>
        %mul3A_1915 = arith.constant 32 : i32
        %mul3A_1916 = arith.muli %add3A_154, %mul3A_1915 : i32
        %add3A_1917 = arith.constant 24 : i32
        %add3A_1918 = arith.addi %mul3A_1916, %add3A_1917 : i32
        %get3A_1919 = arith.index_cast %add3A_1918 : i32 to index
        %get3A_1920 = arith.constant 32 : index
        %get3A_1921 = tpu.vector_load %arg8[%get3A_1919, %get3A_1920] {strides = array<i32>} : memref<128x128xf32, #tpu.memory_space<vmem>>, vector<1x16xf32>,
        %get3A_1922 = vector.shape_cast %get3A_1921 : vector<1x16xf32> to vector<16xf32>
        %add3A_1923 = arith.addf %add3A_1851, %get3A_1922 : vector<16xf32>
        %mul3A_1924 = arith.constant 32 : i32
        %mul3A_1925 = arith.muli %add3A_154, %mul3A_1924 : i32
        %add3A_1926 = arith.constant 24 : i32
        %add3A_1927 = arith.addi %mul3A_1925, %add3A_1926 : i32
        %get3A_1928 = arith.index_cast %add3A_1927 : i32 to index
        %get3A_1929 = arith.constant 48 : index
        %get3A_1930 = tpu.vector_load %arg8[%get3A_1928, %get3A_1929] {strides = array<i32>} : memref<128x128xf32, #tpu.memory_space<vmem>>, vector<1x16xf32>,
        %get3A_1931 = vector.shape_cast %get3A_1930 : vector<1x16xf32> to vector<16xf32>
        %add3A_1932 = arith.addf %add3A_1860, %get3A_1931 : vector<16xf32>
        %mul3A_1933 = arith.constant 32 : i32
        %mul3A_1934 = arith.muli %add3A_154, %mul3A_1933 : i32
        %add3A_1935 = arith.constant 24 : i32
        %add3A_1936 = arith.addi %mul3A_1934, %add3A_1935 : i32
        %get3A_1937 = arith.index_cast %add3A_1936 : i32 to index
        %get3A_1938 = arith.constant 64 : index
        %get3A_1939 = tpu.vector_load %arg8[%get3A_1937, %get3A_1938] {strides = array<i32>} : memref<128x128xf32, #tpu.memory_space<vmem>>, vector<1x16xf32>,
        %get3A_1940 = vector.shape_cast %get3A_1939 : vector<1x16xf32> to vector<16xf32>
        %add3A_1941 = arith.addf %add3A_1869, %get3A_1940 : vector<16xf32>
        %mul3A_1942 = arith.constant 32 : i32
        %mul3A_1943 = arith.muli %add3A_154, %mul3A_1942 : i32
        %add3A_1944 = arith.constant 24 : i32
        %add3A_1945 = arith.addi %mul3A_1943, %add3A_1944 : i32
        %get3A_1946 = arith.index_cast %add3A_1945 : i32 to index
        %get3A_1947 = arith.constant 80 : index
        %get3A_1948 = tpu.vector_load %arg8[%get3A_1946, %get3A_1947] {strides = array<i32>} : memref<128x128xf32, #tpu.memory_space<vmem>>, vector<1x16xf32>,
        %get3A_1949 = vector.shape_cast %get3A_1948 : vector<1x16xf32> to vector<16xf32>
        %add3A_1950 = arith.addf %add3A_1878, %get3A_1949 : vector<16xf32>
        %mul3A_1951 = arith.constant 32 : i32
        %mul3A_1952 = arith.muli %add3A_154, %mul3A_1951 : i32
        %add3A_1953 = arith.constant 24 : i32
        %add3A_1954 = arith.addi %mul3A_1952, %add3A_1953 : i32
        %get3A_1955 = arith.index_cast %add3A_1954 : i32 to index
        %get3A_1956 = arith.constant 96 : index
        %get3A_1957 = tpu.vector_load %arg8[%get3A_1955, %get3A_1956] {strides = array<i32>} : memref<128x128xf32, #tpu.memory_space<vmem>>, vector<1x16xf32>,
        %get3A_1958 = vector.shape_cast %get3A_1957 : vector<1x16xf32> to vector<16xf32>
        %add3A_1959 = arith.addf %add3A_1887, %get3A_1958 : vector<16xf32>
        %mul3A_1960 = arith.constant 32 : i32
        %mul3A_1961 = arith.muli %add3A_154, %mul3A_1960 : i32
        %add3A_1962 = arith.constant 24 : i32
        %add3A_1963 = arith.addi %mul3A_1961, %add3A_1962 : i32
        %get3A_1964 = arith.index_cast %add3A_1963 : i32 to index
        %get3A_1965 = arith.constant 112 : index
        %get3A_1966 = tpu.vector_load %arg8[%get3A_1964, %get3A_1965] {strides = array<i32>} : memref<128x128xf32, #tpu.memory_space<vmem>>, vector<1x16xf32>,
        %get3A_1967 = vector.shape_cast %get3A_1966 : vector<1x16xf32> to vector<16xf32>
        %add3A_1968 = arith.addf %add3A_1896, %get3A_1967 : vector<16xf32>
        %mul3A_1969 = arith.constant 32 : i32
        %mul3A_1970 = arith.muli %add3A_154, %mul3A_1969 : i32
        %add3A_1971 = arith.constant 25 : i32
        %add3A_1972 = arith.addi %mul3A_1970, %add3A_1971 : i32
        %get3A_1973 = arith.index_cast %add3A_1972 : i32 to index
        %get3A_1974 = arith.constant 0 : index
        %get3A_1975 = tpu.vector_load %arg8[%get3A_1973, %get3A_1974] {strides = array<i32>} : memref<128x128xf32, #tpu.memory_space<vmem>>, vector<1x16xf32>,
        %get3A_1976 = vector.shape_cast %get3A_1975 : vector<1x16xf32> to vector<16xf32>
        %add3A_1977 = arith.addf %add3A_1905, %get3A_1976 : vector<16xf32>
        %mul3A_1978 = arith.constant 32 : i32
        %mul3A_1979 = arith.muli %add3A_154, %mul3A_1978 : i32
        %add3A_1980 = arith.constant 25 : i32
        %add3A_1981 = arith.addi %mul3A_1979, %add3A_1980 : i32
        %get3A_1982 = arith.index_cast %add3A_1981 : i32 to index
        %get3A_1983 = arith.constant 16 : index
        %get3A_1984 = tpu.vector_load %arg8[%get3A_1982, %get3A_1983] {strides = array<i32>} : memref<128x128xf32, #tpu.memory_space<vmem>>, vector<1x16xf32>,
        %get3A_1985 = vector.shape_cast %get3A_1984 : vector<1x16xf32> to vector<16xf32>
        %add3A_1986 = arith.addf %add3A_1914, %get3A_1985 : vector<16xf32>
        %mul3A_1987 = arith.constant 32 : i32
        %mul3A_1988 = arith.muli %add3A_154, %mul3A_1987 : i32
        %add3A_1989 = arith.constant 25 : i32
        %add3A_1990 = arith.addi %mul3A_1988, %add3A_1989 : i32
        %get3A_1991 = arith.index_cast %add3A_1990 : i32 to index
        %get3A_1992 = arith.constant 32 : index
        %get3A_1993 = tpu.vector_load %arg8[%get3A_1991, %get3A_1992] {strides = array<i32>} : memref<128x128xf32, #tpu.memory_space<vmem>>, vector<1x16xf32>,
        %get3A_1994 = vector.shape_cast %get3A_1993 : vector<1x16xf32> to vector<16xf32>
        %add3A_1995 = arith.addf %add3A_1923, %get3A_1994 : vector<16xf32>
        %mul3A_1996 = arith.constant 32 : i32
        %mul3A_1997 = arith.muli %add3A_154, %mul3A_1996 : i32
        %add3A_1998 = arith.constant 25 : i32
        %add3A_1999 = arith.addi %mul3A_1997, %add3A_1998 : i32
        %get3A_2000 = arith.index_cast %add3A_1999 : i32 to index
        %get3A_2001 = arith.constant 48 : index
        %get3A_2002 = tpu.vector_load %arg8[%get3A_2000, %get3A_2001] {strides = array<i32>} : memref<128x128xf32, #tpu.memory_space<vmem>>, vector<1x16xf32>,
        %get3A_2003 = vector.shape_cast %get3A_2002 : vector<1x16xf32> to vector<16xf32>
        %add3A_2004 = arith.addf %add3A_1932, %get3A_2003 : vector<16xf32>
        %mul3A_2005 = arith.constant 32 : i32
        %mul3A_2006 = arith.muli %add3A_154, %mul3A_2005 : i32
        %add3A_2007 = arith.constant 25 : i32
        %add3A_2008 = arith.addi %mul3A_2006, %add3A_2007 : i32
        %get3A_2009 = arith.index_cast %add3A_2008 : i32 to index
        %get3A_2010 = arith.constant 64 : index
        %get3A_2011 = tpu.vector_load %arg8[%get3A_2009, %get3A_2010] {strides = array<i32>} : memref<128x128xf32, #tpu.memory_space<vmem>>, vector<1x16xf32>,
        %get3A_2012 = vector.shape_cast %get3A_2011 : vector<1x16xf32> to vector<16xf32>
        %add3A_2013 = arith.addf %add3A_1941, %get3A_2012 : vector<16xf32>
        %mul3A_2014 = arith.constant 32 : i32
        %mul3A_2015 = arith.muli %add3A_154, %mul3A_2014 : i32
        %add3A_2016 = arith.constant 25 : i32
        %add3A_2017 = arith.addi %mul3A_2015, %add3A_2016 : i32
        %get3A_2018 = arith.index_cast %add3A_2017 : i32 to index
        %get3A_2019 = arith.constant 80 : index
        %get3A_2020 = tpu.vector_load %arg8[%get3A_2018, %get3A_2019] {strides = array<i32>} : memref<128x128xf32, #tpu.memory_space<vmem>>, vector<1x16xf32>,
        %get3A_2021 = vector.shape_cast %get3A_2020 : vector<1x16xf32> to vector<16xf32>
        %add3A_2022 = arith.addf %add3A_1950, %get3A_2021 : vector<16xf32>
        %mul3A_2023 = arith.constant 32 : i32
        %mul3A_2024 = arith.muli %add3A_154, %mul3A_2023 : i32
        %add3A_2025 = arith.constant 25 : i32
        %add3A_2026 = arith.addi %mul3A_2024, %add3A_2025 : i32
        %get3A_2027 = arith.index_cast %add3A_2026 : i32 to index
        %get3A_2028 = arith.constant 96 : index
        %get3A_2029 = tpu.vector_load %arg8[%get3A_2027, %get3A_2028] {strides = array<i32>} : memref<128x128xf32, #tpu.memory_space<vmem>>, vector<1x16xf32>,
        %get3A_2030 = vector.shape_cast %get3A_2029 : vector<1x16xf32> to vector<16xf32>
        %add3A_2031 = arith.addf %add3A_1959, %get3A_2030 : vector<16xf32>
        %mul3A_2032 = arith.constant 32 : i32
        %mul3A_2033 = arith.muli %add3A_154, %mul3A_2032 : i32
        %add3A_2034 = arith.constant 25 : i32
        %add3A_2035 = arith.addi %mul3A_2033, %add3A_2034 : i32
        %get3A_2036 = arith.index_cast %add3A_2035 : i32 to index
        %get3A_2037 = arith.constant 112 : index
        %get3A_2038 = tpu.vector_load %arg8[%get3A_2036, %get3A_2037] {strides = array<i32>} : memref<128x128xf32, #tpu.memory_space<vmem>>, vector<1x16xf32>,
        %get3A_2039 = vector.shape_cast %get3A_2038 : vector<1x16xf32> to vector<16xf32>
        %add3A_2040 = arith.addf %add3A_1968, %get3A_2039 : vector<16xf32>
        %mul3A_2041 = arith.constant 32 : i32
        %mul3A_2042 = arith.muli %add3A_154, %mul3A_2041 : i32
        %add3A_2043 = arith.constant 26 : i32
        %add3A_2044 = arith.addi %mul3A_2042, %add3A_2043 : i32
        %get3A_2045 = arith.index_cast %add3A_2044 : i32 to index
        %get3A_2046 = arith.constant 0 : index
        %get3A_2047 = tpu.vector_load %arg8[%get3A_2045, %get3A_2046] {strides = array<i32>} : memref<128x128xf32, #tpu.memory_space<vmem>>, vector<1x16xf32>,
        %get3A_2048 = vector.shape_cast %get3A_2047 : vector<1x16xf32> to vector<16xf32>
        %add3A_2049 = arith.addf %add3A_1977, %get3A_2048 : vector<16xf32>
        %mul3A_2050 = arith.constant 32 : i32
        %mul3A_2051 = arith.muli %add3A_154, %mul3A_2050 : i32
        %add3A_2052 = arith.constant 26 : i32
        %add3A_2053 = arith.addi %mul3A_2051, %add3A_2052 : i32
        %get3A_2054 = arith.index_cast %add3A_2053 : i32 to index
        %get3A_2055 = arith.constant 16 : index
        %get3A_2056 = tpu.vector_load %arg8[%get3A_2054, %get3A_2055] {strides = array<i32>} : memref<128x128xf32, #tpu.memory_space<vmem>>, vector<1x16xf32>,
        %get3A_2057 = vector.shape_cast %get3A_2056 : vector<1x16xf32> to vector<16xf32>
        %add3A_2058 = arith.addf %add3A_1986, %get3A_2057 : vector<16xf32>
        %mul3A_2059 = arith.constant 32 : i32
        %mul3A_2060 = arith.muli %add3A_154, %mul3A_2059 : i32
        %add3A_2061 = arith.constant 26 : i32
        %add3A_2062 = arith.addi %mul3A_2060, %add3A_2061 : i32
        %get3A_2063 = arith.index_cast %add3A_2062 : i32 to index
        %get3A_2064 = arith.constant 32 : index
        %get3A_2065 = tpu.vector_load %arg8[%get3A_2063, %get3A_2064] {strides = array<i32>} : memref<128x128xf32, #tpu.memory_space<vmem>>, vector<1x16xf32>,
        %get3A_2066 = vector.shape_cast %get3A_2065 : vector<1x16xf32> to vector<16xf32>
        %add3A_2067 = arith.addf %add3A_1995, %get3A_2066 : vector<16xf32>
        %mul3A_2068 = arith.constant 32 : i32
        %mul3A_2069 = arith.muli %add3A_154, %mul3A_2068 : i32
        %add3A_2070 = arith.constant 26 : i32
        %add3A_2071 = arith.addi %mul3A_2069, %add3A_2070 : i32
        %get3A_2072 = arith.index_cast %add3A_2071 : i32 to index
        %get3A_2073 = arith.constant 48 : index
        %get3A_2074 = tpu.vector_load %arg8[%get3A_2072, %get3A_2073] {strides = array<i32>} : memref<128x128xf32, #tpu.memory_space<vmem>>, vector<1x16xf32>,
        %get3A_2075 = vector.shape_cast %get3A_2074 : vector<1x16xf32> to vector<16xf32>
        %add3A_2076 = arith.addf %add3A_2004, %get3A_2075 : vector<16xf32>
        %mul3A_2077 = arith.constant 32 : i32
        %mul3A_2078 = arith.muli %add3A_154, %mul3A_2077 : i32
        %add3A_2079 = arith.constant 26 : i32
        %add3A_2080 = arith.addi %mul3A_2078, %add3A_2079 : i32
        %get3A_2081 = arith.index_cast %add3A_2080 : i32 to index
        %get3A_2082 = arith.constant 64 : index
        %get3A_2083 = tpu.vector_load %arg8[%get3A_2081, %get3A_2082] {strides = array<i32>} : memref<128x128xf32, #tpu.memory_space<vmem>>, vector<1x16xf32>,
        %get3A_2084 = vector.shape_cast %get3A_2083 : vector<1x16xf32> to vector<16xf32>
        %add3A_2085 = arith.addf %add3A_2013, %get3A_2084 : vector<16xf32>
        %mul3A_2086 = arith.constant 32 : i32
        %mul3A_2087 = arith.muli %add3A_154, %mul3A_2086 : i32
        %add3A_2088 = arith.constant 26 : i32
        %add3A_2089 = arith.addi %mul3A_2087, %add3A_2088 : i32
        %get3A_2090 = arith.index_cast %add3A_2089 : i32 to index
        %get3A_2091 = arith.constant 80 : index
        %get3A_2092 = tpu.vector_load %arg8[%get3A_2090, %get3A_2091] {strides = array<i32>} : memref<128x128xf32, #tpu.memory_space<vmem>>, vector<1x16xf32>,
        %get3A_2093 = vector.shape_cast %get3A_2092 : vector<1x16xf32> to vector<16xf32>
        %add3A_2094 = arith.addf %add3A_2022, %get3A_2093 : vector<16xf32>
        %mul3A_2095 = arith.constant 32 : i32
        %mul3A_2096 = arith.muli %add3A_154, %mul3A_2095 : i32
        %add3A_2097 = arith.constant 26 : i32
        %add3A_2098 = arith.addi %mul3A_2096, %add3A_2097 : i32
        %get3A_2099 = arith.index_cast %add3A_2098 : i32 to index
        %get3A_2100 = arith.constant 96 : index
        %get3A_2101 = tpu.vector_load %arg8[%get3A_2099, %get3A_2100] {strides = array<i32>} : memref<128x128xf32, #tpu.memory_space<vmem>>, vector<1x16xf32>,
        %get3A_2102 = vector.shape_cast %get3A_2101 : vector<1x16xf32> to vector<16xf32>
        %add3A_2103 = arith.addf %add3A_2031, %get3A_2102 : vector<16xf32>
        %mul3A_2104 = arith.constant 32 : i32
        %mul3A_2105 = arith.muli %add3A_154, %mul3A_2104 : i32
        %add3A_2106 = arith.constant 26 : i32
        %add3A_2107 = arith.addi %mul3A_2105, %add3A_2106 : i32
        %get3A_2108 = arith.index_cast %add3A_2107 : i32 to index
        %get3A_2109 = arith.constant 112 : index
        %get3A_2110 = tpu.vector_load %arg8[%get3A_2108, %get3A_2109] {strides = array<i32>} : memref<128x128xf32, #tpu.memory_space<vmem>>, vector<1x16xf32>,
        %get3A_2111 = vector.shape_cast %get3A_2110 : vector<1x16xf32> to vector<16xf32>
        %add3A_2112 = arith.addf %add3A_2040, %get3A_2111 : vector<16xf32>
        %mul3A_2113 = arith.constant 32 : i32
        %mul3A_2114 = arith.muli %add3A_154, %mul3A_2113 : i32
        %add3A_2115 = arith.constant 27 : i32
        %add3A_2116 = arith.addi %mul3A_2114, %add3A_2115 : i32
        %get3A_2117 = arith.index_cast %add3A_2116 : i32 to index
        %get3A_2118 = arith.constant 0 : index
        %get3A_2119 = tpu.vector_load %arg8[%get3A_2117, %get3A_2118] {strides = array<i32>} : memref<128x128xf32, #tpu.memory_space<vmem>>, vector<1x16xf32>,
        %get3A_2120 = vector.shape_cast %get3A_2119 : vector<1x16xf32> to vector<16xf32>
        %add3A_2121 = arith.addf %add3A_2049, %get3A_2120 : vector<16xf32>
        %mul3A_2122 = arith.constant 32 : i32
        %mul3A_2123 = arith.muli %add3A_154, %mul3A_2122 : i32
        %add3A_2124 = arith.constant 27 : i32
        %add3A_2125 = arith.addi %mul3A_2123, %add3A_2124 : i32
        %get3A_2126 = arith.index_cast %add3A_2125 : i32 to index
        %get3A_2127 = arith.constant 16 : index
        %get3A_2128 = tpu.vector_load %arg8[%get3A_2126, %get3A_2127] {strides = array<i32>} : memref<128x128xf32, #tpu.memory_space<vmem>>, vector<1x16xf32>,
        %get3A_2129 = vector.shape_cast %get3A_2128 : vector<1x16xf32> to vector<16xf32>
        %add3A_2130 = arith.addf %add3A_2058, %get3A_2129 : vector<16xf32>
        %mul3A_2131 = arith.constant 32 : i32
        %mul3A_2132 = arith.muli %add3A_154, %mul3A_2131 : i32
        %add3A_2133 = arith.constant 27 : i32
        %add3A_2134 = arith.addi %mul3A_2132, %add3A_2133 : i32
        %get3A_2135 = arith.index_cast %add3A_2134 : i32 to index
        %get3A_2136 = arith.constant 32 : index
        %get3A_2137 = tpu.vector_load %arg8[%get3A_2135, %get3A_2136] {strides = array<i32>} : memref<128x128xf32, #tpu.memory_space<vmem>>, vector<1x16xf32>,
        %get3A_2138 = vector.shape_cast %get3A_2137 : vector<1x16xf32> to vector<16xf32>
        %add3A_2139 = arith.addf %add3A_2067, %get3A_2138 : vector<16xf32>
        %mul3A_2140 = arith.constant 32 : i32
        %mul3A_2141 = arith.muli %add3A_154, %mul3A_2140 : i32
        %add3A_2142 = arith.constant 27 : i32
        %add3A_2143 = arith.addi %mul3A_2141, %add3A_2142 : i32
        %get3A_2144 = arith.index_cast %add3A_2143 : i32 to index
        %get3A_2145 = arith.constant 48 : index
        %get3A_2146 = tpu.vector_load %arg8[%get3A_2144, %get3A_2145] {strides = array<i32>} : memref<128x128xf32, #tpu.memory_space<vmem>>, vector<1x16xf32>,
        %get3A_2147 = vector.shape_cast %get3A_2146 : vector<1x16xf32> to vector<16xf32>
        %add3A_2148 = arith.addf %add3A_2076, %get3A_2147 : vector<16xf32>
        %mul3A_2149 = arith.constant 32 : i32
        %mul3A_2150 = arith.muli %add3A_154, %mul3A_2149 : i32
        %add3A_2151 = arith.constant 27 : i32
        %add3A_2152 = arith.addi %mul3A_2150, %add3A_2151 : i32
        %get3A_2153 = arith.index_cast %add3A_2152 : i32 to index
        %get3A_2154 = arith.constant 64 : index
        %get3A_2155 = tpu.vector_load %arg8[%get3A_2153, %get3A_2154] {strides = array<i32>} : memref<128x128xf32, #tpu.memory_space<vmem>>, vector<1x16xf32>,
        %get3A_2156 = vector.shape_cast %get3A_2155 : vector<1x16xf32> to vector<16xf32>
        %add3A_2157 = arith.addf %add3A_2085, %get3A_2156 : vector<16xf32>
        %mul3A_2158 = arith.constant 32 : i32
        %mul3A_2159 = arith.muli %add3A_154, %mul3A_2158 : i32
        %add3A_2160 = arith.constant 27 : i32
        %add3A_2161 = arith.addi %mul3A_2159, %add3A_2160 : i32
        %get3A_2162 = arith.index_cast %add3A_2161 : i32 to index
        %get3A_2163 = arith.constant 80 : index
        %get3A_2164 = tpu.vector_load %arg8[%get3A_2162, %get3A_2163] {strides = array<i32>} : memref<128x128xf32, #tpu.memory_space<vmem>>, vector<1x16xf32>,
        %get3A_2165 = vector.shape_cast %get3A_2164 : vector<1x16xf32> to vector<16xf32>
        %add3A_2166 = arith.addf %add3A_2094, %get3A_2165 : vector<16xf32>
        %mul3A_2167 = arith.constant 32 : i32
        %mul3A_2168 = arith.muli %add3A_154, %mul3A_2167 : i32
        %add3A_2169 = arith.constant 27 : i32
        %add3A_2170 = arith.addi %mul3A_2168, %add3A_2169 : i32
        %get3A_2171 = arith.index_cast %add3A_2170 : i32 to index
        %get3A_2172 = arith.constant 96 : index
        %get3A_2173 = tpu.vector_load %arg8[%get3A_2171, %get3A_2172] {strides = array<i32>} : memref<128x128xf32, #tpu.memory_space<vmem>>, vector<1x16xf32>,
        %get3A_2174 = vector.shape_cast %get3A_2173 : vector<1x16xf32> to vector<16xf32>
        %add3A_2175 = arith.addf %add3A_2103, %get3A_2174 : vector<16xf32>
        %mul3A_2176 = arith.constant 32 : i32
        %mul3A_2177 = arith.muli %add3A_154, %mul3A_2176 : i32
        %add3A_2178 = arith.constant 27 : i32
        %add3A_2179 = arith.addi %mul3A_2177, %add3A_2178 : i32
        %get3A_2180 = arith.index_cast %add3A_2179 : i32 to index
        %get3A_2181 = arith.constant 112 : index
        %get3A_2182 = tpu.vector_load %arg8[%get3A_2180, %get3A_2181] {strides = array<i32>} : memref<128x128xf32, #tpu.memory_space<vmem>>, vector<1x16xf32>,
        %get3A_2183 = vector.shape_cast %get3A_2182 : vector<1x16xf32> to vector<16xf32>
        %add3A_2184 = arith.addf %add3A_2112, %get3A_2183 : vector<16xf32>
        %mul3A_2185 = arith.constant 32 : i32
        %mul3A_2186 = arith.muli %add3A_154, %mul3A_2185 : i32
        %add3A_2187 = arith.constant 28 : i32
        %add3A_2188 = arith.addi %mul3A_2186, %add3A_2187 : i32
        %get3A_2189 = arith.index_cast %add3A_2188 : i32 to index
        %get3A_2190 = arith.constant 0 : index
        %get3A_2191 = tpu.vector_load %arg8[%get3A_2189, %get3A_2190] {strides = array<i32>} : memref<128x128xf32, #tpu.memory_space<vmem>>, vector<1x16xf32>,
        %get3A_2192 = vector.shape_cast %get3A_2191 : vector<1x16xf32> to vector<16xf32>
        %add3A_2193 = arith.addf %add3A_2121, %get3A_2192 : vector<16xf32>
        %mul3A_2194 = arith.constant 32 : i32
        %mul3A_2195 = arith.muli %add3A_154, %mul3A_2194 : i32
        %add3A_2196 = arith.constant 28 : i32
        %add3A_2197 = arith.addi %mul3A_2195, %add3A_2196 : i32
        %get3A_2198 = arith.index_cast %add3A_2197 : i32 to index
        %get3A_2199 = arith.constant 16 : index
        %get3A_2200 = tpu.vector_load %arg8[%get3A_2198, %get3A_2199] {strides = array<i32>} : memref<128x128xf32, #tpu.memory_space<vmem>>, vector<1x16xf32>,
        %get3A_2201 = vector.shape_cast %get3A_2200 : vector<1x16xf32> to vector<16xf32>
        %add3A_2202 = arith.addf %add3A_2130, %get3A_2201 : vector<16xf32>
        %mul3A_2203 = arith.constant 32 : i32
        %mul3A_2204 = arith.muli %add3A_154, %mul3A_2203 : i32
        %add3A_2205 = arith.constant 28 : i32
        %add3A_2206 = arith.addi %mul3A_2204, %add3A_2205 : i32
        %get3A_2207 = arith.index_cast %add3A_2206 : i32 to index
        %get3A_2208 = arith.constant 32 : index
        %get3A_2209 = tpu.vector_load %arg8[%get3A_2207, %get3A_2208] {strides = array<i32>} : memref<128x128xf32, #tpu.memory_space<vmem>>, vector<1x16xf32>,
        %get3A_2210 = vector.shape_cast %get3A_2209 : vector<1x16xf32> to vector<16xf32>
        %add3A_2211 = arith.addf %add3A_2139, %get3A_2210 : vector<16xf32>
        %mul3A_2212 = arith.constant 32 : i32
        %mul3A_2213 = arith.muli %add3A_154, %mul3A_2212 : i32
        %add3A_2214 = arith.constant 28 : i32
        %add3A_2215 = arith.addi %mul3A_2213, %add3A_2214 : i32
        %get3A_2216 = arith.index_cast %add3A_2215 : i32 to index
        %get3A_2217 = arith.constant 48 : index
        %get3A_2218 = tpu.vector_load %arg8[%get3A_2216, %get3A_2217] {strides = array<i32>} : memref<128x128xf32, #tpu.memory_space<vmem>>, vector<1x16xf32>,
        %get3A_2219 = vector.shape_cast %get3A_2218 : vector<1x16xf32> to vector<16xf32>
        %add3A_2220 = arith.addf %add3A_2148, %get3A_2219 : vector<16xf32>
        %mul3A_2221 = arith.constant 32 : i32
        %mul3A_2222 = arith.muli %add3A_154, %mul3A_2221 : i32
        %add3A_2223 = arith.constant 28 : i32
        %add3A_2224 = arith.addi %mul3A_2222, %add3A_2223 : i32
        %get3A_2225 = arith.index_cast %add3A_2224 : i32 to index
        %get3A_2226 = arith.constant 64 : index
        %get3A_2227 = tpu.vector_load %arg8[%get3A_2225, %get3A_2226] {strides = array<i32>} : memref<128x128xf32, #tpu.memory_space<vmem>>, vector<1x16xf32>,
        %get3A_2228 = vector.shape_cast %get3A_2227 : vector<1x16xf32> to vector<16xf32>
        %add3A_2229 = arith.addf %add3A_2157, %get3A_2228 : vector<16xf32>
        %mul3A_2230 = arith.constant 32 : i32
        %mul3A_2231 = arith.muli %add3A_154, %mul3A_2230 : i32
        %add3A_2232 = arith.constant 28 : i32
        %add3A_2233 = arith.addi %mul3A_2231, %add3A_2232 : i32
        %get3A_2234 = arith.index_cast %add3A_2233 : i32 to index
        %get3A_2235 = arith.constant 80 : index
        %get3A_2236 = tpu.vector_load %arg8[%get3A_2234, %get3A_2235] {strides = array<i32>} : memref<128x128xf32, #tpu.memory_space<vmem>>, vector<1x16xf32>,
        %get3A_2237 = vector.shape_cast %get3A_2236 : vector<1x16xf32> to vector<16xf32>
        %add3A_2238 = arith.addf %add3A_2166, %get3A_2237 : vector<16xf32>
        %mul3A_2239 = arith.constant 32 : i32
        %mul3A_2240 = arith.muli %add3A_154, %mul3A_2239 : i32
        %add3A_2241 = arith.constant 28 : i32
        %add3A_2242 = arith.addi %mul3A_2240, %add3A_2241 : i32
        %get3A_2243 = arith.index_cast %add3A_2242 : i32 to index
        %get3A_2244 = arith.constant 96 : index
        %get3A_2245 = tpu.vector_load %arg8[%get3A_2243, %get3A_2244] {strides = array<i32>} : memref<128x128xf32, #tpu.memory_space<vmem>>, vector<1x16xf32>,
        %get3A_2246 = vector.shape_cast %get3A_2245 : vector<1x16xf32> to vector<16xf32>
        %add3A_2247 = arith.addf %add3A_2175, %get3A_2246 : vector<16xf32>
        %mul3A_2248 = arith.constant 32 : i32
        %mul3A_2249 = arith.muli %add3A_154, %mul3A_2248 : i32
        %add3A_2250 = arith.constant 28 : i32
        %add3A_2251 = arith.addi %mul3A_2249, %add3A_2250 : i32
        %get3A_2252 = arith.index_cast %add3A_2251 : i32 to index
        %get3A_2253 = arith.constant 112 : index
        %get3A_2254 = tpu.vector_load %arg8[%get3A_2252, %get3A_2253] {strides = array<i32>} : memref<128x128xf32, #tpu.memory_space<vmem>>, vector<1x16xf32>,
        %get3A_2255 = vector.shape_cast %get3A_2254 : vector<1x16xf32> to vector<16xf32>
        %add3A_2256 = arith.addf %add3A_2184, %get3A_2255 : vector<16xf32>
        %mul3A_2257 = arith.constant 32 : i32
        %mul3A_2258 = arith.muli %add3A_154, %mul3A_2257 : i32
        %add3A_2259 = arith.constant 29 : i32
        %add3A_2260 = arith.addi %mul3A_2258, %add3A_2259 : i32
        %get3A_2261 = arith.index_cast %add3A_2260 : i32 to index
        %get3A_2262 = arith.constant 0 : index
        %get3A_2263 = tpu.vector_load %arg8[%get3A_2261, %get3A_2262] {strides = array<i32>} : memref<128x128xf32, #tpu.memory_space<vmem>>, vector<1x16xf32>,
        %get3A_2264 = vector.shape_cast %get3A_2263 : vector<1x16xf32> to vector<16xf32>
        %add3A_2265 = arith.addf %add3A_2193, %get3A_2264 : vector<16xf32>
        %mul3A_2266 = arith.constant 32 : i32
        %mul3A_2267 = arith.muli %add3A_154, %mul3A_2266 : i32
        %add3A_2268 = arith.constant 29 : i32
        %add3A_2269 = arith.addi %mul3A_2267, %add3A_2268 : i32
        %get3A_2270 = arith.index_cast %add3A_2269 : i32 to index
        %get3A_2271 = arith.constant 16 : index
        %get3A_2272 = tpu.vector_load %arg8[%get3A_2270, %get3A_2271] {strides = array<i32>} : memref<128x128xf32, #tpu.memory_space<vmem>>, vector<1x16xf32>,
        %get3A_2273 = vector.shape_cast %get3A_2272 : vector<1x16xf32> to vector<16xf32>
        %add3A_2274 = arith.addf %add3A_2202, %get3A_2273 : vector<16xf32>
        %mul3A_2275 = arith.constant 32 : i32
        %mul3A_2276 = arith.muli %add3A_154, %mul3A_2275 : i32
        %add3A_2277 = arith.constant 29 : i32
        %add3A_2278 = arith.addi %mul3A_2276, %add3A_2277 : i32
        %get3A_2279 = arith.index_cast %add3A_2278 : i32 to index
        %get3A_2280 = arith.constant 32 : index
        %get3A_2281 = tpu.vector_load %arg8[%get3A_2279, %get3A_2280] {strides = array<i32>} : memref<128x128xf32, #tpu.memory_space<vmem>>, vector<1x16xf32>,
        %get3A_2282 = vector.shape_cast %get3A_2281 : vector<1x16xf32> to vector<16xf32>
        %add3A_2283 = arith.addf %add3A_2211, %get3A_2282 : vector<16xf32>
        %mul3A_2284 = arith.constant 32 : i32
        %mul3A_2285 = arith.muli %add3A_154, %mul3A_2284 : i32
        %add3A_2286 = arith.constant 29 : i32
        %add3A_2287 = arith.addi %mul3A_2285, %add3A_2286 : i32
        %get3A_2288 = arith.index_cast %add3A_2287 : i32 to index
        %get3A_2289 = arith.constant 48 : index
        %get3A_2290 = tpu.vector_load %arg8[%get3A_2288, %get3A_2289] {strides = array<i32>} : memref<128x128xf32, #tpu.memory_space<vmem>>, vector<1x16xf32>,
        %get3A_2291 = vector.shape_cast %get3A_2290 : vector<1x16xf32> to vector<16xf32>
        %add3A_2292 = arith.addf %add3A_2220, %get3A_2291 : vector<16xf32>
        %mul3A_2293 = arith.constant 32 : i32
        %mul3A_2294 = arith.muli %add3A_154, %mul3A_2293 : i32
        %add3A_2295 = arith.constant 29 : i32
        %add3A_2296 = arith.addi %mul3A_2294, %add3A_2295 : i32
        %get3A_2297 = arith.index_cast %add3A_2296 : i32 to index
        %get3A_2298 = arith.constant 64 : index
        %get3A_2299 = tpu.vector_load %arg8[%get3A_2297, %get3A_2298] {strides = array<i32>} : memref<128x128xf32, #tpu.memory_space<vmem>>, vector<1x16xf32>,
        %get3A_2300 = vector.shape_cast %get3A_2299 : vector<1x16xf32> to vector<16xf32>
        %add3A_2301 = arith.addf %add3A_2229, %get3A_2300 : vector<16xf32>
        %mul3A_2302 = arith.constant 32 : i32
        %mul3A_2303 = arith.muli %add3A_154, %mul3A_2302 : i32
        %add3A_2304 = arith.constant 29 : i32
        %add3A_2305 = arith.addi %mul3A_2303, %add3A_2304 : i32
        %get3A_2306 = arith.index_cast %add3A_2305 : i32 to index
        %get3A_2307 = arith.constant 80 : index
        %get3A_2308 = tpu.vector_load %arg8[%get3A_2306, %get3A_2307] {strides = array<i32>} : memref<128x128xf32, #tpu.memory_space<vmem>>, vector<1x16xf32>,
        %get3A_2309 = vector.shape_cast %get3A_2308 : vector<1x16xf32> to vector<16xf32>
        %add3A_2310 = arith.addf %add3A_2238, %get3A_2309 : vector<16xf32>
        %mul3A_2311 = arith.constant 32 : i32
        %mul3A_2312 = arith.muli %add3A_154, %mul3A_2311 : i32
        %add3A_2313 = arith.constant 29 : i32
        %add3A_2314 = arith.addi %mul3A_2312, %add3A_2313 : i32
        %get3A_2315 = arith.index_cast %add3A_2314 : i32 to index
        %get3A_2316 = arith.constant 96 : index
        %get3A_2317 = tpu.vector_load %arg8[%get3A_2315, %get3A_2316] {strides = array<i32>} : memref<128x128xf32, #tpu.memory_space<vmem>>, vector<1x16xf32>,
        %get3A_2318 = vector.shape_cast %get3A_2317 : vector<1x16xf32> to vector<16xf32>
        %add3A_2319 = arith.addf %add3A_2247, %get3A_2318 : vector<16xf32>
        %mul3A_2320 = arith.constant 32 : i32
        %mul3A_2321 = arith.muli %add3A_154, %mul3A_2320 : i32
        %add3A_2322 = arith.constant 29 : i32
        %add3A_2323 = arith.addi %mul3A_2321, %add3A_2322 : i32
        %get3A_2324 = arith.index_cast %add3A_2323 : i32 to index
        %get3A_2325 = arith.constant 112 : index
        %get3A_2326 = tpu.vector_load %arg8[%get3A_2324, %get3A_2325] {strides = array<i32>} : memref<128x128xf32, #tpu.memory_space<vmem>>, vector<1x16xf32>,
        %get3A_2327 = vector.shape_cast %get3A_2326 : vector<1x16xf32> to vector<16xf32>
        %add3A_2328 = arith.addf %add3A_2256, %get3A_2327 : vector<16xf32>
        %mul3A_2329 = arith.constant 32 : i32
        %mul3A_2330 = arith.muli %add3A_154, %mul3A_2329 : i32
        %add3A_2331 = arith.constant 30 : i32
        %add3A_2332 = arith.addi %mul3A_2330, %add3A_2331 : i32
        %get3A_2333 = arith.index_cast %add3A_2332 : i32 to index
        %get3A_2334 = arith.constant 0 : index
        %get3A_2335 = tpu.vector_load %arg8[%get3A_2333, %get3A_2334] {strides = array<i32>} : memref<128x128xf32, #tpu.memory_space<vmem>>, vector<1x16xf32>,
        %get3A_2336 = vector.shape_cast %get3A_2335 : vector<1x16xf32> to vector<16xf32>
        %add3A_2337 = arith.addf %add3A_2265, %get3A_2336 : vector<16xf32>
        %mul3A_2338 = arith.constant 32 : i32
        %mul3A_2339 = arith.muli %add3A_154, %mul3A_2338 : i32
        %add3A_2340 = arith.constant 30 : i32
        %add3A_2341 = arith.addi %mul3A_2339, %add3A_2340 : i32
        %get3A_2342 = arith.index_cast %add3A_2341 : i32 to index
        %get3A_2343 = arith.constant 16 : index
        %get3A_2344 = tpu.vector_load %arg8[%get3A_2342, %get3A_2343] {strides = array<i32>} : memref<128x128xf32, #tpu.memory_space<vmem>>, vector<1x16xf32>,
        %get3A_2345 = vector.shape_cast %get3A_2344 : vector<1x16xf32> to vector<16xf32>
        %add3A_2346 = arith.addf %add3A_2274, %get3A_2345 : vector<16xf32>
        %mul3A_2347 = arith.constant 32 : i32
        %mul3A_2348 = arith.muli %add3A_154, %mul3A_2347 : i32
        %add3A_2349 = arith.constant 30 : i32
        %add3A_2350 = arith.addi %mul3A_2348, %add3A_2349 : i32
        %get3A_2351 = arith.index_cast %add3A_2350 : i32 to index
        %get3A_2352 = arith.constant 32 : index
        %get3A_2353 = tpu.vector_load %arg8[%get3A_2351, %get3A_2352] {strides = array<i32>} : memref<128x128xf32, #tpu.memory_space<vmem>>, vector<1x16xf32>,
        %get3A_2354 = vector.shape_cast %get3A_2353 : vector<1x16xf32> to vector<16xf32>
        %add3A_2355 = arith.addf %add3A_2283, %get3A_2354 : vector<16xf32>
        %mul3A_2356 = arith.constant 32 : i32
        %mul3A_2357 = arith.muli %add3A_154, %mul3A_2356 : i32
        %add3A_2358 = arith.constant 30 : i32
        %add3A_2359 = arith.addi %mul3A_2357, %add3A_2358 : i32
        %get3A_2360 = arith.index_cast %add3A_2359 : i32 to index
        %get3A_2361 = arith.constant 48 : index
        %get3A_2362 = tpu.vector_load %arg8[%get3A_2360, %get3A_2361] {strides = array<i32>} : memref<128x128xf32, #tpu.memory_space<vmem>>, vector<1x16xf32>,
        %get3A_2363 = vector.shape_cast %get3A_2362 : vector<1x16xf32> to vector<16xf32>
        %add3A_2364 = arith.addf %add3A_2292, %get3A_2363 : vector<16xf32>
        %mul3A_2365 = arith.constant 32 : i32
        %mul3A_2366 = arith.muli %add3A_154, %mul3A_2365 : i32
        %add3A_2367 = arith.constant 30 : i32
        %add3A_2368 = arith.addi %mul3A_2366, %add3A_2367 : i32
        %get3A_2369 = arith.index_cast %add3A_2368 : i32 to index
        %get3A_2370 = arith.constant 64 : index
        %get3A_2371 = tpu.vector_load %arg8[%get3A_2369, %get3A_2370] {strides = array<i32>} : memref<128x128xf32, #tpu.memory_space<vmem>>, vector<1x16xf32>,
        %get3A_2372 = vector.shape_cast %get3A_2371 : vector<1x16xf32> to vector<16xf32>
        %add3A_2373 = arith.addf %add3A_2301, %get3A_2372 : vector<16xf32>
        %mul3A_2374 = arith.constant 32 : i32
        %mul3A_2375 = arith.muli %add3A_154, %mul3A_2374 : i32
        %add3A_2376 = arith.constant 30 : i32
        %add3A_2377 = arith.addi %mul3A_2375, %add3A_2376 : i32
        %get3A_2378 = arith.index_cast %add3A_2377 : i32 to index
        %get3A_2379 = arith.constant 80 : index
        %get3A_2380 = tpu.vector_load %arg8[%get3A_2378, %get3A_2379] {strides = array<i32>} : memref<128x128xf32, #tpu.memory_space<vmem>>, vector<1x16xf32>,
        %get3A_2381 = vector.shape_cast %get3A_2380 : vector<1x16xf32> to vector<16xf32>
        %add3A_2382 = arith.addf %add3A_2310, %get3A_2381 : vector<16xf32>
        %mul3A_2383 = arith.constant 32 : i32
        %mul3A_2384 = arith.muli %add3A_154, %mul3A_2383 : i32
        %add3A_2385 = arith.constant 30 : i32
        %add3A_2386 = arith.addi %mul3A_2384, %add3A_2385 : i32
        %get3A_2387 = arith.index_cast %add3A_2386 : i32 to index
        %get3A_2388 = arith.constant 96 : index
        %get3A_2389 = tpu.vector_load %arg8[%get3A_2387, %get3A_2388] {strides = array<i32>} : memref<128x128xf32, #tpu.memory_space<vmem>>, vector<1x16xf32>,
        %get3A_2390 = vector.shape_cast %get3A_2389 : vector<1x16xf32> to vector<16xf32>
        %add3A_2391 = arith.addf %add3A_2319, %get3A_2390 : vector<16xf32>
        %mul3A_2392 = arith.constant 32 : i32
        %mul3A_2393 = arith.muli %add3A_154, %mul3A_2392 : i32
        %add3A_2394 = arith.constant 30 : i32
        %add3A_2395 = arith.addi %mul3A_2393, %add3A_2394 : i32
        %get3A_2396 = arith.index_cast %add3A_2395 : i32 to index
        %get3A_2397 = arith.constant 112 : index
        %get3A_2398 = tpu.vector_load %arg8[%get3A_2396, %get3A_2397] {strides = array<i32>} : memref<128x128xf32, #tpu.memory_space<vmem>>, vector<1x16xf32>,
        %get3A_2399 = vector.shape_cast %get3A_2398 : vector<1x16xf32> to vector<16xf32>
        %add3A_2400 = arith.addf %add3A_2328, %get3A_2399 : vector<16xf32>
        %mul3A_2401 = arith.constant 32 : i32
        %mul3A_2402 = arith.muli %add3A_154, %mul3A_2401 : i32
        %add3A_2403 = arith.constant 31 : i32
        %add3A_2404 = arith.addi %mul3A_2402, %add3A_2403 : i32
        %get3A_2405 = arith.index_cast %add3A_2404 : i32 to index
        %get3A_2406 = arith.constant 0 : index
        %get3A_2407 = tpu.vector_load %arg8[%get3A_2405, %get3A_2406] {strides = array<i32>} : memref<128x128xf32, #tpu.memory_space<vmem>>, vector<1x16xf32>,
        %get3A_2408 = vector.shape_cast %get3A_2407 : vector<1x16xf32> to vector<16xf32>
        %add3A_2409 = arith.addf %add3A_2337, %get3A_2408 : vector<16xf32>
        %mul3A_2410 = arith.constant 32 : i32
        %mul3A_2411 = arith.muli %add3A_154, %mul3A_2410 : i32
        %add3A_2412 = arith.constant 31 : i32
        %add3A_2413 = arith.addi %mul3A_2411, %add3A_2412 : i32
        %get3A_2414 = arith.index_cast %add3A_2413 : i32 to index
        %get3A_2415 = arith.constant 16 : index
        %get3A_2416 = tpu.vector_load %arg8[%get3A_2414, %get3A_2415] {strides = array<i32>} : memref<128x128xf32, #tpu.memory_space<vmem>>, vector<1x16xf32>,
        %get3A_2417 = vector.shape_cast %get3A_2416 : vector<1x16xf32> to vector<16xf32>
        %add3A_2418 = arith.addf %add3A_2346, %get3A_2417 : vector<16xf32>
        %mul3A_2419 = arith.constant 32 : i32
        %mul3A_2420 = arith.muli %add3A_154, %mul3A_2419 : i32
        %add3A_2421 = arith.constant 31 : i32
        %add3A_2422 = arith.addi %mul3A_2420, %add3A_2421 : i32
        %get3A_2423 = arith.index_cast %add3A_2422 : i32 to index
        %get3A_2424 = arith.constant 32 : index
        %get3A_2425 = tpu.vector_load %arg8[%get3A_2423, %get3A_2424] {strides = array<i32>} : memref<128x128xf32, #tpu.memory_space<vmem>>, vector<1x16xf32>,
        %get3A_2426 = vector.shape_cast %get3A_2425 : vector<1x16xf32> to vector<16xf32>
        %add3A_2427 = arith.addf %add3A_2355, %get3A_2426 : vector<16xf32>
        %mul3A_2428 = arith.constant 32 : i32
        %mul3A_2429 = arith.muli %add3A_154, %mul3A_2428 : i32
        %add3A_2430 = arith.constant 31 : i32
        %add3A_2431 = arith.addi %mul3A_2429, %add3A_2430 : i32
        %get3A_2432 = arith.index_cast %add3A_2431 : i32 to index
        %get3A_2433 = arith.constant 48 : index
        %get3A_2434 = tpu.vector_load %arg8[%get3A_2432, %get3A_2433] {strides = array<i32>} : memref<128x128xf32, #tpu.memory_space<vmem>>, vector<1x16xf32>,
        %get3A_2435 = vector.shape_cast %get3A_2434 : vector<1x16xf32> to vector<16xf32>
        %add3A_2436 = arith.addf %add3A_2364, %get3A_2435 : vector<16xf32>
        %mul3A_2437 = arith.constant 32 : i32
        %mul3A_2438 = arith.muli %add3A_154, %mul3A_2437 : i32
        %add3A_2439 = arith.constant 31 : i32
        %add3A_2440 = arith.addi %mul3A_2438, %add3A_2439 : i32
        %get3A_2441 = arith.index_cast %add3A_2440 : i32 to index
        %get3A_2442 = arith.constant 64 : index
        %get3A_2443 = tpu.vector_load %arg8[%get3A_2441, %get3A_2442] {strides = array<i32>} : memref<128x128xf32, #tpu.memory_space<vmem>>, vector<1x16xf32>,
        %get3A_2444 = vector.shape_cast %get3A_2443 : vector<1x16xf32> to vector<16xf32>
        %add3A_2445 = arith.addf %add3A_2373, %get3A_2444 : vector<16xf32>
        %mul3A_2446 = arith.constant 32 : i32
        %mul3A_2447 = arith.muli %add3A_154, %mul3A_2446 : i32
        %add3A_2448 = arith.constant 31 : i32
        %add3A_2449 = arith.addi %mul3A_2447, %add3A_2448 : i32
        %get3A_2450 = arith.index_cast %add3A_2449 : i32 to index
        %get3A_2451 = arith.constant 80 : index
        %get3A_2452 = tpu.vector_load %arg8[%get3A_2450, %get3A_2451] {strides = array<i32>} : memref<128x128xf32, #tpu.memory_space<vmem>>, vector<1x16xf32>,
        %get3A_2453 = vector.shape_cast %get3A_2452 : vector<1x16xf32> to vector<16xf32>
        %add3A_2454 = arith.addf %add3A_2382, %get3A_2453 : vector<16xf32>
        %mul3A_2455 = arith.constant 32 : i32
        %mul3A_2456 = arith.muli %add3A_154, %mul3A_2455 : i32
        %add3A_2457 = arith.constant 31 : i32
        %add3A_2458 = arith.addi %mul3A_2456, %add3A_2457 : i32
        %get3A_2459 = arith.index_cast %add3A_2458 : i32 to index
        %get3A_2460 = arith.constant 96 : index
        %get3A_2461 = tpu.vector_load %arg8[%get3A_2459, %get3A_2460] {strides = array<i32>} : memref<128x128xf32, #tpu.memory_space<vmem>>, vector<1x16xf32>,
        %get3A_2462 = vector.shape_cast %get3A_2461 : vector<1x16xf32> to vector<16xf32>
        %add3A_2463 = arith.addf %add3A_2391, %get3A_2462 : vector<16xf32>
        %mul3A_2464 = arith.constant 32 : i32
        %mul3A_2465 = arith.muli %add3A_154, %mul3A_2464 : i32
        %add3A_2466 = arith.constant 31 : i32
        %add3A_2467 = arith.addi %mul3A_2465, %add3A_2466 : i32
        %get3A_2468 = arith.index_cast %add3A_2467 : i32 to index
        %get3A_2469 = arith.constant 112 : index
        %get3A_2470 = tpu.vector_load %arg8[%get3A_2468, %get3A_2469] {strides = array<i32>} : memref<128x128xf32, #tpu.memory_space<vmem>>, vector<1x16xf32>,
        %get3A_2471 = vector.shape_cast %get3A_2470 : vector<1x16xf32> to vector<16xf32>
        %add3A_2472 = arith.addf %add3A_2400, %get3A_2471 : vector<16xf32>
        %mul3A_2473 = arith.constant 3.125000e-02 : f32
        %mul3A_2474 = vector.broadcast %mul3A_2473 : f32 to vector<16xf32>
        %mul3A_2475 = arith.mulf %add3A_2409, %mul3A_2474 : vector<16xf32>
        %swap3A = arith.index_cast %add3A_154 : i32 to index
        %swap3A_2476 = arith.constant 0 : index
        %swap3A_2477 = tpu.vector_load %arg10[%swap3A, %swap3A_2476] {strides = array<i32>} : memref<4x128xf32, #tpu.memory_space<vmem>>, vector<1x16xf32>,
        %swap3A_2478 = vector.shape_cast %swap3A_2477 : vector<1x16xf32> to vector<16xf32>
        %swap3A_2479 = vector.shape_cast %mul3A_2475 : vector<16xf32> to vector<1x16xf32>
        tpu.vector_store %arg10[%swap3A, %swap3A_2476], %swap3A_2479 {strides = array<i32>} : memref<4x128xf32, #tpu.memory_space<vmem>>, vector<1x16xf32>,
        %mul3A_2480 = arith.constant 3.125000e-02 : f32
        %mul3A_2481 = vector.broadcast %mul3A_2480 : f32 to vector<16xf32>
        %mul3A_2482 = arith.mulf %add3A_2418, %mul3A_2481 : vector<16xf32>
        %swap3A_2483 = arith.index_cast %add3A_154 : i32 to index
        %swap3A_2484 = arith.constant 16 : index
        %swap3A_2485 = tpu.vector_load %arg10[%swap3A_2483, %swap3A_2484] {strides = array<i32>} : memref<4x128xf32, #tpu.memory_space<vmem>>, vector<1x16xf32>,
        %swap3A_2486 = vector.shape_cast %swap3A_2485 : vector<1x16xf32> to vector<16xf32>
        %swap3A_2487 = vector.shape_cast %mul3A_2482 : vector<16xf32> to vector<1x16xf32>
        tpu.vector_store %arg10[%swap3A_2483, %swap3A_2484], %swap3A_2487 {strides = array<i32>} : memref<4x128xf32, #tpu.memory_space<vmem>>, vector<1x16xf32>,
        %mul3A_2488 = arith.constant 3.125000e-02 : f32
        %mul3A_2489 = vector.broadcast %mul3A_2488 : f32 to vector<16xf32>
        %mul3A_2490 = arith.mulf %add3A_2427, %mul3A_2489 : vector<16xf32>
        %swap3A_2491 = arith.index_cast %add3A_154 : i32 to index
        %swap3A_2492 = arith.constant 32 : index
        %swap3A_2493 = tpu.vector_load %arg10[%swap3A_2491, %swap3A_2492] {strides = array<i32>} : memref<4x128xf32, #tpu.memory_space<vmem>>, vector<1x16xf32>,
        %swap3A_2494 = vector.shape_cast %swap3A_2493 : vector<1x16xf32> to vector<16xf32>
        %swap3A_2495 = vector.shape_cast %mul3A_2490 : vector<16xf32> to vector<1x16xf32>
        tpu.vector_store %arg10[%swap3A_2491, %swap3A_2492], %swap3A_2495 {strides = array<i32>} : memref<4x128xf32, #tpu.memory_space<vmem>>, vector<1x16xf32>,
        %mul3A_2496 = arith.constant 3.125000e-02 : f32
        %mul3A_2497 = vector.broadcast %mul3A_2496 : f32 to vector<16xf32>
        %mul3A_2498 = arith.mulf %add3A_2436, %mul3A_2497 : vector<16xf32>
        %swap3A_2499 = arith.index_cast %add3A_154 : i32 to index
        %swap3A_2500 = arith.constant 48 : index
        %swap3A_2501 = tpu.vector_load %arg10[%swap3A_2499, %swap3A_2500] {strides = array<i32>} : memref<4x128xf32, #tpu.memory_space<vmem>>, vector<1x16xf32>,
        %swap3A_2502 = vector.shape_cast %swap3A_2501 : vector<1x16xf32> to vector<16xf32>
        %swap3A_2503 = vector.shape_cast %mul3A_2498 : vector<16xf32> to vector<1x16xf32>
        tpu.vector_store %arg10[%swap3A_2499, %swap3A_2500], %swap3A_2503 {strides = array<i32>} : memref<4x128xf32, #tpu.memory_space<vmem>>, vector<1x16xf32>,
        %mul3A_2504 = arith.constant 3.125000e-02 : f32
        %mul3A_2505 = vector.broadcast %mul3A_2504 : f32 to vector<16xf32>
        %mul3A_2506 = arith.mulf %add3A_2445, %mul3A_2505 : vector<16xf32>
        %swap3A_2507 = arith.index_cast %add3A_154 : i32 to index
        %swap3A_2508 = arith.constant 64 : index
        %swap3A_2509 = tpu.vector_load %arg10[%swap3A_2507, %swap3A_2508] {strides = array<i32>} : memref<4x128xf32, #tpu.memory_space<vmem>>, vector<1x16xf32>,
        %swap3A_2510 = vector.shape_cast %swap3A_2509 : vector<1x16xf32> to vector<16xf32>
        %swap3A_2511 = vector.shape_cast %mul3A_2506 : vector<16xf32> to vector<1x16xf32>
        tpu.vector_store %arg10[%swap3A_2507, %swap3A_2508], %swap3A_2511 {strides = array<i32>} : memref<4x128xf32, #tpu.memory_space<vmem>>, vector<1x16xf32>,
        %mul3A_2512 = arith.constant 3.125000e-02 : f32
        %mul3A_2513 = vector.broadcast %mul3A_2512 : f32 to vector<16xf32>
        %mul3A_2514 = arith.mulf %add3A_2454, %mul3A_2513 : vector<16xf32>
        %swap3A_2515 = arith.index_cast %add3A_154 : i32 to index
        %swap3A_2516 = arith.constant 80 : index
        %swap3A_2517 = tpu.vector_load %arg10[%swap3A_2515, %swap3A_2516] {strides = array<i32>} : memref<4x128xf32, #tpu.memory_space<vmem>>, vector<1x16xf32>,
        %swap3A_2518 = vector.shape_cast %swap3A_2517 : vector<1x16xf32> to vector<16xf32>
        %swap3A_2519 = vector.shape_cast %mul3A_2514 : vector<16xf32> to vector<1x16xf32>
        tpu.vector_store %arg10[%swap3A_2515, %swap3A_2516], %swap3A_2519 {strides = array<i32>} : memref<4x128xf32, #tpu.memory_space<vmem>>, vector<1x16xf32>,
        %mul3A_2520 = arith.constant 3.125000e-02 : f32
        %mul3A_2521 = vector.broadcast %mul3A_2520 : f32 to vector<16xf32>
        %mul3A_2522 = arith.mulf %add3A_2463, %mul3A_2521 : vector<16xf32>
        %swap3A_2523 = arith.index_cast %add3A_154 : i32 to index
        %swap3A_2524 = arith.constant 96 : index
        %swap3A_2525 = tpu.vector_load %arg10[%swap3A_2523, %swap3A_2524] {strides = array<i32>} : memref<4x128xf32, #tpu.memory_space<vmem>>, vector<1x16xf32>,
        %swap3A_2526 = vector.shape_cast %swap3A_2525 : vector<1x16xf32> to vector<16xf32>
        %swap3A_2527 = vector.shape_cast %mul3A_2522 : vector<16xf32> to vector<1x16xf32>
        tpu.vector_store %arg10[%swap3A_2523, %swap3A_2524], %swap3A_2527 {strides = array<i32>} : memref<4x128xf32, #tpu.memory_space<vmem>>, vector<1x16xf32>,
        %mul3A_2528 = arith.constant 3.125000e-02 : f32
        %mul3A_2529 = vector.broadcast %mul3A_2528 : f32 to vector<16xf32>
        %mul3A_2530 = arith.mulf %add3A_2472, %mul3A_2529 : vector<16xf32>
        %swap3A_2531 = arith.index_cast %add3A_154 : i32 to index
        %swap3A_2532 = arith.constant 112 : index
        %swap3A_2533 = tpu.vector_load %arg10[%swap3A_2531, %swap3A_2532] {strides = array<i32>} : memref<4x128xf32, #tpu.memory_space<vmem>>, vector<1x16xf32>,
        %swap3A_2534 = vector.shape_cast %swap3A_2533 : vector<1x16xf32> to vector<16xf32>
        %swap3A_2535 = vector.shape_cast %mul3A_2530 : vector<16xf32> to vector<1x16xf32>
        tpu.vector_store %arg10[%swap3A_2531, %swap3A_2532], %swap3A_2535 {strides = array<i32>} : memref<4x128xf32, #tpu.memory_space<vmem>>, vector<1x16xf32>,
      }
      %scan3A_138 = arith.constant 4 : i32
      %add3A_139 = arith.constant 2 : i32
      %add3A_140 = arith.addi %add3A_117, %add3A_139 : i32
      %lt3A_141 = arith.constant 80 : i32
      %lt3A_142 = arith.cmpi slt, %add3A_140, %lt3A_141 : i32
      %convert_element_type3A_143 = arith.extui %lt3A_142 : i1 to i32
      %cond3A_144 = arith.constant 0 : i32
      %cond3A_145 = arith.cmpi ne, %convert_element_type3A_143, %cond3A_144 : i32
      scf.if %cond3A_145 {
        %add3A_150 = arith.constant 2 : i32
        %add3A_151 = arith.addi %add3A_117, %add3A_150 : i32
        %mul3A_152 = arith.constant 128 : i32
        %mul3A_153 = arith.muli %add3A_151, %mul3A_152 : i32
        %add3A_154 = arith.addi %sub3A_28, %mul3A_153 : i32
        %min3A_155 = arith.constant 10112 : i32
        %min3A_156 = arith.minsi %add3A_154, %min3A_155 : i32
        %dma_start3A_157 = tpu.memref_slice %arg6[%min3A_156] : memref<10240xi32, #tpu.memory_space<vmem>> -> memref<128xi32, #tpu.memory_space<vmem>>
        %dma_start3A_158 = arith.constant 0 : i32
        %dma_start3A_159 = arith.constant 0 : i32
        %dma_start3A_160 = tpu.memref_slice %arg5[%dma_start3A_158, %dma_start3A_159] : memref<10000x128xf32, #tpu.memory_space<vmem_shared>> -> memref<10000x128xf32, #tpu.memory_space<vmem_shared>>
        tpu.enqueue_indirect_dma source(%dma_start3A_160 : memref<10000x128xf32, #tpu.memory_space<vmem_shared>>) target(%arg8 : memref<128x128xf32, #tpu.memory_space<vmem>>) offsets(%dma_start3A_157 : memref<128xi32, #tpu.memory_space<vmem>>) semaphore(%arg12 : memref<!tpu.dma_semaphore, #tpu.memory_space<semaphore_mem>>)
      } else {
      }
      %lt3A_146 = arith.cmpi slt, %add3A_117, %min3A_21 : i32
      %convert_element_type3A_147 = arith.extui %lt3A_146 : i1 to i32
      %cond3A_148 = arith.constant 0 : i32
      %cond3A_149 = arith.cmpi ne, %convert_element_type3A_147, %cond3A_148 : i32
      scf.if %cond3A_149 {
        %mul3A_150 = arith.constant 4 : i32
        %mul3A_151 = arith.muli %add3A_117, %mul3A_150 : i32
        %add3A_152 = arith.addi %mul3A_2, %mul3A_151 : i32
        %min3A_153 = arith.constant 9996 : i32
        %min3A_154 = arith.minsi %add3A_152, %min3A_153 : i32
        %dma_start3A_155 = arith.constant 0 : i32
        %dma_start3A_156 = tpu.memref_slice %arg4[%min3A_154, %dma_start3A_155] : memref<10000x128xf32, #tpu.memory_space<hbm>> -> memref<4x128xf32, #tpu.memory_space<hbm>>
        %dma_start3A_157 = arith.constant 0 : i32
        %dma_start3A_158 = tpu.memref_slice %arg4[%min3A_154, %dma_start3A_157] : memref<10000x128xf32, #tpu.memory_space<hbm>> -> memref<4x128xf32, #tpu.memory_space<hbm>>
        tpu.enqueue_dma source(%arg10 : memref<4x128xf32, #tpu.memory_space<vmem>>) target(%dma_start3A_158 : memref<4x128xf32, #tpu.memory_space<hbm>>) target_semaphore(%arg14 : memref<!tpu.dma_semaphore, #tpu.memory_space<semaphore_mem>>)
      } else {
      }
    }
    %scan3A_53 = arith.constant 40 : i32
    %sub3A_54 = arith.constant 2 : i32
    %sub3A_55 = arith.subi %min3A_21, %sub3A_54 : i32
    %add3A_56 = arith.constant 0 : i32
    %add3A_57 = arith.addi %sub3A_55, %add3A_56 : i32
    %mul3A_58 = arith.constant 4 : i32
    %mul3A_59 = arith.muli %add3A_57, %mul3A_58 : i32
    %add3A_60 = arith.addi %mul3A_2, %mul3A_59 : i32
    %min3A_61 = arith.constant 9996 : i32
    %min3A_62 = arith.minsi %add3A_60, %min3A_61 : i32
    %dma_wait3A = arith.constant 0 : i32
    %dma_wait3A_63 = tpu.memref_slice %arg4[%min3A_62, %dma_wait3A] : memref<10000x128xf32, #tpu.memory_space<hbm>> -> memref<4x128xf32, #tpu.memory_space<hbm>>
    %dma_wait3A_64 = arith.constant 0 : i32
    %dma_wait3A_65 = tpu.memref_slice %arg4[%min3A_62, %dma_wait3A_64] : memref<10000x128xf32, #tpu.memory_space<hbm>> -> memref<4x128xf32, #tpu.memory_space<hbm>>
    tpu.wait_dma2 semaphore(%arg13 : memref<!tpu.dma_semaphore, #tpu.memory_space<semaphore_mem>>) src(%arg9 : memref<4x128xf32, #tpu.memory_space<vmem>>) dst(%dma_wait3A_65 : memref<4x128xf32, #tpu.memory_space<hbm>>)
    %sub3A_66 = arith.constant 2 : i32
    %sub3A_67 = arith.subi %min3A_21, %sub3A_66 : i32
    %add3A_68 = arith.constant 1 : i32
    %add3A_69 = arith.addi %sub3A_67, %add3A_68 : i32
    %mul3A_70 = arith.constant 4 : i32
    %mul3A_71 = arith.muli %add3A_69, %mul3A_70 : i32
    %add3A_72 = arith.addi %mul3A_2, %mul3A_71 : i32
    %min3A_73 = arith.constant 9996 : i32
    %min3A_74 = arith.minsi %add3A_72, %min3A_73 : i32
    %dma_wait3A_75 = arith.constant 0 : i32
    %dma_wait3A_76 = tpu.memref_slice %arg4[%min3A_74, %dma_wait3A_75] : memref<10000x128xf32, #tpu.memory_space<hbm>> -> memref<4x128xf32, #tpu.memory_space<hbm>>
    %dma_wait3A_77 = arith.constant 0 : i32
    %dma_wait3A_78 = tpu.memref_slice %arg4[%min3A_74, %dma_wait3A_77] : memref<10000x128xf32, #tpu.memory_space<hbm>> -> memref<4x128xf32, #tpu.memory_space<hbm>>
    tpu.wait_dma2 semaphore(%arg14 : memref<!tpu.dma_semaphore, #tpu.memory_space<semaphore_mem>>) src(%arg10 : memref<4x128xf32, #tpu.memory_space<vmem>>) dst(%dma_wait3A_78 : memref<4x128xf32, #tpu.memory_space<hbm>>)
    return
  }
}

</mosaic_0001>

<sc_bundles>
// kernel: _sc_gather_mean.3.cloned.1.call-start
scs
__scs_entry_jumppad:
0x0: {  	(pc) =	sbr.rel $0x88, $3  }
0x1: {  	(tag) =	ssettag $0x0;
	lr =	simm.s32 $0x1  }
0x2: {  	[smem:$0x3F9F] =	sst lr;
	_ =	strace $0xD0000000  }
0x3: {  	_ = 	snop  }
0x4: {  	_ = 	snop  }
0x5: {  	_ = 	snop  }
0x6: {  	_ = 	snop  }
0x7: {  	_ = 	snop  }
__scs_overlays_trampoline_lowered:
0x8: {  	[smem:$0x3FAE] =	sst s0  }
0x9: {  	[smem:$0x3FAF] =	sst s1  }
0xa: {  	[smem:$0x3FB0] =	sst s2  }
0xb: {  	[smem:$0x3FB1] =	sst s3  }
0xc: {  	[smem:$0x3FB2] =	sst s4  }
0xd: {  	[smem:$0x3FB3] =	sst s5  }
0xe: {  	[smem:$0x3FB4] =	sst s6  }
0xf: {  	[smem:$0x3FB5] =	sst s7  }
0x10: {  	[smem:$0x3FB6] =	sst s8  }
0x11: {  	[smem:$0x3FB7] =	sst s9;
	s0 =	simm.s32 @!p0 $0x0  }
0x12: {  	s1 =	sld [smem:$0x3F9D];
	s0 =	simm.s32 @p0 $0x1  }
0x13: {  	[smem:$0x3FB8] =	sst s0;
	s0 =	simm.s32 @!p1 $0x0  }
0x14: {  	s2 =	sld [smem:$0x3F9C];
	s0 =	simm.s32 @p1 $0x1  }
0x15: {  	[smem:$0x3FB9] =	sst s0;
	s0 =	simm.s32 @!p2 $0x0  }
0x16: {  	s3 =	sld [smem:$0x3FDB];
	s0 =	simm.s32 @p2 $0x1  }
0x17: {  	s4 =	simm.s32 $0x1BF5;
	[smem:$0x3FBB] =	sst s0  }
0x18: {  	s0 =	sld [smem:$0x3F9E];
	_ =	swait.ge [sflag:s4], $0x0  }
0x19: {  	s7 =	sld [smem:$0x3F9F]  }
0x1a: {  	s8 =	sadd.s32 $0xFFFFE003, lr  }
0x1b: {  	s9 =	sadd.s32 $0xFFFFFEF7, lr;
	s5 =	simm.s32 $0xFFFFFFFF;
	p2 =	slt.u32 s8, $0xFFFFF086  }
0x1c: {  	p1 =	slt.u32 s9, $0xF7A;
	s5 =	simm.s32 @!p2 $0x0  }
0x1d: {  	s5 =	simm.s32 @p1 $0x1;
	p0 =	seq.s32 s7, s2  }
0x1e: {  	s7 =	smul.u32 @!p0 $0xF7A, s2;
	p2 =	seq.s32 @!p0 s5, $0x0  }
0x1f: {  	s9 =	smul.u32 $0xF7A, s1;
	s8 =	simm.s32 @!p0 $0x1BF5;
	p2 =	por !p2, p0  }
0x20: {  	[sflag:s8] =	ssyncset.s32 @!p0 $0xFFFFF086;
	s6 =	sadd.s32 @!p0 s3, s7;
	s7 =	simm.s32 @!p0 $0x108  }
0x21: {  	s3 =	sadd.s32 s3, s9;
	s6 =	sadd.s32 @!p0 $0x88, s6;
	s7 =	simm.s32 @p2 $0x1082  }
0x22: {  	[simem:s7], [sflag:s8] =	dma.local @!p0 [hbm:s6], $0xF7A  }
0x23: {  	s9 =	sor.u32 $0xD0000000, s2;
	s6 =	simm.s32 $0x108;
	_ =	swait.ge @!p0 [sflag:s8], $0x0  }
0x24: {  	s3 =	sadd.s32 $0x88, s3;
	s6 =	simm.s32 @!p1 $0x1082;
	[sflag:s4] =	ssyncset.s32 $0xFFFFF086  }
0x25: {  	[simem:s6], [sflag:s4] =	dma.local [hbm:s3], $0xF7A  }
0x26: {  	[smem:$0x3F9F] =	sst s1;
	(tag) =	ssettag s2;
	_ =	strace s9  }
0x27: {  	s1 =	sld [smem:$0x3FAF]  }
0x28: {  	s2 =	sld [smem:$0x3FB0]  }
0x29: {  	s4 =	sld [smem:$0x3FB2]  }
0x2a: {  	p0 =	seq.s32 s5, $0x0;
	s5 =	sld [smem:$0x3FB3]  }
0x2b: {  	s6 =	sld [smem:$0x3FB4]  }
0x2c: {  	s7 =	sld [smem:$0x3FB5]  }
0x2d: {  	s3 =	simm.s32 $0x108;
	s8 =	sld [smem:$0x3FB6]  }
0x2e: {  	s3 =	simm.s32 @!p0 $0x1082;
	s9 =	sld [smem:$0x3FB7]  }
0x2f: {  	lr =	sadd.s32 s0, s3;
	s0 =	sld [smem:$0x3FAE]  }
0x30: {  	s3 =	sld [smem:$0x3FB1]  }
0x31: {  	[smem:$0x3FBA] =	sst s10  }
0x32: {  	s10 =	sld [smem:$0x3FB8];
	_ =	sdelay $0x3  }
0x33: {  	p0 =	seq.s32 s10, $0x1;
	s10 =	sld [smem:$0x3FBA];
	_ =	sdelay $0x3  }
0x34: {  	[smem:$0x3FBA] =	sst s10  }
0x35: {  	s10 =	sld [smem:$0x3FB9];
	_ =	sdelay $0x3  }
0x36: {  	p1 =	seq.s32 s10, $0x1;
	s10 =	sld [smem:$0x3FBA];
	_ =	sdelay $0x3  }
0x37: {  	[smem:$0x3FBA] =	sst s10  }
0x38: {  	s10 =	sld [smem:$0x3FBB]  }
0x39: {  	_ = 	snop;
	(pc) =	sbr.ind lr, $3  }
0x3a: {  	_ = 	snop  }
0x3b: {  	_ = 	snop  }
0x3c: {  	p2 =	seq.s32 s10, $0x1;
	s10 =	sld [smem:$0x3FBA]  }
0x3d: {  	_ =	shalt  }
0x3e: {  	_ =	shalt  }
0x3f: {  	_ =	shalt  }
0x40: {  	_ =	shalt  }
0x41: {  	_ =	shalt  }
0x42: {  	_ =	shalt  }
0x43: {  	_ =	shalt  }
0x44: {  	_ =	shalt  }
0x45: {  	_ =	shalt  }
0x46: {  	_ =	shalt  }
0x47: {  	_ =	shalt  }
0x48: {  	_ =	shalt  }
0x49: {  	_ =	shalt  }
0x4a: {  	_ =	shalt  }
0x4b: {  	_ =	shalt  }
0x4c: {  	_ =	shalt  }
0x4d: {  	_ =	shalt  }
0x4e: {  	_ =	shalt  }
0x4f: {  	_ =	shalt  }
0x50: {  	_ =	shalt  }
0x51: {  	_ =	shalt  }
0x52: {  	_ =	shalt  }
0x53: {  	_ =	shalt  }
0x54: {  	_ =	shalt  }
0x55: {  	_ =	shalt  }
0x56: {  	_ =	shalt  }
0x57: {  	_ =	shalt  }
0x58: {  	_ =	shalt  }
0x59: {  	_ =	shalt  }
0x5a: {  	_ =	shalt  }
0x5b: {  	_ =	shalt  }
0x5c: {  	_ =	shalt  }
0x5d: {  	_ =	shalt  }
0x5e: {  	_ =	shalt  }
0x5f: {  	_ =	shalt  }
0x60: {  	_ =	shalt  }
0x61: {  	_ =	shalt  }
0x62: {  	_ =	shalt  }
0x63: {  	_ =	shalt  }
0x64: {  	_ =	shalt  }
0x65: {  	_ =	shalt  }
0x66: {  	_ =	shalt  }
0x67: {  	_ =	shalt  }
0x68: {  	_ =	shalt  }
0x69: {  	_ =	shalt  }
0x6a: {  	_ =	shalt  }
0x6b: {  	_ =	shalt  }
0x6c: {  	_ =	shalt  }
0x6d: {  	_ =	shalt  }
0x6e: {  	_ =	shalt  }
0x6f: {  	_ =	shalt  }
0x70: {  	_ =	shalt  }
0x71: {  	_ =	shalt  }
0x72: {  	_ =	shalt  }
0x73: {  	_ =	shalt  }
0x74: {  	_ =	shalt  }
0x75: {  	_ =	shalt  }
0x76: {  	_ =	shalt  }
0x77: {  	_ =	shalt  }
0x78: {  	_ =	shalt  }
0x79: {  	_ =	shalt  }
0x7a: {  	_ =	shalt  }
0x7b: {  	_ =	shalt  }
0x7c: {  	_ =	shalt  }
0x7d: {  	_ =	shalt  }
0x7e: {  	_ =	shalt  }
0x7f: {  	_ =	shalt  }
0x80: {  	_ =	shalt  }
0x81: {  	_ =	shalt  }
0x82: {  	_ =	shalt  }
0x83: {  	_ =	shalt  }
0x84: {  	_ =	shalt  }
0x85: {  	_ =	shalt  }
0x86: {  	_ =	shalt  }
0x87: {  	_ =	shalt  }
.Lfunc_end0:
.L_simem_size_0:
called_computation_lowered:
.L_overlay_start_0:
0x88: {  	s2 =	sld [smem:$0x3FD9]  }
0x89: {  	s3 =	sld [smem:$0x3FFE];
	_ =	sdelay $0x1  }
0x8a: {  	s1 =	srdreg.scid  }
0x8b: {  	s0 =	sand.u32 $0x1, s1  }
0x8c: {  	s18 =	sshll.u32 s0, $0xA;
	s2 =	sadd.s32 s3, s2  }
0x8d: {  	s2 =	sadd.s32 s2, s18  }
0x8e: {  	[smem:$0x3FC6] =	sst s2  }
0x8f: {  	_ = 	snop  }
0x90: {  	s2 =	sld [smem:$0x3FC9]  }
0x91: {  	s19 =	sld [smem:$0x3FC8]  }
0x92: {  	s4 =	sld [smem:$0x3FD0];
	(tm) =	ssettm $0x1  }
0x93: {  	s5 =	sld [smem:$0x3FFB];
	_ =	sdelay $0x3  }
0x94: {  	_ =	strace s5  }
0x95: {  	s5 =	sld [smem:$0x3FFC];
	_ =	sdelay $0x3  }
0x96: {  	_ =	strace s5  }
0x97: {  	s5 =	sld [smem:$0x3FFD];
	_ =	sdelay $0x3  }
0x98: {  	_ =	strace s5  }
0x99: {  	_ =	strace $0x8FFFFFFF  }
0x9a: {  	s20 =	sld [smem:$0x3FDB];
	_ =	sdelay $0x1  }
0x9b: {  	s6 =	simm.s32 $_scs_section_size  }
0x9c: {  	s7 =	simm.s32 $_size__tile_overlayer_lowered;
	s8 =	simm.s32 $_tile_overlayer_lowered  }
0x9d: {  	s23 =	simm.s32 $0x1BFF;
	s22 =	sshll.u32 s8, $0x1;
	s5 =	sadd.s32 s6, s20  }
0x9e: {  	s9 =	simm.s32 $0x0;
	s21 =	sshll.u32 s7, $0x1;
	s7 =	sadd.s32 s22, s5  }
0x9f: {  	[timem:s9], [sflag:s23] =	dma.local [hbm:s7], s21  }
0xa0: {  	_ =	swait.ge [sflag:s23], s21  }
0xa1: {  	s6 =	ssub.s32 $0x0, s21;
	[sflag:s23] =	ssyncset.done $0x0  }
0xa2: {  	[sflag:s23] =	ssyncadd.s32 s6;
	_ =	sdelay $0x1  }
0xa3: {  	s24 =	simm.s32 $0x1B8B  }
0xa4: {  	_ =	swait.ge [sflag:s24], $0x1  }
0xa5: {  	[sflag:s24] =	ssyncset.done $0x0  }
0xa6: {  	s25 =	simm.s32 $0x1B8E;
	[sflag:s24] =	ssyncadd.s32 $0xFFFFFFFF  }
0xa7: {  	s26 =	simm.s32 $execute0_lowered;
	[smem:$0x3FD2] =	sst s25  }
0xa8: {  	s6 =	sshll.u32 s26, $0x1;
	_ =	strace $0x80000046;
	[dreg:$0x1] =	wrdreg $0xFFFFFFFF  }
0xa9: {  	s28 =	simm.s32 $_size_execute0_lowered;
	s5 =	sadd.s32 s5, s6;
	[dreg:$0x0] =	wrdreg $0x0  }
0xaa: {  	s6 =	sshll.u32 s28, $0x1;
	[dreg:$0x2] =	wrdreg s5  }
0xab: {  	[dreg:$0x3] =	wrdreg s6  }
0xac: {  	[dreg:$0x4] =	wrdreg $0xC0  }
0xad: {  	_ =	task [dreg:s9], $0x5FFFF  }
0xae: {  	[dreg:$0x1] =	wrdreg $0xFFFFFFFF  }
0xaf: {  	[dreg:$0x0] =	wrdreg $0x60  }
0xb0: {  	[dreg:$0x2] =	wrdreg s2  }
0xb1: {  	[dreg:$0x3] =	wrdreg s19  }
0xb2: {  	[dreg:$0x4] =	wrdreg s4  }
0xb3: {  	[dreg:$0x5] =	wrdreg $0x0  }
0xb4: {  	[dreg:$0x6] =	wrdreg $0x9  }
0xb5: {  	_ =	task.clear_ibuf [dreg:s9], $0x7FFFF;
	_ =	strace $0x90000046  }
0xb6: {  	s29 =	simm.s32 $0x9;
	_ =	strace $0x80000048  }
0xb7: {  	_ =	swait.ge [sflag:s29], $0x1  }
0xb8: {  	[sflag:s29] =	ssyncadd.s32 $0xFFFFFFFF  }
0xb9: {  	_ =	strace $0x90000048  }
0xba: {  	_ =	sfence  }
0xbb: {  	s30 =	sld [smem:$0x0];
	_ =	sdelay $0x2  }
0xbc: {  	s31 =	sshll.u32 s1, $0xD;
	s1 =	sshrl.u32 s1, $0x2  }
0xbd: {  	s3 =	sand.u32 $0x4000, s31;
	s1 =	sadd.s32 s1, s30  }
0xbe: {  	s0 =	sor.u32 s3, s0;
	s1 =	sshll.u32 s1, $0x11  }
0xbf: {  	s0 =	sor.u32 s1, s0  }
0xc0: {  	s0 =	sadd.s32 $0x8F2B, s0  }
0xc1: {  	[sflag:s0] =	ssyncadd.remote.s32 $0x1  }
0xc2: {  	_ =	sfence.sel $0xFFFF  }
0xc3: {  	[dreg:$0x0] =	wrdreg $0xFFFFFFFF;
	(pc) =	sbr.abs _section_cstart, $3  }
0xc4: {  	[dreg:$0x1] =	wrdreg $0xFFFFFFFF  }
0xc5: {  	_ =	task.clear_ibuf [dreg:s9], $0x2FFFF;
	_ =	strace $0x9FFFFFFF  }
0xc6: {  	(tm) =	ssettm $0x7FFFFFFF  }
0xc7: {  	_ =	shalt  }
tec
execute0_lowered:
.L_overlay_start_1:
0x0: {  	(tag) =	ssettag $0x1  }
0x1: {  	s0 =	rddreg [dreg:$0x0]  }
0x2: {  	s6 =	rddreg [dreg:$0x1];
	s2 =	srdreg.scid  }
0x3: {  	s15 =	stileid.u32;
	s1 =	rddreg [dreg:$0x2]  }
0x4: {  	s19 =	simm.s32 $0x80;
	s20 =	simm.s32 $0x16080;
	s21 =	simm.s32 $0x1A080  }
0x5: {  	s22 =	simm.s32 $0x1;
	s23 =	simm.s32 $0x2;
	s24 =	simm.s32 $0x3  }
0x6: {  	s25 =	simm.s32 $0x4;
	s26 =	simm.s32 $0x0;
	s5 =	sand.u32 $0x1, s2  }
0x7: {  	s3 =	sshll.u32 s15, $0x1;
	s2 =	rddreg [dreg:$0x3];
	s11 =	smul.u32 $0x4E000, s15  }
0x8: {  	s30 =	smul.u32 $0x2700, s15;
	s31 =	sshll.u32 s15, $0x6;
	s7 =	sor.u32 s5, s3  }
0x9: {  	s3 =	simm.s32 $0x0;
	s5 =	ssub.s32 $0x2, s5;
	s18 =	sadd.s32 $0x138000, s2  }
0xa: {  	s16 =	sor.u32 $0x1C05, s31;
	s4 =	smul.u32 $0x140, s7;
	[smem:$0x7FF] =	sst s3  }
0xb: {  	s7 =	smul.u32 $0x2800, s7;
	s8 =	sshrl.u32 s5, $0x1;
	s29 =	sshrl.u32 s11, $0x2  }
0xc: {  	_ =	strace $0x80000047;
	s13 =	ssub.s32 s5, s8;
	s17 =	sadd.s32 s29, s2  }
0xd: {  	s8 =	sadd.s32 $0x27000, s0;
	s9 =	ssub.s32 $0x2710, s4;
	s10 =	smin.u32 s7, $0x4BA00  }
0xe: {  	s13 =	smax.u32 s13, $0x1;
	s17 =	sshrl.u32 s17, $0x3;
	s9 =	sshrl.u32 s9, $0x2  }
0xf: {  	s28 =	sshrl.u32 s10, $0x3;
	s12 =	ssub.s32 s7, s10;
	s7 =	sadd.s32 s0, s30  }
0x10: {  	s5 =	smin.u32 s9, $0x50;
	s6 =	sadd.s32 s6, s28;
	p0 =	slt.s32 s12, $0x2780  }
0x11: {  	s9 =	smov.u32 s12;
	s10 =	sor.u32 $0x80, s12;
	s11 =	sor.u32 $0x100, s12  }
0x12: {  	s12 =	sor.u32 $0x180, s12;
	s9 =	simm.s32 @!p0 $0x2780;
	p0 =	slt.s32 s10, $0x2780  }
0x13: {  	s10 =	simm.s32 @!p0 $0x2780;
	s9 =	sadd.s32 $0x13880, s9;
	p0 =	sne.s32 s15, $0x0  }
0x14: {  	s15 =	simm.s32 $0x5;
	s10 =	sadd.s32 $0x13880, s10;
	s18 =	sshrl.u32 @!p0 s18, $0x3  }
.LBB2_1:
0x15: {  	s0 =	simm.s32 $0x13880  }
0x16: {  	[tilespmem:s0], [sflag:$0x5] =	stream.linear.gather [hbm4b:s6+s3], $0x2800, $0x38;
	[tilespmem:$0x1E480] =	vst v63  }
0x17: {  	_ =	swait.ge [sflag:s15], $0x2800  }
0x18: {  	[sflag:s15] =	ssyncset.done $0x0  }
0x19: {  	[sflag:s15] =	ssyncadd.s32 $0xFFFFD800  }
0x1a: {  	[spmem:s17], [sflag:s16] =	dma.local [hbm:s7], $0x2700  }
0x1b: {  	_ =	swait.ge [sflag:s15], $0x2700  }
0x1c: {  	[sflag:s15] =	ssyncset.done $0x0  }
0x1d: {  	s0 =	simm.s32 @!p0 $0x5;
	[sflag:s15] =	ssyncadd.s32 $0xFFFFD900  }
0x1e: {  	[spmem:s18], [sflag:s16] =	dma.local @!p0 [hbm:s8], $0x100  }
0x1f: {  	_ =	swait.ge @!p0 [sflag:s0], $0x100  }
0x20: {  	[sflag:s0] =	ssyncset.done @!p0 $0x0  }
0x21: {  	[sflag:s0] =	ssyncadd.s32 @!p0 $0xFFFFFF00  }
0x22: {  	[bflag:$0x0] =	sbarrier.arrive $0xFFFF  }
0x23: {  	[tilespmem:s20], [sflag:$0x1] =	stream.indirect.gather [spmem:s2], $0x80, s9, s19, $0xb8;
	[tilespmem:$0x1E480] =	vst v63  }
0x24: {  	s28 =	simm.s32 $0x0  }
0x25: {  	[tilespmem:s21], [sflag:$0x2] =	stream.indirect.gather [spmem:s2], $0x80, s10, s19, $0xb8;
	[tilespmem:$0x1E480] =	vst v63  }
.LBB2_2:
0x26: {  	s29 =	sshll.u32 s28, $0x1;
	p2 =	seq.s32 s28, $0x0  }
0x27: {  	_ =	swait.ge [sflag:s22], $0x4000;
	p1 =	sge.u32 @!p2 s29, s5  }
0x28: {  	[sflag:s22] =	ssyncset.done $0x0;
	p1 =	por p1, p2  }
0x29: {  	[sflag:s22] =	ssyncadd.s32 $0xFFFFC000;
	s0 =	simm.s32 @!p1 $0x3  }
0x2a: {  	_ =	swait.ge @!p1 [sflag:s0], $0x200  }
0x2b: {  	[sflag:s0] =	ssyncset.done @!p1 $0x0  }
0x2c: {  	s30 =	simm.s32 $0x0;
	[sflag:s0] =	ssyncadd.s32 @!p1 $0xFFFFFE00  }
.LBB2_3:
0x2d: {  	s0 =	sshll.u32 s30, $0xC  }
0x2e: {  	s31 =	sand.u32 $0x3FFFF000, s0  }
0x2f: {  	v62 =	vld [tilespmem:s31+$0x16470];
	_ =	sdelay $0x4  }
0x30: {  	[tilespmem:$0x1FA80] =	vst v62;
	v62 =	vld [tilespmem:s31+$0x16480];
	_ =	sdelay $0x4  }
0x31: {  	[tilespmem:$0x1FA90] =	vst v62;
	v62 =	vld [tilespmem:s31+$0x16490];
	_ =	sdelay $0x4  }
0x32: {  	[tilespmem:$0x1FAA0] =	vst v62;
	v62 =	vld [tilespmem:s31+$0x164A0];
	_ =	sdelay $0x4  }
0x33: {  	[tilespmem:$0x1FAB0] =	vst v62;
	v62 =	vld [tilespmem:s31+$0x164B0];
	_ =	sdelay $0x4  }
0x34: {  	[tilespmem:$0x1FAC0] =	vst v62;
	v62 =	vld [tilespmem:s31+$0x164C0];
	_ =	sdelay $0x4  }
0x35: {  	[tilespmem:$0x1FAD0] =	vst v62;
	v62 =	vld [tilespmem:s31+$0x164D0];
	_ =	sdelay $0x4  }
0x36: {  	[tilespmem:$0x1FAE0] =	vst v62;
	v62 =	vld [tilespmem:s31+$0x164E0];
	_ =	sdelay $0x4  }
0x37: {  	[tilespmem:$0x1FAF0] =	vst v62;
	v62 =	vld [tilespmem:s31+$0x164F0];
	_ =	sdelay $0x4  }
0x38: {  	[tilespmem:$0x1FB00] =	vst v62;
	v62 =	vld [tilespmem:s31+$0x16500];
	_ =	sdelay $0x4  }
0x39: {  	[tilespmem:$0x1FB10] =	vst v62;
	v62 =	vld [tilespmem:s31+$0x16510];
	_ =	sdelay $0x4  }
0x3a: {  	[tilespmem:$0x1FB20] =	vst v62;
	v62 =	vld [tilespmem:s31+$0x16520];
	_ =	sdelay $0x4  }
0x3b: {  	[tilespmem:$0x1FB30] =	vst v62;
	v62 =	vld [tilespmem:s31+$0x16530];
	_ =	sdelay $0x4  }
0x3c: {  	[tilespmem:$0x1FB40] =	vst v62;
	v62 =	vld [tilespmem:s31+$0x16540];
	_ =	sdelay $0x4  }
0x3d: {  	[tilespmem:$0x1FB50] =	vst v62;
	v62 =	vld [tilespmem:s31+$0x16550];
	_ =	sdelay $0x4  }
0x3e: {  	[tilespmem:$0x1FB60] =	vst v62;
	v62 =	vld [tilespmem:s31+$0x16560];
	_ =	sdelay $0x4  }
0x3f: {  	[tilespmem:$0x1FB70] =	vst v62;
	v62 =	vld [tilespmem:s31+$0x16570];
	_ =	sdelay $0x4  }
0x40: {  	[tilespmem:$0x1FB80] =	vst v62;
	v62 =	vld [tilespmem:s31+$0x16580];
	_ =	sdelay $0x4  }
0x41: {  	[tilespmem:$0x1FB90] =	vst v62;
	v62 =	vld [tilespmem:s31+$0x16590];
	_ =	sdelay $0x4  }
0x42: {  	[tilespmem:$0x1FBA0] =	vst v62;
	v62 =	vld [tilespmem:s31+$0x165A0];
	_ =	sdelay $0x4  }
0x43: {  	[tilespmem:$0x1FBB0] =	vst v62;
	v62 =	vld [tilespmem:s31+$0x165B0];
	_ =	sdelay $0x4  }
0x44: {  	[tilespmem:$0x1FBC0] =	vst v62;
	v62 =	vld [tilespmem:s31+$0x165C0];
	_ =	sdelay $0x4  }
0x45: {  	[tilespmem:$0x1FBD0] =	vst v62;
	v62 =	vld [tilespmem:s31+$0x165D0];
	_ =	sdelay $0x3  }
0x46: {  	v4 =	vld [tilespmem:s31+$0x16080]  }
0x47: {  	[tilespmem:$0x1FBE0] =	vst v62;
	v62 =	vld [tilespmem:s31+$0x165E0]  }
0x48: {  	v5 =	vld [tilespmem:s31+$0x16090]  }
0x49: {  	v6 =	vld [tilespmem:s31+$0x160A0]  }
0x4a: {  	v7 =	vld [tilespmem:s31+$0x160B0]  }
0x4b: {  	v12 =	vld [tilespmem:s31+$0x160C0]  }
0x4c: {  	[tilespmem:$0x1FBF0] =	vst v62;
	v62 =	vld [tilespmem:s31+$0x165F0]  }
0x4d: {  	v13 =	vld [tilespmem:s31+$0x160D0]  }
0x4e: {  	v16 =	vld [tilespmem:s31+$0x160E0]  }
0x4f: {  	v17 =	vld [tilespmem:s31+$0x160F0]  }
0x50: {  	v0 =	vld [tilespmem:s31+$0x16100]  }
0x51: {  	[tilespmem:$0x1FC00] =	vst v62;
	v62 =	vld [tilespmem:s31+$0x16600]  }
0x52: {  	v1 =	vld [tilespmem:s31+$0x16110]  }
0x53: {  	v2 =	vld [tilespmem:s31+$0x16120]  }
0x54: {  	v3 =	vld [tilespmem:s31+$0x16130]  }
0x55: {  	v8 =	vld [tilespmem:s31+$0x16140]  }
0x56: {  	[tilespmem:$0x1FC10] =	vst v62;
	v62 =	vld [tilespmem:s31+$0x16610]  }
0x57: {  	v9 =	vld [tilespmem:s31+$0x16150]  }
0x58: {  	v10 =	vld [tilespmem:s31+$0x16160]  }
0x59: {  	v11 =	vld [tilespmem:s31+$0x16170]  }
0x5a: {  	v14 =	vld [tilespmem:s31+$0x16180]  }
0x5b: {  	[tilespmem:$0x1FC20] =	vst v62;
	v62 =	vld [tilespmem:s31+$0x16620]  }
0x5c: {  	v15 =	vld [tilespmem:s31+$0x16190]  }
0x5d: {  	v18 =	vld [tilespmem:s31+$0x161A0]  }
0x5e: {  	v19 =	vld [tilespmem:s31+$0x161B0]  }
0x5f: {  	v20 =	vld [tilespmem:s31+$0x161C0]  }
0x60: {  	[tilespmem:$0x1FC30] =	vst v62;
	v62 =	vld [tilespmem:s31+$0x16630]  }
0x61: {  	v21 =	vld [tilespmem:s31+$0x161D0]  }
0x62: {  	v22 =	vld [tilespmem:s31+$0x161E0]  }
0x63: {  	v23 =	vld [tilespmem:s31+$0x161F0]  }
0x64: {  	v24 =	vld [tilespmem:s31+$0x16200]  }
0x65: {  	[tilespmem:$0x1FC40] =	vst v62;
	v62 =	vld [tilespmem:s31+$0x16640]  }
0x66: {  	v25 =	vld [tilespmem:s31+$0x16210]  }
0x67: {  	v57 =	vld [tilespmem:s31+$0x16220]  }
0x68: {  	v26 =	vld [tilespmem:s31+$0x16230]  }
0x69: {  	v60 =	vld [tilespmem:s31+$0x16240]  }
0x6a: {  	[tilespmem:$0x1FC50] =	vst v62;
	v62 =	vld [tilespmem:s31+$0x16650]  }
0x6b: {  	v27 =	vld [tilespmem:s31+$0x16250]  }
0x6c: {  	v51 =	vld [tilespmem:s31+$0x16260]  }
0x6d: {  	v28 =	vld [tilespmem:s31+$0x16270]  }
0x6e: {  	v47 =	vld [tilespmem:s31+$0x16280]  }
0x6f: {  	[tilespmem:$0x1FC60] =	vst v62;
	v62 =	vld [tilespmem:s31+$0x16660]  }
0x70: {  	v29 =	vld [tilespmem:s31+$0x16290]  }
0x71: {  	v41 =	vld [tilespmem:s31+$0x162A0]  }
0x72: {  	v30 =	vld [tilespmem:s31+$0x162B0]  }
0x73: {  	v38 =	vld [tilespmem:s31+$0x162C0]  }
0x74: {  	[tilespmem:$0x1FC70] =	vst v62;
	v62 =	vld [tilespmem:s31+$0x16670]  }
0x75: {  	v31 =	vld [tilespmem:s31+$0x162D0]  }
0x76: {  	v32 =	vld [tilespmem:s31+$0x162E0]  }
0x77: {  	v33 =	vld [tilespmem:s31+$0x162F0]  }
0x78: {  	v35 =	vld [tilespmem:s31+$0x16300]  }
0x79: {  	[tilespmem:$0x1FC80] =	vst v62;
	v62 =	vld [tilespmem:s31+$0x16680]  }
0x7a: {  	v34 =	vld [tilespmem:s31+$0x16310]  }
0x7b: {  	v36 =	vld [tilespmem:s31+$0x16320]  }
0x7c: {  	v37 =	vld [tilespmem:s31+$0x16330]  }
0x7d: {  	v39 =	vld [tilespmem:s31+$0x16340]  }
0x7e: {  	[tilespmem:$0x1FC90] =	vst v62;
	v62 =	vld [tilespmem:s31+$0x16690]  }
0x7f: {  	v40 =	vld [tilespmem:s31+$0x16350]  }
0x80: {  	v43 =	vld [tilespmem:s31+$0x16360]  }
0x81: {  	v42 =	vld [tilespmem:s31+$0x16370]  }
0x82: {  	v45 =	vld [tilespmem:s31+$0x16380]  }
0x83: {  	[tilespmem:$0x1FCA0] =	vst v62;
	v62 =	vld [tilespmem:s31+$0x166A0]  }
0x84: {  	v44 =	vld [tilespmem:s31+$0x16390]  }
0x85: {  	v46 =	vld [tilespmem:s31+$0x163A0]  }
0x86: {  	v48 =	vld [tilespmem:s31+$0x163B0]  }
0x87: {  	v50 =	vld [tilespmem:s31+$0x163C0]  }
0x88: {  	[tilespmem:$0x1FCB0] =	vst v62;
	v62 =	vld [tilespmem:s31+$0x166B0]  }
0x89: {  	v49 =	vld [tilespmem:s31+$0x163D0]  }
0x8a: {  	v52 =	vld [tilespmem:s31+$0x163E0]  }
0x8b: {  	v53 =	vld [tilespmem:s31+$0x163F0]  }
0x8c: {  	v54 =	vld [tilespmem:s31+$0x16400]  }
0x8d: {  	[tilespmem:$0x1FCC0] =	vst v62;
	v62 =	vld [tilespmem:s31+$0x166C0]  }
0x8e: {  	v55 =	vld [tilespmem:s31+$0x16410]  }
0x8f: {  	v56 =	vld [tilespmem:s31+$0x16420]  }
0x90: {  	v58 =	vld [tilespmem:s31+$0x16430]  }
0x91: {  	v59 =	vld [tilespmem:s31+$0x16440]  }
0x92: {  	[tilespmem:$0x1FCD0] =	vst v62;
	v62 =	vld [tilespmem:s31+$0x166D0]  }
0x93: {  	v61 =	vld [tilespmem:s31+$0x16450];
	v4 =	vadd.f32 $0.0e+00, v4;
	v5 =	vadd.f32 $0.0e+00, v5  }
0x94: {  	v63 =	vld [tilespmem:s31+$0x16460];
	v6 =	vadd.f32 $0.0e+00, v6;
	v7 =	vadd.f32 $0.0e+00, v7  }
0x95: {  	v0 =	vadd.f32 v0, v4;
	v1 =	vadd.f32 v1, v5;
	v4 =	vld [tilespmem:s31+$0x168E0]  }
0x96: {  	v2 =	vadd.f32 v2, v6;
	v5 =	vadd.f32 $0.0e+00, v13;
	v13 =	vld [tilespmem:s31+$0x16900]  }
0x97: {  	v6 =	vadd.f32 $0.0e+00, v16;
	v16 =	vadd.f32 $0.0e+00, v17;
	[tilespmem:$0x1FCE0] =	vst v62;
	v62 =	vld [tilespmem:s31+$0x166E0]  }
0x98: {  	v3 =	vadd.f32 v3, v7;
	v17 =	vld [tilespmem:s31+$0x16910]  }
0x99: {  	v7 =	vadd.f32 v11, v16;
	v16 =	vld [tilespmem:s31+$0x16930]  }
0x9a: {  	v3 =	vadd.f32 v19, v3;
	v19 =	vld [tilespmem:s31+$0x16950]  }
0x9b: {  	v5 =	vadd.f32 v9, v5;
	v11 =	vld [tilespmem:s31+$0x16A90]  }
0x9c: {  	[tilespmem:$0x1FCF0] =	vst v62;
	v62 =	vld [tilespmem:s31+$0x166F0]  }
0x9d: {  	v1 =	vadd.f32 v15, v1;
	v5 =	vadd.f32 v21, v5;
	v21 =	vld [tilespmem:s31+$0x16960]  }
0x9e: {  	v7 =	vadd.f32 v23, v7;
	v23 =	vld [tilespmem:s31+$0x16970]  }
0x9f: {  	v1 =	vadd.f32 v25, v1;
	v25 =	vld [tilespmem:s31+$0x16980]  }
0xa0: {  	v2 =	vadd.f32 v18, v2;
	v3 =	vadd.f32 v26, v3;
	v26 =	vld [tilespmem:s31+$0x16990]  }
0xa1: {  	[tilespmem:$0x1FD00] =	vst v62;
	v62 =	vld [tilespmem:s31+$0x16700]  }
0xa2: {  	v2 =	vadd.f32 v57, v2;
	v57 =	vld [tilespmem:s31+$0x16A00]  }
0xa3: {  	[tilespmem:$0x1FEE0] =	vst v4;
	v4 =	vld [tilespmem:s31+$0x168F0]  }
0xa4: {  	[tilespmem:$0x1FF00] =	vst v13;
	v13 =	vld [tilespmem:s31+$0x16920]  }
0xa5: {  	[tilespmem:$0x1FF10] =	vst v17;
	v17 =	vld [tilespmem:s31+$0x16940]  }
0xa6: {  	[tilespmem:$0x1FD10] =	vst v62;
	v62 =	vld [tilespmem:s31+$0x16710]  }
0xa7: {  	v5 =	vadd.f32 v27, v5;
	v27 =	vld [tilespmem:s31+$0x169A0]  }
0xa8: {  	v7 =	vadd.f32 v28, v7;
	v28 =	vld [tilespmem:s31+$0x169B0]  }
0xa9: {  	v6 =	vadd.f32 v10, v6;
	v1 =	vadd.f32 v29, v1;
	v29 =	vld [tilespmem:s31+$0x169C0]  }
0xaa: {  	v0 =	vadd.f32 v14, v0;
	v3 =	vadd.f32 v30, v3;
	v30 =	vld [tilespmem:s31+$0x169D0]  }
0xab: {  	v6 =	vadd.f32 v22, v6;
	[tilespmem:$0x1FD20] =	vst v62;
	v62 =	vld [tilespmem:s31+$0x16720]  }
0xac: {  	v0 =	vadd.f32 v24, v0;
	v2 =	vadd.f32 v41, v2;
	v41 =	vld [tilespmem:s31+$0x169F0]  }
0xad: {  	v6 =	vadd.f32 v51, v6;
	v51 =	vld [tilespmem:s31+$0x16A10]  }
0xae: {  	v0 =	vadd.f32 v47, v0;
	v47 =	vld [tilespmem:s31+$0x16A20]  }
0xaf: {  	v6 =	vadd.f32 v32, v6;
	v32 =	vld [tilespmem:s31+$0x16A50]  }
0xb0: {  	[tilespmem:$0x1FD30] =	vst v62;
	v62 =	vld [tilespmem:s31+$0x16730]  }
0xb1: {  	v3 =	vadd.f32 v37, v3;
	[tilespmem:$0x1FF90] =	vst v26;
	v26 =	vld [tilespmem:s31+$0x16A60]  }
0xb2: {  	v2 =	vadd.f32 v36, v2;
	[tilespmem:$0x1FF40] =	vst v17;
	v17 =	vld [tilespmem:s31+$0x16A80]  }
0xb3: {  	v0 =	vadd.f32 v35, v0;
	v48 =	vadd.f32 v48, v3;
	v3 =	vld [tilespmem:s31+$0x16D30]  }
0xb4: {  	v1 =	vadd.f32 v34, v1;
	v46 =	vadd.f32 v46, v2;
	v2 =	vld [tilespmem:s31+$0x16D40]  }
0xb5: {  	v6 =	vadd.f32 v43, v6;
	[tilespmem:$0x1FD40] =	vst v62;
	v62 =	vld [tilespmem:s31+$0x16740]  }
0xb6: {  	v43 =	vadd.f32 v45, v0;
	v45 =	vadd.f32 v44, v1;
	v1 =	vld [tilespmem:s31+$0x16D50]  }
0xb7: {  	[tilespmem:$0x1FEF0] =	vst v4;
	v0 =	vld [tilespmem:s31+$0x16D60]  }
0xb8: {  	[tilespmem:$0x1FFF0] =	vst v41;
	v41 =	vld [tilespmem:s31+$0x16A30]  }
0xb9: {  	v4 =	vadd.f32 $0.0e+00, v12;
	[tilespmem:$0x1FFA0] =	vst v27;
	v27 =	vld [tilespmem:$0x1FA90]  }
0xba: {  	[tilespmem:$0x1FD50] =	vst v62;
	v62 =	vld [tilespmem:s31+$0x16750]  }
0xbb: {  	[tilespmem:$0x1FFC0] =	vst v29;
	v29 =	vld [tilespmem:$0x1FAA0];
	v4 =	vadd.f32 v8, v4  }
0xbc: {  	v8 =	vld [tilespmem:s31+$0x16AA0]  }
0xbd: {  	v4 =	vadd.f32 v20, v4;
	v20 =	vld [tilespmem:s31+$0x16A70]  }
0xbe: {  	v5 =	vadd.f32 v31, v5;
	v6 =	vadd.f32 v52, v6;
	v31 =	vld [tilespmem:$0x1FAB0]  }
0xbf: {  	v9 =	vadd.f32 v54, v43;
	v4 =	vadd.f32 v60, v4;
	[tilespmem:$0x1FD60] =	vst v62;
	v62 =	vld [tilespmem:s31+$0x16760]  }
0xc0: {  	v10 =	vadd.f32 v55, v45;
	v60 =	vadd.f32 v63, v6;
	v6 =	vld [tilespmem:s31+$0x16AB0]  }
0xc1: {  	[tilespmem:$0x1FFB0] =	vst v28;
	v28 =	vadd.f32 v27, v9;
	v9 =	vld [tilespmem:s31+$0x16AD0];
	v4 =	vadd.f32 v38, v4  }
0xc2: {  	[tilespmem:$0x1FFD0] =	vst v30;
	v30 =	vadd.f32 v29, v10;
	v10 =	vld [tilespmem:s31+$0x16AE0]  }
0xc3: {  	v5 =	vadd.f32 v40, v5;
	v38 =	vld [tilespmem:s31+$0x169E0];
	v4 =	vadd.f32 v39, v4  }
0xc4: {  	v12 =	vadd.f32 v56, v46;
	[tilespmem:$0x1FD70] =	vst v62;
	v62 =	vld [tilespmem:s31+$0x16770]  }
0xc5: {  	v5 =	vadd.f32 v49, v5;
	v34 =	vld [tilespmem:$0x1FAC0];
	v50 =	vadd.f32 v50, v4  }
0xc6: {  	v7 =	vadd.f32 v33, v7;
	v33 =	vadd.f32 v31, v12;
	v12 =	vld [tilespmem:s31+$0x16AF0]  }
0xc7: {  	[tilespmem:$0x1FF20] =	vst v13;
	v14 =	vadd.f32 v59, v50;
	v59 =	vadd.f32 v61, v5;
	v61 =	vld [tilespmem:$0x1FA80]  }
0xc8: {  	v7 =	vadd.f32 v42, v7;
	[tilespmem:$0x1FFE0] =	vst v38;
	v38 =	vld [tilespmem:s31+$0x16A40]  }
0xc9: {  	v13 =	vadd.f32 v58, v48;
	[tilespmem:$0x1FD80] =	vst v62;
	v62 =	vld [tilespmem:s31+$0x16780]  }
0xca: {  	v7 =	vadd.f32 v53, v7;
	v36 =	vld [tilespmem:$0x1FAD0]  }
0xcb: {  	v35 =	vadd.f32 v34, v13;
	v13 =	vld [tilespmem:s31+$0x16B00]  }
0xcc: {  	v63 =	vadd.f32 v61, v7;
	v7 =	vld [tilespmem:s31+$0x16AC0]  }
0xcd: {  	v39 =	vld [tilespmem:$0x1FAE0]  }
0xce: {  	[tilespmem:$0x1FD90] =	vst v62;
	v62 =	vld [tilespmem:s31+$0x16790]  }
0xcf: {  	v37 =	vadd.f32 v36, v14;
	v14 =	vld [tilespmem:s31+$0x16B10]  }
0xd0: {  	v40 =	vld [tilespmem:$0x1FAF0]  }
0xd1: {  	v42 =	vld [tilespmem:$0x1FB00]  }
0xd2: {  	v43 =	vld [tilespmem:$0x1FB10]  }
0xd3: {  	[tilespmem:$0x1FDA0] =	vst v62;
	v62 =	vld [tilespmem:s31+$0x167A0]  }
0xd4: {  	v44 =	vld [tilespmem:$0x1FB20]  }
0xd5: {  	v45 =	vld [tilespmem:$0x1FB30]  }
0xd6: {  	v46 =	vld [tilespmem:$0x1FB40]  }
0xd7: {  	v49 =	vld [tilespmem:$0x1FB60]  }
0xd8: {  	[tilespmem:$0x1FDB0] =	vst v62;
	v62 =	vld [tilespmem:s31+$0x167B0]  }
0xd9: {  	v52 =	vld [tilespmem:$0x1FB70]  }
0xda: {  	v15 =	vadd.f32 v39, v59;
	v48 =	vld [tilespmem:$0x1FB50]  }
0xdb: {  	v54 =	vld [tilespmem:$0x1FB80]  }
0xdc: {  	[tilespmem:$0x1FF30] =	vst v16;
	v16 =	vadd.f32 v40, v60;
	v50 =	vadd.f32 v49, v15;
	v15 =	vld [tilespmem:s31+$0x16B20]  }
0xdd: {  	[tilespmem:$0x1FDC0] =	vst v62;
	v62 =	vld [tilespmem:s31+$0x167C0]  }
0xde: {  	v18 =	vadd.f32 v42, v63;
	v53 =	vadd.f32 v52, v16;
	v16 =	vld [tilespmem:s31+$0x16B30]  }
0xdf: {  	v56 =	vld [tilespmem:$0x1FB90]  }
0xe0: {  	v55 =	vadd.f32 v54, v18;
	v18 =	vld [tilespmem:s31+$0x16B40]  }
0xe1: {  	[tilespmem:$0x1FF50] =	vst v19;
	v59 =	vld [tilespmem:$0x1FBA0]  }
0xe2: {  	v19 =	vadd.f32 v43, v28;
	[tilespmem:$0x1FDD0] =	vst v62;
	v62 =	vld [tilespmem:s31+$0x167D0]  }
0xe3: {  	v4 =	vld [tilespmem:$0x1FBC0]  }
0xe4: {  	[tilespmem:$0x1FF60] =	vst v21;
	v21 =	vadd.f32 v44, v30;
	v58 =	vadd.f32 v56, v19;
	v19 =	vld [tilespmem:s31+$0x16B50]  }
0xe5: {  	v61 =	vld [tilespmem:$0x1FBB0]  }
0xe6: {  	[tilespmem:$0x1FF70] =	vst v23;
	v23 =	vadd.f32 v46, v35;
	v60 =	vadd.f32 v59, v21;
	v21 =	vld [tilespmem:s31+$0x16B60]  }
0xe7: {  	[tilespmem:$0x1FDE0] =	vst v62;
	v62 =	vld [tilespmem:s31+$0x167E0]  }
0xe8: {  	v22 =	vadd.f32 v45, v33;
	v5 =	vadd.f32 v4, v23;
	v23 =	vld [tilespmem:$0x1FBD0]  }
0xe9: {  	v34 =	vld [tilespmem:$0x1FBE0]  }
0xea: {  	v63 =	vadd.f32 v61, v22;
	v22 =	vld [tilespmem:s31+$0x16B70]  }
0xeb: {  	v24 =	vadd.f32 v48, v37;
	v35 =	vld [tilespmem:$0x1FBF0]  }
0xec: {  	[tilespmem:$0x1FDF0] =	vst v62;
	v62 =	vld [tilespmem:s31+$0x167F0]  }
0xed: {  	v24 =	vadd.f32 v23, v24;
	v23 =	vld [tilespmem:s31+$0x16B80]  }
0xee: {  	[tilespmem:$0x1FF80] =	vst v25;
	v25 =	vadd.f32 v34, v50;
	v34 =	vld [tilespmem:s31+$0x16B90]  }
0xef: {  	v36 =	vld [tilespmem:$0x1FC00]  }
0xf0: {  	v27 =	vadd.f32 v35, v53;
	v35 =	vld [tilespmem:s31+$0x16BA0]  }
0xf1: {  	[tilespmem:$0x1FE00] =	vst v62;
	v62 =	vld [tilespmem:s31+$0x16800]  }
0xf2: {  	v37 =	vld [tilespmem:$0x1FC10]  }
0xf3: {  	v39 =	vld [tilespmem:$0x1FC20]  }
0xf4: {  	v28 =	vadd.f32 v36, v55;
	v36 =	vld [tilespmem:s31+$0x16BB0]  }
0xf5: {  	v40 =	vld [tilespmem:$0x1FC30]  }
0xf6: {  	[tilespmem:$0x1FE10] =	vst v62;
	v62 =	vld [tilespmem:s31+$0x16810]  }
0xf7: {  	v29 =	vadd.f32 v37, v58;
	v37 =	vld [tilespmem:s31+$0x16BC0]  }
0xf8: {  	v30 =	vadd.f32 v39, v60;
	v39 =	vld [tilespmem:s31+$0x16BD0]  }
0xf9: {  	v42 =	vld [tilespmem:$0x1FC40]  }
0xfa: {  	v31 =	vadd.f32 v40, v63;
	v40 =	vld [tilespmem:s31+$0x16BE0]  }
0xfb: {  	[tilespmem:$0x1FE20] =	vst v62;
	v62 =	vld [tilespmem:s31+$0x16820]  }
0xfc: {  	v43 =	vld [tilespmem:$0x1FC50]  }
0xfd: {  	v44 =	vld [tilespmem:$0x1FC60]  }
0xfe: {  	v33 =	vadd.f32 v42, v5;
	v42 =	vld [tilespmem:s31+$0x16BF0]  }
0xff: {  	v45 =	vld [tilespmem:$0x1FC70]  }
0x100: {  	[tilespmem:$0x1FE30] =	vst v62;
	v62 =	vld [tilespmem:s31+$0x16830]  }
0x101: {  	v24 =	vadd.f32 v43, v24;
	v43 =	vld [tilespmem:s31+$0x16C00]  }
0x102: {  	v25 =	vadd.f32 v44, v25;
	v44 =	vld [tilespmem:s31+$0x16C10]  }
0x103: {  	v46 =	vld [tilespmem:$0x1FC80]  }
0x104: {  	v27 =	vadd.f32 v45, v27;
	v45 =	vld [tilespmem:s31+$0x16C20]  }
0x105: {  	[tilespmem:$0x1FE40] =	vst v62;
	v62 =	vld [tilespmem:s31+$0x16840]  }
0x106: {  	v48 =	vld [tilespmem:$0x1FC90]  }
0x107: {  	v49 =	vld [tilespmem:$0x1FCA0]  }
0x108: {  	v50 =	vld [tilespmem:$0x1FCB0]  }
0x109: {  	v52 =	vld [tilespmem:$0x1FCC0]  }
0x10a: {  	[tilespmem:$0x1FE50] =	vst v62;
	v62 =	vld [tilespmem:s31+$0x16850]  }
0x10b: {  	v53 =	vld [tilespmem:$0x1FCD0]  }
0x10c: {  	v54 =	vld [tilespmem:$0x1FCE0]  }
0x10d: {  	v55 =	vld [tilespmem:$0x1FCF0]  }
0x10e: {  	v56 =	vld [tilespmem:$0x1FD00]  }
0x10f: {  	[tilespmem:$0x1FE60] =	vst v62;
	v62 =	vld [tilespmem:s31+$0x16860]  }
0x110: {  	v58 =	vld [tilespmem:$0x1FD10]  }
0x111: {  	v59 =	vld [tilespmem:$0x1FD20]  }
0x112: {  	v60 =	vld [tilespmem:$0x1FD30]  }
0x113: {  	v61 =	vld [tilespmem:$0x1FD40]  }
0x114: {  	[tilespmem:$0x1FE70] =	vst v62;
	v62 =	vld [tilespmem:s31+$0x16870]  }
0x115: {  	v63 =	vld [tilespmem:$0x1FD50]  }
0x116: {  	v28 =	vadd.f32 v46, v28;
	v46 =	vld [tilespmem:$0x1FD80]  }
0x117: {  	v4 =	vld [tilespmem:$0x1FD60]  }
0x118: {  	v5 =	vld [tilespmem:$0x1FD70]  }
0x119: {  	v28 =	vadd.f32 v56, v28;
	[tilespmem:$0x1FE80] =	vst v62;
	v62 =	vld [tilespmem:s31+$0x16880]  }
0x11a: {  	v29 =	vadd.f32 v48, v29;
	v48 =	vld [tilespmem:$0x1FD90]  }
0x11b: {  	v28 =	vadd.f32 v46, v28;
	v46 =	vld [tilespmem:s31+$0x16C30]  }
0x11c: {  	v30 =	vadd.f32 v49, v30;
	v49 =	vld [tilespmem:$0x1FDA0]  }
0x11d: {  	v31 =	vadd.f32 v50, v31;
	v29 =	vadd.f32 v58, v29;
	v50 =	vld [tilespmem:$0x1FDB0]  }
0x11e: {  	[tilespmem:$0x1FE90] =	vst v62;
	v62 =	vld [tilespmem:s31+$0x16890]  }
0x11f: {  	v30 =	vadd.f32 v59, v30;
	v29 =	vadd.f32 v48, v29;
	v48 =	vld [tilespmem:s31+$0x16C40]  }
0x120: {  	v33 =	vadd.f32 v52, v33;
	v31 =	vadd.f32 v60, v31;
	v52 =	vld [tilespmem:$0x1FDC0]  }
0x121: {  	v30 =	vadd.f32 v49, v30;
	v49 =	vld [tilespmem:s31+$0x16C50]  }
0x122: {  	v31 =	vadd.f32 v50, v31;
	v50 =	vld [tilespmem:s31+$0x16C60]  }
0x123: {  	v33 =	vadd.f32 v61, v33;
	[tilespmem:$0x1FEA0] =	vst v62;
	v62 =	vld [tilespmem:s31+$0x168A0]  }
0x124: {  	v24 =	vadd.f32 v53, v24;
	v53 =	vld [tilespmem:$0x1FDD0]  }
0x125: {  	v33 =	vadd.f32 v52, v33;
	v52 =	vld [tilespmem:s31+$0x16C70]  }
0x126: {  	v60 =	vld [tilespmem:$0x1FE30]  }
0x127: {  	v25 =	vadd.f32 v54, v25;
	v54 =	vld [tilespmem:$0x1FDE0]  }
0x128: {  	v24 =	vadd.f32 v63, v24;
	[tilespmem:$0x1FEB0] =	vst v62;
	v62 =	vld [tilespmem:s31+$0x168B0]  }
0x129: {  	v58 =	vld [tilespmem:$0x1FE10]  }
0x12a: {  	v24 =	vadd.f32 v53, v24;
	v53 =	vld [tilespmem:s31+$0x16C80]  }
0x12b: {  	v31 =	vadd.f32 v60, v31;
	v60 =	vld [tilespmem:$0x1FEB0]  }
0x12c: {  	v63 =	vld [tilespmem:$0x1FE50]  }
0x12d: {  	[tilespmem:$0x1FEC0] =	vst v62;
	v62 =	vld [tilespmem:s31+$0x168C0]  }
0x12e: {  	v29 =	vadd.f32 v58, v29;
	v58 =	vld [tilespmem:$0x1FE90]  }
0x12f: {  	v27 =	vadd.f32 v55, v27;
	v25 =	vadd.f32 v4, v25;
	v55 =	vld [tilespmem:$0x1FDF0]  }
0x130: {  	v31 =	vadd.f32 v60, v31;
	v60 =	vld [tilespmem:$0x1FF00]  }
0x131: {  	v25 =	vadd.f32 v54, v25;
	v54 =	vld [tilespmem:s31+$0x16C90]  }
0x132: {  	v4 =	vld [tilespmem:$0x1FE60];
	[tilespmem:$0x1FED0] =	vst v62  }
0x133: {  	v24 =	vadd.f32 v63, v24;
	v29 =	vadd.f32 v58, v29;
	v63 =	vld [tilespmem:$0x1FED0]  }
0x134: {  	v56 =	vld [tilespmem:$0x1FE00]  }
0x135: {  	v27 =	vadd.f32 v5, v27;
	v29 =	vadd.f32 v60, v29;
	v60 =	vld [tilespmem:$0x1FF40]  }
0x136: {  	v5 =	vld [tilespmem:$0x1FE70]  }
0x137: {  	v27 =	vadd.f32 v55, v27;
	v55 =	vld [tilespmem:s31+$0x16CA0]  }
0x138: {  	v25 =	vadd.f32 v4, v25;
	v4 =	vld [tilespmem:$0x1FEE0];
	v24 =	vadd.f32 v63, v24  }
0x139: {  	v59 =	vld [tilespmem:$0x1FE20]  }
0x13a: {  	v24 =	vadd.f32 v60, v24;
	v60 =	vld [tilespmem:$0x1FF60]  }
0x13b: {  	v28 =	vadd.f32 v56, v28;
	v27 =	vadd.f32 v5, v27;
	v56 =	vld [tilespmem:$0x1FE80]  }
0x13c: {  	v61 =	vld [tilespmem:$0x1FE40]  }
0x13d: {  	v5 =	vld [tilespmem:$0x1FEF0];
	v27 =	vadd.f32 v4, v27  }
0x13e: {  	v4 =	vld [tilespmem:$0x1FF20]  }
0x13f: {  	v27 =	vadd.f32 v60, v27;
	v60 =	vld [tilespmem:$0x1FF70]  }
0x140: {  	v28 =	vadd.f32 v56, v28;
	v56 =	vld [tilespmem:s31+$0x16CB0]  }
0x141: {  	v30 =	vadd.f32 v59, v30;
	v59 =	vld [tilespmem:$0x1FEA0]  }
0x142: {  	v28 =	vadd.f32 v5, v28;
	v5 =	vld [tilespmem:$0x1FF30]  }
0x143: {  	v58 =	vld [tilespmem:s31+$0x16CC0]  }
0x144: {  	v28 =	vadd.f32 v60, v28;
	v60 =	vld [tilespmem:$0x1FF80]  }
0x145: {  	v33 =	vadd.f32 v61, v33;
	v61 =	vld [tilespmem:$0x1FEC0]  }
0x146: {  	v30 =	vadd.f32 v59, v30;
	v59 =	vld [tilespmem:s31+$0x16CD0]  }
0x147: {  	v63 =	vld [tilespmem:$0x1FF10]  }
0x148: {  	v62 =	vld [tilespmem:s31+$0x168D0]  }
0x149: {  	v29 =	vadd.f32 v60, v29;
	v60 =	vld [tilespmem:$0x1FF90]  }
0x14a: {  	v31 =	vadd.f32 v4, v31;
	v4 =	vld [tilespmem:$0x1FF50];
	v33 =	vadd.f32 v61, v33  }
0x14b: {  	v61 =	vld [tilespmem:s31+$0x16CE0]  }
0x14c: {  	v33 =	vadd.f32 v5, v33;
	v5 =	vld [tilespmem:s31+$0x16D10];
	v30 =	vadd.f32 v63, v30  }
0x14d: {  	v25 =	vadd.f32 v62, v25;
	v62 =	vld [tilespmem:s31+$0x16CF0]  }
0x14e: {  	v29 =	vadd.f32 v57, v29;
	v30 =	vadd.f32 v60, v30;
	v60 =	vld [tilespmem:$0x1FFA0]  }
0x14f: {  	v25 =	vadd.f32 v4, v25;
	v4 =	vld [tilespmem:s31+$0x16D20]  }
0x150: {  	v63 =	vld [tilespmem:s31+$0x16D00];
	v17 =	vadd.f32 v17, v29  }
0x151: {  	v57 =	vld [tilespmem:s31+$0x16ED0]  }
0x152: {  	v29 =	vld [tilespmem:s31+$0x16DD0];
	v13 =	vadd.f32 v13, v17  }
0x153: {  	v30 =	vadd.f32 v51, v30;
	v31 =	vadd.f32 v60, v31;
	v60 =	vld [tilespmem:$0x1FFB0]  }
0x154: {  	v17 =	vld [tilespmem:s31+$0x16E30]  }
0x155: {  	v51 =	vld [tilespmem:s31+$0x16D80];
	v13 =	vadd.f32 v23, v13;
	v11 =	vadd.f32 v11, v30  }
0x156: {  	v23 =	vld [tilespmem:s31+$0x16E80];
	v31 =	vadd.f32 v47, v31  }
0x157: {  	v13 =	vadd.f32 v43, v13;
	v43 =	vld [tilespmem:s31+$0x16F60];
	v11 =	vadd.f32 v14, v11  }
0x158: {  	v8 =	vadd.f32 v8, v31;
	v33 =	vadd.f32 v60, v33;
	v60 =	vld [tilespmem:$0x1FFC0]  }
0x159: {  	v14 =	vld [tilespmem:s31+$0x16E00];
	v13 =	vadd.f32 v53, v13  }
0x15a: {  	v47 =	vld [tilespmem:s31+$0x16E50];
	v11 =	vadd.f32 v34, v11;
	v8 =	vadd.f32 v15, v8  }
0x15b: {  	v53 =	vld [tilespmem:s31+$0x17000];
	v13 =	vadd.f32 v63, v13;
	v33 =	vadd.f32 v41, v33  }
0x15c: {  	v63 =	vld [tilespmem:s31+$0x16F00];
	v11 =	vadd.f32 v44, v11;
	v8 =	vadd.f32 v35, v8  }
0x15d: {  	v6 =	vadd.f32 v6, v33;
	v24 =	vadd.f32 v60, v24;
	v60 =	vld [tilespmem:$0x1FFD0]  }
0x15e: {  	v41 =	vld [tilespmem:s31+$0x16D90];
	v11 =	vadd.f32 v54, v11  }
0x15f: {  	v44 =	vld [tilespmem:s31+$0x16F70];
	v8 =	vadd.f32 v45, v8;
	v6 =	vadd.f32 v16, v6  }
0x160: {  	v15 =	vld [tilespmem:s31+$0x16E10];
	v5 =	vadd.f32 v5, v11;
	v24 =	vadd.f32 v38, v24  }
0x161: {  	v54 =	vld [tilespmem:s31+$0x16EC0];
	v8 =	vadd.f32 v55, v8;
	v6 =	vadd.f32 v36, v6  }
0x162: {  	v7 =	vadd.f32 v7, v24;
	v25 =	vadd.f32 v60, v25;
	v60 =	vld [tilespmem:$0x1FFE0]  }
0x163: {  	v45 =	vld [tilespmem:s31+$0x16F80];
	v5 =	vadd.f32 v41, v5;
	v4 =	vadd.f32 v4, v8  }
0x164: {  	v16 =	vld [tilespmem:s31+$0x16E20];
	v6 =	vadd.f32 v46, v6;
	v7 =	vadd.f32 v18, v7  }
0x165: {  	v5 =	vadd.f32 v15, v5;
	v25 =	vadd.f32 v32, v25;
	v32 =	vld [tilespmem:s31+$0x16DA0]  }
0x166: {  	v41 =	vld [tilespmem:s31+$0x16F40];
	v6 =	vadd.f32 v56, v6;
	v7 =	vadd.f32 v37, v7  }
0x167: {  	v9 =	vadd.f32 v9, v25;
	v25 =	vld [tilespmem:s31+$0x16E90];
	v27 =	vadd.f32 v60, v27  }
0x168: {  	v3 =	vadd.f32 v3, v6;
	v60 =	vld [tilespmem:$0x1FFF0];
	v7 =	vadd.f32 v48, v7  }
0x169: {  	v55 =	vld [tilespmem:s31+$0x17020];
	v9 =	vadd.f32 v19, v9;
	v26 =	vadd.f32 v26, v27  }
0x16a: {  	v36 =	vld [tilespmem:s31+$0x16F10];
	v7 =	vadd.f32 v58, v7;
	v4 =	vadd.f32 v32, v4  }
0x16b: {  	v27 =	vld [tilespmem:s31+$0x16DB0];
	v9 =	vadd.f32 v39, v9;
	v10 =	vadd.f32 v10, v26  }
0x16c: {  	v24 =	vld [tilespmem:s31+$0x16DE0];
	v2 =	vadd.f32 v2, v7;
	v4 =	vadd.f32 v16, v4  }
0x16d: {  	v46 =	vld [tilespmem:s31+$0x16F90];
	v5 =	vadd.f32 v25, v5;
	v28 =	vadd.f32 v60, v28  }
0x16e: {  	v18 =	vld [tilespmem:s31+$0x16E40];
	v9 =	vadd.f32 v49, v9;
	v10 =	vadd.f32 v21, v10  }
0x16f: {  	v26 =	vld [tilespmem:s31+$0x16EA0];
	v5 =	vadd.f32 v36, v5;
	v20 =	vadd.f32 v20, v28  }
0x170: {  	v56 =	vld [tilespmem:s31+$0x17030];
	v9 =	vadd.f32 v59, v9;
	v3 =	vadd.f32 v27, v3  }
0x171: {  	v37 =	vld [tilespmem:s31+$0x16F20];
	v10 =	vadd.f32 v40, v10;
	v40 =	vadd.f32 v51, v13  }
0x172: {  	v28 =	vld [tilespmem:s31+$0x16DC0];
	v5 =	vadd.f32 v46, v5;
	v12 =	vadd.f32 v12, v20  }
0x173: {  	v48 =	vld [tilespmem:s31+$0x16FB0];
	v1 =	vadd.f32 v1, v9;
	v3 =	vadd.f32 v17, v3  }
0x174: {  	v39 =	vld [tilespmem:s31+$0x16F30];
	v4 =	vadd.f32 v26, v4;
	v10 =	vadd.f32 v50, v10  }
0x175: {  	v60 =	vld [tilespmem:s31+$0x16D70];
	v12 =	vadd.f32 v22, v12;
	v1 =	vadd.f32 v29, v1  }
0x176: {  	v49 =	vld [tilespmem:s31+$0x16FC0];
	v4 =	vadd.f32 v37, v4;
	v10 =	vadd.f32 v61, v10  }
0x177: {  	v21 =	vld [tilespmem:s31+$0x16E60];
	v2 =	vadd.f32 v28, v2;
	v12 =	vadd.f32 v42, v12  }
0x178: {  	v59 =	vld [tilespmem:s31+$0x16EE0];
	v1 =	vadd.f32 v47, v1;
	v0 =	vadd.f32 v0, v10  }
0x179: {  	v42 =	vld [tilespmem:s31+$0x16F50];
	v10 =	vadd.f32 v14, v40;
	v2 =	vadd.f32 v18, v2  }
0x17a: {  	v47 =	vld [tilespmem:s31+$0x16FA0];
	v12 =	vadd.f32 v52, v12;
	v1 =	vadd.f32 v57, v1  }
0x17b: {  	v52 =	vld [tilespmem:s31+$0x16EB0];
	v0 =	vadd.f32 v24, v0;
	v10 =	vadd.f32 v23, v10  }
0x17c: {  	v20 =	vld [tilespmem:s31+$0x16DF0];
	v2 =	vadd.f32 v54, v2;
	v12 =	vadd.f32 v62, v12  }
0x17d: {  	v50 =	vld [tilespmem:s31+$0x16FD0];
	v0 =	vadd.f32 v21, v0;
	v10 =	vadd.f32 v63, v10  }
0x17e: {  	v22 =	vld [tilespmem:s31+$0x16E70];
	v2 =	vadd.f32 v41, v2;
	v1 =	vadd.f32 v42, v1  }
0x17f: {  	v54 =	vld [tilespmem:s31+$0x17010];
	v4 =	vadd.f32 v47, v4;
	v38 =	vadd.f32 v60, v12  }
0x180: {  	v62 =	vld [tilespmem:s31+$0x16EF0];
	v3 =	vadd.f32 v52, v3;
	v0 =	vadd.f32 v59, v0  }
0x181: {  	v57 =	vld [tilespmem:s31+$0x17040];
	v10 =	vadd.f32 v45, v10;
	v8 =	vadd.f32 v20, v38  }
0x182: {  	v58 =	vld [tilespmem:s31+$0x17050];
	v2 =	vadd.f32 v49, v2;
	v4 =	vadd.f32 v55, v4  }
0x183: {  	v51 =	vld [tilespmem:s31+$0x16FE0];
	v1 =	vadd.f32 v50, v1;
	v8 =	vadd.f32 v22, v8  }
0x184: {  	v52 =	vld [tilespmem:s31+$0x16FF0];
	v5 =	vadd.f32 v54, v5;
	v3 =	vadd.f32 v39, v3  }
0x185: {  	v59 =	vld [tilespmem:s31+$0x17060];
	v0 =	vadd.f32 v43, v0;
	v8 =	vadd.f32 v62, v8  }
0x186: {  	v60 =	vld [tilespmem:s31+$0x17070];
	s31 =	sshll.u32 s30, $0x7;
	v6 =	vadd.f32 v53, v10;
	v2 =	vadd.f32 v57, v2;
	v4 =	vmul.f32 $3.125000000e-02, v4  }
0x187: {  	s0 =	sand.u32 $0x3FFFFF80, s31;
	v5 =	vmul.f32 $3.125000000e-02, v5;
	v3 =	vadd.f32 v48, v3;
	v8 =	vadd.f32 v44, v8  }
0x188: {  	v1 =	vadd.f32 v58, v1;
	v6 =	vmul.f32 $3.125000000e-02, v6;
	v0 =	vadd.f32 v51, v0;
	[tilespmem:s0+$0x1E0A0] =	vst v4  }
0x189: {  	v2 =	vmul.f32 $3.125000000e-02, v2;
	[tilespmem:s0+$0x1E090] =	vst v5;
	v3 =	vadd.f32 v56, v3;
	v61 =	vadd.f32 v52, v8  }
0x18a: {  	p1 =	sne.s32 s30, $0x3;
	v1 =	vmul.f32 $3.125000000e-02, v1;
	[tilespmem:s0+$0x1E080] =	vst v6;
	v0 =	vadd.f32 v59, v0  }
.Ltmp0:
0x18b: {  	[tilespmem:s0+$0x1E0C0] =	vst v2;
	v3 =	vmul.f32 $3.125000000e-02, v3;
	v62 =	vadd.f32 v60, v61;
	(pc) =	sbr.rel @p1 .LBB2_3-.Ltmp0, $4  }
0x18c: {  	[tilespmem:s0+$0x1E0D0] =	vst v1;
	v0 =	vmul.f32 $3.125000000e-02, v0  }
0x18d: {  	[tilespmem:s0+$0x1E0B0] =	vst v3;
	v63 =	vmul.f32 $3.125000000e-02, v62  }
0x18e: {  	[tilespmem:s0+$0x1E0E0] =	vst v0  }
0x18f: {  	s30 =	sadd.s32 $0x1, s30;
	[tilespmem:s0+$0x1E0F0] =	vst v63  }
0x190: {  	p1 =	seq.s32 s28, $0x27  }
0x191: {  	s30 =	sshll.u32 @!p1 s28, $0x8  }
0x192: {  	s0 =	sadd.s32 @!p1 s30, s11  }
0x193: {  	p3 =	slt.s32 @!p1 s0, $0x2780  }
0x194: {  	p3 =	por !p3, p1  }
0x195: {  	s31 =	simm.s32 @!p1 $0x80;
	s0 =	simm.s32 @p3 $0x2780  }
0x196: {  	s14 =	simm.s32 @!p1 $0x16080;
	p3 =	sge.u32 s29, s5;
	s0 =	sadd.s32 @!p1 $0x13880, s0  }
0x197: {  	[tilespmem:s14], [sflag:$0x1] =	stream.indirect.gather @!p1 [spmem:s2], $0x80, s0, s31, $0xb8;
	[tilespmem:$0x1E480] =	vst v63  }
0x198: {  	s0 =	sshll.u32 @!p3 s28, $0x3  }
0x199: {  	s0 =	sadd.s32 @!p3 s4, s0  }
0x19a: {  	s0 =	smin.u32 @!p3 s0, $0x270C  }
0x19b: {  	s29 =	sor.u32 $0x1, s29;
	s0 =	sshll.u32 @!p3 s0, $0x4  }
0x19c: {  	s14 =	simm.s32 @!p3 $0x0;
	s31 =	simm.s32 @!p3 $0x1E080;
	s0 =	sadd.s32 @!p3 s1, s0  }
0x19d: {  	[hbm4b:s0+s14] =	stream.linear.scatter @!p3 [tilespmem:s31], [sflag:$0x3], $0x200, $0x38;
	[tilespmem:$0x1E480] =	vst v63  }
0x19e: {  	p3 =	sge.u32 @!p2 s29, s5;
	_ =	swait.ge [sflag:s23], $0x4000  }
0x19f: {  	p2 =	por p3, p2;
	[sflag:s23] =	ssyncset.done $0x0  }
0x1a0: {  	s0 =	simm.s32 @!p2 $0x4;
	[sflag:s23] =	ssyncadd.s32 $0xFFFFC000  }
0x1a1: {  	_ =	swait.ge @!p2 [sflag:s0], $0x200  }
0x1a2: {  	[sflag:s0] =	ssyncset.done @!p2 $0x0  }
0x1a3: {  	s31 =	simm.s32 $0x0;
	[sflag:s0] =	ssyncadd.s32 @!p2 $0xFFFFFE00  }
.LBB2_5:
0x1a4: {  	s0 =	sshll.u32 s31, $0xC  }
0x1a5: {  	s0 =	sand.u32 $0x3FFFF000, s0  }
0x1a6: {  	v62 =	vld [tilespmem:s0+$0x1A470];
	_ =	sdelay $0x4  }
0x1a7: {  	[tilespmem:$0x1F500] =	vst v62;
	v62 =	vld [tilespmem:s0+$0x1A480];
	_ =	sdelay $0x4  }
0x1a8: {  	[tilespmem:$0x1F510] =	vst v62;
	v62 =	vld [tilespmem:s0+$0x1A490];
	_ =	sdelay $0x4  }
0x1a9: {  	[tilespmem:$0x1F520] =	vst v62;
	v62 =	vld [tilespmem:s0+$0x1A4A0];
	_ =	sdelay $0x4  }
0x1aa: {  	[tilespmem:$0x1F530] =	vst v62;
	v62 =	vld [tilespmem:s0+$0x1A4B0];
	_ =	sdelay $0x4  }
0x1ab: {  	[tilespmem:$0x1F540] =	vst v62;
	v62 =	vld [tilespmem:s0+$0x1A4C0];
	_ =	sdelay $0x4  }
0x1ac: {  	[tilespmem:$0x1F550] =	vst v62;
	v62 =	vld [tilespmem:s0+$0x1A4D0];
	_ =	sdelay $0x4  }
0x1ad: {  	[tilespmem:$0x1F560] =	vst v62;
	v62 =	vld [tilespmem:s0+$0x1A4E0];
	_ =	sdelay $0x4  }
0x1ae: {  	[tilespmem:$0x1F570] =	vst v62;
	v62 =	vld [tilespmem:s0+$0x1A4F0];
	_ =	sdelay $0x4  }
0x1af: {  	[tilespmem:$0x1F580] =	vst v62;
	v62 =	vld [tilespmem:s0+$0x1A500];
	_ =	sdelay $0x4  }
0x1b0: {  	[tilespmem:$0x1F590] =	vst v62;
	v62 =	vld [tilespmem:s0+$0x1A510];
	_ =	sdelay $0x4  }
0x1b1: {  	[tilespmem:$0x1F5A0] =	vst v62;
	v62 =	vld [tilespmem:s0+$0x1A520];
	_ =	sdelay $0x4  }
0x1b2: {  	[tilespmem:$0x1F5B0] =	vst v62;
	v62 =	vld [tilespmem:s0+$0x1A530];
	_ =	sdelay $0x4  }
0x1b3: {  	[tilespmem:$0x1F5C0] =	vst v62;
	v62 =	vld [tilespmem:s0+$0x1A540];
	_ =	sdelay $0x4  }
0x1b4: {  	[tilespmem:$0x1F5D0] =	vst v62;
	v62 =	vld [tilespmem:s0+$0x1A550];
	_ =	sdelay $0x4  }
0x1b5: {  	[tilespmem:$0x1F5E0] =	vst v62;
	v62 =	vld [tilespmem:s0+$0x1A560];
	_ =	sdelay $0x4  }
0x1b6: {  	[tilespmem:$0x1F5F0] =	vst v62;
	v62 =	vld [tilespmem:s0+$0x1A570];
	_ =	sdelay $0x4  }
0x1b7: {  	[tilespmem:$0x1F600] =	vst v62;
	v62 =	vld [tilespmem:s0+$0x1A580];
	_ =	sdelay $0x4  }
0x1b8: {  	[tilespmem:$0x1F610] =	vst v62;
	v62 =	vld [tilespmem:s0+$0x1A590];
	_ =	sdelay $0x4  }
0x1b9: {  	[tilespmem:$0x1F620] =	vst v62;
	v62 =	vld [tilespmem:s0+$0x1A5A0];
	_ =	sdelay $0x4  }
0x1ba: {  	[tilespmem:$0x1F630] =	vst v62;
	v62 =	vld [tilespmem:s0+$0x1A5B0];
	_ =	sdelay $0x4  }
0x1bb: {  	[tilespmem:$0x1F640] =	vst v62;
	v62 =	vld [tilespmem:s0+$0x1A5C0];
	_ =	sdelay $0x4  }
0x1bc: {  	[tilespmem:$0x1F650] =	vst v62;
	v62 =	vld [tilespmem:s0+$0x1A5D0];
	_ =	sdelay $0x3  }
0x1bd: {  	v4 =	vld [tilespmem:s0+$0x1A080]  }
0x1be: {  	[tilespmem:$0x1F660] =	vst v62;
	v62 =	vld [tilespmem:s0+$0x1A5E0]  }
0x1bf: {  	v5 =	vld [tilespmem:s0+$0x1A090]  }
0x1c0: {  	v6 =	vld [tilespmem:s0+$0x1A0A0]  }
0x1c1: {  	v7 =	vld [tilespmem:s0+$0x1A0B0]  }
0x1c2: {  	v12 =	vld [tilespmem:s0+$0x1A0C0]  }
0x1c3: {  	[tilespmem:$0x1F670] =	vst v62;
	v62 =	vld [tilespmem:s0+$0x1A5F0]  }
0x1c4: {  	v13 =	vld [tilespmem:s0+$0x1A0D0]  }
0x1c5: {  	v16 =	vld [tilespmem:s0+$0x1A0E0]  }
0x1c6: {  	v17 =	vld [tilespmem:s0+$0x1A0F0]  }
0x1c7: {  	v0 =	vld [tilespmem:s0+$0x1A100]  }
0x1c8: {  	[tilespmem:$0x1F680] =	vst v62;
	v62 =	vld [tilespmem:s0+$0x1A600]  }
0x1c9: {  	v1 =	vld [tilespmem:s0+$0x1A110]  }
0x1ca: {  	v2 =	vld [tilespmem:s0+$0x1A120]  }
0x1cb: {  	v3 =	vld [tilespmem:s0+$0x1A130]  }
0x1cc: {  	v8 =	vld [tilespmem:s0+$0x1A140]  }
0x1cd: {  	[tilespmem:$0x1F690] =	vst v62;
	v62 =	vld [tilespmem:s0+$0x1A610]  }
0x1ce: {  	v9 =	vld [tilespmem:s0+$0x1A150]  }
0x1cf: {  	v10 =	vld [tilespmem:s0+$0x1A160]  }
0x1d0: {  	v11 =	vld [tilespmem:s0+$0x1A170]  }
0x1d1: {  	v14 =	vld [tilespmem:s0+$0x1A180]  }
0x1d2: {  	[tilespmem:$0x1F6A0] =	vst v62;
	v62 =	vld [tilespmem:s0+$0x1A620]  }
0x1d3: {  	v15 =	vld [tilespmem:s0+$0x1A190]  }
0x1d4: {  	v18 =	vld [tilespmem:s0+$0x1A1A0]  }
0x1d5: {  	v19 =	vld [tilespmem:s0+$0x1A1B0]  }
0x1d6: {  	v20 =	vld [tilespmem:s0+$0x1A1C0]  }
0x1d7: {  	[tilespmem:$0x1F6B0] =	vst v62;
	v62 =	vld [tilespmem:s0+$0x1A630]  }
0x1d8: {  	v21 =	vld [tilespmem:s0+$0x1A1D0]  }
0x1d9: {  	v22 =	vld [tilespmem:s0+$0x1A1E0]  }
0x1da: {  	v23 =	vld [tilespmem:s0+$0x1A1F0]  }
0x1db: {  	v24 =	vld [tilespmem:s0+$0x1A200]  }
0x1dc: {  	[tilespmem:$0x1F6C0] =	vst v62;
	v62 =	vld [tilespmem:s0+$0x1A640]  }
0x1dd: {  	v25 =	vld [tilespmem:s0+$0x1A210]  }
0x1de: {  	v57 =	vld [tilespmem:s0+$0x1A220]  }
0x1df: {  	v26 =	vld [tilespmem:s0+$0x1A230]  }
0x1e0: {  	v60 =	vld [tilespmem:s0+$0x1A240]  }
0x1e1: {  	[tilespmem:$0x1F6D0] =	vst v62;
	v62 =	vld [tilespmem:s0+$0x1A650]  }
0x1e2: {  	v27 =	vld [tilespmem:s0+$0x1A250]  }
0x1e3: {  	v51 =	vld [tilespmem:s0+$0x1A260]  }
0x1e4: {  	v28 =	vld [tilespmem:s0+$0x1A270]  }
0x1e5: {  	v47 =	vld [tilespmem:s0+$0x1A280]  }
0x1e6: {  	[tilespmem:$0x1F6E0] =	vst v62;
	v62 =	vld [tilespmem:s0+$0x1A660]  }
0x1e7: {  	v29 =	vld [tilespmem:s0+$0x1A290]  }
0x1e8: {  	v41 =	vld [tilespmem:s0+$0x1A2A0]  }
0x1e9: {  	v30 =	vld [tilespmem:s0+$0x1A2B0]  }
0x1ea: {  	v38 =	vld [tilespmem:s0+$0x1A2C0]  }
0x1eb: {  	[tilespmem:$0x1F6F0] =	vst v62;
	v62 =	vld [tilespmem:s0+$0x1A670]  }
0x1ec: {  	v31 =	vld [tilespmem:s0+$0x1A2D0]  }
0x1ed: {  	v32 =	vld [tilespmem:s0+$0x1A2E0]  }
0x1ee: {  	v33 =	vld [tilespmem:s0+$0x1A2F0]  }
0x1ef: {  	v35 =	vld [tilespmem:s0+$0x1A300]  }
0x1f0: {  	[tilespmem:$0x1F700] =	vst v62;
	v62 =	vld [tilespmem:s0+$0x1A680]  }
0x1f1: {  	v34 =	vld [tilespmem:s0+$0x1A310]  }
0x1f2: {  	v36 =	vld [tilespmem:s0+$0x1A320]  }
0x1f3: {  	v37 =	vld [tilespmem:s0+$0x1A330]  }
0x1f4: {  	v39 =	vld [tilespmem:s0+$0x1A340]  }
0x1f5: {  	[tilespmem:$0x1F710] =	vst v62;
	v62 =	vld [tilespmem:s0+$0x1A690]  }
0x1f6: {  	v40 =	vld [tilespmem:s0+$0x1A350]  }
0x1f7: {  	v43 =	vld [tilespmem:s0+$0x1A360]  }
0x1f8: {  	v42 =	vld [tilespmem:s0+$0x1A370]  }
0x1f9: {  	v45 =	vld [tilespmem:s0+$0x1A380]  }
0x1fa: {  	[tilespmem:$0x1F720] =	vst v62;
	v62 =	vld [tilespmem:s0+$0x1A6A0]  }
0x1fb: {  	v44 =	vld [tilespmem:s0+$0x1A390]  }
0x1fc: {  	v46 =	vld [tilespmem:s0+$0x1A3A0]  }
0x1fd: {  	v48 =	vld [tilespmem:s0+$0x1A3B0]  }
0x1fe: {  	v50 =	vld [tilespmem:s0+$0x1A3C0]  }
0x1ff: {  	[tilespmem:$0x1F730] =	vst v62;
	v62 =	vld [tilespmem:s0+$0x1A6B0]  }
0x200: {  	v49 =	vld [tilespmem:s0+$0x1A3D0]  }
0x201: {  	v52 =	vld [tilespmem:s0+$0x1A3E0]  }
0x202: {  	v53 =	vld [tilespmem:s0+$0x1A3F0]  }
0x203: {  	v54 =	vld [tilespmem:s0+$0x1A400]  }
0x204: {  	[tilespmem:$0x1F740] =	vst v62;
	v62 =	vld [tilespmem:s0+$0x1A6C0]  }
0x205: {  	v55 =	vld [tilespmem:s0+$0x1A410]  }
0x206: {  	v56 =	vld [tilespmem:s0+$0x1A420]  }
0x207: {  	v58 =	vld [tilespmem:s0+$0x1A430]  }
0x208: {  	v59 =	vld [tilespmem:s0+$0x1A440]  }
0x209: {  	[tilespmem:$0x1F750] =	vst v62;
	v62 =	vld [tilespmem:s0+$0x1A6D0]  }
0x20a: {  	v61 =	vld [tilespmem:s0+$0x1A450];
	v4 =	vadd.f32 $0.0e+00, v4;
	v5 =	vadd.f32 $0.0e+00, v5  }
0x20b: {  	v63 =	vld [tilespmem:s0+$0x1A460];
	v6 =	vadd.f32 $0.0e+00, v6;
	v7 =	vadd.f32 $0.0e+00, v7  }
0x20c: {  	v0 =	vadd.f32 v0, v4;
	v1 =	vadd.f32 v1, v5;
	v4 =	vld [tilespmem:s0+$0x1A8E0]  }
0x20d: {  	v2 =	vadd.f32 v2, v6;
	v5 =	vadd.f32 $0.0e+00, v13;
	v13 =	vld [tilespmem:s0+$0x1A900]  }
0x20e: {  	v6 =	vadd.f32 $0.0e+00, v16;
	v16 =	vadd.f32 $0.0e+00, v17;
	[tilespmem:$0x1F760] =	vst v62;
	v62 =	vld [tilespmem:s0+$0x1A6E0]  }
0x20f: {  	v3 =	vadd.f32 v3, v7;
	v17 =	vld [tilespmem:s0+$0x1A910]  }
0x210: {  	v7 =	vadd.f32 v11, v16;
	v16 =	vld [tilespmem:s0+$0x1A930]  }
0x211: {  	v3 =	vadd.f32 v19, v3;
	v19 =	vld [tilespmem:s0+$0x1A950]  }
0x212: {  	v5 =	vadd.f32 v9, v5;
	v11 =	vld [tilespmem:s0+$0x1AA90]  }
0x213: {  	[tilespmem:$0x1F770] =	vst v62;
	v62 =	vld [tilespmem:s0+$0x1A6F0]  }
0x214: {  	v1 =	vadd.f32 v15, v1;
	v5 =	vadd.f32 v21, v5;
	v21 =	vld [tilespmem:s0+$0x1A960]  }
0x215: {  	v7 =	vadd.f32 v23, v7;
	v23 =	vld [tilespmem:s0+$0x1A970]  }
0x216: {  	v1 =	vadd.f32 v25, v1;
	v25 =	vld [tilespmem:s0+$0x1A980]  }
0x217: {  	v2 =	vadd.f32 v18, v2;
	v3 =	vadd.f32 v26, v3;
	v26 =	vld [tilespmem:s0+$0x1A990]  }
0x218: {  	[tilespmem:$0x1F780] =	vst v62;
	v62 =	vld [tilespmem:s0+$0x1A700]  }
0x219: {  	v2 =	vadd.f32 v57, v2;
	v57 =	vld [tilespmem:s0+$0x1AA00]  }
0x21a: {  	[tilespmem:$0x1F960] =	vst v4;
	v4 =	vld [tilespmem:s0+$0x1A8F0]  }
0x21b: {  	[tilespmem:$0x1F980] =	vst v13;
	v13 =	vld [tilespmem:s0+$0x1A920]  }
0x21c: {  	[tilespmem:$0x1F990] =	vst v17;
	v17 =	vld [tilespmem:s0+$0x1A940]  }
0x21d: {  	[tilespmem:$0x1F790] =	vst v62;
	v62 =	vld [tilespmem:s0+$0x1A710]  }
0x21e: {  	v5 =	vadd.f32 v27, v5;
	v27 =	vld [tilespmem:s0+$0x1A9A0]  }
0x21f: {  	v7 =	vadd.f32 v28, v7;
	v28 =	vld [tilespmem:s0+$0x1A9B0]  }
0x220: {  	v6 =	vadd.f32 v10, v6;
	v1 =	vadd.f32 v29, v1;
	v29 =	vld [tilespmem:s0+$0x1A9C0]  }
0x221: {  	v0 =	vadd.f32 v14, v0;
	v3 =	vadd.f32 v30, v3;
	v30 =	vld [tilespmem:s0+$0x1A9D0]  }
0x222: {  	v6 =	vadd.f32 v22, v6;
	[tilespmem:$0x1F7A0] =	vst v62;
	v62 =	vld [tilespmem:s0+$0x1A720]  }
0x223: {  	v0 =	vadd.f32 v24, v0;
	v2 =	vadd.f32 v41, v2;
	v41 =	vld [tilespmem:s0+$0x1A9F0]  }
0x224: {  	v6 =	vadd.f32 v51, v6;
	v51 =	vld [tilespmem:s0+$0x1AA10]  }
0x225: {  	v0 =	vadd.f32 v47, v0;
	v47 =	vld [tilespmem:s0+$0x1AA20]  }
0x226: {  	v6 =	vadd.f32 v32, v6;
	v32 =	vld [tilespmem:s0+$0x1AA50]  }
0x227: {  	[tilespmem:$0x1F7B0] =	vst v62;
	v62 =	vld [tilespmem:s0+$0x1A730]  }
0x228: {  	v3 =	vadd.f32 v37, v3;
	[tilespmem:$0x1FA10] =	vst v26;
	v26 =	vld [tilespmem:s0+$0x1AA60]  }
0x229: {  	v2 =	vadd.f32 v36, v2;
	[tilespmem:$0x1F9C0] =	vst v17;
	v17 =	vld [tilespmem:s0+$0x1AA80]  }
0x22a: {  	v0 =	vadd.f32 v35, v0;
	v48 =	vadd.f32 v48, v3;
	v3 =	vld [tilespmem:s0+$0x1AD30]  }
0x22b: {  	v1 =	vadd.f32 v34, v1;
	v46 =	vadd.f32 v46, v2;
	v2 =	vld [tilespmem:s0+$0x1AD40]  }
0x22c: {  	v6 =	vadd.f32 v43, v6;
	[tilespmem:$0x1F7C0] =	vst v62;
	v62 =	vld [tilespmem:s0+$0x1A740]  }
0x22d: {  	v43 =	vadd.f32 v45, v0;
	v45 =	vadd.f32 v44, v1;
	v1 =	vld [tilespmem:s0+$0x1AD50]  }
0x22e: {  	[tilespmem:$0x1F970] =	vst v4;
	v0 =	vld [tilespmem:s0+$0x1AD60]  }
0x22f: {  	[tilespmem:$0x1FA70] =	vst v41;
	v41 =	vld [tilespmem:s0+$0x1AA30]  }
0x230: {  	v4 =	vadd.f32 $0.0e+00, v12;
	[tilespmem:$0x1FA20] =	vst v27;
	v27 =	vld [tilespmem:$0x1F510]  }
0x231: {  	[tilespmem:$0x1F7D0] =	vst v62;
	v62 =	vld [tilespmem:s0+$0x1A750]  }
0x232: {  	[tilespmem:$0x1FA40] =	vst v29;
	v29 =	vld [tilespmem:$0x1F520];
	v4 =	vadd.f32 v8, v4  }
0x233: {  	v8 =	vld [tilespmem:s0+$0x1AAA0]  }
0x234: {  	v4 =	vadd.f32 v20, v4;
	v20 =	vld [tilespmem:s0+$0x1AA70]  }
0x235: {  	v5 =	vadd.f32 v31, v5;
	v6 =	vadd.f32 v52, v6;
	v31 =	vld [tilespmem:$0x1F530]  }
0x236: {  	v9 =	vadd.f32 v54, v43;
	v4 =	vadd.f32 v60, v4;
	[tilespmem:$0x1F7E0] =	vst v62;
	v62 =	vld [tilespmem:s0+$0x1A760]  }
0x237: {  	v10 =	vadd.f32 v55, v45;
	v60 =	vadd.f32 v63, v6;
	v6 =	vld [tilespmem:s0+$0x1AAB0]  }
0x238: {  	[tilespmem:$0x1FA30] =	vst v28;
	v28 =	vadd.f32 v27, v9;
	v9 =	vld [tilespmem:s0+$0x1AAD0];
	v4 =	vadd.f32 v38, v4  }
0x239: {  	[tilespmem:$0x1FA50] =	vst v30;
	v30 =	vadd.f32 v29, v10;
	v10 =	vld [tilespmem:s0+$0x1AAE0]  }
0x23a: {  	v5 =	vadd.f32 v40, v5;
	v38 =	vld [tilespmem:s0+$0x1A9E0];
	v4 =	vadd.f32 v39, v4  }
0x23b: {  	v12 =	vadd.f32 v56, v46;
	[tilespmem:$0x1F7F0] =	vst v62;
	v62 =	vld [tilespmem:s0+$0x1A770]  }
0x23c: {  	v5 =	vadd.f32 v49, v5;
	v34 =	vld [tilespmem:$0x1F540];
	v50 =	vadd.f32 v50, v4  }
0x23d: {  	v7 =	vadd.f32 v33, v7;
	v33 =	vadd.f32 v31, v12;
	v12 =	vld [tilespmem:s0+$0x1AAF0]  }
0x23e: {  	[tilespmem:$0x1F9A0] =	vst v13;
	v14 =	vadd.f32 v59, v50;
	v59 =	vadd.f32 v61, v5;
	v61 =	vld [tilespmem:$0x1F500]  }
0x23f: {  	v7 =	vadd.f32 v42, v7;
	[tilespmem:$0x1FA60] =	vst v38;
	v38 =	vld [tilespmem:s0+$0x1AA40]  }
0x240: {  	v13 =	vadd.f32 v58, v48;
	[tilespmem:$0x1F800] =	vst v62;
	v62 =	vld [tilespmem:s0+$0x1A780]  }
0x241: {  	v7 =	vadd.f32 v53, v7;
	v36 =	vld [tilespmem:$0x1F550]  }
0x242: {  	v35 =	vadd.f32 v34, v13;
	v13 =	vld [tilespmem:s0+$0x1AB00]  }
0x243: {  	v63 =	vadd.f32 v61, v7;
	v7 =	vld [tilespmem:s0+$0x1AAC0]  }
0x244: {  	v39 =	vld [tilespmem:$0x1F560]  }
0x245: {  	[tilespmem:$0x1F810] =	vst v62;
	v62 =	vld [tilespmem:s0+$0x1A790]  }
0x246: {  	v37 =	vadd.f32 v36, v14;
	v14 =	vld [tilespmem:s0+$0x1AB10]  }
0x247: {  	v40 =	vld [tilespmem:$0x1F570]  }
0x248: {  	v42 =	vld [tilespmem:$0x1F580]  }
0x249: {  	v43 =	vld [tilespmem:$0x1F590]  }
0x24a: {  	[tilespmem:$0x1F820] =	vst v62;
	v62 =	vld [tilespmem:s0+$0x1A7A0]  }
0x24b: {  	v44 =	vld [tilespmem:$0x1F5A0]  }
0x24c: {  	v45 =	vld [tilespmem:$0x1F5B0]  }
0x24d: {  	v46 =	vld [tilespmem:$0x1F5C0]  }
0x24e: {  	v49 =	vld [tilespmem:$0x1F5E0]  }
0x24f: {  	[tilespmem:$0x1F830] =	vst v62;
	v62 =	vld [tilespmem:s0+$0x1A7B0]  }
0x250: {  	v52 =	vld [tilespmem:$0x1F5F0]  }
0x251: {  	v15 =	vadd.f32 v39, v59;
	v48 =	vld [tilespmem:$0x1F5D0]  }
0x252: {  	v54 =	vld [tilespmem:$0x1F600]  }
0x253: {  	[tilespmem:$0x1F9B0] =	vst v16;
	v16 =	vadd.f32 v40, v60;
	v50 =	vadd.f32 v49, v15;
	v15 =	vld [tilespmem:s0+$0x1AB20]  }
0x254: {  	[tilespmem:$0x1F840] =	vst v62;
	v62 =	vld [tilespmem:s0+$0x1A7C0]  }
0x255: {  	v18 =	vadd.f32 v42, v63;
	v53 =	vadd.f32 v52, v16;
	v16 =	vld [tilespmem:s0+$0x1AB30]  }
0x256: {  	v56 =	vld [tilespmem:$0x1F610]  }
0x257: {  	v55 =	vadd.f32 v54, v18;
	v18 =	vld [tilespmem:s0+$0x1AB40]  }
0x258: {  	[tilespmem:$0x1F9D0] =	vst v19;
	v59 =	vld [tilespmem:$0x1F620]  }
0x259: {  	v19 =	vadd.f32 v43, v28;
	[tilespmem:$0x1F850] =	vst v62;
	v62 =	vld [tilespmem:s0+$0x1A7D0]  }
0x25a: {  	v4 =	vld [tilespmem:$0x1F640]  }
0x25b: {  	[tilespmem:$0x1F9E0] =	vst v21;
	v21 =	vadd.f32 v44, v30;
	v58 =	vadd.f32 v56, v19;
	v19 =	vld [tilespmem:s0+$0x1AB50]  }
0x25c: {  	v61 =	vld [tilespmem:$0x1F630]  }
0x25d: {  	[tilespmem:$0x1F9F0] =	vst v23;
	v23 =	vadd.f32 v46, v35;
	v60 =	vadd.f32 v59, v21;
	v21 =	vld [tilespmem:s0+$0x1AB60]  }
0x25e: {  	[tilespmem:$0x1F860] =	vst v62;
	v62 =	vld [tilespmem:s0+$0x1A7E0]  }
0x25f: {  	v22 =	vadd.f32 v45, v33;
	v5 =	vadd.f32 v4, v23;
	v23 =	vld [tilespmem:$0x1F650]  }
0x260: {  	v34 =	vld [tilespmem:$0x1F660]  }
0x261: {  	v63 =	vadd.f32 v61, v22;
	v22 =	vld [tilespmem:s0+$0x1AB70]  }
0x262: {  	v24 =	vadd.f32 v48, v37;
	v35 =	vld [tilespmem:$0x1F670]  }
0x263: {  	[tilespmem:$0x1F870] =	vst v62;
	v62 =	vld [tilespmem:s0+$0x1A7F0]  }
0x264: {  	v24 =	vadd.f32 v23, v24;
	v23 =	vld [tilespmem:s0+$0x1AB80]  }
0x265: {  	[tilespmem:$0x1FA00] =	vst v25;
	v25 =	vadd.f32 v34, v50;
	v34 =	vld [tilespmem:s0+$0x1AB90]  }
0x266: {  	v36 =	vld [tilespmem:$0x1F680]  }
0x267: {  	v27 =	vadd.f32 v35, v53;
	v35 =	vld [tilespmem:s0+$0x1ABA0]  }
0x268: {  	[tilespmem:$0x1F880] =	vst v62;
	v62 =	vld [tilespmem:s0+$0x1A800]  }
0x269: {  	v37 =	vld [tilespmem:$0x1F690]  }
0x26a: {  	v39 =	vld [tilespmem:$0x1F6A0]  }
0x26b: {  	v28 =	vadd.f32 v36, v55;
	v36 =	vld [tilespmem:s0+$0x1ABB0]  }
0x26c: {  	v40 =	vld [tilespmem:$0x1F6B0]  }
0x26d: {  	[tilespmem:$0x1F890] =	vst v62;
	v62 =	vld [tilespmem:s0+$0x1A810]  }
0x26e: {  	v29 =	vadd.f32 v37, v58;
	v37 =	vld [tilespmem:s0+$0x1ABC0]  }
0x26f: {  	v30 =	vadd.f32 v39, v60;
	v39 =	vld [tilespmem:s0+$0x1ABD0]  }
0x270: {  	v42 =	vld [tilespmem:$0x1F6C0]  }
0x271: {  	v31 =	vadd.f32 v40, v63;
	v40 =	vld [tilespmem:s0+$0x1ABE0]  }
0x272: {  	[tilespmem:$0x1F8A0] =	vst v62;
	v62 =	vld [tilespmem:s0+$0x1A820]  }
0x273: {  	v43 =	vld [tilespmem:$0x1F6D0]  }
0x274: {  	v44 =	vld [tilespmem:$0x1F6E0]  }
0x275: {  	v33 =	vadd.f32 v42, v5;
	v42 =	vld [tilespmem:s0+$0x1ABF0]  }
0x276: {  	v45 =	vld [tilespmem:$0x1F6F0]  }
0x277: {  	[tilespmem:$0x1F8B0] =	vst v62;
	v62 =	vld [tilespmem:s0+$0x1A830]  }
0x278: {  	v24 =	vadd.f32 v43, v24;
	v43 =	vld [tilespmem:s0+$0x1AC00]  }
0x279: {  	v25 =	vadd.f32 v44, v25;
	v44 =	vld [tilespmem:s0+$0x1AC10]  }
0x27a: {  	v46 =	vld [tilespmem:$0x1F700]  }
0x27b: {  	v27 =	vadd.f32 v45, v27;
	v45 =	vld [tilespmem:s0+$0x1AC20]  }
0x27c: {  	[tilespmem:$0x1F8C0] =	vst v62;
	v62 =	vld [tilespmem:s0+$0x1A840]  }
0x27d: {  	v48 =	vld [tilespmem:$0x1F710]  }
0x27e: {  	v49 =	vld [tilespmem:$0x1F720]  }
0x27f: {  	v50 =	vld [tilespmem:$0x1F730]  }
0x280: {  	v52 =	vld [tilespmem:$0x1F740]  }
0x281: {  	[tilespmem:$0x1F8D0] =	vst v62;
	v62 =	vld [tilespmem:s0+$0x1A850]  }
0x282: {  	v53 =	vld [tilespmem:$0x1F750]  }
0x283: {  	v54 =	vld [tilespmem:$0x1F760]  }
0x284: {  	v55 =	vld [tilespmem:$0x1F770]  }
0x285: {  	v56 =	vld [tilespmem:$0x1F780]  }
0x286: {  	[tilespmem:$0x1F8E0] =	vst v62;
	v62 =	vld [tilespmem:s0+$0x1A860]  }
0x287: {  	v58 =	vld [tilespmem:$0x1F790]  }
0x288: {  	v59 =	vld [tilespmem:$0x1F7A0]  }
0x289: {  	v60 =	vld [tilespmem:$0x1F7B0]  }
0x28a: {  	v61 =	vld [tilespmem:$0x1F7C0]  }
0x28b: {  	[tilespmem:$0x1F8F0] =	vst v62;
	v62 =	vld [tilespmem:s0+$0x1A870]  }
0x28c: {  	v63 =	vld [tilespmem:$0x1F7D0]  }
0x28d: {  	v28 =	vadd.f32 v46, v28;
	v46 =	vld [tilespmem:$0x1F800]  }
0x28e: {  	v4 =	vld [tilespmem:$0x1F7E0]  }
0x28f: {  	v5 =	vld [tilespmem:$0x1F7F0]  }
0x290: {  	v28 =	vadd.f32 v56, v28;
	[tilespmem:$0x1F900] =	vst v62;
	v62 =	vld [tilespmem:s0+$0x1A880]  }
0x291: {  	v29 =	vadd.f32 v48, v29;
	v48 =	vld [tilespmem:$0x1F810]  }
0x292: {  	v28 =	vadd.f32 v46, v28;
	v46 =	vld [tilespmem:s0+$0x1AC30]  }
0x293: {  	v30 =	vadd.f32 v49, v30;
	v49 =	vld [tilespmem:$0x1F820]  }
0x294: {  	v31 =	vadd.f32 v50, v31;
	v29 =	vadd.f32 v58, v29;
	v50 =	vld [tilespmem:$0x1F830]  }
0x295: {  	[tilespmem:$0x1F910] =	vst v62;
	v62 =	vld [tilespmem:s0+$0x1A890]  }
0x296: {  	v30 =	vadd.f32 v59, v30;
	v29 =	vadd.f32 v48, v29;
	v48 =	vld [tilespmem:s0+$0x1AC40]  }
0x297: {  	v33 =	vadd.f32 v52, v33;
	v31 =	vadd.f32 v60, v31;
	v52 =	vld [tilespmem:$0x1F840]  }
0x298: {  	v30 =	vadd.f32 v49, v30;
	v49 =	vld [tilespmem:s0+$0x1AC50]  }
0x299: {  	v31 =	vadd.f32 v50, v31;
	v50 =	vld [tilespmem:s0+$0x1AC60]  }
0x29a: {  	v33 =	vadd.f32 v61, v33;
	[tilespmem:$0x1F920] =	vst v62;
	v62 =	vld [tilespmem:s0+$0x1A8A0]  }
0x29b: {  	v24 =	vadd.f32 v53, v24;
	v53 =	vld [tilespmem:$0x1F850]  }
0x29c: {  	v33 =	vadd.f32 v52, v33;
	v52 =	vld [tilespmem:s0+$0x1AC70]  }
0x29d: {  	v60 =	vld [tilespmem:$0x1F8B0]  }
0x29e: {  	v25 =	vadd.f32 v54, v25;
	v54 =	vld [tilespmem:$0x1F860]  }
0x29f: {  	v24 =	vadd.f32 v63, v24;
	[tilespmem:$0x1F930] =	vst v62;
	v62 =	vld [tilespmem:s0+$0x1A8B0]  }
0x2a0: {  	v58 =	vld [tilespmem:$0x1F890]  }
0x2a1: {  	v24 =	vadd.f32 v53, v24;
	v53 =	vld [tilespmem:s0+$0x1AC80]  }
0x2a2: {  	v31 =	vadd.f32 v60, v31;
	v60 =	vld [tilespmem:$0x1F930]  }
0x2a3: {  	v63 =	vld [tilespmem:$0x1F8D0]  }
0x2a4: {  	[tilespmem:$0x1F940] =	vst v62;
	v62 =	vld [tilespmem:s0+$0x1A8C0]  }
0x2a5: {  	v29 =	vadd.f32 v58, v29;
	v58 =	vld [tilespmem:$0x1F910]  }
0x2a6: {  	v27 =	vadd.f32 v55, v27;
	v25 =	vadd.f32 v4, v25;
	v55 =	vld [tilespmem:$0x1F870]  }
0x2a7: {  	v31 =	vadd.f32 v60, v31;
	v60 =	vld [tilespmem:$0x1F980]  }
0x2a8: {  	v25 =	vadd.f32 v54, v25;
	v54 =	vld [tilespmem:s0+$0x1AC90]  }
0x2a9: {  	v4 =	vld [tilespmem:$0x1F8E0];
	[tilespmem:$0x1F950] =	vst v62  }
0x2aa: {  	v24 =	vadd.f32 v63, v24;
	v29 =	vadd.f32 v58, v29;
	v63 =	vld [tilespmem:$0x1F950]  }
0x2ab: {  	v56 =	vld [tilespmem:$0x1F880]  }
0x2ac: {  	v27 =	vadd.f32 v5, v27;
	v29 =	vadd.f32 v60, v29;
	v60 =	vld [tilespmem:$0x1F9C0]  }
0x2ad: {  	v5 =	vld [tilespmem:$0x1F8F0]  }
0x2ae: {  	v27 =	vadd.f32 v55, v27;
	v55 =	vld [tilespmem:s0+$0x1ACA0]  }
0x2af: {  	v25 =	vadd.f32 v4, v25;
	v4 =	vld [tilespmem:$0x1F960];
	v24 =	vadd.f32 v63, v24  }
0x2b0: {  	v59 =	vld [tilespmem:$0x1F8A0]  }
0x2b1: {  	v24 =	vadd.f32 v60, v24;
	v60 =	vld [tilespmem:$0x1F9E0]  }
0x2b2: {  	v28 =	vadd.f32 v56, v28;
	v27 =	vadd.f32 v5, v27;
	v56 =	vld [tilespmem:$0x1F900]  }
0x2b3: {  	v61 =	vld [tilespmem:$0x1F8C0]  }
0x2b4: {  	v5 =	vld [tilespmem:$0x1F970];
	v27 =	vadd.f32 v4, v27  }
0x2b5: {  	v4 =	vld [tilespmem:$0x1F9A0]  }
0x2b6: {  	v27 =	vadd.f32 v60, v27;
	v60 =	vld [tilespmem:$0x1F9F0]  }
0x2b7: {  	v28 =	vadd.f32 v56, v28;
	v56 =	vld [tilespmem:s0+$0x1ACB0]  }
0x2b8: {  	v30 =	vadd.f32 v59, v30;
	v59 =	vld [tilespmem:$0x1F920]  }
0x2b9: {  	v28 =	vadd.f32 v5, v28;
	v5 =	vld [tilespmem:$0x1F9B0]  }
0x2ba: {  	v58 =	vld [tilespmem:s0+$0x1ACC0]  }
0x2bb: {  	v28 =	vadd.f32 v60, v28;
	v60 =	vld [tilespmem:$0x1FA00]  }
0x2bc: {  	v33 =	vadd.f32 v61, v33;
	v61 =	vld [tilespmem:$0x1F940]  }
0x2bd: {  	v30 =	vadd.f32 v59, v30;
	v59 =	vld [tilespmem:s0+$0x1ACD0]  }
0x2be: {  	v63 =	vld [tilespmem:$0x1F990]  }
0x2bf: {  	v62 =	vld [tilespmem:s0+$0x1A8D0]  }
0x2c0: {  	v29 =	vadd.f32 v60, v29;
	v60 =	vld [tilespmem:$0x1FA10]  }
0x2c1: {  	v31 =	vadd.f32 v4, v31;
	v4 =	vld [tilespmem:$0x1F9D0];
	v33 =	vadd.f32 v61, v33  }
0x2c2: {  	v61 =	vld [tilespmem:s0+$0x1ACE0]  }
0x2c3: {  	v33 =	vadd.f32 v5, v33;
	v5 =	vld [tilespmem:s0+$0x1AD10];
	v30 =	vadd.f32 v63, v30  }
0x2c4: {  	v25 =	vadd.f32 v62, v25;
	v62 =	vld [tilespmem:s0+$0x1ACF0]  }
0x2c5: {  	v29 =	vadd.f32 v57, v29;
	v30 =	vadd.f32 v60, v30;
	v60 =	vld [tilespmem:$0x1FA20]  }
0x2c6: {  	v25 =	vadd.f32 v4, v25;
	v4 =	vld [tilespmem:s0+$0x1AD20]  }
0x2c7: {  	v63 =	vld [tilespmem:s0+$0x1AD00];
	v17 =	vadd.f32 v17, v29  }
0x2c8: {  	v57 =	vld [tilespmem:s0+$0x1AED0]  }
0x2c9: {  	v29 =	vld [tilespmem:s0+$0x1ADD0];
	v13 =	vadd.f32 v13, v17  }
0x2ca: {  	v30 =	vadd.f32 v51, v30;
	v31 =	vadd.f32 v60, v31;
	v60 =	vld [tilespmem:$0x1FA30]  }
0x2cb: {  	v17 =	vld [tilespmem:s0+$0x1AE30]  }
0x2cc: {  	v51 =	vld [tilespmem:s0+$0x1AD80];
	v13 =	vadd.f32 v23, v13;
	v11 =	vadd.f32 v11, v30  }
0x2cd: {  	v23 =	vld [tilespmem:s0+$0x1AE80];
	v31 =	vadd.f32 v47, v31  }
0x2ce: {  	v13 =	vadd.f32 v43, v13;
	v43 =	vld [tilespmem:s0+$0x1AF60];
	v11 =	vadd.f32 v14, v11  }
0x2cf: {  	v8 =	vadd.f32 v8, v31;
	v33 =	vadd.f32 v60, v33;
	v60 =	vld [tilespmem:$0x1FA40]  }
0x2d0: {  	v14 =	vld [tilespmem:s0+$0x1AE00];
	v13 =	vadd.f32 v53, v13  }
0x2d1: {  	v47 =	vld [tilespmem:s0+$0x1AE50];
	v11 =	vadd.f32 v34, v11;
	v8 =	vadd.f32 v15, v8  }
0x2d2: {  	v53 =	vld [tilespmem:s0+$0x1B000];
	v13 =	vadd.f32 v63, v13;
	v33 =	vadd.f32 v41, v33  }
0x2d3: {  	v63 =	vld [tilespmem:s0+$0x1AF00];
	v11 =	vadd.f32 v44, v11;
	v8 =	vadd.f32 v35, v8  }
0x2d4: {  	v6 =	vadd.f32 v6, v33;
	v24 =	vadd.f32 v60, v24;
	v60 =	vld [tilespmem:$0x1FA50]  }
0x2d5: {  	v41 =	vld [tilespmem:s0+$0x1AD90];
	v11 =	vadd.f32 v54, v11  }
0x2d6: {  	v44 =	vld [tilespmem:s0+$0x1AF70];
	v8 =	vadd.f32 v45, v8;
	v6 =	vadd.f32 v16, v6  }
0x2d7: {  	v15 =	vld [tilespmem:s0+$0x1AE10];
	v5 =	vadd.f32 v5, v11;
	v24 =	vadd.f32 v38, v24  }
0x2d8: {  	v54 =	vld [tilespmem:s0+$0x1AEC0];
	v8 =	vadd.f32 v55, v8;
	v6 =	vadd.f32 v36, v6  }
0x2d9: {  	v7 =	vadd.f32 v7, v24;
	v25 =	vadd.f32 v60, v25;
	v60 =	vld [tilespmem:$0x1FA60]  }
0x2da: {  	v45 =	vld [tilespmem:s0+$0x1AF80];
	v5 =	vadd.f32 v41, v5;
	v4 =	vadd.f32 v4, v8  }
0x2db: {  	v16 =	vld [tilespmem:s0+$0x1AE20];
	v6 =	vadd.f32 v46, v6;
	v7 =	vadd.f32 v18, v7  }
0x2dc: {  	v5 =	vadd.f32 v15, v5;
	v25 =	vadd.f32 v32, v25;
	v32 =	vld [tilespmem:s0+$0x1ADA0]  }
0x2dd: {  	v41 =	vld [tilespmem:s0+$0x1AF40];
	v6 =	vadd.f32 v56, v6;
	v7 =	vadd.f32 v37, v7  }
0x2de: {  	v9 =	vadd.f32 v9, v25;
	v25 =	vld [tilespmem:s0+$0x1AE90];
	v27 =	vadd.f32 v60, v27  }
0x2df: {  	v3 =	vadd.f32 v3, v6;
	v60 =	vld [tilespmem:$0x1FA70];
	v7 =	vadd.f32 v48, v7  }
0x2e0: {  	v55 =	vld [tilespmem:s0+$0x1B020];
	v9 =	vadd.f32 v19, v9;
	v26 =	vadd.f32 v26, v27  }
0x2e1: {  	v36 =	vld [tilespmem:s0+$0x1AF10];
	v7 =	vadd.f32 v58, v7;
	v4 =	vadd.f32 v32, v4  }
0x2e2: {  	v27 =	vld [tilespmem:s0+$0x1ADB0];
	v9 =	vadd.f32 v39, v9;
	v10 =	vadd.f32 v10, v26  }
0x2e3: {  	v24 =	vld [tilespmem:s0+$0x1ADE0];
	v2 =	vadd.f32 v2, v7;
	v4 =	vadd.f32 v16, v4  }
0x2e4: {  	v46 =	vld [tilespmem:s0+$0x1AF90];
	v5 =	vadd.f32 v25, v5;
	v28 =	vadd.f32 v60, v28  }
0x2e5: {  	v18 =	vld [tilespmem:s0+$0x1AE40];
	v9 =	vadd.f32 v49, v9;
	v10 =	vadd.f32 v21, v10  }
0x2e6: {  	v26 =	vld [tilespmem:s0+$0x1AEA0];
	v5 =	vadd.f32 v36, v5;
	v20 =	vadd.f32 v20, v28  }
0x2e7: {  	v56 =	vld [tilespmem:s0+$0x1B030];
	v9 =	vadd.f32 v59, v9;
	v3 =	vadd.f32 v27, v3  }
0x2e8: {  	v37 =	vld [tilespmem:s0+$0x1AF20];
	v10 =	vadd.f32 v40, v10;
	v40 =	vadd.f32 v51, v13  }
0x2e9: {  	v28 =	vld [tilespmem:s0+$0x1ADC0];
	v5 =	vadd.f32 v46, v5;
	v12 =	vadd.f32 v12, v20  }
0x2ea: {  	v48 =	vld [tilespmem:s0+$0x1AFB0];
	v1 =	vadd.f32 v1, v9;
	v3 =	vadd.f32 v17, v3  }
0x2eb: {  	v39 =	vld [tilespmem:s0+$0x1AF30];
	v4 =	vadd.f32 v26, v4;
	v10 =	vadd.f32 v50, v10  }
0x2ec: {  	v60 =	vld [tilespmem:s0+$0x1AD70];
	v12 =	vadd.f32 v22, v12;
	v1 =	vadd.f32 v29, v1  }
0x2ed: {  	v49 =	vld [tilespmem:s0+$0x1AFC0];
	v4 =	vadd.f32 v37, v4;
	v10 =	vadd.f32 v61, v10  }
0x2ee: {  	v21 =	vld [tilespmem:s0+$0x1AE60];
	v2 =	vadd.f32 v28, v2;
	v12 =	vadd.f32 v42, v12  }
0x2ef: {  	v59 =	vld [tilespmem:s0+$0x1AEE0];
	v1 =	vadd.f32 v47, v1;
	v0 =	vadd.f32 v0, v10  }
0x2f0: {  	v42 =	vld [tilespmem:s0+$0x1AF50];
	v10 =	vadd.f32 v14, v40;
	v2 =	vadd.f32 v18, v2  }
0x2f1: {  	v47 =	vld [tilespmem:s0+$0x1AFA0];
	v12 =	vadd.f32 v52, v12;
	v1 =	vadd.f32 v57, v1  }
0x2f2: {  	v52 =	vld [tilespmem:s0+$0x1AEB0];
	v0 =	vadd.f32 v24, v0;
	v10 =	vadd.f32 v23, v10  }
0x2f3: {  	v20 =	vld [tilespmem:s0+$0x1ADF0];
	v2 =	vadd.f32 v54, v2;
	v12 =	vadd.f32 v62, v12  }
0x2f4: {  	v50 =	vld [tilespmem:s0+$0x1AFD0];
	v0 =	vadd.f32 v21, v0;
	v10 =	vadd.f32 v63, v10  }
0x2f5: {  	v22 =	vld [tilespmem:s0+$0x1AE70];
	v2 =	vadd.f32 v41, v2;
	v1 =	vadd.f32 v42, v1  }
0x2f6: {  	v54 =	vld [tilespmem:s0+$0x1B010];
	v4 =	vadd.f32 v47, v4;
	v38 =	vadd.f32 v60, v12  }
0x2f7: {  	v62 =	vld [tilespmem:s0+$0x1AEF0];
	v3 =	vadd.f32 v52, v3;
	v0 =	vadd.f32 v59, v0  }
0x2f8: {  	v57 =	vld [tilespmem:s0+$0x1B040];
	v10 =	vadd.f32 v45, v10;
	v8 =	vadd.f32 v20, v38  }
0x2f9: {  	v58 =	vld [tilespmem:s0+$0x1B050];
	v2 =	vadd.f32 v49, v2;
	v4 =	vadd.f32 v55, v4  }
0x2fa: {  	v51 =	vld [tilespmem:s0+$0x1AFE0];
	v1 =	vadd.f32 v50, v1;
	v8 =	vadd.f32 v22, v8  }
0x2fb: {  	v52 =	vld [tilespmem:s0+$0x1AFF0];
	v5 =	vadd.f32 v54, v5;
	v3 =	vadd.f32 v39, v3  }
0x2fc: {  	v59 =	vld [tilespmem:s0+$0x1B060];
	v0 =	vadd.f32 v43, v0;
	v8 =	vadd.f32 v62, v8  }
0x2fd: {  	s14 =	sshll.u32 s31, $0x7;
	v60 =	vld [tilespmem:s0+$0x1B070];
	v6 =	vadd.f32 v53, v10;
	v2 =	vadd.f32 v57, v2;
	v4 =	vmul.f32 $3.125000000e-02, v4  }
0x2fe: {  	s0 =	sand.u32 $0x3FFFFF80, s14;
	v5 =	vmul.f32 $3.125000000e-02, v5;
	v3 =	vadd.f32 v48, v3;
	v8 =	vadd.f32 v44, v8  }
0x2ff: {  	v1 =	vadd.f32 v58, v1;
	v6 =	vmul.f32 $3.125000000e-02, v6;
	v0 =	vadd.f32 v51, v0;
	[tilespmem:s0+$0x1E2A0] =	vst v4  }
0x300: {  	v2 =	vmul.f32 $3.125000000e-02, v2;
	[tilespmem:s0+$0x1E290] =	vst v5;
	v3 =	vadd.f32 v56, v3;
	v61 =	vadd.f32 v52, v8  }
0x301: {  	p2 =	sne.s32 s31, $0x3;
	v1 =	vmul.f32 $3.125000000e-02, v1;
	[tilespmem:s0+$0x1E280] =	vst v6;
	v0 =	vadd.f32 v59, v0  }
.Ltmp1:
0x302: {  	[tilespmem:s0+$0x1E2C0] =	vst v2;
	v3 =	vmul.f32 $3.125000000e-02, v3;
	v62 =	vadd.f32 v60, v61;
	(pc) =	sbr.rel @p2 .LBB2_5-.Ltmp1, $4  }
0x303: {  	[tilespmem:s0+$0x1E2D0] =	vst v1;
	v0 =	vmul.f32 $3.125000000e-02, v0  }
0x304: {  	[tilespmem:s0+$0x1E2B0] =	vst v3;
	v63 =	vmul.f32 $3.125000000e-02, v62  }
0x305: {  	[tilespmem:s0+$0x1E2E0] =	vst v0  }
0x306: {  	s31 =	sadd.s32 $0x1, s31;
	[tilespmem:s0+$0x1E2F0] =	vst v63  }
0x307: {  	s0 =	sadd.s32 @!p1 s30, s12  }
0x308: {  	p2 =	slt.s32 @!p1 s0, $0x2780  }
0x309: {  	p2 =	por !p2, p1  }
0x30a: {  	s0 =	simm.s32 @p2 $0x2780  }
0x30b: {  	s14 =	simm.s32 @!p1 $0x80;
	s30 =	simm.s32 @!p1 $0x1A080;
	s0 =	sadd.s32 @!p1 $0x13880, s0  }
0x30c: {  	[tilespmem:s30], [sflag:$0x2] =	stream.indirect.gather @!p1 [spmem:s2], $0x80, s0, s14, $0xb8;
	[tilespmem:$0x1E480] =	vst v63  }
0x30d: {  	p1 =	sge.u32 s29, s5  }
0x30e: {  	s0 =	sshll.u32 @!p1 s29, $0x2  }
0x30f: {  	s0 =	sadd.s32 @!p1 s4, s0  }
0x310: {  	s0 =	smin.u32 @!p1 s0, $0x270C  }
0x311: {  	s28 =	sadd.s32 $0x1, s28;
	s0 =	sshll.u32 @!p1 s0, $0x4  }
0x312: {  	s14 =	simm.s32 @!p1 $0x0;
	s29 =	simm.s32 @!p1 $0x1E280;
	s0 =	sadd.s32 @!p1 s1, s0  }
0x313: {  	[hbm4b:s0+s14] =	stream.linear.scatter @!p1 [tilespmem:s29], [sflag:$0x4], $0x200, $0x38;
	[tilespmem:$0x1E480] =	vst v63  }
0x314: {  	p1 =	sne.s32 s28, $0x28  }
.Ltmp2:
0x315: {  	_ = 	snop;
	(pc) =	sbr.rel @p1 .LBB2_2-.Ltmp2, $1  }
0x316: {  	_ =	sdelay $0x3  }
0x317: {  	s26 =	sadd.s32 $0x1, s26  }
0x318: {  	_ =	swait.ge [sflag:s24], $0x200;
	p1 =	sne.s32 s26, s13  }
.Ltmp3:
0x319: {  	[sflag:s24] =	ssyncset.done $0x0;
	(pc) =	sbr.rel @p1 .LBB2_1-.Ltmp3, $4  }
0x31a: {  	[sflag:s24] =	ssyncadd.s32 $0xFFFFFE00  }
0x31b: {  	_ =	swait.ge [sflag:s25], $0x200  }
0x31c: {  	[sflag:s25] =	ssyncset.done $0x0  }
0x31d: {  	[sflag:s25] =	ssyncadd.s32 $0xFFFFFE00  }
0x31e: {  	_ =	sfence.sel $0x180000  }
0x31f: {  	[bflag:$0x0] =	sbarrier.arrive $0xFFFF  }
0x320: {  	_ =	strace $0x90000047  }
0x321: {  	[bflag:$0x2] =	sbarrier.arrive $0xFFFF  }
0x322: {  	s0 =	rddreg [dreg:$0x4]  }
0x323: {  	s0 =	sadd.s32 @!p0 $0x100000, s0  }
0x324: {  	[sflag:s0] =	ssyncadd.tile.s32 @!p0 $0x1;
	_ =	shalt  }
.Lfunc_end2:
_tile_overlayer_lowered:
.L_overlay_start_2:
0x325: {  	(tag) =	ssettag $0x2  }
0x326: {  	s0 =	rddreg [dreg:$0x0];
	s2 =	stileid.u32  }
0x327: {  	s1 =	rddreg [dreg:$0x1];
	p0 =	sne.s32 s2, $0x0  }
0x328: {  	s3 =	rddreg [dreg:$0x2];
	[bflag:$0x3] =	sbarrier.arrive $0xFFFF;
	s2 =	simm.s32 @!p0 $0x1C05  }
0x329: {  	[timem:s3], [sflag:s2] =	dma.local @!p0 [hbm:s0], s1  }
0x32a: {  	s0 =	simm.s32 @!p0 $0x5  }
0x32b: {  	_ =	swait.ge @!p0 [sflag:s0], s1  }
0x32c: {  	s1 =	ssub.s32 @!p0 $0x0, s1;
	[sflag:s0] =	ssyncset.done @!p0 $0x0  }
0x32d: {  	[sflag:s0] =	ssyncadd.s32 @!p0 s1  }
0x32e: {  	[bflag:$0x3] =	sbarrier.arrive $0xFFFF  }
0x32f: {  	_ =	shalt  }

</sc_bundles>
